<compile_context>
chip_gen: v7x
topology: tpu7x:2x2x1
jax: 0.10.2.dev20260603
libtpu: 0.0.44.dev20260713+nightly
codegen_flags: <defaults>
</compile_context>

<pallas_src>
import functools

import jax
import jax.numpy as jnp
from jax import lax
from jax.experimental import pallas as pl
from jax.experimental.pallas import tpu as pltpu
from jax.experimental.pallas import tpu_sc as plsc

D = 32
TR = 8
L = 16
NC = 2
NS = 16
NW = NC * NS
BCH = 128


def _fire_chunk(idx_v, table_hbm, rows_v, i0, d0, sem0, sem1):
    def go(f, carry):
        r0 = pl.multiple_of(f * L, L)
        vec = idx_v[pl.ds(i0 + r0, L)]
        for u in range(L):
            t = vec[u] >> 3
            r = vec[u] & 7
            pltpu.async_copy(table_hbm.at[t, pl.ds(r, 1)],
                             rows_v.at[pl.ds(d0 + r0 + u, 1)],
                             sem0 if u % 2 == 0 else sem1)
        return carry
    lax.fori_loop(0, BCH // L, go, 0)


def _drain_chunk(table_hbm, rows_v, sem0, sem1):
    for _ in range(BCH // 2 // TR):
        pltpu.make_async_copy(table_hbm.at[0],
                              rows_v.at[pl.ds(0, TR)], sem0).wait()
        pltpu.make_async_copy(table_hbm.at[0],
                              rows_v.at[pl.ds(0, TR)], sem1).wait()


def _dot_body(b_per_w, sid_hbm, pid_hbm, semb_hbm, pemb_hbm, out_hbm,
              sidx_v, pidx_v, srows_v, prows_v, out_v, *sems):
    wid = lax.axis_index("s") * NC + lax.axis_index("c")
    base = pl.multiple_of(wid * b_per_w, b_per_w)

    pltpu.sync_copy(sid_hbm.at[pl.ds(base, b_per_w)], sidx_v)
    pltpu.sync_copy(pid_hbm.at[pl.ds(base, b_per_w)], pidx_v)

    lane = lax.iota(jnp.int32, L)
    last_lane = lane == (L - 1)

    def pchunk(c, carry):
        b0 = pl.multiple_of(c * BCH, BCH)
        _fire_chunk(pidx_v, pemb_hbm, prows_v, b0, b0, sems[0], sems[1])
        return carry

    lax.fori_loop(0, b_per_w // BCH, pchunk, 0)

    def schunk(c, carry):
        b0 = pl.multiple_of(c * BCH, BCH)
        _fire_chunk(sidx_v, semb_hbm, srows_v, b0, 0, sems[2], sems[3])
        _drain_chunk(semb_hbm, srows_v, sems[2], sems[3])

        @pl.when(c == 0)
        def _():
            for _k in range(b_per_w // BCH):
                _drain_chunk(pemb_hbm, prows_v, sems[0], sems[1])

        def compute(g, carry2):
            r0 = pl.multiple_of(g * L, L)
            for u in range(L):
                q = (srows_v[r0 + u, pl.ds(0, L)]
                     * prows_v[b0 + r0 + u, pl.ds(0, L)]
                     + srows_v[r0 + u, pl.ds(L, L)]
                     * prows_v[b0 + r0 + u, pl.ds(L, L)])
                cum = plsc.cumsum(q)
                plsc.store_scatter(
                    out_v, [jnp.full((L,), b0 + r0 + u, jnp.int32)],
                    cum, mask=last_lane)
            return carry2

        lax.fori_loop(0, BCH // L, compute, 0)
        return carry

    lax.fori_loop(0, b_per_w // BCH, schunk, 0)
    pltpu.sync_copy(out_v, out_hbm.at[pl.ds(base, b_per_w)])


def kernel(sid, pid, scientist_emb, paper_emb):
    batch = sid.shape[0]
    b_per_w = batch // NW
    mesh = plsc.VectorSubcoreMesh(core_axis_name="c", subcore_axis_name="s",
                                  num_cores=NC, num_subcores=NS)
    k = pl.kernel(
        functools.partial(_dot_body, b_per_w),
        out_type=jax.ShapeDtypeStruct((batch,), jnp.float32),
        mesh=mesh,
        scratch_types=[
            pltpu.VMEM((b_per_w,), jnp.int32),
            pltpu.VMEM((b_per_w,), jnp.int32),
            pltpu.VMEM((BCH, D), jnp.float32),
            pltpu.VMEM((b_per_w, D), jnp.float32),
            pltpu.VMEM((b_per_w,), jnp.float32),
        ] + [pltpu.SemaphoreType.DMA] * 4,
        compiler_params=pltpu.CompilerParams(needs_layout_passes=False,
                                             use_tc_tiling_on_sc=True),
    )
    return k(sid.astype(jnp.int32), pid.astype(jnp.int32),
             scientist_emb.reshape(-1, TR, D), paper_emb.reshape(-1, TR, D))

# --- scband reference (transcript-rebuilt; emitter-appended) ---
"""Pipeline reference for scband-embedding-dot-product-model-50989851738720 (READ-ONLY COPY).

The authoritative reference and input builder live on the scoring server;
editing this copy changes nothing except your own understanding.
"""

import jax, jax.numpy as jnp
import numpy as np

NUM_SCIENTISTS = 100000
NUM_PAPERS = 1000000
DIM = 32
BATCH = 16384


def setup_inputs(seed: int = 0) -> dict:
    key = jax.random.key(seed)
    k_sid, k_pid, k_se, k_pe = jax.random.split(key, 4)
    sid = jax.random.randint(k_sid, (BATCH,), 0, NUM_SCIENTISTS, dtype=jnp.int64 if jax.config.jax_enable_x64 else jnp.int32)
    pid = jax.random.randint(k_pid, (BATCH,), 0, NUM_PAPERS, dtype=jnp.int64 if jax.config.jax_enable_x64 else jnp.int32)
    scientist_emb = jax.random.normal(k_se, (NUM_SCIENTISTS, DIM), dtype=jnp.float32)
    paper_emb = jax.random.normal(k_pe, (NUM_PAPERS, DIM), dtype=jnp.float32)
    return {"sid": sid, "pid": pid, "scientist_emb": scientist_emb, "paper_emb": paper_emb}


def reference(sid, pid, scientist_emb, paper_emb):
    s = jnp.take(scientist_emb, sid, axis=0)
    p = jnp.take(paper_emb, pid, axis=0)
    return jnp.sum(s * p, axis=-1)

if __name__ == "__main__":
    import jax
    _d = setup_inputs()
    print(jax.jit(kernel)(*tuple(_d.values())))

</pallas_src>

<mosaic_0001>
#map = affine_map<(d0, d1) -> (0)>
#map1 = affine_map<(d0, d1) -> (0, 0, 0)>
module attributes {stable_mosaic.version = 14 : i64} {
  func.func @_dot_body(%arg0: i32, %arg1: i32, %arg2: memref<16384xi32, #tpu.memory_space<hbm>>, %arg3: memref<16384xi32, #tpu.memory_space<hbm>>, %arg4: memref<12500x8x32xf32, #tpu.memory_space<hbm>>, %arg5: memref<125000x8x32xf32, #tpu.memory_space<hbm>>, %arg6: memref<16384xf32, #tpu.memory_space<hbm>>, %arg7: memref<512xi32, #tpu.memory_space<vmem>>, %arg8: memref<512xi32, #tpu.memory_space<vmem>>, %arg9: memref<128x32xf32, #tpu.memory_space<vmem>>, %arg10: memref<512x32xf32, #tpu.memory_space<vmem>>, %arg11: memref<512xf32, #tpu.memory_space<vmem>>, %arg12: memref<!tpu.dma_semaphore, #tpu.memory_space<semaphore_mem>>, %arg13: memref<!tpu.dma_semaphore, #tpu.memory_space<semaphore_mem>>, %arg14: memref<!tpu.dma_semaphore, #tpu.memory_space<semaphore_mem>>, %arg15: memref<!tpu.dma_semaphore, #tpu.memory_space<semaphore_mem>>) attributes {dimension_semantics = [#tpu.dimension_semantics<core_parallel>, #tpu.dimension_semantics<subcore_parallel>], iteration_bounds = array<i64: 2, 16>, scalar_prefetch = 0 : i64, scratch_operands = 9 : i64, tpu.core_type = #tpu.core_type<sc_vector_subcore>, window_params = [{transform_indices = #map}, {transform_indices = #map}, {transform_indices = #map1}, {transform_indices = #map1}, {transform_indices = #map}]} {
    %mul3A = arith.constant 2 : i32
    %mul3A_0 = arith.muli %arg1, %mul3A : i32
    %add3A = arith.addi %mul3A_0, %arg0 : i32
    %mul3A_1 = arith.constant 512 : i32
    %mul3A_2 = arith.muli %add3A, %mul3A_1 : i32
    %multiple_of3A = tpu.assume_multiple %mul3A_2, 512 : i32
    "tpu.region"() ({
      %run_scoped3A = tpu.sem_alloc : memref<!tpu.dma_semaphore, #tpu.memory_space<semaphore_mem>>
      %dma_start3A = tpu.memref_slice %arg2[%multiple_of3A] : memref<16384xi32, #tpu.memory_space<hbm>> -> memref<512xi32, #tpu.memory_space<hbm>>
      %dma_start3A_16 = tpu.memref_slice %arg2[%multiple_of3A] : memref<16384xi32, #tpu.memory_space<hbm>> -> memref<512xi32, #tpu.memory_space<hbm>>
      tpu.enqueue_dma source(%dma_start3A_16 : memref<512xi32, #tpu.memory_space<hbm>>) target(%arg7 : memref<512xi32, #tpu.memory_space<vmem>>) target_semaphore(%run_scoped3A : memref<!tpu.dma_semaphore, #tpu.memory_space<semaphore_mem>>)
      %dma_wait3A = tpu.memref_slice %arg2[%multiple_of3A] : memref<16384xi32, #tpu.memory_space<hbm>> -> memref<512xi32, #tpu.memory_space<hbm>>
      %dma_wait3A_17 = tpu.memref_slice %arg2[%multiple_of3A] : memref<16384xi32, #tpu.memory_space<hbm>> -> memref<512xi32, #tpu.memory_space<hbm>>
      tpu.wait_dma2 semaphore(%run_scoped3A : memref<!tpu.dma_semaphore, #tpu.memory_space<semaphore_mem>>) src(%dma_wait3A_17 : memref<512xi32, #tpu.memory_space<hbm>>) dst(%arg7 : memref<512xi32, #tpu.memory_space<vmem>>)
      tpu.yield
    }) : () -> ()
    "tpu.region"() ({
      %run_scoped3A = tpu.sem_alloc : memref<!tpu.dma_semaphore, #tpu.memory_space<semaphore_mem>>
      %dma_start3A = tpu.memref_slice %arg3[%multiple_of3A] : memref<16384xi32, #tpu.memory_space<hbm>> -> memref<512xi32, #tpu.memory_space<hbm>>
      %dma_start3A_16 = tpu.memref_slice %arg3[%multiple_of3A] : memref<16384xi32, #tpu.memory_space<hbm>> -> memref<512xi32, #tpu.memory_space<hbm>>
      tpu.enqueue_dma source(%dma_start3A_16 : memref<512xi32, #tpu.memory_space<hbm>>) target(%arg8 : memref<512xi32, #tpu.memory_space<vmem>>) target_semaphore(%run_scoped3A : memref<!tpu.dma_semaphore, #tpu.memory_space<semaphore_mem>>)
      %dma_wait3A = tpu.memref_slice %arg3[%multiple_of3A] : memref<16384xi32, #tpu.memory_space<hbm>> -> memref<512xi32, #tpu.memory_space<hbm>>
      %dma_wait3A_17 = tpu.memref_slice %arg3[%multiple_of3A] : memref<16384xi32, #tpu.memory_space<hbm>> -> memref<512xi32, #tpu.memory_space<hbm>>
      tpu.wait_dma2 semaphore(%run_scoped3A : memref<!tpu.dma_semaphore, #tpu.memory_space<semaphore_mem>>) src(%dma_wait3A_17 : memref<512xi32, #tpu.memory_space<hbm>>) dst(%arg8 : memref<512xi32, #tpu.memory_space<vmem>>)
      tpu.yield
    }) : () -> ()
    %iota3A = tpu.iota {dimensions = array<i32: 0>} : vector<16xi32>
    %eq3A = arith.constant 15 : i32
    %eq3A_3 = vector.broadcast %eq3A : i32 to vector<16xi32>
    %eq3A_4 = arith.cmpi eq, %iota3A, %eq3A_3 : vector<16xi32>
    %scan3A = arith.constant 0 : i32
    %scan3A_5 = arith.constant 0 : i32
    %scan3A_6 = arith.constant 4 : i32
    %scan3A_7 = arith.addi %scan3A_5, %scan3A_6 : i32
    %scan3A_8 = arith.constant 1 : i32
    scf.for %scan3A_16 = %scan3A_5 to %scan3A_7 step %scan3A_8  : i32 {
      %mul3A_17 = arith.constant 128 : i32
      %mul3A_18 = arith.muli %scan3A_16, %mul3A_17 : i32
      %multiple_of3A_19 = tpu.assume_multiple %mul3A_18, 128 : i32
      %scan3A_20 = arith.constant 0 : i32
      %scan3A_21 = arith.constant 0 : i32
      %scan3A_22 = arith.constant 8 : i32
      %scan3A_23 = arith.addi %scan3A_21, %scan3A_22 : i32
      %scan3A_24 = arith.constant 1 : i32
      scf.for %scan3A_26 = %scan3A_21 to %scan3A_23 step %scan3A_24  : i32 {
        %mul3A_27 = arith.constant 16 : i32
        %mul3A_28 = arith.muli %scan3A_26, %mul3A_27 : i32
        %multiple_of3A_29 = tpu.assume_multiple %mul3A_28, 16 : i32
        %add3A_30 = arith.addi %multiple_of3A_19, %multiple_of3A_29 : i32
        %get3A = arith.index_cast %add3A_30 : i32 to index
        %get3A_31 = tpu.vector_load %arg8[%get3A] {strides = array<i32>} : memref<512xi32, #tpu.memory_space<vmem>>, vector<16xi32>,
        %slice3A = vector.extract_strided_slice %get3A_31 {offsets = [0], sizes = [1], strides = [1]} : vector<16xi32> to vector<1xi32>
        %squeeze3A = vector.extract %slice3A[0] : i32 from vector<1xi32>
        %shift_right_arithmetic3A = arith.constant 3 : i32
        %shift_right_arithmetic3A_32 = arith.shrsi %squeeze3A, %shift_right_arithmetic3A : i32
        %slice3A_33 = vector.extract_strided_slice %get3A_31 {offsets = [0], sizes = [1], strides = [1]} : vector<16xi32> to vector<1xi32>
        %squeeze3A_34 = vector.extract %slice3A_33[0] : i32 from vector<1xi32>
        %and3A = arith.constant 7 : i32
        %and3A_35 = arith.andi %squeeze3A_34, %and3A : i32
        %add3A_36 = arith.addi %multiple_of3A_19, %multiple_of3A_29 : i32
        %add3A_37 = arith.constant 0 : i32
        %add3A_38 = arith.addi %add3A_36, %add3A_37 : i32
        %dma_start3A = arith.constant 0 : i32
        %dma_start3A_39 = tpu.memref_slice %arg10[%add3A_38, %dma_start3A] : memref<512x32xf32, #tpu.memory_space<vmem>> -> memref<1x32xf32, #tpu.memory_space<vmem>>
        %dma_start3A_40 = arith.constant 0 : i32
        %dma_start3A_41 = tpu.memref_slice %arg5[%shift_right_arithmetic3A_32, %and3A_35, %dma_start3A_40] : memref<125000x8x32xf32, #tpu.memory_space<hbm>> -> memref<1x1x32xf32, #tpu.memory_space<hbm>>
        %dma_start3A_42 = tpu.memref_squeeze %dma_start3A_41 : memref<1x1x32xf32, #tpu.memory_space<hbm>> -> memref<1x32xf32, #tpu.memory_space<hbm>>
        %dma_start3A_43 = arith.constant 0 : i32
        %dma_start3A_44 = tpu.memref_slice %arg10[%add3A_38, %dma_start3A_43] : memref<512x32xf32, #tpu.memory_space<vmem>> -> memref<1x32xf32, #tpu.memory_space<vmem>>
        %dma_start3A_45 = arith.constant 0 : i32
        %dma_start3A_46 = tpu.memref_slice %arg5[%shift_right_arithmetic3A_32, %and3A_35, %dma_start3A_45] : memref<125000x8x32xf32, #tpu.memory_space<hbm>> -> memref<1x1x32xf32, #tpu.memory_space<hbm>>
        %dma_start3A_47 = tpu.memref_squeeze %dma_start3A_46 : memref<1x1x32xf32, #tpu.memory_space<hbm>> -> memref<1x32xf32, #tpu.memory_space<hbm>>
        tpu.enqueue_dma source(%dma_start3A_47 : memref<1x32xf32, #tpu.memory_space<hbm>>) target(%dma_start3A_44 : memref<1x32xf32, #tpu.memory_space<vmem>>) target_semaphore(%arg12 : memref<!tpu.dma_semaphore, #tpu.memory_space<semaphore_mem>>)
        %slice3A_48 = vector.extract_strided_slice %get3A_31 {offsets = [1], sizes = [1], strides = [1]} : vector<16xi32> to vector<1xi32>
        %squeeze3A_49 = vector.extract %slice3A_48[0] : i32 from vector<1xi32>
        %shift_right_arithmetic3A_50 = arith.constant 3 : i32
        %shift_right_arithmetic3A_51 = arith.shrsi %squeeze3A_49, %shift_right_arithmetic3A_50 : i32
        %slice3A_52 = vector.extract_strided_slice %get3A_31 {offsets = [1], sizes = [1], strides = [1]} : vector<16xi32> to vector<1xi32>
        %squeeze3A_53 = vector.extract %slice3A_52[0] : i32 from vector<1xi32>
        %and3A_54 = arith.constant 7 : i32
        %and3A_55 = arith.andi %squeeze3A_53, %and3A_54 : i32
        %add3A_56 = arith.addi %multiple_of3A_19, %multiple_of3A_29 : i32
        %add3A_57 = arith.constant 1 : i32
        %add3A_58 = arith.addi %add3A_56, %add3A_57 : i32
        %dma_start3A_59 = arith.constant 0 : i32
        %dma_start3A_60 = tpu.memref_slice %arg10[%add3A_58, %dma_start3A_59] : memref<512x32xf32, #tpu.memory_space<vmem>> -> memref<1x32xf32, #tpu.memory_space<vmem>>
        %dma_start3A_61 = arith.constant 0 : i32
        %dma_start3A_62 = tpu.memref_slice %arg5[%shift_right_arithmetic3A_51, %and3A_55, %dma_start3A_61] : memref<125000x8x32xf32, #tpu.memory_space<hbm>> -> memref<1x1x32xf32, #tpu.memory_space<hbm>>
        %dma_start3A_63 = tpu.memref_squeeze %dma_start3A_62 : memref<1x1x32xf32, #tpu.memory_space<hbm>> -> memref<1x32xf32, #tpu.memory_space<hbm>>
        %dma_start3A_64 = arith.constant 0 : i32
        %dma_start3A_65 = tpu.memref_slice %arg10[%add3A_58, %dma_start3A_64] : memref<512x32xf32, #tpu.memory_space<vmem>> -> memref<1x32xf32, #tpu.memory_space<vmem>>
        %dma_start3A_66 = arith.constant 0 : i32
        %dma_start3A_67 = tpu.memref_slice %arg5[%shift_right_arithmetic3A_51, %and3A_55, %dma_start3A_66] : memref<125000x8x32xf32, #tpu.memory_space<hbm>> -> memref<1x1x32xf32, #tpu.memory_space<hbm>>
        %dma_start3A_68 = tpu.memref_squeeze %dma_start3A_67 : memref<1x1x32xf32, #tpu.memory_space<hbm>> -> memref<1x32xf32, #tpu.memory_space<hbm>>
        tpu.enqueue_dma source(%dma_start3A_68 : memref<1x32xf32, #tpu.memory_space<hbm>>) target(%dma_start3A_65 : memref<1x32xf32, #tpu.memory_space<vmem>>) target_semaphore(%arg13 : memref<!tpu.dma_semaphore, #tpu.memory_space<semaphore_mem>>)
        %slice3A_69 = vector.extract_strided_slice %get3A_31 {offsets = [2], sizes = [1], strides = [1]} : vector<16xi32> to vector<1xi32>
        %squeeze3A_70 = vector.extract %slice3A_69[0] : i32 from vector<1xi32>
        %shift_right_arithmetic3A_71 = arith.constant 3 : i32
        %shift_right_arithmetic3A_72 = arith.shrsi %squeeze3A_70, %shift_right_arithmetic3A_71 : i32
        %slice3A_73 = vector.extract_strided_slice %get3A_31 {offsets = [2], sizes = [1], strides = [1]} : vector<16xi32> to vector<1xi32>
        %squeeze3A_74 = vector.extract %slice3A_73[0] : i32 from vector<1xi32>
        %and3A_75 = arith.constant 7 : i32
        %and3A_76 = arith.andi %squeeze3A_74, %and3A_75 : i32
        %add3A_77 = arith.addi %multiple_of3A_19, %multiple_of3A_29 : i32
        %add3A_78 = arith.constant 2 : i32
        %add3A_79 = arith.addi %add3A_77, %add3A_78 : i32
        %dma_start3A_80 = arith.constant 0 : i32
        %dma_start3A_81 = tpu.memref_slice %arg10[%add3A_79, %dma_start3A_80] : memref<512x32xf32, #tpu.memory_space<vmem>> -> memref<1x32xf32, #tpu.memory_space<vmem>>
        %dma_start3A_82 = arith.constant 0 : i32
        %dma_start3A_83 = tpu.memref_slice %arg5[%shift_right_arithmetic3A_72, %and3A_76, %dma_start3A_82] : memref<125000x8x32xf32, #tpu.memory_space<hbm>> -> memref<1x1x32xf32, #tpu.memory_space<hbm>>
        %dma_start3A_84 = tpu.memref_squeeze %dma_start3A_83 : memref<1x1x32xf32, #tpu.memory_space<hbm>> -> memref<1x32xf32, #tpu.memory_space<hbm>>
        %dma_start3A_85 = arith.constant 0 : i32
        %dma_start3A_86 = tpu.memref_slice %arg10[%add3A_79, %dma_start3A_85] : memref<512x32xf32, #tpu.memory_space<vmem>> -> memref<1x32xf32, #tpu.memory_space<vmem>>
        %dma_start3A_87 = arith.constant 0 : i32
        %dma_start3A_88 = tpu.memref_slice %arg5[%shift_right_arithmetic3A_72, %and3A_76, %dma_start3A_87] : memref<125000x8x32xf32, #tpu.memory_space<hbm>> -> memref<1x1x32xf32, #tpu.memory_space<hbm>>
        %dma_start3A_89 = tpu.memref_squeeze %dma_start3A_88 : memref<1x1x32xf32, #tpu.memory_space<hbm>> -> memref<1x32xf32, #tpu.memory_space<hbm>>
        tpu.enqueue_dma source(%dma_start3A_89 : memref<1x32xf32, #tpu.memory_space<hbm>>) target(%dma_start3A_86 : memref<1x32xf32, #tpu.memory_space<vmem>>) target_semaphore(%arg12 : memref<!tpu.dma_semaphore, #tpu.memory_space<semaphore_mem>>)
        %slice3A_90 = vector.extract_strided_slice %get3A_31 {offsets = [3], sizes = [1], strides = [1]} : vector<16xi32> to vector<1xi32>
        %squeeze3A_91 = vector.extract %slice3A_90[0] : i32 from vector<1xi32>
        %shift_right_arithmetic3A_92 = arith.constant 3 : i32
        %shift_right_arithmetic3A_93 = arith.shrsi %squeeze3A_91, %shift_right_arithmetic3A_92 : i32
        %slice3A_94 = vector.extract_strided_slice %get3A_31 {offsets = [3], sizes = [1], strides = [1]} : vector<16xi32> to vector<1xi32>
        %squeeze3A_95 = vector.extract %slice3A_94[0] : i32 from vector<1xi32>
        %and3A_96 = arith.constant 7 : i32
        %and3A_97 = arith.andi %squeeze3A_95, %and3A_96 : i32
        %add3A_98 = arith.addi %multiple_of3A_19, %multiple_of3A_29 : i32
        %add3A_99 = arith.constant 3 : i32
        %add3A_100 = arith.addi %add3A_98, %add3A_99 : i32
        %dma_start3A_101 = arith.constant 0 : i32
        %dma_start3A_102 = tpu.memref_slice %arg10[%add3A_100, %dma_start3A_101] : memref<512x32xf32, #tpu.memory_space<vmem>> -> memref<1x32xf32, #tpu.memory_space<vmem>>
        %dma_start3A_103 = arith.constant 0 : i32
        %dma_start3A_104 = tpu.memref_slice %arg5[%shift_right_arithmetic3A_93, %and3A_97, %dma_start3A_103] : memref<125000x8x32xf32, #tpu.memory_space<hbm>> -> memref<1x1x32xf32, #tpu.memory_space<hbm>>
        %dma_start3A_105 = tpu.memref_squeeze %dma_start3A_104 : memref<1x1x32xf32, #tpu.memory_space<hbm>> -> memref<1x32xf32, #tpu.memory_space<hbm>>
        %dma_start3A_106 = arith.constant 0 : i32
        %dma_start3A_107 = tpu.memref_slice %arg10[%add3A_100, %dma_start3A_106] : memref<512x32xf32, #tpu.memory_space<vmem>> -> memref<1x32xf32, #tpu.memory_space<vmem>>
        %dma_start3A_108 = arith.constant 0 : i32
        %dma_start3A_109 = tpu.memref_slice %arg5[%shift_right_arithmetic3A_93, %and3A_97, %dma_start3A_108] : memref<125000x8x32xf32, #tpu.memory_space<hbm>> -> memref<1x1x32xf32, #tpu.memory_space<hbm>>
        %dma_start3A_110 = tpu.memref_squeeze %dma_start3A_109 : memref<1x1x32xf32, #tpu.memory_space<hbm>> -> memref<1x32xf32, #tpu.memory_space<hbm>>
        tpu.enqueue_dma source(%dma_start3A_110 : memref<1x32xf32, #tpu.memory_space<hbm>>) target(%dma_start3A_107 : memref<1x32xf32, #tpu.memory_space<vmem>>) target_semaphore(%arg13 : memref<!tpu.dma_semaphore, #tpu.memory_space<semaphore_mem>>)
        %slice3A_111 = vector.extract_strided_slice %get3A_31 {offsets = [4], sizes = [1], strides = [1]} : vector<16xi32> to vector<1xi32>
        %squeeze3A_112 = vector.extract %slice3A_111[0] : i32 from vector<1xi32>
        %shift_right_arithmetic3A_113 = arith.constant 3 : i32
        %shift_right_arithmetic3A_114 = arith.shrsi %squeeze3A_112, %shift_right_arithmetic3A_113 : i32
        %slice3A_115 = vector.extract_strided_slice %get3A_31 {offsets = [4], sizes = [1], strides = [1]} : vector<16xi32> to vector<1xi32>
        %squeeze3A_116 = vector.extract %slice3A_115[0] : i32 from vector<1xi32>
        %and3A_117 = arith.constant 7 : i32
        %and3A_118 = arith.andi %squeeze3A_116, %and3A_117 : i32
        %add3A_119 = arith.addi %multiple_of3A_19, %multiple_of3A_29 : i32
        %add3A_120 = arith.constant 4 : i32
        %add3A_121 = arith.addi %add3A_119, %add3A_120 : i32
        %dma_start3A_122 = arith.constant 0 : i32
        %dma_start3A_123 = tpu.memref_slice %arg10[%add3A_121, %dma_start3A_122] : memref<512x32xf32, #tpu.memory_space<vmem>> -> memref<1x32xf32, #tpu.memory_space<vmem>>
        %dma_start3A_124 = arith.constant 0 : i32
        %dma_start3A_125 = tpu.memref_slice %arg5[%shift_right_arithmetic3A_114, %and3A_118, %dma_start3A_124] : memref<125000x8x32xf32, #tpu.memory_space<hbm>> -> memref<1x1x32xf32, #tpu.memory_space<hbm>>
        %dma_start3A_126 = tpu.memref_squeeze %dma_start3A_125 : memref<1x1x32xf32, #tpu.memory_space<hbm>> -> memref<1x32xf32, #tpu.memory_space<hbm>>
        %dma_start3A_127 = arith.constant 0 : i32
        %dma_start3A_128 = tpu.memref_slice %arg10[%add3A_121, %dma_start3A_127] : memref<512x32xf32, #tpu.memory_space<vmem>> -> memref<1x32xf32, #tpu.memory_space<vmem>>
        %dma_start3A_129 = arith.constant 0 : i32
        %dma_start3A_130 = tpu.memref_slice %arg5[%shift_right_arithmetic3A_114, %and3A_118, %dma_start3A_129] : memref<125000x8x32xf32, #tpu.memory_space<hbm>> -> memref<1x1x32xf32, #tpu.memory_space<hbm>>
        %dma_start3A_131 = tpu.memref_squeeze %dma_start3A_130 : memref<1x1x32xf32, #tpu.memory_space<hbm>> -> memref<1x32xf32, #tpu.memory_space<hbm>>
        tpu.enqueue_dma source(%dma_start3A_131 : memref<1x32xf32, #tpu.memory_space<hbm>>) target(%dma_start3A_128 : memref<1x32xf32, #tpu.memory_space<vmem>>) target_semaphore(%arg12 : memref<!tpu.dma_semaphore, #tpu.memory_space<semaphore_mem>>)
        %slice3A_132 = vector.extract_strided_slice %get3A_31 {offsets = [5], sizes = [1], strides = [1]} : vector<16xi32> to vector<1xi32>
        %squeeze3A_133 = vector.extract %slice3A_132[0] : i32 from vector<1xi32>
        %shift_right_arithmetic3A_134 = arith.constant 3 : i32
        %shift_right_arithmetic3A_135 = arith.shrsi %squeeze3A_133, %shift_right_arithmetic3A_134 : i32
        %slice3A_136 = vector.extract_strided_slice %get3A_31 {offsets = [5], sizes = [1], strides = [1]} : vector<16xi32> to vector<1xi32>
        %squeeze3A_137 = vector.extract %slice3A_136[0] : i32 from vector<1xi32>
        %and3A_138 = arith.constant 7 : i32
        %and3A_139 = arith.andi %squeeze3A_137, %and3A_138 : i32
        %add3A_140 = arith.addi %multiple_of3A_19, %multiple_of3A_29 : i32
        %add3A_141 = arith.constant 5 : i32
        %add3A_142 = arith.addi %add3A_140, %add3A_141 : i32
        %dma_start3A_143 = arith.constant 0 : i32
        %dma_start3A_144 = tpu.memref_slice %arg10[%add3A_142, %dma_start3A_143] : memref<512x32xf32, #tpu.memory_space<vmem>> -> memref<1x32xf32, #tpu.memory_space<vmem>>
        %dma_start3A_145 = arith.constant 0 : i32
        %dma_start3A_146 = tpu.memref_slice %arg5[%shift_right_arithmetic3A_135, %and3A_139, %dma_start3A_145] : memref<125000x8x32xf32, #tpu.memory_space<hbm>> -> memref<1x1x32xf32, #tpu.memory_space<hbm>>
        %dma_start3A_147 = tpu.memref_squeeze %dma_start3A_146 : memref<1x1x32xf32, #tpu.memory_space<hbm>> -> memref<1x32xf32, #tpu.memory_space<hbm>>
        %dma_start3A_148 = arith.constant 0 : i32
        %dma_start3A_149 = tpu.memref_slice %arg10[%add3A_142, %dma_start3A_148] : memref<512x32xf32, #tpu.memory_space<vmem>> -> memref<1x32xf32, #tpu.memory_space<vmem>>
        %dma_start3A_150 = arith.constant 0 : i32
        %dma_start3A_151 = tpu.memref_slice %arg5[%shift_right_arithmetic3A_135, %and3A_139, %dma_start3A_150] : memref<125000x8x32xf32, #tpu.memory_space<hbm>> -> memref<1x1x32xf32, #tpu.memory_space<hbm>>
        %dma_start3A_152 = tpu.memref_squeeze %dma_start3A_151 : memref<1x1x32xf32, #tpu.memory_space<hbm>> -> memref<1x32xf32, #tpu.memory_space<hbm>>
        tpu.enqueue_dma source(%dma_start3A_152 : memref<1x32xf32, #tpu.memory_space<hbm>>) target(%dma_start3A_149 : memref<1x32xf32, #tpu.memory_space<vmem>>) target_semaphore(%arg13 : memref<!tpu.dma_semaphore, #tpu.memory_space<semaphore_mem>>)
        %slice3A_153 = vector.extract_strided_slice %get3A_31 {offsets = [6], sizes = [1], strides = [1]} : vector<16xi32> to vector<1xi32>
        %squeeze3A_154 = vector.extract %slice3A_153[0] : i32 from vector<1xi32>
        %shift_right_arithmetic3A_155 = arith.constant 3 : i32
        %shift_right_arithmetic3A_156 = arith.shrsi %squeeze3A_154, %shift_right_arithmetic3A_155 : i32
        %slice3A_157 = vector.extract_strided_slice %get3A_31 {offsets = [6], sizes = [1], strides = [1]} : vector<16xi32> to vector<1xi32>
        %squeeze3A_158 = vector.extract %slice3A_157[0] : i32 from vector<1xi32>
        %and3A_159 = arith.constant 7 : i32
        %and3A_160 = arith.andi %squeeze3A_158, %and3A_159 : i32
        %add3A_161 = arith.addi %multiple_of3A_19, %multiple_of3A_29 : i32
        %add3A_162 = arith.constant 6 : i32
        %add3A_163 = arith.addi %add3A_161, %add3A_162 : i32
        %dma_start3A_164 = arith.constant 0 : i32
        %dma_start3A_165 = tpu.memref_slice %arg10[%add3A_163, %dma_start3A_164] : memref<512x32xf32, #tpu.memory_space<vmem>> -> memref<1x32xf32, #tpu.memory_space<vmem>>
        %dma_start3A_166 = arith.constant 0 : i32
        %dma_start3A_167 = tpu.memref_slice %arg5[%shift_right_arithmetic3A_156, %and3A_160, %dma_start3A_166] : memref<125000x8x32xf32, #tpu.memory_space<hbm>> -> memref<1x1x32xf32, #tpu.memory_space<hbm>>
        %dma_start3A_168 = tpu.memref_squeeze %dma_start3A_167 : memref<1x1x32xf32, #tpu.memory_space<hbm>> -> memref<1x32xf32, #tpu.memory_space<hbm>>
        %dma_start3A_169 = arith.constant 0 : i32
        %dma_start3A_170 = tpu.memref_slice %arg10[%add3A_163, %dma_start3A_169] : memref<512x32xf32, #tpu.memory_space<vmem>> -> memref<1x32xf32, #tpu.memory_space<vmem>>
        %dma_start3A_171 = arith.constant 0 : i32
        %dma_start3A_172 = tpu.memref_slice %arg5[%shift_right_arithmetic3A_156, %and3A_160, %dma_start3A_171] : memref<125000x8x32xf32, #tpu.memory_space<hbm>> -> memref<1x1x32xf32, #tpu.memory_space<hbm>>
        %dma_start3A_173 = tpu.memref_squeeze %dma_start3A_172 : memref<1x1x32xf32, #tpu.memory_space<hbm>> -> memref<1x32xf32, #tpu.memory_space<hbm>>
        tpu.enqueue_dma source(%dma_start3A_173 : memref<1x32xf32, #tpu.memory_space<hbm>>) target(%dma_start3A_170 : memref<1x32xf32, #tpu.memory_space<vmem>>) target_semaphore(%arg12 : memref<!tpu.dma_semaphore, #tpu.memory_space<semaphore_mem>>)
        %slice3A_174 = vector.extract_strided_slice %get3A_31 {offsets = [7], sizes = [1], strides = [1]} : vector<16xi32> to vector<1xi32>
        %squeeze3A_175 = vector.extract %slice3A_174[0] : i32 from vector<1xi32>
        %shift_right_arithmetic3A_176 = arith.constant 3 : i32
        %shift_right_arithmetic3A_177 = arith.shrsi %squeeze3A_175, %shift_right_arithmetic3A_176 : i32
        %slice3A_178 = vector.extract_strided_slice %get3A_31 {offsets = [7], sizes = [1], strides = [1]} : vector<16xi32> to vector<1xi32>
        %squeeze3A_179 = vector.extract %slice3A_178[0] : i32 from vector<1xi32>
        %and3A_180 = arith.constant 7 : i32
        %and3A_181 = arith.andi %squeeze3A_179, %and3A_180 : i32
        %add3A_182 = arith.addi %multiple_of3A_19, %multiple_of3A_29 : i32
        %add3A_183 = arith.constant 7 : i32
        %add3A_184 = arith.addi %add3A_182, %add3A_183 : i32
        %dma_start3A_185 = arith.constant 0 : i32
        %dma_start3A_186 = tpu.memref_slice %arg10[%add3A_184, %dma_start3A_185] : memref<512x32xf32, #tpu.memory_space<vmem>> -> memref<1x32xf32, #tpu.memory_space<vmem>>
        %dma_start3A_187 = arith.constant 0 : i32
        %dma_start3A_188 = tpu.memref_slice %arg5[%shift_right_arithmetic3A_177, %and3A_181, %dma_start3A_187] : memref<125000x8x32xf32, #tpu.memory_space<hbm>> -> memref<1x1x32xf32, #tpu.memory_space<hbm>>
        %dma_start3A_189 = tpu.memref_squeeze %dma_start3A_188 : memref<1x1x32xf32, #tpu.memory_space<hbm>> -> memref<1x32xf32, #tpu.memory_space<hbm>>
        %dma_start3A_190 = arith.constant 0 : i32
        %dma_start3A_191 = tpu.memref_slice %arg10[%add3A_184, %dma_start3A_190] : memref<512x32xf32, #tpu.memory_space<vmem>> -> memref<1x32xf32, #tpu.memory_space<vmem>>
        %dma_start3A_192 = arith.constant 0 : i32
        %dma_start3A_193 = tpu.memref_slice %arg5[%shift_right_arithmetic3A_177, %and3A_181, %dma_start3A_192] : memref<125000x8x32xf32, #tpu.memory_space<hbm>> -> memref<1x1x32xf32, #tpu.memory_space<hbm>>
        %dma_start3A_194 = tpu.memref_squeeze %dma_start3A_193 : memref<1x1x32xf32, #tpu.memory_space<hbm>> -> memref<1x32xf32, #tpu.memory_space<hbm>>
        tpu.enqueue_dma source(%dma_start3A_194 : memref<1x32xf32, #tpu.memory_space<hbm>>) target(%dma_start3A_191 : memref<1x32xf32, #tpu.memory_space<vmem>>) target_semaphore(%arg13 : memref<!tpu.dma_semaphore, #tpu.memory_space<semaphore_mem>>)
        %slice3A_195 = vector.extract_strided_slice %get3A_31 {offsets = [8], sizes = [1], strides = [1]} : vector<16xi32> to vector<1xi32>
        %squeeze3A_196 = vector.extract %slice3A_195[0] : i32 from vector<1xi32>
        %shift_right_arithmetic3A_197 = arith.constant 3 : i32
        %shift_right_arithmetic3A_198 = arith.shrsi %squeeze3A_196, %shift_right_arithmetic3A_197 : i32
        %slice3A_199 = vector.extract_strided_slice %get3A_31 {offsets = [8], sizes = [1], strides = [1]} : vector<16xi32> to vector<1xi32>
        %squeeze3A_200 = vector.extract %slice3A_199[0] : i32 from vector<1xi32>
        %and3A_201 = arith.constant 7 : i32
        %and3A_202 = arith.andi %squeeze3A_200, %and3A_201 : i32
        %add3A_203 = arith.addi %multiple_of3A_19, %multiple_of3A_29 : i32
        %add3A_204 = arith.constant 8 : i32
        %add3A_205 = arith.addi %add3A_203, %add3A_204 : i32
        %dma_start3A_206 = arith.constant 0 : i32
        %dma_start3A_207 = tpu.memref_slice %arg10[%add3A_205, %dma_start3A_206] : memref<512x32xf32, #tpu.memory_space<vmem>> -> memref<1x32xf32, #tpu.memory_space<vmem>>
        %dma_start3A_208 = arith.constant 0 : i32
        %dma_start3A_209 = tpu.memref_slice %arg5[%shift_right_arithmetic3A_198, %and3A_202, %dma_start3A_208] : memref<125000x8x32xf32, #tpu.memory_space<hbm>> -> memref<1x1x32xf32, #tpu.memory_space<hbm>>
        %dma_start3A_210 = tpu.memref_squeeze %dma_start3A_209 : memref<1x1x32xf32, #tpu.memory_space<hbm>> -> memref<1x32xf32, #tpu.memory_space<hbm>>
        %dma_start3A_211 = arith.constant 0 : i32
        %dma_start3A_212 = tpu.memref_slice %arg10[%add3A_205, %dma_start3A_211] : memref<512x32xf32, #tpu.memory_space<vmem>> -> memref<1x32xf32, #tpu.memory_space<vmem>>
        %dma_start3A_213 = arith.constant 0 : i32
        %dma_start3A_214 = tpu.memref_slice %arg5[%shift_right_arithmetic3A_198, %and3A_202, %dma_start3A_213] : memref<125000x8x32xf32, #tpu.memory_space<hbm>> -> memref<1x1x32xf32, #tpu.memory_space<hbm>>
        %dma_start3A_215 = tpu.memref_squeeze %dma_start3A_214 : memref<1x1x32xf32, #tpu.memory_space<hbm>> -> memref<1x32xf32, #tpu.memory_space<hbm>>
        tpu.enqueue_dma source(%dma_start3A_215 : memref<1x32xf32, #tpu.memory_space<hbm>>) target(%dma_start3A_212 : memref<1x32xf32, #tpu.memory_space<vmem>>) target_semaphore(%arg12 : memref<!tpu.dma_semaphore, #tpu.memory_space<semaphore_mem>>)
        %slice3A_216 = vector.extract_strided_slice %get3A_31 {offsets = [9], sizes = [1], strides = [1]} : vector<16xi32> to vector<1xi32>
        %squeeze3A_217 = vector.extract %slice3A_216[0] : i32 from vector<1xi32>
        %shift_right_arithmetic3A_218 = arith.constant 3 : i32
        %shift_right_arithmetic3A_219 = arith.shrsi %squeeze3A_217, %shift_right_arithmetic3A_218 : i32
        %slice3A_220 = vector.extract_strided_slice %get3A_31 {offsets = [9], sizes = [1], strides = [1]} : vector<16xi32> to vector<1xi32>
        %squeeze3A_221 = vector.extract %slice3A_220[0] : i32 from vector<1xi32>
        %and3A_222 = arith.constant 7 : i32
        %and3A_223 = arith.andi %squeeze3A_221, %and3A_222 : i32
        %add3A_224 = arith.addi %multiple_of3A_19, %multiple_of3A_29 : i32
        %add3A_225 = arith.constant 9 : i32
        %add3A_226 = arith.addi %add3A_224, %add3A_225 : i32
        %dma_start3A_227 = arith.constant 0 : i32
        %dma_start3A_228 = tpu.memref_slice %arg10[%add3A_226, %dma_start3A_227] : memref<512x32xf32, #tpu.memory_space<vmem>> -> memref<1x32xf32, #tpu.memory_space<vmem>>
        %dma_start3A_229 = arith.constant 0 : i32
        %dma_start3A_230 = tpu.memref_slice %arg5[%shift_right_arithmetic3A_219, %and3A_223, %dma_start3A_229] : memref<125000x8x32xf32, #tpu.memory_space<hbm>> -> memref<1x1x32xf32, #tpu.memory_space<hbm>>
        %dma_start3A_231 = tpu.memref_squeeze %dma_start3A_230 : memref<1x1x32xf32, #tpu.memory_space<hbm>> -> memref<1x32xf32, #tpu.memory_space<hbm>>
        %dma_start3A_232 = arith.constant 0 : i32
        %dma_start3A_233 = tpu.memref_slice %arg10[%add3A_226, %dma_start3A_232] : memref<512x32xf32, #tpu.memory_space<vmem>> -> memref<1x32xf32, #tpu.memory_space<vmem>>
        %dma_start3A_234 = arith.constant 0 : i32
        %dma_start3A_235 = tpu.memref_slice %arg5[%shift_right_arithmetic3A_219, %and3A_223, %dma_start3A_234] : memref<125000x8x32xf32, #tpu.memory_space<hbm>> -> memref<1x1x32xf32, #tpu.memory_space<hbm>>
        %dma_start3A_236 = tpu.memref_squeeze %dma_start3A_235 : memref<1x1x32xf32, #tpu.memory_space<hbm>> -> memref<1x32xf32, #tpu.memory_space<hbm>>
        tpu.enqueue_dma source(%dma_start3A_236 : memref<1x32xf32, #tpu.memory_space<hbm>>) target(%dma_start3A_233 : memref<1x32xf32, #tpu.memory_space<vmem>>) target_semaphore(%arg13 : memref<!tpu.dma_semaphore, #tpu.memory_space<semaphore_mem>>)
        %slice3A_237 = vector.extract_strided_slice %get3A_31 {offsets = [10], sizes = [1], strides = [1]} : vector<16xi32> to vector<1xi32>
        %squeeze3A_238 = vector.extract %slice3A_237[0] : i32 from vector<1xi32>
        %shift_right_arithmetic3A_239 = arith.constant 3 : i32
        %shift_right_arithmetic3A_240 = arith.shrsi %squeeze3A_238, %shift_right_arithmetic3A_239 : i32
        %slice3A_241 = vector.extract_strided_slice %get3A_31 {offsets = [10], sizes = [1], strides = [1]} : vector<16xi32> to vector<1xi32>
        %squeeze3A_242 = vector.extract %slice3A_241[0] : i32 from vector<1xi32>
        %and3A_243 = arith.constant 7 : i32
        %and3A_244 = arith.andi %squeeze3A_242, %and3A_243 : i32
        %add3A_245 = arith.addi %multiple_of3A_19, %multiple_of3A_29 : i32
        %add3A_246 = arith.constant 10 : i32
        %add3A_247 = arith.addi %add3A_245, %add3A_246 : i32
        %dma_start3A_248 = arith.constant 0 : i32
        %dma_start3A_249 = tpu.memref_slice %arg10[%add3A_247, %dma_start3A_248] : memref<512x32xf32, #tpu.memory_space<vmem>> -> memref<1x32xf32, #tpu.memory_space<vmem>>
        %dma_start3A_250 = arith.constant 0 : i32
        %dma_start3A_251 = tpu.memref_slice %arg5[%shift_right_arithmetic3A_240, %and3A_244, %dma_start3A_250] : memref<125000x8x32xf32, #tpu.memory_space<hbm>> -> memref<1x1x32xf32, #tpu.memory_space<hbm>>
        %dma_start3A_252 = tpu.memref_squeeze %dma_start3A_251 : memref<1x1x32xf32, #tpu.memory_space<hbm>> -> memref<1x32xf32, #tpu.memory_space<hbm>>
        %dma_start3A_253 = arith.constant 0 : i32
        %dma_start3A_254 = tpu.memref_slice %arg10[%add3A_247, %dma_start3A_253] : memref<512x32xf32, #tpu.memory_space<vmem>> -> memref<1x32xf32, #tpu.memory_space<vmem>>
        %dma_start3A_255 = arith.constant 0 : i32
        %dma_start3A_256 = tpu.memref_slice %arg5[%shift_right_arithmetic3A_240, %and3A_244, %dma_start3A_255] : memref<125000x8x32xf32, #tpu.memory_space<hbm>> -> memref<1x1x32xf32, #tpu.memory_space<hbm>>
        %dma_start3A_257 = tpu.memref_squeeze %dma_start3A_256 : memref<1x1x32xf32, #tpu.memory_space<hbm>> -> memref<1x32xf32, #tpu.memory_space<hbm>>
        tpu.enqueue_dma source(%dma_start3A_257 : memref<1x32xf32, #tpu.memory_space<hbm>>) target(%dma_start3A_254 : memref<1x32xf32, #tpu.memory_space<vmem>>) target_semaphore(%arg12 : memref<!tpu.dma_semaphore, #tpu.memory_space<semaphore_mem>>)
        %slice3A_258 = vector.extract_strided_slice %get3A_31 {offsets = [11], sizes = [1], strides = [1]} : vector<16xi32> to vector<1xi32>
        %squeeze3A_259 = vector.extract %slice3A_258[0] : i32 from vector<1xi32>
        %shift_right_arithmetic3A_260 = arith.constant 3 : i32
        %shift_right_arithmetic3A_261 = arith.shrsi %squeeze3A_259, %shift_right_arithmetic3A_260 : i32
        %slice3A_262 = vector.extract_strided_slice %get3A_31 {offsets = [11], sizes = [1], strides = [1]} : vector<16xi32> to vector<1xi32>
        %squeeze3A_263 = vector.extract %slice3A_262[0] : i32 from vector<1xi32>
        %and3A_264 = arith.constant 7 : i32
        %and3A_265 = arith.andi %squeeze3A_263, %and3A_264 : i32
        %add3A_266 = arith.addi %multiple_of3A_19, %multiple_of3A_29 : i32
        %add3A_267 = arith.constant 11 : i32
        %add3A_268 = arith.addi %add3A_266, %add3A_267 : i32
        %dma_start3A_269 = arith.constant 0 : i32
        %dma_start3A_270 = tpu.memref_slice %arg10[%add3A_268, %dma_start3A_269] : memref<512x32xf32, #tpu.memory_space<vmem>> -> memref<1x32xf32, #tpu.memory_space<vmem>>
        %dma_start3A_271 = arith.constant 0 : i32
        %dma_start3A_272 = tpu.memref_slice %arg5[%shift_right_arithmetic3A_261, %and3A_265, %dma_start3A_271] : memref<125000x8x32xf32, #tpu.memory_space<hbm>> -> memref<1x1x32xf32, #tpu.memory_space<hbm>>
        %dma_start3A_273 = tpu.memref_squeeze %dma_start3A_272 : memref<1x1x32xf32, #tpu.memory_space<hbm>> -> memref<1x32xf32, #tpu.memory_space<hbm>>
        %dma_start3A_274 = arith.constant 0 : i32
        %dma_start3A_275 = tpu.memref_slice %arg10[%add3A_268, %dma_start3A_274] : memref<512x32xf32, #tpu.memory_space<vmem>> -> memref<1x32xf32, #tpu.memory_space<vmem>>
        %dma_start3A_276 = arith.constant 0 : i32
        %dma_start3A_277 = tpu.memref_slice %arg5[%shift_right_arithmetic3A_261, %and3A_265, %dma_start3A_276] : memref<125000x8x32xf32, #tpu.memory_space<hbm>> -> memref<1x1x32xf32, #tpu.memory_space<hbm>>
        %dma_start3A_278 = tpu.memref_squeeze %dma_start3A_277 : memref<1x1x32xf32, #tpu.memory_space<hbm>> -> memref<1x32xf32, #tpu.memory_space<hbm>>
        tpu.enqueue_dma source(%dma_start3A_278 : memref<1x32xf32, #tpu.memory_space<hbm>>) target(%dma_start3A_275 : memref<1x32xf32, #tpu.memory_space<vmem>>) target_semaphore(%arg13 : memref<!tpu.dma_semaphore, #tpu.memory_space<semaphore_mem>>)
        %slice3A_279 = vector.extract_strided_slice %get3A_31 {offsets = [12], sizes = [1], strides = [1]} : vector<16xi32> to vector<1xi32>
        %squeeze3A_280 = vector.extract %slice3A_279[0] : i32 from vector<1xi32>
        %shift_right_arithmetic3A_281 = arith.constant 3 : i32
        %shift_right_arithmetic3A_282 = arith.shrsi %squeeze3A_280, %shift_right_arithmetic3A_281 : i32
        %slice3A_283 = vector.extract_strided_slice %get3A_31 {offsets = [12], sizes = [1], strides = [1]} : vector<16xi32> to vector<1xi32>
        %squeeze3A_284 = vector.extract %slice3A_283[0] : i32 from vector<1xi32>
        %and3A_285 = arith.constant 7 : i32
        %and3A_286 = arith.andi %squeeze3A_284, %and3A_285 : i32
        %add3A_287 = arith.addi %multiple_of3A_19, %multiple_of3A_29 : i32
        %add3A_288 = arith.constant 12 : i32
        %add3A_289 = arith.addi %add3A_287, %add3A_288 : i32
        %dma_start3A_290 = arith.constant 0 : i32
        %dma_start3A_291 = tpu.memref_slice %arg10[%add3A_289, %dma_start3A_290] : memref<512x32xf32, #tpu.memory_space<vmem>> -> memref<1x32xf32, #tpu.memory_space<vmem>>
        %dma_start3A_292 = arith.constant 0 : i32
        %dma_start3A_293 = tpu.memref_slice %arg5[%shift_right_arithmetic3A_282, %and3A_286, %dma_start3A_292] : memref<125000x8x32xf32, #tpu.memory_space<hbm>> -> memref<1x1x32xf32, #tpu.memory_space<hbm>>
        %dma_start3A_294 = tpu.memref_squeeze %dma_start3A_293 : memref<1x1x32xf32, #tpu.memory_space<hbm>> -> memref<1x32xf32, #tpu.memory_space<hbm>>
        %dma_start3A_295 = arith.constant 0 : i32
        %dma_start3A_296 = tpu.memref_slice %arg10[%add3A_289, %dma_start3A_295] : memref<512x32xf32, #tpu.memory_space<vmem>> -> memref<1x32xf32, #tpu.memory_space<vmem>>
        %dma_start3A_297 = arith.constant 0 : i32
        %dma_start3A_298 = tpu.memref_slice %arg5[%shift_right_arithmetic3A_282, %and3A_286, %dma_start3A_297] : memref<125000x8x32xf32, #tpu.memory_space<hbm>> -> memref<1x1x32xf32, #tpu.memory_space<hbm>>
        %dma_start3A_299 = tpu.memref_squeeze %dma_start3A_298 : memref<1x1x32xf32, #tpu.memory_space<hbm>> -> memref<1x32xf32, #tpu.memory_space<hbm>>
        tpu.enqueue_dma source(%dma_start3A_299 : memref<1x32xf32, #tpu.memory_space<hbm>>) target(%dma_start3A_296 : memref<1x32xf32, #tpu.memory_space<vmem>>) target_semaphore(%arg12 : memref<!tpu.dma_semaphore, #tpu.memory_space<semaphore_mem>>)
        %slice3A_300 = vector.extract_strided_slice %get3A_31 {offsets = [13], sizes = [1], strides = [1]} : vector<16xi32> to vector<1xi32>
        %squeeze3A_301 = vector.extract %slice3A_300[0] : i32 from vector<1xi32>
        %shift_right_arithmetic3A_302 = arith.constant 3 : i32
        %shift_right_arithmetic3A_303 = arith.shrsi %squeeze3A_301, %shift_right_arithmetic3A_302 : i32
        %slice3A_304 = vector.extract_strided_slice %get3A_31 {offsets = [13], sizes = [1], strides = [1]} : vector<16xi32> to vector<1xi32>
        %squeeze3A_305 = vector.extract %slice3A_304[0] : i32 from vector<1xi32>
        %and3A_306 = arith.constant 7 : i32
        %and3A_307 = arith.andi %squeeze3A_305, %and3A_306 : i32
        %add3A_308 = arith.addi %multiple_of3A_19, %multiple_of3A_29 : i32
        %add3A_309 = arith.constant 13 : i32
        %add3A_310 = arith.addi %add3A_308, %add3A_309 : i32
        %dma_start3A_311 = arith.constant 0 : i32
        %dma_start3A_312 = tpu.memref_slice %arg10[%add3A_310, %dma_start3A_311] : memref<512x32xf32, #tpu.memory_space<vmem>> -> memref<1x32xf32, #tpu.memory_space<vmem>>
        %dma_start3A_313 = arith.constant 0 : i32
        %dma_start3A_314 = tpu.memref_slice %arg5[%shift_right_arithmetic3A_303, %and3A_307, %dma_start3A_313] : memref<125000x8x32xf32, #tpu.memory_space<hbm>> -> memref<1x1x32xf32, #tpu.memory_space<hbm>>
        %dma_start3A_315 = tpu.memref_squeeze %dma_start3A_314 : memref<1x1x32xf32, #tpu.memory_space<hbm>> -> memref<1x32xf32, #tpu.memory_space<hbm>>
        %dma_start3A_316 = arith.constant 0 : i32
        %dma_start3A_317 = tpu.memref_slice %arg10[%add3A_310, %dma_start3A_316] : memref<512x32xf32, #tpu.memory_space<vmem>> -> memref<1x32xf32, #tpu.memory_space<vmem>>
        %dma_start3A_318 = arith.constant 0 : i32
        %dma_start3A_319 = tpu.memref_slice %arg5[%shift_right_arithmetic3A_303, %and3A_307, %dma_start3A_318] : memref<125000x8x32xf32, #tpu.memory_space<hbm>> -> memref<1x1x32xf32, #tpu.memory_space<hbm>>
        %dma_start3A_320 = tpu.memref_squeeze %dma_start3A_319 : memref<1x1x32xf32, #tpu.memory_space<hbm>> -> memref<1x32xf32, #tpu.memory_space<hbm>>
        tpu.enqueue_dma source(%dma_start3A_320 : memref<1x32xf32, #tpu.memory_space<hbm>>) target(%dma_start3A_317 : memref<1x32xf32, #tpu.memory_space<vmem>>) target_semaphore(%arg13 : memref<!tpu.dma_semaphore, #tpu.memory_space<semaphore_mem>>)
        %slice3A_321 = vector.extract_strided_slice %get3A_31 {offsets = [14], sizes = [1], strides = [1]} : vector<16xi32> to vector<1xi32>
        %squeeze3A_322 = vector.extract %slice3A_321[0] : i32 from vector<1xi32>
        %shift_right_arithmetic3A_323 = arith.constant 3 : i32
        %shift_right_arithmetic3A_324 = arith.shrsi %squeeze3A_322, %shift_right_arithmetic3A_323 : i32
        %slice3A_325 = vector.extract_strided_slice %get3A_31 {offsets = [14], sizes = [1], strides = [1]} : vector<16xi32> to vector<1xi32>
        %squeeze3A_326 = vector.extract %slice3A_325[0] : i32 from vector<1xi32>
        %and3A_327 = arith.constant 7 : i32
        %and3A_328 = arith.andi %squeeze3A_326, %and3A_327 : i32
        %add3A_329 = arith.addi %multiple_of3A_19, %multiple_of3A_29 : i32
        %add3A_330 = arith.constant 14 : i32
        %add3A_331 = arith.addi %add3A_329, %add3A_330 : i32
        %dma_start3A_332 = arith.constant 0 : i32
        %dma_start3A_333 = tpu.memref_slice %arg10[%add3A_331, %dma_start3A_332] : memref<512x32xf32, #tpu.memory_space<vmem>> -> memref<1x32xf32, #tpu.memory_space<vmem>>
        %dma_start3A_334 = arith.constant 0 : i32
        %dma_start3A_335 = tpu.memref_slice %arg5[%shift_right_arithmetic3A_324, %and3A_328, %dma_start3A_334] : memref<125000x8x32xf32, #tpu.memory_space<hbm>> -> memref<1x1x32xf32, #tpu.memory_space<hbm>>
        %dma_start3A_336 = tpu.memref_squeeze %dma_start3A_335 : memref<1x1x32xf32, #tpu.memory_space<hbm>> -> memref<1x32xf32, #tpu.memory_space<hbm>>
        %dma_start3A_337 = arith.constant 0 : i32
        %dma_start3A_338 = tpu.memref_slice %arg10[%add3A_331, %dma_start3A_337] : memref<512x32xf32, #tpu.memory_space<vmem>> -> memref<1x32xf32, #tpu.memory_space<vmem>>
        %dma_start3A_339 = arith.constant 0 : i32
        %dma_start3A_340 = tpu.memref_slice %arg5[%shift_right_arithmetic3A_324, %and3A_328, %dma_start3A_339] : memref<125000x8x32xf32, #tpu.memory_space<hbm>> -> memref<1x1x32xf32, #tpu.memory_space<hbm>>
        %dma_start3A_341 = tpu.memref_squeeze %dma_start3A_340 : memref<1x1x32xf32, #tpu.memory_space<hbm>> -> memref<1x32xf32, #tpu.memory_space<hbm>>
        tpu.enqueue_dma source(%dma_start3A_341 : memref<1x32xf32, #tpu.memory_space<hbm>>) target(%dma_start3A_338 : memref<1x32xf32, #tpu.memory_space<vmem>>) target_semaphore(%arg12 : memref<!tpu.dma_semaphore, #tpu.memory_space<semaphore_mem>>)
        %slice3A_342 = vector.extract_strided_slice %get3A_31 {offsets = [15], sizes = [1], strides = [1]} : vector<16xi32> to vector<1xi32>
        %squeeze3A_343 = vector.extract %slice3A_342[0] : i32 from vector<1xi32>
        %shift_right_arithmetic3A_344 = arith.constant 3 : i32
        %shift_right_arithmetic3A_345 = arith.shrsi %squeeze3A_343, %shift_right_arithmetic3A_344 : i32
        %slice3A_346 = vector.extract_strided_slice %get3A_31 {offsets = [15], sizes = [1], strides = [1]} : vector<16xi32> to vector<1xi32>
        %squeeze3A_347 = vector.extract %slice3A_346[0] : i32 from vector<1xi32>
        %and3A_348 = arith.constant 7 : i32
        %and3A_349 = arith.andi %squeeze3A_347, %and3A_348 : i32
        %add3A_350 = arith.addi %multiple_of3A_19, %multiple_of3A_29 : i32
        %add3A_351 = arith.constant 15 : i32
        %add3A_352 = arith.addi %add3A_350, %add3A_351 : i32
        %dma_start3A_353 = arith.constant 0 : i32
        %dma_start3A_354 = tpu.memref_slice %arg10[%add3A_352, %dma_start3A_353] : memref<512x32xf32, #tpu.memory_space<vmem>> -> memref<1x32xf32, #tpu.memory_space<vmem>>
        %dma_start3A_355 = arith.constant 0 : i32
        %dma_start3A_356 = tpu.memref_slice %arg5[%shift_right_arithmetic3A_345, %and3A_349, %dma_start3A_355] : memref<125000x8x32xf32, #tpu.memory_space<hbm>> -> memref<1x1x32xf32, #tpu.memory_space<hbm>>
        %dma_start3A_357 = tpu.memref_squeeze %dma_start3A_356 : memref<1x1x32xf32, #tpu.memory_space<hbm>> -> memref<1x32xf32, #tpu.memory_space<hbm>>
        %dma_start3A_358 = arith.constant 0 : i32
        %dma_start3A_359 = tpu.memref_slice %arg10[%add3A_352, %dma_start3A_358] : memref<512x32xf32, #tpu.memory_space<vmem>> -> memref<1x32xf32, #tpu.memory_space<vmem>>
        %dma_start3A_360 = arith.constant 0 : i32
        %dma_start3A_361 = tpu.memref_slice %arg5[%shift_right_arithmetic3A_345, %and3A_349, %dma_start3A_360] : memref<125000x8x32xf32, #tpu.memory_space<hbm>> -> memref<1x1x32xf32, #tpu.memory_space<hbm>>
        %dma_start3A_362 = tpu.memref_squeeze %dma_start3A_361 : memref<1x1x32xf32, #tpu.memory_space<hbm>> -> memref<1x32xf32, #tpu.memory_space<hbm>>
        tpu.enqueue_dma source(%dma_start3A_362 : memref<1x32xf32, #tpu.memory_space<hbm>>) target(%dma_start3A_359 : memref<1x32xf32, #tpu.memory_space<vmem>>) target_semaphore(%arg13 : memref<!tpu.dma_semaphore, #tpu.memory_space<semaphore_mem>>)
      }
      %scan3A_25 = arith.constant 8 : i32
    }
    %scan3A_9 = arith.constant 4 : i32
    %scan3A_10 = arith.constant 0 : i32
    %scan3A_11 = arith.constant 0 : i32
    %scan3A_12 = arith.constant 4 : i32
    %scan3A_13 = arith.addi %scan3A_11, %scan3A_12 : i32
    %scan3A_14 = arith.constant 1 : i32
    scf.for %scan3A_16 = %scan3A_11 to %scan3A_13 step %scan3A_14  : i32 {
      %mul3A_17 = arith.constant 128 : i32
      %mul3A_18 = arith.muli %scan3A_16, %mul3A_17 : i32
      %multiple_of3A_19 = tpu.assume_multiple %mul3A_18, 128 : i32
      %scan3A_20 = arith.constant 0 : i32
      %scan3A_21 = arith.constant 0 : i32
      %scan3A_22 = arith.constant 8 : i32
      %scan3A_23 = arith.addi %scan3A_21, %scan3A_22 : i32
      %scan3A_24 = arith.constant 1 : i32
      scf.for %scan3A_274 = %scan3A_21 to %scan3A_23 step %scan3A_24  : i32 {
        %mul3A_275 = arith.constant 16 : i32
        %mul3A_276 = arith.muli %scan3A_274, %mul3A_275 : i32
        %multiple_of3A_277 = tpu.assume_multiple %mul3A_276, 16 : i32
        %add3A_278 = arith.addi %multiple_of3A_19, %multiple_of3A_277 : i32
        %get3A = arith.index_cast %add3A_278 : i32 to index
        %get3A_279 = tpu.vector_load %arg7[%get3A] {strides = array<i32>} : memref<512xi32, #tpu.memory_space<vmem>>, vector<16xi32>,
        %slice3A = vector.extract_strided_slice %get3A_279 {offsets = [0], sizes = [1], strides = [1]} : vector<16xi32> to vector<1xi32>
        %squeeze3A = vector.extract %slice3A[0] : i32 from vector<1xi32>
        %shift_right_arithmetic3A = arith.constant 3 : i32
        %shift_right_arithmetic3A_280 = arith.shrsi %squeeze3A, %shift_right_arithmetic3A : i32
        %slice3A_281 = vector.extract_strided_slice %get3A_279 {offsets = [0], sizes = [1], strides = [1]} : vector<16xi32> to vector<1xi32>
        %squeeze3A_282 = vector.extract %slice3A_281[0] : i32 from vector<1xi32>
        %and3A = arith.constant 7 : i32
        %and3A_283 = arith.andi %squeeze3A_282, %and3A : i32
        %add3A_284 = arith.constant 0 : i32
        %add3A_285 = arith.addi %add3A_284, %multiple_of3A_277 : i32
        %add3A_286 = arith.constant 0 : i32
        %add3A_287 = arith.addi %add3A_285, %add3A_286 : i32
        %dma_start3A = arith.constant 0 : i32
        %dma_start3A_288 = tpu.memref_slice %arg9[%add3A_287, %dma_start3A] : memref<128x32xf32, #tpu.memory_space<vmem>> -> memref<1x32xf32, #tpu.memory_space<vmem>>
        %dma_start3A_289 = arith.constant 0 : i32
        %dma_start3A_290 = tpu.memref_slice %arg4[%shift_right_arithmetic3A_280, %and3A_283, %dma_start3A_289] : memref<12500x8x32xf32, #tpu.memory_space<hbm>> -> memref<1x1x32xf32, #tpu.memory_space<hbm>>
        %dma_start3A_291 = tpu.memref_squeeze %dma_start3A_290 : memref<1x1x32xf32, #tpu.memory_space<hbm>> -> memref<1x32xf32, #tpu.memory_space<hbm>>
        %dma_start3A_292 = arith.constant 0 : i32
        %dma_start3A_293 = tpu.memref_slice %arg9[%add3A_287, %dma_start3A_292] : memref<128x32xf32, #tpu.memory_space<vmem>> -> memref<1x32xf32, #tpu.memory_space<vmem>>
        %dma_start3A_294 = arith.constant 0 : i32
        %dma_start3A_295 = tpu.memref_slice %arg4[%shift_right_arithmetic3A_280, %and3A_283, %dma_start3A_294] : memref<12500x8x32xf32, #tpu.memory_space<hbm>> -> memref<1x1x32xf32, #tpu.memory_space<hbm>>
        %dma_start3A_296 = tpu.memref_squeeze %dma_start3A_295 : memref<1x1x32xf32, #tpu.memory_space<hbm>> -> memref<1x32xf32, #tpu.memory_space<hbm>>
        tpu.enqueue_dma source(%dma_start3A_296 : memref<1x32xf32, #tpu.memory_space<hbm>>) target(%dma_start3A_293 : memref<1x32xf32, #tpu.memory_space<vmem>>) target_semaphore(%arg14 : memref<!tpu.dma_semaphore, #tpu.memory_space<semaphore_mem>>)
        %slice3A_297 = vector.extract_strided_slice %get3A_279 {offsets = [1], sizes = [1], strides = [1]} : vector<16xi32> to vector<1xi32>
        %squeeze3A_298 = vector.extract %slice3A_297[0] : i32 from vector<1xi32>
        %shift_right_arithmetic3A_299 = arith.constant 3 : i32
        %shift_right_arithmetic3A_300 = arith.shrsi %squeeze3A_298, %shift_right_arithmetic3A_299 : i32
        %slice3A_301 = vector.extract_strided_slice %get3A_279 {offsets = [1], sizes = [1], strides = [1]} : vector<16xi32> to vector<1xi32>
        %squeeze3A_302 = vector.extract %slice3A_301[0] : i32 from vector<1xi32>
        %and3A_303 = arith.constant 7 : i32
        %and3A_304 = arith.andi %squeeze3A_302, %and3A_303 : i32
        %add3A_305 = arith.constant 0 : i32
        %add3A_306 = arith.addi %add3A_305, %multiple_of3A_277 : i32
        %add3A_307 = arith.constant 1 : i32
        %add3A_308 = arith.addi %add3A_306, %add3A_307 : i32
        %dma_start3A_309 = arith.constant 0 : i32
        %dma_start3A_310 = tpu.memref_slice %arg9[%add3A_308, %dma_start3A_309] : memref<128x32xf32, #tpu.memory_space<vmem>> -> memref<1x32xf32, #tpu.memory_space<vmem>>
        %dma_start3A_311 = arith.constant 0 : i32
        %dma_start3A_312 = tpu.memref_slice %arg4[%shift_right_arithmetic3A_300, %and3A_304, %dma_start3A_311] : memref<12500x8x32xf32, #tpu.memory_space<hbm>> -> memref<1x1x32xf32, #tpu.memory_space<hbm>>
        %dma_start3A_313 = tpu.memref_squeeze %dma_start3A_312 : memref<1x1x32xf32, #tpu.memory_space<hbm>> -> memref<1x32xf32, #tpu.memory_space<hbm>>
        %dma_start3A_314 = arith.constant 0 : i32
        %dma_start3A_315 = tpu.memref_slice %arg9[%add3A_308, %dma_start3A_314] : memref<128x32xf32, #tpu.memory_space<vmem>> -> memref<1x32xf32, #tpu.memory_space<vmem>>
        %dma_start3A_316 = arith.constant 0 : i32
        %dma_start3A_317 = tpu.memref_slice %arg4[%shift_right_arithmetic3A_300, %and3A_304, %dma_start3A_316] : memref<12500x8x32xf32, #tpu.memory_space<hbm>> -> memref<1x1x32xf32, #tpu.memory_space<hbm>>
        %dma_start3A_318 = tpu.memref_squeeze %dma_start3A_317 : memref<1x1x32xf32, #tpu.memory_space<hbm>> -> memref<1x32xf32, #tpu.memory_space<hbm>>
        tpu.enqueue_dma source(%dma_start3A_318 : memref<1x32xf32, #tpu.memory_space<hbm>>) target(%dma_start3A_315 : memref<1x32xf32, #tpu.memory_space<vmem>>) target_semaphore(%arg15 : memref<!tpu.dma_semaphore, #tpu.memory_space<semaphore_mem>>)
        %slice3A_319 = vector.extract_strided_slice %get3A_279 {offsets = [2], sizes = [1], strides = [1]} : vector<16xi32> to vector<1xi32>
        %squeeze3A_320 = vector.extract %slice3A_319[0] : i32 from vector<1xi32>
        %shift_right_arithmetic3A_321 = arith.constant 3 : i32
        %shift_right_arithmetic3A_322 = arith.shrsi %squeeze3A_320, %shift_right_arithmetic3A_321 : i32
        %slice3A_323 = vector.extract_strided_slice %get3A_279 {offsets = [2], sizes = [1], strides = [1]} : vector<16xi32> to vector<1xi32>
        %squeeze3A_324 = vector.extract %slice3A_323[0] : i32 from vector<1xi32>
        %and3A_325 = arith.constant 7 : i32
        %and3A_326 = arith.andi %squeeze3A_324, %and3A_325 : i32
        %add3A_327 = arith.constant 0 : i32
        %add3A_328 = arith.addi %add3A_327, %multiple_of3A_277 : i32
        %add3A_329 = arith.constant 2 : i32
        %add3A_330 = arith.addi %add3A_328, %add3A_329 : i32
        %dma_start3A_331 = arith.constant 0 : i32
        %dma_start3A_332 = tpu.memref_slice %arg9[%add3A_330, %dma_start3A_331] : memref<128x32xf32, #tpu.memory_space<vmem>> -> memref<1x32xf32, #tpu.memory_space<vmem>>
        %dma_start3A_333 = arith.constant 0 : i32
        %dma_start3A_334 = tpu.memref_slice %arg4[%shift_right_arithmetic3A_322, %and3A_326, %dma_start3A_333] : memref<12500x8x32xf32, #tpu.memory_space<hbm>> -> memref<1x1x32xf32, #tpu.memory_space<hbm>>
        %dma_start3A_335 = tpu.memref_squeeze %dma_start3A_334 : memref<1x1x32xf32, #tpu.memory_space<hbm>> -> memref<1x32xf32, #tpu.memory_space<hbm>>
        %dma_start3A_336 = arith.constant 0 : i32
        %dma_start3A_337 = tpu.memref_slice %arg9[%add3A_330, %dma_start3A_336] : memref<128x32xf32, #tpu.memory_space<vmem>> -> memref<1x32xf32, #tpu.memory_space<vmem>>
        %dma_start3A_338 = arith.constant 0 : i32
        %dma_start3A_339 = tpu.memref_slice %arg4[%shift_right_arithmetic3A_322, %and3A_326, %dma_start3A_338] : memref<12500x8x32xf32, #tpu.memory_space<hbm>> -> memref<1x1x32xf32, #tpu.memory_space<hbm>>
        %dma_start3A_340 = tpu.memref_squeeze %dma_start3A_339 : memref<1x1x32xf32, #tpu.memory_space<hbm>> -> memref<1x32xf32, #tpu.memory_space<hbm>>
        tpu.enqueue_dma source(%dma_start3A_340 : memref<1x32xf32, #tpu.memory_space<hbm>>) target(%dma_start3A_337 : memref<1x32xf32, #tpu.memory_space<vmem>>) target_semaphore(%arg14 : memref<!tpu.dma_semaphore, #tpu.memory_space<semaphore_mem>>)
        %slice3A_341 = vector.extract_strided_slice %get3A_279 {offsets = [3], sizes = [1], strides = [1]} : vector<16xi32> to vector<1xi32>
        %squeeze3A_342 = vector.extract %slice3A_341[0] : i32 from vector<1xi32>
        %shift_right_arithmetic3A_343 = arith.constant 3 : i32
        %shift_right_arithmetic3A_344 = arith.shrsi %squeeze3A_342, %shift_right_arithmetic3A_343 : i32
        %slice3A_345 = vector.extract_strided_slice %get3A_279 {offsets = [3], sizes = [1], strides = [1]} : vector<16xi32> to vector<1xi32>
        %squeeze3A_346 = vector.extract %slice3A_345[0] : i32 from vector<1xi32>
        %and3A_347 = arith.constant 7 : i32
        %and3A_348 = arith.andi %squeeze3A_346, %and3A_347 : i32
        %add3A_349 = arith.constant 0 : i32
        %add3A_350 = arith.addi %add3A_349, %multiple_of3A_277 : i32
        %add3A_351 = arith.constant 3 : i32
        %add3A_352 = arith.addi %add3A_350, %add3A_351 : i32
        %dma_start3A_353 = arith.constant 0 : i32
        %dma_start3A_354 = tpu.memref_slice %arg9[%add3A_352, %dma_start3A_353] : memref<128x32xf32, #tpu.memory_space<vmem>> -> memref<1x32xf32, #tpu.memory_space<vmem>>
        %dma_start3A_355 = arith.constant 0 : i32
        %dma_start3A_356 = tpu.memref_slice %arg4[%shift_right_arithmetic3A_344, %and3A_348, %dma_start3A_355] : memref<12500x8x32xf32, #tpu.memory_space<hbm>> -> memref<1x1x32xf32, #tpu.memory_space<hbm>>
        %dma_start3A_357 = tpu.memref_squeeze %dma_start3A_356 : memref<1x1x32xf32, #tpu.memory_space<hbm>> -> memref<1x32xf32, #tpu.memory_space<hbm>>
        %dma_start3A_358 = arith.constant 0 : i32
        %dma_start3A_359 = tpu.memref_slice %arg9[%add3A_352, %dma_start3A_358] : memref<128x32xf32, #tpu.memory_space<vmem>> -> memref<1x32xf32, #tpu.memory_space<vmem>>
        %dma_start3A_360 = arith.constant 0 : i32
        %dma_start3A_361 = tpu.memref_slice %arg4[%shift_right_arithmetic3A_344, %and3A_348, %dma_start3A_360] : memref<12500x8x32xf32, #tpu.memory_space<hbm>> -> memref<1x1x32xf32, #tpu.memory_space<hbm>>
        %dma_start3A_362 = tpu.memref_squeeze %dma_start3A_361 : memref<1x1x32xf32, #tpu.memory_space<hbm>> -> memref<1x32xf32, #tpu.memory_space<hbm>>
        tpu.enqueue_dma source(%dma_start3A_362 : memref<1x32xf32, #tpu.memory_space<hbm>>) target(%dma_start3A_359 : memref<1x32xf32, #tpu.memory_space<vmem>>) target_semaphore(%arg15 : memref<!tpu.dma_semaphore, #tpu.memory_space<semaphore_mem>>)
        %slice3A_363 = vector.extract_strided_slice %get3A_279 {offsets = [4], sizes = [1], strides = [1]} : vector<16xi32> to vector<1xi32>
        %squeeze3A_364 = vector.extract %slice3A_363[0] : i32 from vector<1xi32>
        %shift_right_arithmetic3A_365 = arith.constant 3 : i32
        %shift_right_arithmetic3A_366 = arith.shrsi %squeeze3A_364, %shift_right_arithmetic3A_365 : i32
        %slice3A_367 = vector.extract_strided_slice %get3A_279 {offsets = [4], sizes = [1], strides = [1]} : vector<16xi32> to vector<1xi32>
        %squeeze3A_368 = vector.extract %slice3A_367[0] : i32 from vector<1xi32>
        %and3A_369 = arith.constant 7 : i32
        %and3A_370 = arith.andi %squeeze3A_368, %and3A_369 : i32
        %add3A_371 = arith.constant 0 : i32
        %add3A_372 = arith.addi %add3A_371, %multiple_of3A_277 : i32
        %add3A_373 = arith.constant 4 : i32
        %add3A_374 = arith.addi %add3A_372, %add3A_373 : i32
        %dma_start3A_375 = arith.constant 0 : i32
        %dma_start3A_376 = tpu.memref_slice %arg9[%add3A_374, %dma_start3A_375] : memref<128x32xf32, #tpu.memory_space<vmem>> -> memref<1x32xf32, #tpu.memory_space<vmem>>
        %dma_start3A_377 = arith.constant 0 : i32
        %dma_start3A_378 = tpu.memref_slice %arg4[%shift_right_arithmetic3A_366, %and3A_370, %dma_start3A_377] : memref<12500x8x32xf32, #tpu.memory_space<hbm>> -> memref<1x1x32xf32, #tpu.memory_space<hbm>>
        %dma_start3A_379 = tpu.memref_squeeze %dma_start3A_378 : memref<1x1x32xf32, #tpu.memory_space<hbm>> -> memref<1x32xf32, #tpu.memory_space<hbm>>
        %dma_start3A_380 = arith.constant 0 : i32
        %dma_start3A_381 = tpu.memref_slice %arg9[%add3A_374, %dma_start3A_380] : memref<128x32xf32, #tpu.memory_space<vmem>> -> memref<1x32xf32, #tpu.memory_space<vmem>>
        %dma_start3A_382 = arith.constant 0 : i32
        %dma_start3A_383 = tpu.memref_slice %arg4[%shift_right_arithmetic3A_366, %and3A_370, %dma_start3A_382] : memref<12500x8x32xf32, #tpu.memory_space<hbm>> -> memref<1x1x32xf32, #tpu.memory_space<hbm>>
        %dma_start3A_384 = tpu.memref_squeeze %dma_start3A_383 : memref<1x1x32xf32, #tpu.memory_space<hbm>> -> memref<1x32xf32, #tpu.memory_space<hbm>>
        tpu.enqueue_dma source(%dma_start3A_384 : memref<1x32xf32, #tpu.memory_space<hbm>>) target(%dma_start3A_381 : memref<1x32xf32, #tpu.memory_space<vmem>>) target_semaphore(%arg14 : memref<!tpu.dma_semaphore, #tpu.memory_space<semaphore_mem>>)
        %slice3A_385 = vector.extract_strided_slice %get3A_279 {offsets = [5], sizes = [1], strides = [1]} : vector<16xi32> to vector<1xi32>
        %squeeze3A_386 = vector.extract %slice3A_385[0] : i32 from vector<1xi32>
        %shift_right_arithmetic3A_387 = arith.constant 3 : i32
        %shift_right_arithmetic3A_388 = arith.shrsi %squeeze3A_386, %shift_right_arithmetic3A_387 : i32
        %slice3A_389 = vector.extract_strided_slice %get3A_279 {offsets = [5], sizes = [1], strides = [1]} : vector<16xi32> to vector<1xi32>
        %squeeze3A_390 = vector.extract %slice3A_389[0] : i32 from vector<1xi32>
        %and3A_391 = arith.constant 7 : i32
        %and3A_392 = arith.andi %squeeze3A_390, %and3A_391 : i32
        %add3A_393 = arith.constant 0 : i32
        %add3A_394 = arith.addi %add3A_393, %multiple_of3A_277 : i32
        %add3A_395 = arith.constant 5 : i32
        %add3A_396 = arith.addi %add3A_394, %add3A_395 : i32
        %dma_start3A_397 = arith.constant 0 : i32
        %dma_start3A_398 = tpu.memref_slice %arg9[%add3A_396, %dma_start3A_397] : memref<128x32xf32, #tpu.memory_space<vmem>> -> memref<1x32xf32, #tpu.memory_space<vmem>>
        %dma_start3A_399 = arith.constant 0 : i32
        %dma_start3A_400 = tpu.memref_slice %arg4[%shift_right_arithmetic3A_388, %and3A_392, %dma_start3A_399] : memref<12500x8x32xf32, #tpu.memory_space<hbm>> -> memref<1x1x32xf32, #tpu.memory_space<hbm>>
        %dma_start3A_401 = tpu.memref_squeeze %dma_start3A_400 : memref<1x1x32xf32, #tpu.memory_space<hbm>> -> memref<1x32xf32, #tpu.memory_space<hbm>>
        %dma_start3A_402 = arith.constant 0 : i32
        %dma_start3A_403 = tpu.memref_slice %arg9[%add3A_396, %dma_start3A_402] : memref<128x32xf32, #tpu.memory_space<vmem>> -> memref<1x32xf32, #tpu.memory_space<vmem>>
        %dma_start3A_404 = arith.constant 0 : i32
        %dma_start3A_405 = tpu.memref_slice %arg4[%shift_right_arithmetic3A_388, %and3A_392, %dma_start3A_404] : memref<12500x8x32xf32, #tpu.memory_space<hbm>> -> memref<1x1x32xf32, #tpu.memory_space<hbm>>
        %dma_start3A_406 = tpu.memref_squeeze %dma_start3A_405 : memref<1x1x32xf32, #tpu.memory_space<hbm>> -> memref<1x32xf32, #tpu.memory_space<hbm>>
        tpu.enqueue_dma source(%dma_start3A_406 : memref<1x32xf32, #tpu.memory_space<hbm>>) target(%dma_start3A_403 : memref<1x32xf32, #tpu.memory_space<vmem>>) target_semaphore(%arg15 : memref<!tpu.dma_semaphore, #tpu.memory_space<semaphore_mem>>)
        %slice3A_407 = vector.extract_strided_slice %get3A_279 {offsets = [6], sizes = [1], strides = [1]} : vector<16xi32> to vector<1xi32>
        %squeeze3A_408 = vector.extract %slice3A_407[0] : i32 from vector<1xi32>
        %shift_right_arithmetic3A_409 = arith.constant 3 : i32
        %shift_right_arithmetic3A_410 = arith.shrsi %squeeze3A_408, %shift_right_arithmetic3A_409 : i32
        %slice3A_411 = vector.extract_strided_slice %get3A_279 {offsets = [6], sizes = [1], strides = [1]} : vector<16xi32> to vector<1xi32>
        %squeeze3A_412 = vector.extract %slice3A_411[0] : i32 from vector<1xi32>
        %and3A_413 = arith.constant 7 : i32
        %and3A_414 = arith.andi %squeeze3A_412, %and3A_413 : i32
        %add3A_415 = arith.constant 0 : i32
        %add3A_416 = arith.addi %add3A_415, %multiple_of3A_277 : i32
        %add3A_417 = arith.constant 6 : i32
        %add3A_418 = arith.addi %add3A_416, %add3A_417 : i32
        %dma_start3A_419 = arith.constant 0 : i32
        %dma_start3A_420 = tpu.memref_slice %arg9[%add3A_418, %dma_start3A_419] : memref<128x32xf32, #tpu.memory_space<vmem>> -> memref<1x32xf32, #tpu.memory_space<vmem>>
        %dma_start3A_421 = arith.constant 0 : i32
        %dma_start3A_422 = tpu.memref_slice %arg4[%shift_right_arithmetic3A_410, %and3A_414, %dma_start3A_421] : memref<12500x8x32xf32, #tpu.memory_space<hbm>> -> memref<1x1x32xf32, #tpu.memory_space<hbm>>
        %dma_start3A_423 = tpu.memref_squeeze %dma_start3A_422 : memref<1x1x32xf32, #tpu.memory_space<hbm>> -> memref<1x32xf32, #tpu.memory_space<hbm>>
        %dma_start3A_424 = arith.constant 0 : i32
        %dma_start3A_425 = tpu.memref_slice %arg9[%add3A_418, %dma_start3A_424] : memref<128x32xf32, #tpu.memory_space<vmem>> -> memref<1x32xf32, #tpu.memory_space<vmem>>
        %dma_start3A_426 = arith.constant 0 : i32
        %dma_start3A_427 = tpu.memref_slice %arg4[%shift_right_arithmetic3A_410, %and3A_414, %dma_start3A_426] : memref<12500x8x32xf32, #tpu.memory_space<hbm>> -> memref<1x1x32xf32, #tpu.memory_space<hbm>>
        %dma_start3A_428 = tpu.memref_squeeze %dma_start3A_427 : memref<1x1x32xf32, #tpu.memory_space<hbm>> -> memref<1x32xf32, #tpu.memory_space<hbm>>
        tpu.enqueue_dma source(%dma_start3A_428 : memref<1x32xf32, #tpu.memory_space<hbm>>) target(%dma_start3A_425 : memref<1x32xf32, #tpu.memory_space<vmem>>) target_semaphore(%arg14 : memref<!tpu.dma_semaphore, #tpu.memory_space<semaphore_mem>>)
        %slice3A_429 = vector.extract_strided_slice %get3A_279 {offsets = [7], sizes = [1], strides = [1]} : vector<16xi32> to vector<1xi32>
        %squeeze3A_430 = vector.extract %slice3A_429[0] : i32 from vector<1xi32>
        %shift_right_arithmetic3A_431 = arith.constant 3 : i32
        %shift_right_arithmetic3A_432 = arith.shrsi %squeeze3A_430, %shift_right_arithmetic3A_431 : i32
        %slice3A_433 = vector.extract_strided_slice %get3A_279 {offsets = [7], sizes = [1], strides = [1]} : vector<16xi32> to vector<1xi32>
        %squeeze3A_434 = vector.extract %slice3A_433[0] : i32 from vector<1xi32>
        %and3A_435 = arith.constant 7 : i32
        %and3A_436 = arith.andi %squeeze3A_434, %and3A_435 : i32
        %add3A_437 = arith.constant 0 : i32
        %add3A_438 = arith.addi %add3A_437, %multiple_of3A_277 : i32
        %add3A_439 = arith.constant 7 : i32
        %add3A_440 = arith.addi %add3A_438, %add3A_439 : i32
        %dma_start3A_441 = arith.constant 0 : i32
        %dma_start3A_442 = tpu.memref_slice %arg9[%add3A_440, %dma_start3A_441] : memref<128x32xf32, #tpu.memory_space<vmem>> -> memref<1x32xf32, #tpu.memory_space<vmem>>
        %dma_start3A_443 = arith.constant 0 : i32
        %dma_start3A_444 = tpu.memref_slice %arg4[%shift_right_arithmetic3A_432, %and3A_436, %dma_start3A_443] : memref<12500x8x32xf32, #tpu.memory_space<hbm>> -> memref<1x1x32xf32, #tpu.memory_space<hbm>>
        %dma_start3A_445 = tpu.memref_squeeze %dma_start3A_444 : memref<1x1x32xf32, #tpu.memory_space<hbm>> -> memref<1x32xf32, #tpu.memory_space<hbm>>
        %dma_start3A_446 = arith.constant 0 : i32
        %dma_start3A_447 = tpu.memref_slice %arg9[%add3A_440, %dma_start3A_446] : memref<128x32xf32, #tpu.memory_space<vmem>> -> memref<1x32xf32, #tpu.memory_space<vmem>>
        %dma_start3A_448 = arith.constant 0 : i32
        %dma_start3A_449 = tpu.memref_slice %arg4[%shift_right_arithmetic3A_432, %and3A_436, %dma_start3A_448] : memref<12500x8x32xf32, #tpu.memory_space<hbm>> -> memref<1x1x32xf32, #tpu.memory_space<hbm>>
        %dma_start3A_450 = tpu.memref_squeeze %dma_start3A_449 : memref<1x1x32xf32, #tpu.memory_space<hbm>> -> memref<1x32xf32, #tpu.memory_space<hbm>>
        tpu.enqueue_dma source(%dma_start3A_450 : memref<1x32xf32, #tpu.memory_space<hbm>>) target(%dma_start3A_447 : memref<1x32xf32, #tpu.memory_space<vmem>>) target_semaphore(%arg15 : memref<!tpu.dma_semaphore, #tpu.memory_space<semaphore_mem>>)
        %slice3A_451 = vector.extract_strided_slice %get3A_279 {offsets = [8], sizes = [1], strides = [1]} : vector<16xi32> to vector<1xi32>
        %squeeze3A_452 = vector.extract %slice3A_451[0] : i32 from vector<1xi32>
        %shift_right_arithmetic3A_453 = arith.constant 3 : i32
        %shift_right_arithmetic3A_454 = arith.shrsi %squeeze3A_452, %shift_right_arithmetic3A_453 : i32
        %slice3A_455 = vector.extract_strided_slice %get3A_279 {offsets = [8], sizes = [1], strides = [1]} : vector<16xi32> to vector<1xi32>
        %squeeze3A_456 = vector.extract %slice3A_455[0] : i32 from vector<1xi32>
        %and3A_457 = arith.constant 7 : i32
        %and3A_458 = arith.andi %squeeze3A_456, %and3A_457 : i32
        %add3A_459 = arith.constant 0 : i32
        %add3A_460 = arith.addi %add3A_459, %multiple_of3A_277 : i32
        %add3A_461 = arith.constant 8 : i32
        %add3A_462 = arith.addi %add3A_460, %add3A_461 : i32
        %dma_start3A_463 = arith.constant 0 : i32
        %dma_start3A_464 = tpu.memref_slice %arg9[%add3A_462, %dma_start3A_463] : memref<128x32xf32, #tpu.memory_space<vmem>> -> memref<1x32xf32, #tpu.memory_space<vmem>>
        %dma_start3A_465 = arith.constant 0 : i32
        %dma_start3A_466 = tpu.memref_slice %arg4[%shift_right_arithmetic3A_454, %and3A_458, %dma_start3A_465] : memref<12500x8x32xf32, #tpu.memory_space<hbm>> -> memref<1x1x32xf32, #tpu.memory_space<hbm>>
        %dma_start3A_467 = tpu.memref_squeeze %dma_start3A_466 : memref<1x1x32xf32, #tpu.memory_space<hbm>> -> memref<1x32xf32, #tpu.memory_space<hbm>>
        %dma_start3A_468 = arith.constant 0 : i32
        %dma_start3A_469 = tpu.memref_slice %arg9[%add3A_462, %dma_start3A_468] : memref<128x32xf32, #tpu.memory_space<vmem>> -> memref<1x32xf32, #tpu.memory_space<vmem>>
        %dma_start3A_470 = arith.constant 0 : i32
        %dma_start3A_471 = tpu.memref_slice %arg4[%shift_right_arithmetic3A_454, %and3A_458, %dma_start3A_470] : memref<12500x8x32xf32, #tpu.memory_space<hbm>> -> memref<1x1x32xf32, #tpu.memory_space<hbm>>
        %dma_start3A_472 = tpu.memref_squeeze %dma_start3A_471 : memref<1x1x32xf32, #tpu.memory_space<hbm>> -> memref<1x32xf32, #tpu.memory_space<hbm>>
        tpu.enqueue_dma source(%dma_start3A_472 : memref<1x32xf32, #tpu.memory_space<hbm>>) target(%dma_start3A_469 : memref<1x32xf32, #tpu.memory_space<vmem>>) target_semaphore(%arg14 : memref<!tpu.dma_semaphore, #tpu.memory_space<semaphore_mem>>)
        %slice3A_473 = vector.extract_strided_slice %get3A_279 {offsets = [9], sizes = [1], strides = [1]} : vector<16xi32> to vector<1xi32>
        %squeeze3A_474 = vector.extract %slice3A_473[0] : i32 from vector<1xi32>
        %shift_right_arithmetic3A_475 = arith.constant 3 : i32
        %shift_right_arithmetic3A_476 = arith.shrsi %squeeze3A_474, %shift_right_arithmetic3A_475 : i32
        %slice3A_477 = vector.extract_strided_slice %get3A_279 {offsets = [9], sizes = [1], strides = [1]} : vector<16xi32> to vector<1xi32>
        %squeeze3A_478 = vector.extract %slice3A_477[0] : i32 from vector<1xi32>
        %and3A_479 = arith.constant 7 : i32
        %and3A_480 = arith.andi %squeeze3A_478, %and3A_479 : i32
        %add3A_481 = arith.constant 0 : i32
        %add3A_482 = arith.addi %add3A_481, %multiple_of3A_277 : i32
        %add3A_483 = arith.constant 9 : i32
        %add3A_484 = arith.addi %add3A_482, %add3A_483 : i32
        %dma_start3A_485 = arith.constant 0 : i32
        %dma_start3A_486 = tpu.memref_slice %arg9[%add3A_484, %dma_start3A_485] : memref<128x32xf32, #tpu.memory_space<vmem>> -> memref<1x32xf32, #tpu.memory_space<vmem>>
        %dma_start3A_487 = arith.constant 0 : i32
        %dma_start3A_488 = tpu.memref_slice %arg4[%shift_right_arithmetic3A_476, %and3A_480, %dma_start3A_487] : memref<12500x8x32xf32, #tpu.memory_space<hbm>> -> memref<1x1x32xf32, #tpu.memory_space<hbm>>
        %dma_start3A_489 = tpu.memref_squeeze %dma_start3A_488 : memref<1x1x32xf32, #tpu.memory_space<hbm>> -> memref<1x32xf32, #tpu.memory_space<hbm>>
        %dma_start3A_490 = arith.constant 0 : i32
        %dma_start3A_491 = tpu.memref_slice %arg9[%add3A_484, %dma_start3A_490] : memref<128x32xf32, #tpu.memory_space<vmem>> -> memref<1x32xf32, #tpu.memory_space<vmem>>
        %dma_start3A_492 = arith.constant 0 : i32
        %dma_start3A_493 = tpu.memref_slice %arg4[%shift_right_arithmetic3A_476, %and3A_480, %dma_start3A_492] : memref<12500x8x32xf32, #tpu.memory_space<hbm>> -> memref<1x1x32xf32, #tpu.memory_space<hbm>>
        %dma_start3A_494 = tpu.memref_squeeze %dma_start3A_493 : memref<1x1x32xf32, #tpu.memory_space<hbm>> -> memref<1x32xf32, #tpu.memory_space<hbm>>
        tpu.enqueue_dma source(%dma_start3A_494 : memref<1x32xf32, #tpu.memory_space<hbm>>) target(%dma_start3A_491 : memref<1x32xf32, #tpu.memory_space<vmem>>) target_semaphore(%arg15 : memref<!tpu.dma_semaphore, #tpu.memory_space<semaphore_mem>>)
        %slice3A_495 = vector.extract_strided_slice %get3A_279 {offsets = [10], sizes = [1], strides = [1]} : vector<16xi32> to vector<1xi32>
        %squeeze3A_496 = vector.extract %slice3A_495[0] : i32 from vector<1xi32>
        %shift_right_arithmetic3A_497 = arith.constant 3 : i32
        %shift_right_arithmetic3A_498 = arith.shrsi %squeeze3A_496, %shift_right_arithmetic3A_497 : i32
        %slice3A_499 = vector.extract_strided_slice %get3A_279 {offsets = [10], sizes = [1], strides = [1]} : vector<16xi32> to vector<1xi32>
        %squeeze3A_500 = vector.extract %slice3A_499[0] : i32 from vector<1xi32>
        %and3A_501 = arith.constant 7 : i32
        %and3A_502 = arith.andi %squeeze3A_500, %and3A_501 : i32
        %add3A_503 = arith.constant 0 : i32
        %add3A_504 = arith.addi %add3A_503, %multiple_of3A_277 : i32
        %add3A_505 = arith.constant 10 : i32
        %add3A_506 = arith.addi %add3A_504, %add3A_505 : i32
        %dma_start3A_507 = arith.constant 0 : i32
        %dma_start3A_508 = tpu.memref_slice %arg9[%add3A_506, %dma_start3A_507] : memref<128x32xf32, #tpu.memory_space<vmem>> -> memref<1x32xf32, #tpu.memory_space<vmem>>
        %dma_start3A_509 = arith.constant 0 : i32
        %dma_start3A_510 = tpu.memref_slice %arg4[%shift_right_arithmetic3A_498, %and3A_502, %dma_start3A_509] : memref<12500x8x32xf32, #tpu.memory_space<hbm>> -> memref<1x1x32xf32, #tpu.memory_space<hbm>>
        %dma_start3A_511 = tpu.memref_squeeze %dma_start3A_510 : memref<1x1x32xf32, #tpu.memory_space<hbm>> -> memref<1x32xf32, #tpu.memory_space<hbm>>
        %dma_start3A_512 = arith.constant 0 : i32
        %dma_start3A_513 = tpu.memref_slice %arg9[%add3A_506, %dma_start3A_512] : memref<128x32xf32, #tpu.memory_space<vmem>> -> memref<1x32xf32, #tpu.memory_space<vmem>>
        %dma_start3A_514 = arith.constant 0 : i32
        %dma_start3A_515 = tpu.memref_slice %arg4[%shift_right_arithmetic3A_498, %and3A_502, %dma_start3A_514] : memref<12500x8x32xf32, #tpu.memory_space<hbm>> -> memref<1x1x32xf32, #tpu.memory_space<hbm>>
        %dma_start3A_516 = tpu.memref_squeeze %dma_start3A_515 : memref<1x1x32xf32, #tpu.memory_space<hbm>> -> memref<1x32xf32, #tpu.memory_space<hbm>>
        tpu.enqueue_dma source(%dma_start3A_516 : memref<1x32xf32, #tpu.memory_space<hbm>>) target(%dma_start3A_513 : memref<1x32xf32, #tpu.memory_space<vmem>>) target_semaphore(%arg14 : memref<!tpu.dma_semaphore, #tpu.memory_space<semaphore_mem>>)
        %slice3A_517 = vector.extract_strided_slice %get3A_279 {offsets = [11], sizes = [1], strides = [1]} : vector<16xi32> to vector<1xi32>
        %squeeze3A_518 = vector.extract %slice3A_517[0] : i32 from vector<1xi32>
        %shift_right_arithmetic3A_519 = arith.constant 3 : i32
        %shift_right_arithmetic3A_520 = arith.shrsi %squeeze3A_518, %shift_right_arithmetic3A_519 : i32
        %slice3A_521 = vector.extract_strided_slice %get3A_279 {offsets = [11], sizes = [1], strides = [1]} : vector<16xi32> to vector<1xi32>
        %squeeze3A_522 = vector.extract %slice3A_521[0] : i32 from vector<1xi32>
        %and3A_523 = arith.constant 7 : i32
        %and3A_524 = arith.andi %squeeze3A_522, %and3A_523 : i32
        %add3A_525 = arith.constant 0 : i32
        %add3A_526 = arith.addi %add3A_525, %multiple_of3A_277 : i32
        %add3A_527 = arith.constant 11 : i32
        %add3A_528 = arith.addi %add3A_526, %add3A_527 : i32
        %dma_start3A_529 = arith.constant 0 : i32
        %dma_start3A_530 = tpu.memref_slice %arg9[%add3A_528, %dma_start3A_529] : memref<128x32xf32, #tpu.memory_space<vmem>> -> memref<1x32xf32, #tpu.memory_space<vmem>>
        %dma_start3A_531 = arith.constant 0 : i32
        %dma_start3A_532 = tpu.memref_slice %arg4[%shift_right_arithmetic3A_520, %and3A_524, %dma_start3A_531] : memref<12500x8x32xf32, #tpu.memory_space<hbm>> -> memref<1x1x32xf32, #tpu.memory_space<hbm>>
        %dma_start3A_533 = tpu.memref_squeeze %dma_start3A_532 : memref<1x1x32xf32, #tpu.memory_space<hbm>> -> memref<1x32xf32, #tpu.memory_space<hbm>>
        %dma_start3A_534 = arith.constant 0 : i32
        %dma_start3A_535 = tpu.memref_slice %arg9[%add3A_528, %dma_start3A_534] : memref<128x32xf32, #tpu.memory_space<vmem>> -> memref<1x32xf32, #tpu.memory_space<vmem>>
        %dma_start3A_536 = arith.constant 0 : i32
        %dma_start3A_537 = tpu.memref_slice %arg4[%shift_right_arithmetic3A_520, %and3A_524, %dma_start3A_536] : memref<12500x8x32xf32, #tpu.memory_space<hbm>> -> memref<1x1x32xf32, #tpu.memory_space<hbm>>
        %dma_start3A_538 = tpu.memref_squeeze %dma_start3A_537 : memref<1x1x32xf32, #tpu.memory_space<hbm>> -> memref<1x32xf32, #tpu.memory_space<hbm>>
        tpu.enqueue_dma source(%dma_start3A_538 : memref<1x32xf32, #tpu.memory_space<hbm>>) target(%dma_start3A_535 : memref<1x32xf32, #tpu.memory_space<vmem>>) target_semaphore(%arg15 : memref<!tpu.dma_semaphore, #tpu.memory_space<semaphore_mem>>)
        %slice3A_539 = vector.extract_strided_slice %get3A_279 {offsets = [12], sizes = [1], strides = [1]} : vector<16xi32> to vector<1xi32>
        %squeeze3A_540 = vector.extract %slice3A_539[0] : i32 from vector<1xi32>
        %shift_right_arithmetic3A_541 = arith.constant 3 : i32
        %shift_right_arithmetic3A_542 = arith.shrsi %squeeze3A_540, %shift_right_arithmetic3A_541 : i32
        %slice3A_543 = vector.extract_strided_slice %get3A_279 {offsets = [12], sizes = [1], strides = [1]} : vector<16xi32> to vector<1xi32>
        %squeeze3A_544 = vector.extract %slice3A_543[0] : i32 from vector<1xi32>
        %and3A_545 = arith.constant 7 : i32
        %and3A_546 = arith.andi %squeeze3A_544, %and3A_545 : i32
        %add3A_547 = arith.constant 0 : i32
        %add3A_548 = arith.addi %add3A_547, %multiple_of3A_277 : i32
        %add3A_549 = arith.constant 12 : i32
        %add3A_550 = arith.addi %add3A_548, %add3A_549 : i32
        %dma_start3A_551 = arith.constant 0 : i32
        %dma_start3A_552 = tpu.memref_slice %arg9[%add3A_550, %dma_start3A_551] : memref<128x32xf32, #tpu.memory_space<vmem>> -> memref<1x32xf32, #tpu.memory_space<vmem>>
        %dma_start3A_553 = arith.constant 0 : i32
        %dma_start3A_554 = tpu.memref_slice %arg4[%shift_right_arithmetic3A_542, %and3A_546, %dma_start3A_553] : memref<12500x8x32xf32, #tpu.memory_space<hbm>> -> memref<1x1x32xf32, #tpu.memory_space<hbm>>
        %dma_start3A_555 = tpu.memref_squeeze %dma_start3A_554 : memref<1x1x32xf32, #tpu.memory_space<hbm>> -> memref<1x32xf32, #tpu.memory_space<hbm>>
        %dma_start3A_556 = arith.constant 0 : i32
        %dma_start3A_557 = tpu.memref_slice %arg9[%add3A_550, %dma_start3A_556] : memref<128x32xf32, #tpu.memory_space<vmem>> -> memref<1x32xf32, #tpu.memory_space<vmem>>
        %dma_start3A_558 = arith.constant 0 : i32
        %dma_start3A_559 = tpu.memref_slice %arg4[%shift_right_arithmetic3A_542, %and3A_546, %dma_start3A_558] : memref<12500x8x32xf32, #tpu.memory_space<hbm>> -> memref<1x1x32xf32, #tpu.memory_space<hbm>>
        %dma_start3A_560 = tpu.memref_squeeze %dma_start3A_559 : memref<1x1x32xf32, #tpu.memory_space<hbm>> -> memref<1x32xf32, #tpu.memory_space<hbm>>
        tpu.enqueue_dma source(%dma_start3A_560 : memref<1x32xf32, #tpu.memory_space<hbm>>) target(%dma_start3A_557 : memref<1x32xf32, #tpu.memory_space<vmem>>) target_semaphore(%arg14 : memref<!tpu.dma_semaphore, #tpu.memory_space<semaphore_mem>>)
        %slice3A_561 = vector.extract_strided_slice %get3A_279 {offsets = [13], sizes = [1], strides = [1]} : vector<16xi32> to vector<1xi32>
        %squeeze3A_562 = vector.extract %slice3A_561[0] : i32 from vector<1xi32>
        %shift_right_arithmetic3A_563 = arith.constant 3 : i32
        %shift_right_arithmetic3A_564 = arith.shrsi %squeeze3A_562, %shift_right_arithmetic3A_563 : i32
        %slice3A_565 = vector.extract_strided_slice %get3A_279 {offsets = [13], sizes = [1], strides = [1]} : vector<16xi32> to vector<1xi32>
        %squeeze3A_566 = vector.extract %slice3A_565[0] : i32 from vector<1xi32>
        %and3A_567 = arith.constant 7 : i32
        %and3A_568 = arith.andi %squeeze3A_566, %and3A_567 : i32
        %add3A_569 = arith.constant 0 : i32
        %add3A_570 = arith.addi %add3A_569, %multiple_of3A_277 : i32
        %add3A_571 = arith.constant 13 : i32
        %add3A_572 = arith.addi %add3A_570, %add3A_571 : i32
        %dma_start3A_573 = arith.constant 0 : i32
        %dma_start3A_574 = tpu.memref_slice %arg9[%add3A_572, %dma_start3A_573] : memref<128x32xf32, #tpu.memory_space<vmem>> -> memref<1x32xf32, #tpu.memory_space<vmem>>
        %dma_start3A_575 = arith.constant 0 : i32
        %dma_start3A_576 = tpu.memref_slice %arg4[%shift_right_arithmetic3A_564, %and3A_568, %dma_start3A_575] : memref<12500x8x32xf32, #tpu.memory_space<hbm>> -> memref<1x1x32xf32, #tpu.memory_space<hbm>>
        %dma_start3A_577 = tpu.memref_squeeze %dma_start3A_576 : memref<1x1x32xf32, #tpu.memory_space<hbm>> -> memref<1x32xf32, #tpu.memory_space<hbm>>
        %dma_start3A_578 = arith.constant 0 : i32
        %dma_start3A_579 = tpu.memref_slice %arg9[%add3A_572, %dma_start3A_578] : memref<128x32xf32, #tpu.memory_space<vmem>> -> memref<1x32xf32, #tpu.memory_space<vmem>>
        %dma_start3A_580 = arith.constant 0 : i32
        %dma_start3A_581 = tpu.memref_slice %arg4[%shift_right_arithmetic3A_564, %and3A_568, %dma_start3A_580] : memref<12500x8x32xf32, #tpu.memory_space<hbm>> -> memref<1x1x32xf32, #tpu.memory_space<hbm>>
        %dma_start3A_582 = tpu.memref_squeeze %dma_start3A_581 : memref<1x1x32xf32, #tpu.memory_space<hbm>> -> memref<1x32xf32, #tpu.memory_space<hbm>>
        tpu.enqueue_dma source(%dma_start3A_582 : memref<1x32xf32, #tpu.memory_space<hbm>>) target(%dma_start3A_579 : memref<1x32xf32, #tpu.memory_space<vmem>>) target_semaphore(%arg15 : memref<!tpu.dma_semaphore, #tpu.memory_space<semaphore_mem>>)
        %slice3A_583 = vector.extract_strided_slice %get3A_279 {offsets = [14], sizes = [1], strides = [1]} : vector<16xi32> to vector<1xi32>
        %squeeze3A_584 = vector.extract %slice3A_583[0] : i32 from vector<1xi32>
        %shift_right_arithmetic3A_585 = arith.constant 3 : i32
        %shift_right_arithmetic3A_586 = arith.shrsi %squeeze3A_584, %shift_right_arithmetic3A_585 : i32
        %slice3A_587 = vector.extract_strided_slice %get3A_279 {offsets = [14], sizes = [1], strides = [1]} : vector<16xi32> to vector<1xi32>
        %squeeze3A_588 = vector.extract %slice3A_587[0] : i32 from vector<1xi32>
        %and3A_589 = arith.constant 7 : i32
        %and3A_590 = arith.andi %squeeze3A_588, %and3A_589 : i32
        %add3A_591 = arith.constant 0 : i32
        %add3A_592 = arith.addi %add3A_591, %multiple_of3A_277 : i32
        %add3A_593 = arith.constant 14 : i32
        %add3A_594 = arith.addi %add3A_592, %add3A_593 : i32
        %dma_start3A_595 = arith.constant 0 : i32
        %dma_start3A_596 = tpu.memref_slice %arg9[%add3A_594, %dma_start3A_595] : memref<128x32xf32, #tpu.memory_space<vmem>> -> memref<1x32xf32, #tpu.memory_space<vmem>>
        %dma_start3A_597 = arith.constant 0 : i32
        %dma_start3A_598 = tpu.memref_slice %arg4[%shift_right_arithmetic3A_586, %and3A_590, %dma_start3A_597] : memref<12500x8x32xf32, #tpu.memory_space<hbm>> -> memref<1x1x32xf32, #tpu.memory_space<hbm>>
        %dma_start3A_599 = tpu.memref_squeeze %dma_start3A_598 : memref<1x1x32xf32, #tpu.memory_space<hbm>> -> memref<1x32xf32, #tpu.memory_space<hbm>>
        %dma_start3A_600 = arith.constant 0 : i32
        %dma_start3A_601 = tpu.memref_slice %arg9[%add3A_594, %dma_start3A_600] : memref<128x32xf32, #tpu.memory_space<vmem>> -> memref<1x32xf32, #tpu.memory_space<vmem>>
        %dma_start3A_602 = arith.constant 0 : i32
        %dma_start3A_603 = tpu.memref_slice %arg4[%shift_right_arithmetic3A_586, %and3A_590, %dma_start3A_602] : memref<12500x8x32xf32, #tpu.memory_space<hbm>> -> memref<1x1x32xf32, #tpu.memory_space<hbm>>
        %dma_start3A_604 = tpu.memref_squeeze %dma_start3A_603 : memref<1x1x32xf32, #tpu.memory_space<hbm>> -> memref<1x32xf32, #tpu.memory_space<hbm>>
        tpu.enqueue_dma source(%dma_start3A_604 : memref<1x32xf32, #tpu.memory_space<hbm>>) target(%dma_start3A_601 : memref<1x32xf32, #tpu.memory_space<vmem>>) target_semaphore(%arg14 : memref<!tpu.dma_semaphore, #tpu.memory_space<semaphore_mem>>)
        %slice3A_605 = vector.extract_strided_slice %get3A_279 {offsets = [15], sizes = [1], strides = [1]} : vector<16xi32> to vector<1xi32>
        %squeeze3A_606 = vector.extract %slice3A_605[0] : i32 from vector<1xi32>
        %shift_right_arithmetic3A_607 = arith.constant 3 : i32
        %shift_right_arithmetic3A_608 = arith.shrsi %squeeze3A_606, %shift_right_arithmetic3A_607 : i32
        %slice3A_609 = vector.extract_strided_slice %get3A_279 {offsets = [15], sizes = [1], strides = [1]} : vector<16xi32> to vector<1xi32>
        %squeeze3A_610 = vector.extract %slice3A_609[0] : i32 from vector<1xi32>
        %and3A_611 = arith.constant 7 : i32
        %and3A_612 = arith.andi %squeeze3A_610, %and3A_611 : i32
        %add3A_613 = arith.constant 0 : i32
        %add3A_614 = arith.addi %add3A_613, %multiple_of3A_277 : i32
        %add3A_615 = arith.constant 15 : i32
        %add3A_616 = arith.addi %add3A_614, %add3A_615 : i32
        %dma_start3A_617 = arith.constant 0 : i32
        %dma_start3A_618 = tpu.memref_slice %arg9[%add3A_616, %dma_start3A_617] : memref<128x32xf32, #tpu.memory_space<vmem>> -> memref<1x32xf32, #tpu.memory_space<vmem>>
        %dma_start3A_619 = arith.constant 0 : i32
        %dma_start3A_620 = tpu.memref_slice %arg4[%shift_right_arithmetic3A_608, %and3A_612, %dma_start3A_619] : memref<12500x8x32xf32, #tpu.memory_space<hbm>> -> memref<1x1x32xf32, #tpu.memory_space<hbm>>
        %dma_start3A_621 = tpu.memref_squeeze %dma_start3A_620 : memref<1x1x32xf32, #tpu.memory_space<hbm>> -> memref<1x32xf32, #tpu.memory_space<hbm>>
        %dma_start3A_622 = arith.constant 0 : i32
        %dma_start3A_623 = tpu.memref_slice %arg9[%add3A_616, %dma_start3A_622] : memref<128x32xf32, #tpu.memory_space<vmem>> -> memref<1x32xf32, #tpu.memory_space<vmem>>
        %dma_start3A_624 = arith.constant 0 : i32
        %dma_start3A_625 = tpu.memref_slice %arg4[%shift_right_arithmetic3A_608, %and3A_612, %dma_start3A_624] : memref<12500x8x32xf32, #tpu.memory_space<hbm>> -> memref<1x1x32xf32, #tpu.memory_space<hbm>>
        %dma_start3A_626 = tpu.memref_squeeze %dma_start3A_625 : memref<1x1x32xf32, #tpu.memory_space<hbm>> -> memref<1x32xf32, #tpu.memory_space<hbm>>
        tpu.enqueue_dma source(%dma_start3A_626 : memref<1x32xf32, #tpu.memory_space<hbm>>) target(%dma_start3A_623 : memref<1x32xf32, #tpu.memory_space<vmem>>) target_semaphore(%arg15 : memref<!tpu.dma_semaphore, #tpu.memory_space<semaphore_mem>>)
      }
      %scan3A_25 = arith.constant 8 : i32
      %dma_wait3A = arith.constant 0 : i32
      %dma_wait3A_26 = arith.constant 0 : i32
      %dma_wait3A_27 = arith.constant 0 : i32
      %dma_wait3A_28 = tpu.memref_slice %arg9[%dma_wait3A_26, %dma_wait3A_27] : memref<128x32xf32, #tpu.memory_space<vmem>> -> memref<8x32xf32, #tpu.memory_space<vmem>>
      %dma_wait3A_29 = arith.constant 0 : i32
      %dma_wait3A_30 = arith.constant 0 : i32
      %dma_wait3A_31 = tpu.memref_slice %arg4[%dma_wait3A, %dma_wait3A_29, %dma_wait3A_30] : memref<12500x8x32xf32, #tpu.memory_space<hbm>> -> memref<1x8x32xf32, #tpu.memory_space<hbm>>
      %dma_wait3A_32 = tpu.memref_squeeze %dma_wait3A_31 : memref<1x8x32xf32, #tpu.memory_space<hbm>> -> memref<8x32xf32, #tpu.memory_space<hbm>>
      %dma_wait3A_33 = arith.constant 0 : i32
      %dma_wait3A_34 = arith.constant 0 : i32
      %dma_wait3A_35 = tpu.memref_slice %arg9[%dma_wait3A_33, %dma_wait3A_34] : memref<128x32xf32, #tpu.memory_space<vmem>> -> memref<8x32xf32, #tpu.memory_space<vmem>>
      %dma_wait3A_36 = arith.constant 0 : i32
      %dma_wait3A_37 = arith.constant 0 : i32
      %dma_wait3A_38 = tpu.memref_slice %arg4[%dma_wait3A, %dma_wait3A_36, %dma_wait3A_37] : memref<12500x8x32xf32, #tpu.memory_space<hbm>> -> memref<1x8x32xf32, #tpu.memory_space<hbm>>
      %dma_wait3A_39 = tpu.memref_squeeze %dma_wait3A_38 : memref<1x8x32xf32, #tpu.memory_space<hbm>> -> memref<8x32xf32, #tpu.memory_space<hbm>>
      tpu.wait_dma2 semaphore(%arg14 : memref<!tpu.dma_semaphore, #tpu.memory_space<semaphore_mem>>) src(%dma_wait3A_39 : memref<8x32xf32, #tpu.memory_space<hbm>>) dst(%dma_wait3A_35 : memref<8x32xf32, #tpu.memory_space<vmem>>)
      %dma_wait3A_40 = arith.constant 0 : i32
      %dma_wait3A_41 = arith.constant 0 : i32
      %dma_wait3A_42 = arith.constant 0 : i32
      %dma_wait3A_43 = tpu.memref_slice %arg9[%dma_wait3A_41, %dma_wait3A_42] : memref<128x32xf32, #tpu.memory_space<vmem>> -> memref<8x32xf32, #tpu.memory_space<vmem>>
      %dma_wait3A_44 = arith.constant 0 : i32
      %dma_wait3A_45 = arith.constant 0 : i32
      %dma_wait3A_46 = tpu.memref_slice %arg4[%dma_wait3A_40, %dma_wait3A_44, %dma_wait3A_45] : memref<12500x8x32xf32, #tpu.memory_space<hbm>> -> memref<1x8x32xf32, #tpu.memory_space<hbm>>
      %dma_wait3A_47 = tpu.memref_squeeze %dma_wait3A_46 : memref<1x8x32xf32, #tpu.memory_space<hbm>> -> memref<8x32xf32, #tpu.memory_space<hbm>>
      %dma_wait3A_48 = arith.constant 0 : i32
      %dma_wait3A_49 = arith.constant 0 : i32
      %dma_wait3A_50 = tpu.memref_slice %arg9[%dma_wait3A_48, %dma_wait3A_49] : memref<128x32xf32, #tpu.memory_space<vmem>> -> memref<8x32xf32, #tpu.memory_space<vmem>>
      %dma_wait3A_51 = arith.constant 0 : i32
      %dma_wait3A_52 = arith.constant 0 : i32
      %dma_wait3A_53 = tpu.memref_slice %arg4[%dma_wait3A_40, %dma_wait3A_51, %dma_wait3A_52] : memref<12500x8x32xf32, #tpu.memory_space<hbm>> -> memref<1x8x32xf32, #tpu.memory_space<hbm>>
      %dma_wait3A_54 = tpu.memref_squeeze %dma_wait3A_53 : memref<1x8x32xf32, #tpu.memory_space<hbm>> -> memref<8x32xf32, #tpu.memory_space<hbm>>
      tpu.wait_dma2 semaphore(%arg15 : memref<!tpu.dma_semaphore, #tpu.memory_space<semaphore_mem>>) src(%dma_wait3A_54 : memref<8x32xf32, #tpu.memory_space<hbm>>) dst(%dma_wait3A_50 : memref<8x32xf32, #tpu.memory_space<vmem>>)
      %dma_wait3A_55 = arith.constant 0 : i32
      %dma_wait3A_56 = arith.constant 0 : i32
      %dma_wait3A_57 = arith.constant 0 : i32
      %dma_wait3A_58 = tpu.memref_slice %arg9[%dma_wait3A_56, %dma_wait3A_57] : memref<128x32xf32, #tpu.memory_space<vmem>> -> memref<8x32xf32, #tpu.memory_space<vmem>>
      %dma_wait3A_59 = arith.constant 0 : i32
      %dma_wait3A_60 = arith.constant 0 : i32
      %dma_wait3A_61 = tpu.memref_slice %arg4[%dma_wait3A_55, %dma_wait3A_59, %dma_wait3A_60] : memref<12500x8x32xf32, #tpu.memory_space<hbm>> -> memref<1x8x32xf32, #tpu.memory_space<hbm>>
      %dma_wait3A_62 = tpu.memref_squeeze %dma_wait3A_61 : memref<1x8x32xf32, #tpu.memory_space<hbm>> -> memref<8x32xf32, #tpu.memory_space<hbm>>
      %dma_wait3A_63 = arith.constant 0 : i32
      %dma_wait3A_64 = arith.constant 0 : i32
      %dma_wait3A_65 = tpu.memref_slice %arg9[%dma_wait3A_63, %dma_wait3A_64] : memref<128x32xf32, #tpu.memory_space<vmem>> -> memref<8x32xf32, #tpu.memory_space<vmem>>
      %dma_wait3A_66 = arith.constant 0 : i32
      %dma_wait3A_67 = arith.constant 0 : i32
      %dma_wait3A_68 = tpu.memref_slice %arg4[%dma_wait3A_55, %dma_wait3A_66, %dma_wait3A_67] : memref<12500x8x32xf32, #tpu.memory_space<hbm>> -> memref<1x8x32xf32, #tpu.memory_space<hbm>>
      %dma_wait3A_69 = tpu.memref_squeeze %dma_wait3A_68 : memref<1x8x32xf32, #tpu.memory_space<hbm>> -> memref<8x32xf32, #tpu.memory_space<hbm>>
      tpu.wait_dma2 semaphore(%arg14 : memref<!tpu.dma_semaphore, #tpu.memory_space<semaphore_mem>>) src(%dma_wait3A_69 : memref<8x32xf32, #tpu.memory_space<hbm>>) dst(%dma_wait3A_65 : memref<8x32xf32, #tpu.memory_space<vmem>>)
      %dma_wait3A_70 = arith.constant 0 : i32
      %dma_wait3A_71 = arith.constant 0 : i32
      %dma_wait3A_72 = arith.constant 0 : i32
      %dma_wait3A_73 = tpu.memref_slice %arg9[%dma_wait3A_71, %dma_wait3A_72] : memref<128x32xf32, #tpu.memory_space<vmem>> -> memref<8x32xf32, #tpu.memory_space<vmem>>
      %dma_wait3A_74 = arith.constant 0 : i32
      %dma_wait3A_75 = arith.constant 0 : i32
      %dma_wait3A_76 = tpu.memref_slice %arg4[%dma_wait3A_70, %dma_wait3A_74, %dma_wait3A_75] : memref<12500x8x32xf32, #tpu.memory_space<hbm>> -> memref<1x8x32xf32, #tpu.memory_space<hbm>>
      %dma_wait3A_77 = tpu.memref_squeeze %dma_wait3A_76 : memref<1x8x32xf32, #tpu.memory_space<hbm>> -> memref<8x32xf32, #tpu.memory_space<hbm>>
      %dma_wait3A_78 = arith.constant 0 : i32
      %dma_wait3A_79 = arith.constant 0 : i32
      %dma_wait3A_80 = tpu.memref_slice %arg9[%dma_wait3A_78, %dma_wait3A_79] : memref<128x32xf32, #tpu.memory_space<vmem>> -> memref<8x32xf32, #tpu.memory_space<vmem>>
      %dma_wait3A_81 = arith.constant 0 : i32
      %dma_wait3A_82 = arith.constant 0 : i32
      %dma_wait3A_83 = tpu.memref_slice %arg4[%dma_wait3A_70, %dma_wait3A_81, %dma_wait3A_82] : memref<12500x8x32xf32, #tpu.memory_space<hbm>> -> memref<1x8x32xf32, #tpu.memory_space<hbm>>
      %dma_wait3A_84 = tpu.memref_squeeze %dma_wait3A_83 : memref<1x8x32xf32, #tpu.memory_space<hbm>> -> memref<8x32xf32, #tpu.memory_space<hbm>>
      tpu.wait_dma2 semaphore(%arg15 : memref<!tpu.dma_semaphore, #tpu.memory_space<semaphore_mem>>) src(%dma_wait3A_84 : memref<8x32xf32, #tpu.memory_space<hbm>>) dst(%dma_wait3A_80 : memref<8x32xf32, #tpu.memory_space<vmem>>)
      %dma_wait3A_85 = arith.constant 0 : i32
      %dma_wait3A_86 = arith.constant 0 : i32
      %dma_wait3A_87 = arith.constant 0 : i32
      %dma_wait3A_88 = tpu.memref_slice %arg9[%dma_wait3A_86, %dma_wait3A_87] : memref<128x32xf32, #tpu.memory_space<vmem>> -> memref<8x32xf32, #tpu.memory_space<vmem>>
      %dma_wait3A_89 = arith.constant 0 : i32
      %dma_wait3A_90 = arith.constant 0 : i32
      %dma_wait3A_91 = tpu.memref_slice %arg4[%dma_wait3A_85, %dma_wait3A_89, %dma_wait3A_90] : memref<12500x8x32xf32, #tpu.memory_space<hbm>> -> memref<1x8x32xf32, #tpu.memory_space<hbm>>
      %dma_wait3A_92 = tpu.memref_squeeze %dma_wait3A_91 : memref<1x8x32xf32, #tpu.memory_space<hbm>> -> memref<8x32xf32, #tpu.memory_space<hbm>>
      %dma_wait3A_93 = arith.constant 0 : i32
      %dma_wait3A_94 = arith.constant 0 : i32
      %dma_wait3A_95 = tpu.memref_slice %arg9[%dma_wait3A_93, %dma_wait3A_94] : memref<128x32xf32, #tpu.memory_space<vmem>> -> memref<8x32xf32, #tpu.memory_space<vmem>>
      %dma_wait3A_96 = arith.constant 0 : i32
      %dma_wait3A_97 = arith.constant 0 : i32
      %dma_wait3A_98 = tpu.memref_slice %arg4[%dma_wait3A_85, %dma_wait3A_96, %dma_wait3A_97] : memref<12500x8x32xf32, #tpu.memory_space<hbm>> -> memref<1x8x32xf32, #tpu.memory_space<hbm>>
      %dma_wait3A_99 = tpu.memref_squeeze %dma_wait3A_98 : memref<1x8x32xf32, #tpu.memory_space<hbm>> -> memref<8x32xf32, #tpu.memory_space<hbm>>
      tpu.wait_dma2 semaphore(%arg14 : memref<!tpu.dma_semaphore, #tpu.memory_space<semaphore_mem>>) src(%dma_wait3A_99 : memref<8x32xf32, #tpu.memory_space<hbm>>) dst(%dma_wait3A_95 : memref<8x32xf32, #tpu.memory_space<vmem>>)
      %dma_wait3A_100 = arith.constant 0 : i32
      %dma_wait3A_101 = arith.constant 0 : i32
      %dma_wait3A_102 = arith.constant 0 : i32
      %dma_wait3A_103 = tpu.memref_slice %arg9[%dma_wait3A_101, %dma_wait3A_102] : memref<128x32xf32, #tpu.memory_space<vmem>> -> memref<8x32xf32, #tpu.memory_space<vmem>>
      %dma_wait3A_104 = arith.constant 0 : i32
      %dma_wait3A_105 = arith.constant 0 : i32
      %dma_wait3A_106 = tpu.memref_slice %arg4[%dma_wait3A_100, %dma_wait3A_104, %dma_wait3A_105] : memref<12500x8x32xf32, #tpu.memory_space<hbm>> -> memref<1x8x32xf32, #tpu.memory_space<hbm>>
      %dma_wait3A_107 = tpu.memref_squeeze %dma_wait3A_106 : memref<1x8x32xf32, #tpu.memory_space<hbm>> -> memref<8x32xf32, #tpu.memory_space<hbm>>
      %dma_wait3A_108 = arith.constant 0 : i32
      %dma_wait3A_109 = arith.constant 0 : i32
      %dma_wait3A_110 = tpu.memref_slice %arg9[%dma_wait3A_108, %dma_wait3A_109] : memref<128x32xf32, #tpu.memory_space<vmem>> -> memref<8x32xf32, #tpu.memory_space<vmem>>
      %dma_wait3A_111 = arith.constant 0 : i32
      %dma_wait3A_112 = arith.constant 0 : i32
      %dma_wait3A_113 = tpu.memref_slice %arg4[%dma_wait3A_100, %dma_wait3A_111, %dma_wait3A_112] : memref<12500x8x32xf32, #tpu.memory_space<hbm>> -> memref<1x8x32xf32, #tpu.memory_space<hbm>>
      %dma_wait3A_114 = tpu.memref_squeeze %dma_wait3A_113 : memref<1x8x32xf32, #tpu.memory_space<hbm>> -> memref<8x32xf32, #tpu.memory_space<hbm>>
      tpu.wait_dma2 semaphore(%arg15 : memref<!tpu.dma_semaphore, #tpu.memory_space<semaphore_mem>>) src(%dma_wait3A_114 : memref<8x32xf32, #tpu.memory_space<hbm>>) dst(%dma_wait3A_110 : memref<8x32xf32, #tpu.memory_space<vmem>>)
      %dma_wait3A_115 = arith.constant 0 : i32
      %dma_wait3A_116 = arith.constant 0 : i32
      %dma_wait3A_117 = arith.constant 0 : i32
      %dma_wait3A_118 = tpu.memref_slice %arg9[%dma_wait3A_116, %dma_wait3A_117] : memref<128x32xf32, #tpu.memory_space<vmem>> -> memref<8x32xf32, #tpu.memory_space<vmem>>
      %dma_wait3A_119 = arith.constant 0 : i32
      %dma_wait3A_120 = arith.constant 0 : i32
      %dma_wait3A_121 = tpu.memref_slice %arg4[%dma_wait3A_115, %dma_wait3A_119, %dma_wait3A_120] : memref<12500x8x32xf32, #tpu.memory_space<hbm>> -> memref<1x8x32xf32, #tpu.memory_space<hbm>>
      %dma_wait3A_122 = tpu.memref_squeeze %dma_wait3A_121 : memref<1x8x32xf32, #tpu.memory_space<hbm>> -> memref<8x32xf32, #tpu.memory_space<hbm>>
      %dma_wait3A_123 = arith.constant 0 : i32
      %dma_wait3A_124 = arith.constant 0 : i32
      %dma_wait3A_125 = tpu.memref_slice %arg9[%dma_wait3A_123, %dma_wait3A_124] : memref<128x32xf32, #tpu.memory_space<vmem>> -> memref<8x32xf32, #tpu.memory_space<vmem>>
      %dma_wait3A_126 = arith.constant 0 : i32
      %dma_wait3A_127 = arith.constant 0 : i32
      %dma_wait3A_128 = tpu.memref_slice %arg4[%dma_wait3A_115, %dma_wait3A_126, %dma_wait3A_127] : memref<12500x8x32xf32, #tpu.memory_space<hbm>> -> memref<1x8x32xf32, #tpu.memory_space<hbm>>
      %dma_wait3A_129 = tpu.memref_squeeze %dma_wait3A_128 : memref<1x8x32xf32, #tpu.memory_space<hbm>> -> memref<8x32xf32, #tpu.memory_space<hbm>>
      tpu.wait_dma2 semaphore(%arg14 : memref<!tpu.dma_semaphore, #tpu.memory_space<semaphore_mem>>) src(%dma_wait3A_129 : memref<8x32xf32, #tpu.memory_space<hbm>>) dst(%dma_wait3A_125 : memref<8x32xf32, #tpu.memory_space<vmem>>)
      %dma_wait3A_130 = arith.constant 0 : i32
      %dma_wait3A_131 = arith.constant 0 : i32
      %dma_wait3A_132 = arith.constant 0 : i32
      %dma_wait3A_133 = tpu.memref_slice %arg9[%dma_wait3A_131, %dma_wait3A_132] : memref<128x32xf32, #tpu.memory_space<vmem>> -> memref<8x32xf32, #tpu.memory_space<vmem>>
      %dma_wait3A_134 = arith.constant 0 : i32
      %dma_wait3A_135 = arith.constant 0 : i32
      %dma_wait3A_136 = tpu.memref_slice %arg4[%dma_wait3A_130, %dma_wait3A_134, %dma_wait3A_135] : memref<12500x8x32xf32, #tpu.memory_space<hbm>> -> memref<1x8x32xf32, #tpu.memory_space<hbm>>
      %dma_wait3A_137 = tpu.memref_squeeze %dma_wait3A_136 : memref<1x8x32xf32, #tpu.memory_space<hbm>> -> memref<8x32xf32, #tpu.memory_space<hbm>>
      %dma_wait3A_138 = arith.constant 0 : i32
      %dma_wait3A_139 = arith.constant 0 : i32
      %dma_wait3A_140 = tpu.memref_slice %arg9[%dma_wait3A_138, %dma_wait3A_139] : memref<128x32xf32, #tpu.memory_space<vmem>> -> memref<8x32xf32, #tpu.memory_space<vmem>>
      %dma_wait3A_141 = arith.constant 0 : i32
      %dma_wait3A_142 = arith.constant 0 : i32
      %dma_wait3A_143 = tpu.memref_slice %arg4[%dma_wait3A_130, %dma_wait3A_141, %dma_wait3A_142] : memref<12500x8x32xf32, #tpu.memory_space<hbm>> -> memref<1x8x32xf32, #tpu.memory_space<hbm>>
      %dma_wait3A_144 = tpu.memref_squeeze %dma_wait3A_143 : memref<1x8x32xf32, #tpu.memory_space<hbm>> -> memref<8x32xf32, #tpu.memory_space<hbm>>
      tpu.wait_dma2 semaphore(%arg15 : memref<!tpu.dma_semaphore, #tpu.memory_space<semaphore_mem>>) src(%dma_wait3A_144 : memref<8x32xf32, #tpu.memory_space<hbm>>) dst(%dma_wait3A_140 : memref<8x32xf32, #tpu.memory_space<vmem>>)
      %dma_wait3A_145 = arith.constant 0 : i32
      %dma_wait3A_146 = arith.constant 0 : i32
      %dma_wait3A_147 = arith.constant 0 : i32
      %dma_wait3A_148 = tpu.memref_slice %arg9[%dma_wait3A_146, %dma_wait3A_147] : memref<128x32xf32, #tpu.memory_space<vmem>> -> memref<8x32xf32, #tpu.memory_space<vmem>>
      %dma_wait3A_149 = arith.constant 0 : i32
      %dma_wait3A_150 = arith.constant 0 : i32
      %dma_wait3A_151 = tpu.memref_slice %arg4[%dma_wait3A_145, %dma_wait3A_149, %dma_wait3A_150] : memref<12500x8x32xf32, #tpu.memory_space<hbm>> -> memref<1x8x32xf32, #tpu.memory_space<hbm>>
      %dma_wait3A_152 = tpu.memref_squeeze %dma_wait3A_151 : memref<1x8x32xf32, #tpu.memory_space<hbm>> -> memref<8x32xf32, #tpu.memory_space<hbm>>
      %dma_wait3A_153 = arith.constant 0 : i32
      %dma_wait3A_154 = arith.constant 0 : i32
      %dma_wait3A_155 = tpu.memref_slice %arg9[%dma_wait3A_153, %dma_wait3A_154] : memref<128x32xf32, #tpu.memory_space<vmem>> -> memref<8x32xf32, #tpu.memory_space<vmem>>
      %dma_wait3A_156 = arith.constant 0 : i32
      %dma_wait3A_157 = arith.constant 0 : i32
      %dma_wait3A_158 = tpu.memref_slice %arg4[%dma_wait3A_145, %dma_wait3A_156, %dma_wait3A_157] : memref<12500x8x32xf32, #tpu.memory_space<hbm>> -> memref<1x8x32xf32, #tpu.memory_space<hbm>>
      %dma_wait3A_159 = tpu.memref_squeeze %dma_wait3A_158 : memref<1x8x32xf32, #tpu.memory_space<hbm>> -> memref<8x32xf32, #tpu.memory_space<hbm>>
      tpu.wait_dma2 semaphore(%arg14 : memref<!tpu.dma_semaphore, #tpu.memory_space<semaphore_mem>>) src(%dma_wait3A_159 : memref<8x32xf32, #tpu.memory_space<hbm>>) dst(%dma_wait3A_155 : memref<8x32xf32, #tpu.memory_space<vmem>>)
      %dma_wait3A_160 = arith.constant 0 : i32
      %dma_wait3A_161 = arith.constant 0 : i32
      %dma_wait3A_162 = arith.constant 0 : i32
      %dma_wait3A_163 = tpu.memref_slice %arg9[%dma_wait3A_161, %dma_wait3A_162] : memref<128x32xf32, #tpu.memory_space<vmem>> -> memref<8x32xf32, #tpu.memory_space<vmem>>
      %dma_wait3A_164 = arith.constant 0 : i32
      %dma_wait3A_165 = arith.constant 0 : i32
      %dma_wait3A_166 = tpu.memref_slice %arg4[%dma_wait3A_160, %dma_wait3A_164, %dma_wait3A_165] : memref<12500x8x32xf32, #tpu.memory_space<hbm>> -> memref<1x8x32xf32, #tpu.memory_space<hbm>>
      %dma_wait3A_167 = tpu.memref_squeeze %dma_wait3A_166 : memref<1x8x32xf32, #tpu.memory_space<hbm>> -> memref<8x32xf32, #tpu.memory_space<hbm>>
      %dma_wait3A_168 = arith.constant 0 : i32
      %dma_wait3A_169 = arith.constant 0 : i32
      %dma_wait3A_170 = tpu.memref_slice %arg9[%dma_wait3A_168, %dma_wait3A_169] : memref<128x32xf32, #tpu.memory_space<vmem>> -> memref<8x32xf32, #tpu.memory_space<vmem>>
      %dma_wait3A_171 = arith.constant 0 : i32
      %dma_wait3A_172 = arith.constant 0 : i32
      %dma_wait3A_173 = tpu.memref_slice %arg4[%dma_wait3A_160, %dma_wait3A_171, %dma_wait3A_172] : memref<12500x8x32xf32, #tpu.memory_space<hbm>> -> memref<1x8x32xf32, #tpu.memory_space<hbm>>
      %dma_wait3A_174 = tpu.memref_squeeze %dma_wait3A_173 : memref<1x8x32xf32, #tpu.memory_space<hbm>> -> memref<8x32xf32, #tpu.memory_space<hbm>>
      tpu.wait_dma2 semaphore(%arg15 : memref<!tpu.dma_semaphore, #tpu.memory_space<semaphore_mem>>) src(%dma_wait3A_174 : memref<8x32xf32, #tpu.memory_space<hbm>>) dst(%dma_wait3A_170 : memref<8x32xf32, #tpu.memory_space<vmem>>)
      %dma_wait3A_175 = arith.constant 0 : i32
      %dma_wait3A_176 = arith.constant 0 : i32
      %dma_wait3A_177 = arith.constant 0 : i32
      %dma_wait3A_178 = tpu.memref_slice %arg9[%dma_wait3A_176, %dma_wait3A_177] : memref<128x32xf32, #tpu.memory_space<vmem>> -> memref<8x32xf32, #tpu.memory_space<vmem>>
      %dma_wait3A_179 = arith.constant 0 : i32
      %dma_wait3A_180 = arith.constant 0 : i32
      %dma_wait3A_181 = tpu.memref_slice %arg4[%dma_wait3A_175, %dma_wait3A_179, %dma_wait3A_180] : memref<12500x8x32xf32, #tpu.memory_space<hbm>> -> memref<1x8x32xf32, #tpu.memory_space<hbm>>
      %dma_wait3A_182 = tpu.memref_squeeze %dma_wait3A_181 : memref<1x8x32xf32, #tpu.memory_space<hbm>> -> memref<8x32xf32, #tpu.memory_space<hbm>>
      %dma_wait3A_183 = arith.constant 0 : i32
      %dma_wait3A_184 = arith.constant 0 : i32
      %dma_wait3A_185 = tpu.memref_slice %arg9[%dma_wait3A_183, %dma_wait3A_184] : memref<128x32xf32, #tpu.memory_space<vmem>> -> memref<8x32xf32, #tpu.memory_space<vmem>>
      %dma_wait3A_186 = arith.constant 0 : i32
      %dma_wait3A_187 = arith.constant 0 : i32
      %dma_wait3A_188 = tpu.memref_slice %arg4[%dma_wait3A_175, %dma_wait3A_186, %dma_wait3A_187] : memref<12500x8x32xf32, #tpu.memory_space<hbm>> -> memref<1x8x32xf32, #tpu.memory_space<hbm>>
      %dma_wait3A_189 = tpu.memref_squeeze %dma_wait3A_188 : memref<1x8x32xf32, #tpu.memory_space<hbm>> -> memref<8x32xf32, #tpu.memory_space<hbm>>
      tpu.wait_dma2 semaphore(%arg14 : memref<!tpu.dma_semaphore, #tpu.memory_space<semaphore_mem>>) src(%dma_wait3A_189 : memref<8x32xf32, #tpu.memory_space<hbm>>) dst(%dma_wait3A_185 : memref<8x32xf32, #tpu.memory_space<vmem>>)
      %dma_wait3A_190 = arith.constant 0 : i32
      %dma_wait3A_191 = arith.constant 0 : i32
      %dma_wait3A_192 = arith.constant 0 : i32
      %dma_wait3A_193 = tpu.memref_slice %arg9[%dma_wait3A_191, %dma_wait3A_192] : memref<128x32xf32, #tpu.memory_space<vmem>> -> memref<8x32xf32, #tpu.memory_space<vmem>>
      %dma_wait3A_194 = arith.constant 0 : i32
      %dma_wait3A_195 = arith.constant 0 : i32
      %dma_wait3A_196 = tpu.memref_slice %arg4[%dma_wait3A_190, %dma_wait3A_194, %dma_wait3A_195] : memref<12500x8x32xf32, #tpu.memory_space<hbm>> -> memref<1x8x32xf32, #tpu.memory_space<hbm>>
      %dma_wait3A_197 = tpu.memref_squeeze %dma_wait3A_196 : memref<1x8x32xf32, #tpu.memory_space<hbm>> -> memref<8x32xf32, #tpu.memory_space<hbm>>
      %dma_wait3A_198 = arith.constant 0 : i32
      %dma_wait3A_199 = arith.constant 0 : i32
      %dma_wait3A_200 = tpu.memref_slice %arg9[%dma_wait3A_198, %dma_wait3A_199] : memref<128x32xf32, #tpu.memory_space<vmem>> -> memref<8x32xf32, #tpu.memory_space<vmem>>
      %dma_wait3A_201 = arith.constant 0 : i32
      %dma_wait3A_202 = arith.constant 0 : i32
      %dma_wait3A_203 = tpu.memref_slice %arg4[%dma_wait3A_190, %dma_wait3A_201, %dma_wait3A_202] : memref<12500x8x32xf32, #tpu.memory_space<hbm>> -> memref<1x8x32xf32, #tpu.memory_space<hbm>>
      %dma_wait3A_204 = tpu.memref_squeeze %dma_wait3A_203 : memref<1x8x32xf32, #tpu.memory_space<hbm>> -> memref<8x32xf32, #tpu.memory_space<hbm>>
      tpu.wait_dma2 semaphore(%arg15 : memref<!tpu.dma_semaphore, #tpu.memory_space<semaphore_mem>>) src(%dma_wait3A_204 : memref<8x32xf32, #tpu.memory_space<hbm>>) dst(%dma_wait3A_200 : memref<8x32xf32, #tpu.memory_space<vmem>>)
      %dma_wait3A_205 = arith.constant 0 : i32
      %dma_wait3A_206 = arith.constant 0 : i32
      %dma_wait3A_207 = arith.constant 0 : i32
      %dma_wait3A_208 = tpu.memref_slice %arg9[%dma_wait3A_206, %dma_wait3A_207] : memref<128x32xf32, #tpu.memory_space<vmem>> -> memref<8x32xf32, #tpu.memory_space<vmem>>
      %dma_wait3A_209 = arith.constant 0 : i32
      %dma_wait3A_210 = arith.constant 0 : i32
      %dma_wait3A_211 = tpu.memref_slice %arg4[%dma_wait3A_205, %dma_wait3A_209, %dma_wait3A_210] : memref<12500x8x32xf32, #tpu.memory_space<hbm>> -> memref<1x8x32xf32, #tpu.memory_space<hbm>>
      %dma_wait3A_212 = tpu.memref_squeeze %dma_wait3A_211 : memref<1x8x32xf32, #tpu.memory_space<hbm>> -> memref<8x32xf32, #tpu.memory_space<hbm>>
      %dma_wait3A_213 = arith.constant 0 : i32
      %dma_wait3A_214 = arith.constant 0 : i32
      %dma_wait3A_215 = tpu.memref_slice %arg9[%dma_wait3A_213, %dma_wait3A_214] : memref<128x32xf32, #tpu.memory_space<vmem>> -> memref<8x32xf32, #tpu.memory_space<vmem>>
      %dma_wait3A_216 = arith.constant 0 : i32
      %dma_wait3A_217 = arith.constant 0 : i32
      %dma_wait3A_218 = tpu.memref_slice %arg4[%dma_wait3A_205, %dma_wait3A_216, %dma_wait3A_217] : memref<12500x8x32xf32, #tpu.memory_space<hbm>> -> memref<1x8x32xf32, #tpu.memory_space<hbm>>
      %dma_wait3A_219 = tpu.memref_squeeze %dma_wait3A_218 : memref<1x8x32xf32, #tpu.memory_space<hbm>> -> memref<8x32xf32, #tpu.memory_space<hbm>>
      tpu.wait_dma2 semaphore(%arg14 : memref<!tpu.dma_semaphore, #tpu.memory_space<semaphore_mem>>) src(%dma_wait3A_219 : memref<8x32xf32, #tpu.memory_space<hbm>>) dst(%dma_wait3A_215 : memref<8x32xf32, #tpu.memory_space<vmem>>)
      %dma_wait3A_220 = arith.constant 0 : i32
      %dma_wait3A_221 = arith.constant 0 : i32
      %dma_wait3A_222 = arith.constant 0 : i32
      %dma_wait3A_223 = tpu.memref_slice %arg9[%dma_wait3A_221, %dma_wait3A_222] : memref<128x32xf32, #tpu.memory_space<vmem>> -> memref<8x32xf32, #tpu.memory_space<vmem>>
      %dma_wait3A_224 = arith.constant 0 : i32
      %dma_wait3A_225 = arith.constant 0 : i32
      %dma_wait3A_226 = tpu.memref_slice %arg4[%dma_wait3A_220, %dma_wait3A_224, %dma_wait3A_225] : memref<12500x8x32xf32, #tpu.memory_space<hbm>> -> memref<1x8x32xf32, #tpu.memory_space<hbm>>
      %dma_wait3A_227 = tpu.memref_squeeze %dma_wait3A_226 : memref<1x8x32xf32, #tpu.memory_space<hbm>> -> memref<8x32xf32, #tpu.memory_space<hbm>>
      %dma_wait3A_228 = arith.constant 0 : i32
      %dma_wait3A_229 = arith.constant 0 : i32
      %dma_wait3A_230 = tpu.memref_slice %arg9[%dma_wait3A_228, %dma_wait3A_229] : memref<128x32xf32, #tpu.memory_space<vmem>> -> memref<8x32xf32, #tpu.memory_space<vmem>>
      %dma_wait3A_231 = arith.constant 0 : i32
      %dma_wait3A_232 = arith.constant 0 : i32
      %dma_wait3A_233 = tpu.memref_slice %arg4[%dma_wait3A_220, %dma_wait3A_231, %dma_wait3A_232] : memref<12500x8x32xf32, #tpu.memory_space<hbm>> -> memref<1x8x32xf32, #tpu.memory_space<hbm>>
      %dma_wait3A_234 = tpu.memref_squeeze %dma_wait3A_233 : memref<1x8x32xf32, #tpu.memory_space<hbm>> -> memref<8x32xf32, #tpu.memory_space<hbm>>
      tpu.wait_dma2 semaphore(%arg15 : memref<!tpu.dma_semaphore, #tpu.memory_space<semaphore_mem>>) src(%dma_wait3A_234 : memref<8x32xf32, #tpu.memory_space<hbm>>) dst(%dma_wait3A_230 : memref<8x32xf32, #tpu.memory_space<vmem>>)
      %dma_wait3A_235 = arith.constant 0 : i32
      %dma_wait3A_236 = arith.constant 0 : i32
      %dma_wait3A_237 = arith.constant 0 : i32
      %dma_wait3A_238 = tpu.memref_slice %arg9[%dma_wait3A_236, %dma_wait3A_237] : memref<128x32xf32, #tpu.memory_space<vmem>> -> memref<8x32xf32, #tpu.memory_space<vmem>>
      %dma_wait3A_239 = arith.constant 0 : i32
      %dma_wait3A_240 = arith.constant 0 : i32
      %dma_wait3A_241 = tpu.memref_slice %arg4[%dma_wait3A_235, %dma_wait3A_239, %dma_wait3A_240] : memref<12500x8x32xf32, #tpu.memory_space<hbm>> -> memref<1x8x32xf32, #tpu.memory_space<hbm>>
      %dma_wait3A_242 = tpu.memref_squeeze %dma_wait3A_241 : memref<1x8x32xf32, #tpu.memory_space<hbm>> -> memref<8x32xf32, #tpu.memory_space<hbm>>
      %dma_wait3A_243 = arith.constant 0 : i32
      %dma_wait3A_244 = arith.constant 0 : i32
      %dma_wait3A_245 = tpu.memref_slice %arg9[%dma_wait3A_243, %dma_wait3A_244] : memref<128x32xf32, #tpu.memory_space<vmem>> -> memref<8x32xf32, #tpu.memory_space<vmem>>
      %dma_wait3A_246 = arith.constant 0 : i32
      %dma_wait3A_247 = arith.constant 0 : i32
      %dma_wait3A_248 = tpu.memref_slice %arg4[%dma_wait3A_235, %dma_wait3A_246, %dma_wait3A_247] : memref<12500x8x32xf32, #tpu.memory_space<hbm>> -> memref<1x8x32xf32, #tpu.memory_space<hbm>>
      %dma_wait3A_249 = tpu.memref_squeeze %dma_wait3A_248 : memref<1x8x32xf32, #tpu.memory_space<hbm>> -> memref<8x32xf32, #tpu.memory_space<hbm>>
      tpu.wait_dma2 semaphore(%arg14 : memref<!tpu.dma_semaphore, #tpu.memory_space<semaphore_mem>>) src(%dma_wait3A_249 : memref<8x32xf32, #tpu.memory_space<hbm>>) dst(%dma_wait3A_245 : memref<8x32xf32, #tpu.memory_space<vmem>>)
      %dma_wait3A_250 = arith.constant 0 : i32
      %dma_wait3A_251 = arith.constant 0 : i32
      %dma_wait3A_252 = arith.constant 0 : i32
      %dma_wait3A_253 = tpu.memref_slice %arg9[%dma_wait3A_251, %dma_wait3A_252] : memref<128x32xf32, #tpu.memory_space<vmem>> -> memref<8x32xf32, #tpu.memory_space<vmem>>
      %dma_wait3A_254 = arith.constant 0 : i32
      %dma_wait3A_255 = arith.constant 0 : i32
      %dma_wait3A_256 = tpu.memref_slice %arg4[%dma_wait3A_250, %dma_wait3A_254, %dma_wait3A_255] : memref<12500x8x32xf32, #tpu.memory_space<hbm>> -> memref<1x8x32xf32, #tpu.memory_space<hbm>>
      %dma_wait3A_257 = tpu.memref_squeeze %dma_wait3A_256 : memref<1x8x32xf32, #tpu.memory_space<hbm>> -> memref<8x32xf32, #tpu.memory_space<hbm>>
      %dma_wait3A_258 = arith.constant 0 : i32
      %dma_wait3A_259 = arith.constant 0 : i32
      %dma_wait3A_260 = tpu.memref_slice %arg9[%dma_wait3A_258, %dma_wait3A_259] : memref<128x32xf32, #tpu.memory_space<vmem>> -> memref<8x32xf32, #tpu.memory_space<vmem>>
      %dma_wait3A_261 = arith.constant 0 : i32
      %dma_wait3A_262 = arith.constant 0 : i32
      %dma_wait3A_263 = tpu.memref_slice %arg4[%dma_wait3A_250, %dma_wait3A_261, %dma_wait3A_262] : memref<12500x8x32xf32, #tpu.memory_space<hbm>> -> memref<1x8x32xf32, #tpu.memory_space<hbm>>
      %dma_wait3A_264 = tpu.memref_squeeze %dma_wait3A_263 : memref<1x8x32xf32, #tpu.memory_space<hbm>> -> memref<8x32xf32, #tpu.memory_space<hbm>>
      tpu.wait_dma2 semaphore(%arg15 : memref<!tpu.dma_semaphore, #tpu.memory_space<semaphore_mem>>) src(%dma_wait3A_264 : memref<8x32xf32, #tpu.memory_space<hbm>>) dst(%dma_wait3A_260 : memref<8x32xf32, #tpu.memory_space<vmem>>)
      %eq3A_265 = arith.constant 0 : i32
      %eq3A_266 = arith.cmpi eq, %scan3A_16, %eq3A_265 : i32
      %convert_element_type3A = arith.extui %eq3A_266 : i1 to i32
      %cond3A = arith.constant 0 : i32
      %cond3A_267 = arith.cmpi ne, %convert_element_type3A, %cond3A : i32
      scf.if %cond3A_267 {
        %dma_wait3A_274 = arith.constant 0 : i32
        %dma_wait3A_275 = arith.constant 0 : i32
        %dma_wait3A_276 = arith.constant 0 : i32
        %dma_wait3A_277 = tpu.memref_slice %arg10[%dma_wait3A_275, %dma_wait3A_276] : memref<512x32xf32, #tpu.memory_space<vmem>> -> memref<8x32xf32, #tpu.memory_space<vmem>>
        %dma_wait3A_278 = arith.constant 0 : i32
        %dma_wait3A_279 = arith.constant 0 : i32
        %dma_wait3A_280 = tpu.memref_slice %arg5[%dma_wait3A_274, %dma_wait3A_278, %dma_wait3A_279] : memref<125000x8x32xf32, #tpu.memory_space<hbm>> -> memref<1x8x32xf32, #tpu.memory_space<hbm>>
        %dma_wait3A_281 = tpu.memref_squeeze %dma_wait3A_280 : memref<1x8x32xf32, #tpu.memory_space<hbm>> -> memref<8x32xf32, #tpu.memory_space<hbm>>
        %dma_wait3A_282 = arith.constant 0 : i32
        %dma_wait3A_283 = arith.constant 0 : i32
        %dma_wait3A_284 = tpu.memref_slice %arg10[%dma_wait3A_282, %dma_wait3A_283] : memref<512x32xf32, #tpu.memory_space<vmem>> -> memref<8x32xf32, #tpu.memory_space<vmem>>
        %dma_wait3A_285 = arith.constant 0 : i32
        %dma_wait3A_286 = arith.constant 0 : i32
        %dma_wait3A_287 = tpu.memref_slice %arg5[%dma_wait3A_274, %dma_wait3A_285, %dma_wait3A_286] : memref<125000x8x32xf32, #tpu.memory_space<hbm>> -> memref<1x8x32xf32, #tpu.memory_space<hbm>>
        %dma_wait3A_288 = tpu.memref_squeeze %dma_wait3A_287 : memref<1x8x32xf32, #tpu.memory_space<hbm>> -> memref<8x32xf32, #tpu.memory_space<hbm>>
        tpu.wait_dma2 semaphore(%arg12 : memref<!tpu.dma_semaphore, #tpu.memory_space<semaphore_mem>>) src(%dma_wait3A_288 : memref<8x32xf32, #tpu.memory_space<hbm>>) dst(%dma_wait3A_284 : memref<8x32xf32, #tpu.memory_space<vmem>>)
        %dma_wait3A_289 = arith.constant 0 : i32
        %dma_wait3A_290 = arith.constant 0 : i32
        %dma_wait3A_291 = arith.constant 0 : i32
        %dma_wait3A_292 = tpu.memref_slice %arg10[%dma_wait3A_290, %dma_wait3A_291] : memref<512x32xf32, #tpu.memory_space<vmem>> -> memref<8x32xf32, #tpu.memory_space<vmem>>
        %dma_wait3A_293 = arith.constant 0 : i32
        %dma_wait3A_294 = arith.constant 0 : i32
        %dma_wait3A_295 = tpu.memref_slice %arg5[%dma_wait3A_289, %dma_wait3A_293, %dma_wait3A_294] : memref<125000x8x32xf32, #tpu.memory_space<hbm>> -> memref<1x8x32xf32, #tpu.memory_space<hbm>>
        %dma_wait3A_296 = tpu.memref_squeeze %dma_wait3A_295 : memref<1x8x32xf32, #tpu.memory_space<hbm>> -> memref<8x32xf32, #tpu.memory_space<hbm>>
        %dma_wait3A_297 = arith.constant 0 : i32
        %dma_wait3A_298 = arith.constant 0 : i32
        %dma_wait3A_299 = tpu.memref_slice %arg10[%dma_wait3A_297, %dma_wait3A_298] : memref<512x32xf32, #tpu.memory_space<vmem>> -> memref<8x32xf32, #tpu.memory_space<vmem>>
        %dma_wait3A_300 = arith.constant 0 : i32
        %dma_wait3A_301 = arith.constant 0 : i32
        %dma_wait3A_302 = tpu.memref_slice %arg5[%dma_wait3A_289, %dma_wait3A_300, %dma_wait3A_301] : memref<125000x8x32xf32, #tpu.memory_space<hbm>> -> memref<1x8x32xf32, #tpu.memory_space<hbm>>
        %dma_wait3A_303 = tpu.memref_squeeze %dma_wait3A_302 : memref<1x8x32xf32, #tpu.memory_space<hbm>> -> memref<8x32xf32, #tpu.memory_space<hbm>>
        tpu.wait_dma2 semaphore(%arg13 : memref<!tpu.dma_semaphore, #tpu.memory_space<semaphore_mem>>) src(%dma_wait3A_303 : memref<8x32xf32, #tpu.memory_space<hbm>>) dst(%dma_wait3A_299 : memref<8x32xf32, #tpu.memory_space<vmem>>)
        %dma_wait3A_304 = arith.constant 0 : i32
        %dma_wait3A_305 = arith.constant 0 : i32
        %dma_wait3A_306 = arith.constant 0 : i32
        %dma_wait3A_307 = tpu.memref_slice %arg10[%dma_wait3A_305, %dma_wait3A_306] : memref<512x32xf32, #tpu.memory_space<vmem>> -> memref<8x32xf32, #tpu.memory_space<vmem>>
        %dma_wait3A_308 = arith.constant 0 : i32
        %dma_wait3A_309 = arith.constant 0 : i32
        %dma_wait3A_310 = tpu.memref_slice %arg5[%dma_wait3A_304, %dma_wait3A_308, %dma_wait3A_309] : memref<125000x8x32xf32, #tpu.memory_space<hbm>> -> memref<1x8x32xf32, #tpu.memory_space<hbm>>
        %dma_wait3A_311 = tpu.memref_squeeze %dma_wait3A_310 : memref<1x8x32xf32, #tpu.memory_space<hbm>> -> memref<8x32xf32, #tpu.memory_space<hbm>>
        %dma_wait3A_312 = arith.constant 0 : i32
        %dma_wait3A_313 = arith.constant 0 : i32
        %dma_wait3A_314 = tpu.memref_slice %arg10[%dma_wait3A_312, %dma_wait3A_313] : memref<512x32xf32, #tpu.memory_space<vmem>> -> memref<8x32xf32, #tpu.memory_space<vmem>>
        %dma_wait3A_315 = arith.constant 0 : i32
        %dma_wait3A_316 = arith.constant 0 : i32
        %dma_wait3A_317 = tpu.memref_slice %arg5[%dma_wait3A_304, %dma_wait3A_315, %dma_wait3A_316] : memref<125000x8x32xf32, #tpu.memory_space<hbm>> -> memref<1x8x32xf32, #tpu.memory_space<hbm>>
        %dma_wait3A_318 = tpu.memref_squeeze %dma_wait3A_317 : memref<1x8x32xf32, #tpu.memory_space<hbm>> -> memref<8x32xf32, #tpu.memory_space<hbm>>
        tpu.wait_dma2 semaphore(%arg12 : memref<!tpu.dma_semaphore, #tpu.memory_space<semaphore_mem>>) src(%dma_wait3A_318 : memref<8x32xf32, #tpu.memory_space<hbm>>) dst(%dma_wait3A_314 : memref<8x32xf32, #tpu.memory_space<vmem>>)
        %dma_wait3A_319 = arith.constant 0 : i32
        %dma_wait3A_320 = arith.constant 0 : i32
        %dma_wait3A_321 = arith.constant 0 : i32
        %dma_wait3A_322 = tpu.memref_slice %arg10[%dma_wait3A_320, %dma_wait3A_321] : memref<512x32xf32, #tpu.memory_space<vmem>> -> memref<8x32xf32, #tpu.memory_space<vmem>>
        %dma_wait3A_323 = arith.constant 0 : i32
        %dma_wait3A_324 = arith.constant 0 : i32
        %dma_wait3A_325 = tpu.memref_slice %arg5[%dma_wait3A_319, %dma_wait3A_323, %dma_wait3A_324] : memref<125000x8x32xf32, #tpu.memory_space<hbm>> -> memref<1x8x32xf32, #tpu.memory_space<hbm>>
        %dma_wait3A_326 = tpu.memref_squeeze %dma_wait3A_325 : memref<1x8x32xf32, #tpu.memory_space<hbm>> -> memref<8x32xf32, #tpu.memory_space<hbm>>
        %dma_wait3A_327 = arith.constant 0 : i32
        %dma_wait3A_328 = arith.constant 0 : i32
        %dma_wait3A_329 = tpu.memref_slice %arg10[%dma_wait3A_327, %dma_wait3A_328] : memref<512x32xf32, #tpu.memory_space<vmem>> -> memref<8x32xf32, #tpu.memory_space<vmem>>
        %dma_wait3A_330 = arith.constant 0 : i32
        %dma_wait3A_331 = arith.constant 0 : i32
        %dma_wait3A_332 = tpu.memref_slice %arg5[%dma_wait3A_319, %dma_wait3A_330, %dma_wait3A_331] : memref<125000x8x32xf32, #tpu.memory_space<hbm>> -> memref<1x8x32xf32, #tpu.memory_space<hbm>>
        %dma_wait3A_333 = tpu.memref_squeeze %dma_wait3A_332 : memref<1x8x32xf32, #tpu.memory_space<hbm>> -> memref<8x32xf32, #tpu.memory_space<hbm>>
        tpu.wait_dma2 semaphore(%arg13 : memref<!tpu.dma_semaphore, #tpu.memory_space<semaphore_mem>>) src(%dma_wait3A_333 : memref<8x32xf32, #tpu.memory_space<hbm>>) dst(%dma_wait3A_329 : memref<8x32xf32, #tpu.memory_space<vmem>>)
        %dma_wait3A_334 = arith.constant 0 : i32
        %dma_wait3A_335 = arith.constant 0 : i32
        %dma_wait3A_336 = arith.constant 0 : i32
        %dma_wait3A_337 = tpu.memref_slice %arg10[%dma_wait3A_335, %dma_wait3A_336] : memref<512x32xf32, #tpu.memory_space<vmem>> -> memref<8x32xf32, #tpu.memory_space<vmem>>
        %dma_wait3A_338 = arith.constant 0 : i32
        %dma_wait3A_339 = arith.constant 0 : i32
        %dma_wait3A_340 = tpu.memref_slice %arg5[%dma_wait3A_334, %dma_wait3A_338, %dma_wait3A_339] : memref<125000x8x32xf32, #tpu.memory_space<hbm>> -> memref<1x8x32xf32, #tpu.memory_space<hbm>>
        %dma_wait3A_341 = tpu.memref_squeeze %dma_wait3A_340 : memref<1x8x32xf32, #tpu.memory_space<hbm>> -> memref<8x32xf32, #tpu.memory_space<hbm>>
        %dma_wait3A_342 = arith.constant 0 : i32
        %dma_wait3A_343 = arith.constant 0 : i32
        %dma_wait3A_344 = tpu.memref_slice %arg10[%dma_wait3A_342, %dma_wait3A_343] : memref<512x32xf32, #tpu.memory_space<vmem>> -> memref<8x32xf32, #tpu.memory_space<vmem>>
        %dma_wait3A_345 = arith.constant 0 : i32
        %dma_wait3A_346 = arith.constant 0 : i32
        %dma_wait3A_347 = tpu.memref_slice %arg5[%dma_wait3A_334, %dma_wait3A_345, %dma_wait3A_346] : memref<125000x8x32xf32, #tpu.memory_space<hbm>> -> memref<1x8x32xf32, #tpu.memory_space<hbm>>
        %dma_wait3A_348 = tpu.memref_squeeze %dma_wait3A_347 : memref<1x8x32xf32, #tpu.memory_space<hbm>> -> memref<8x32xf32, #tpu.memory_space<hbm>>
        tpu.wait_dma2 semaphore(%arg12 : memref<!tpu.dma_semaphore, #tpu.memory_space<semaphore_mem>>) src(%dma_wait3A_348 : memref<8x32xf32, #tpu.memory_space<hbm>>) dst(%dma_wait3A_344 : memref<8x32xf32, #tpu.memory_space<vmem>>)
        %dma_wait3A_349 = arith.constant 0 : i32
        %dma_wait3A_350 = arith.constant 0 : i32
        %dma_wait3A_351 = arith.constant 0 : i32
        %dma_wait3A_352 = tpu.memref_slice %arg10[%dma_wait3A_350, %dma_wait3A_351] : memref<512x32xf32, #tpu.memory_space<vmem>> -> memref<8x32xf32, #tpu.memory_space<vmem>>
        %dma_wait3A_353 = arith.constant 0 : i32
        %dma_wait3A_354 = arith.constant 0 : i32
        %dma_wait3A_355 = tpu.memref_slice %arg5[%dma_wait3A_349, %dma_wait3A_353, %dma_wait3A_354] : memref<125000x8x32xf32, #tpu.memory_space<hbm>> -> memref<1x8x32xf32, #tpu.memory_space<hbm>>
        %dma_wait3A_356 = tpu.memref_squeeze %dma_wait3A_355 : memref<1x8x32xf32, #tpu.memory_space<hbm>> -> memref<8x32xf32, #tpu.memory_space<hbm>>
        %dma_wait3A_357 = arith.constant 0 : i32
        %dma_wait3A_358 = arith.constant 0 : i32
        %dma_wait3A_359 = tpu.memref_slice %arg10[%dma_wait3A_357, %dma_wait3A_358] : memref<512x32xf32, #tpu.memory_space<vmem>> -> memref<8x32xf32, #tpu.memory_space<vmem>>
        %dma_wait3A_360 = arith.constant 0 : i32
        %dma_wait3A_361 = arith.constant 0 : i32
        %dma_wait3A_362 = tpu.memref_slice %arg5[%dma_wait3A_349, %dma_wait3A_360, %dma_wait3A_361] : memref<125000x8x32xf32, #tpu.memory_space<hbm>> -> memref<1x8x32xf32, #tpu.memory_space<hbm>>
        %dma_wait3A_363 = tpu.memref_squeeze %dma_wait3A_362 : memref<1x8x32xf32, #tpu.memory_space<hbm>> -> memref<8x32xf32, #tpu.memory_space<hbm>>
        tpu.wait_dma2 semaphore(%arg13 : memref<!tpu.dma_semaphore, #tpu.memory_space<semaphore_mem>>) src(%dma_wait3A_363 : memref<8x32xf32, #tpu.memory_space<hbm>>) dst(%dma_wait3A_359 : memref<8x32xf32, #tpu.memory_space<vmem>>)
        %dma_wait3A_364 = arith.constant 0 : i32
        %dma_wait3A_365 = arith.constant 0 : i32
        %dma_wait3A_366 = arith.constant 0 : i32
        %dma_wait3A_367 = tpu.memref_slice %arg10[%dma_wait3A_365, %dma_wait3A_366] : memref<512x32xf32, #tpu.memory_space<vmem>> -> memref<8x32xf32, #tpu.memory_space<vmem>>
        %dma_wait3A_368 = arith.constant 0 : i32
        %dma_wait3A_369 = arith.constant 0 : i32
        %dma_wait3A_370 = tpu.memref_slice %arg5[%dma_wait3A_364, %dma_wait3A_368, %dma_wait3A_369] : memref<125000x8x32xf32, #tpu.memory_space<hbm>> -> memref<1x8x32xf32, #tpu.memory_space<hbm>>
        %dma_wait3A_371 = tpu.memref_squeeze %dma_wait3A_370 : memref<1x8x32xf32, #tpu.memory_space<hbm>> -> memref<8x32xf32, #tpu.memory_space<hbm>>
        %dma_wait3A_372 = arith.constant 0 : i32
        %dma_wait3A_373 = arith.constant 0 : i32
        %dma_wait3A_374 = tpu.memref_slice %arg10[%dma_wait3A_372, %dma_wait3A_373] : memref<512x32xf32, #tpu.memory_space<vmem>> -> memref<8x32xf32, #tpu.memory_space<vmem>>
        %dma_wait3A_375 = arith.constant 0 : i32
        %dma_wait3A_376 = arith.constant 0 : i32
        %dma_wait3A_377 = tpu.memref_slice %arg5[%dma_wait3A_364, %dma_wait3A_375, %dma_wait3A_376] : memref<125000x8x32xf32, #tpu.memory_space<hbm>> -> memref<1x8x32xf32, #tpu.memory_space<hbm>>
        %dma_wait3A_378 = tpu.memref_squeeze %dma_wait3A_377 : memref<1x8x32xf32, #tpu.memory_space<hbm>> -> memref<8x32xf32, #tpu.memory_space<hbm>>
        tpu.wait_dma2 semaphore(%arg12 : memref<!tpu.dma_semaphore, #tpu.memory_space<semaphore_mem>>) src(%dma_wait3A_378 : memref<8x32xf32, #tpu.memory_space<hbm>>) dst(%dma_wait3A_374 : memref<8x32xf32, #tpu.memory_space<vmem>>)
        %dma_wait3A_379 = arith.constant 0 : i32
        %dma_wait3A_380 = arith.constant 0 : i32
        %dma_wait3A_381 = arith.constant 0 : i32
        %dma_wait3A_382 = tpu.memref_slice %arg10[%dma_wait3A_380, %dma_wait3A_381] : memref<512x32xf32, #tpu.memory_space<vmem>> -> memref<8x32xf32, #tpu.memory_space<vmem>>
        %dma_wait3A_383 = arith.constant 0 : i32
        %dma_wait3A_384 = arith.constant 0 : i32
        %dma_wait3A_385 = tpu.memref_slice %arg5[%dma_wait3A_379, %dma_wait3A_383, %dma_wait3A_384] : memref<125000x8x32xf32, #tpu.memory_space<hbm>> -> memref<1x8x32xf32, #tpu.memory_space<hbm>>
        %dma_wait3A_386 = tpu.memref_squeeze %dma_wait3A_385 : memref<1x8x32xf32, #tpu.memory_space<hbm>> -> memref<8x32xf32, #tpu.memory_space<hbm>>
        %dma_wait3A_387 = arith.constant 0 : i32
        %dma_wait3A_388 = arith.constant 0 : i32
        %dma_wait3A_389 = tpu.memref_slice %arg10[%dma_wait3A_387, %dma_wait3A_388] : memref<512x32xf32, #tpu.memory_space<vmem>> -> memref<8x32xf32, #tpu.memory_space<vmem>>
        %dma_wait3A_390 = arith.constant 0 : i32
        %dma_wait3A_391 = arith.constant 0 : i32
        %dma_wait3A_392 = tpu.memref_slice %arg5[%dma_wait3A_379, %dma_wait3A_390, %dma_wait3A_391] : memref<125000x8x32xf32, #tpu.memory_space<hbm>> -> memref<1x8x32xf32, #tpu.memory_space<hbm>>
        %dma_wait3A_393 = tpu.memref_squeeze %dma_wait3A_392 : memref<1x8x32xf32, #tpu.memory_space<hbm>> -> memref<8x32xf32, #tpu.memory_space<hbm>>
        tpu.wait_dma2 semaphore(%arg13 : memref<!tpu.dma_semaphore, #tpu.memory_space<semaphore_mem>>) src(%dma_wait3A_393 : memref<8x32xf32, #tpu.memory_space<hbm>>) dst(%dma_wait3A_389 : memref<8x32xf32, #tpu.memory_space<vmem>>)
        %dma_wait3A_394 = arith.constant 0 : i32
        %dma_wait3A_395 = arith.constant 0 : i32
        %dma_wait3A_396 = arith.constant 0 : i32
        %dma_wait3A_397 = tpu.memref_slice %arg10[%dma_wait3A_395, %dma_wait3A_396] : memref<512x32xf32, #tpu.memory_space<vmem>> -> memref<8x32xf32, #tpu.memory_space<vmem>>
        %dma_wait3A_398 = arith.constant 0 : i32
        %dma_wait3A_399 = arith.constant 0 : i32
        %dma_wait3A_400 = tpu.memref_slice %arg5[%dma_wait3A_394, %dma_wait3A_398, %dma_wait3A_399] : memref<125000x8x32xf32, #tpu.memory_space<hbm>> -> memref<1x8x32xf32, #tpu.memory_space<hbm>>
        %dma_wait3A_401 = tpu.memref_squeeze %dma_wait3A_400 : memref<1x8x32xf32, #tpu.memory_space<hbm>> -> memref<8x32xf32, #tpu.memory_space<hbm>>
        %dma_wait3A_402 = arith.constant 0 : i32
        %dma_wait3A_403 = arith.constant 0 : i32
        %dma_wait3A_404 = tpu.memref_slice %arg10[%dma_wait3A_402, %dma_wait3A_403] : memref<512x32xf32, #tpu.memory_space<vmem>> -> memref<8x32xf32, #tpu.memory_space<vmem>>
        %dma_wait3A_405 = arith.constant 0 : i32
        %dma_wait3A_406 = arith.constant 0 : i32
        %dma_wait3A_407 = tpu.memref_slice %arg5[%dma_wait3A_394, %dma_wait3A_405, %dma_wait3A_406] : memref<125000x8x32xf32, #tpu.memory_space<hbm>> -> memref<1x8x32xf32, #tpu.memory_space<hbm>>
        %dma_wait3A_408 = tpu.memref_squeeze %dma_wait3A_407 : memref<1x8x32xf32, #tpu.memory_space<hbm>> -> memref<8x32xf32, #tpu.memory_space<hbm>>
        tpu.wait_dma2 semaphore(%arg12 : memref<!tpu.dma_semaphore, #tpu.memory_space<semaphore_mem>>) src(%dma_wait3A_408 : memref<8x32xf32, #tpu.memory_space<hbm>>) dst(%dma_wait3A_404 : memref<8x32xf32, #tpu.memory_space<vmem>>)
        %dma_wait3A_409 = arith.constant 0 : i32
        %dma_wait3A_410 = arith.constant 0 : i32
        %dma_wait3A_411 = arith.constant 0 : i32
        %dma_wait3A_412 = tpu.memref_slice %arg10[%dma_wait3A_410, %dma_wait3A_411] : memref<512x32xf32, #tpu.memory_space<vmem>> -> memref<8x32xf32, #tpu.memory_space<vmem>>
        %dma_wait3A_413 = arith.constant 0 : i32
        %dma_wait3A_414 = arith.constant 0 : i32
        %dma_wait3A_415 = tpu.memref_slice %arg5[%dma_wait3A_409, %dma_wait3A_413, %dma_wait3A_414] : memref<125000x8x32xf32, #tpu.memory_space<hbm>> -> memref<1x8x32xf32, #tpu.memory_space<hbm>>
        %dma_wait3A_416 = tpu.memref_squeeze %dma_wait3A_415 : memref<1x8x32xf32, #tpu.memory_space<hbm>> -> memref<8x32xf32, #tpu.memory_space<hbm>>
        %dma_wait3A_417 = arith.constant 0 : i32
        %dma_wait3A_418 = arith.constant 0 : i32
        %dma_wait3A_419 = tpu.memref_slice %arg10[%dma_wait3A_417, %dma_wait3A_418] : memref<512x32xf32, #tpu.memory_space<vmem>> -> memref<8x32xf32, #tpu.memory_space<vmem>>
        %dma_wait3A_420 = arith.constant 0 : i32
        %dma_wait3A_421 = arith.constant 0 : i32
        %dma_wait3A_422 = tpu.memref_slice %arg5[%dma_wait3A_409, %dma_wait3A_420, %dma_wait3A_421] : memref<125000x8x32xf32, #tpu.memory_space<hbm>> -> memref<1x8x32xf32, #tpu.memory_space<hbm>>
        %dma_wait3A_423 = tpu.memref_squeeze %dma_wait3A_422 : memref<1x8x32xf32, #tpu.memory_space<hbm>> -> memref<8x32xf32, #tpu.memory_space<hbm>>
        tpu.wait_dma2 semaphore(%arg13 : memref<!tpu.dma_semaphore, #tpu.memory_space<semaphore_mem>>) src(%dma_wait3A_423 : memref<8x32xf32, #tpu.memory_space<hbm>>) dst(%dma_wait3A_419 : memref<8x32xf32, #tpu.memory_space<vmem>>)
        %dma_wait3A_424 = arith.constant 0 : i32
        %dma_wait3A_425 = arith.constant 0 : i32
        %dma_wait3A_426 = arith.constant 0 : i32
        %dma_wait3A_427 = tpu.memref_slice %arg10[%dma_wait3A_425, %dma_wait3A_426] : memref<512x32xf32, #tpu.memory_space<vmem>> -> memref<8x32xf32, #tpu.memory_space<vmem>>
        %dma_wait3A_428 = arith.constant 0 : i32
        %dma_wait3A_429 = arith.constant 0 : i32
        %dma_wait3A_430 = tpu.memref_slice %arg5[%dma_wait3A_424, %dma_wait3A_428, %dma_wait3A_429] : memref<125000x8x32xf32, #tpu.memory_space<hbm>> -> memref<1x8x32xf32, #tpu.memory_space<hbm>>
        %dma_wait3A_431 = tpu.memref_squeeze %dma_wait3A_430 : memref<1x8x32xf32, #tpu.memory_space<hbm>> -> memref<8x32xf32, #tpu.memory_space<hbm>>
        %dma_wait3A_432 = arith.constant 0 : i32
        %dma_wait3A_433 = arith.constant 0 : i32
        %dma_wait3A_434 = tpu.memref_slice %arg10[%dma_wait3A_432, %dma_wait3A_433] : memref<512x32xf32, #tpu.memory_space<vmem>> -> memref<8x32xf32, #tpu.memory_space<vmem>>
        %dma_wait3A_435 = arith.constant 0 : i32
        %dma_wait3A_436 = arith.constant 0 : i32
        %dma_wait3A_437 = tpu.memref_slice %arg5[%dma_wait3A_424, %dma_wait3A_435, %dma_wait3A_436] : memref<125000x8x32xf32, #tpu.memory_space<hbm>> -> memref<1x8x32xf32, #tpu.memory_space<hbm>>
        %dma_wait3A_438 = tpu.memref_squeeze %dma_wait3A_437 : memref<1x8x32xf32, #tpu.memory_space<hbm>> -> memref<8x32xf32, #tpu.memory_space<hbm>>
        tpu.wait_dma2 semaphore(%arg12 : memref<!tpu.dma_semaphore, #tpu.memory_space<semaphore_mem>>) src(%dma_wait3A_438 : memref<8x32xf32, #tpu.memory_space<hbm>>) dst(%dma_wait3A_434 : memref<8x32xf32, #tpu.memory_space<vmem>>)
        %dma_wait3A_439 = arith.constant 0 : i32
        %dma_wait3A_440 = arith.constant 0 : i32
        %dma_wait3A_441 = arith.constant 0 : i32
        %dma_wait3A_442 = tpu.memref_slice %arg10[%dma_wait3A_440, %dma_wait3A_441] : memref<512x32xf32, #tpu.memory_space<vmem>> -> memref<8x32xf32, #tpu.memory_space<vmem>>
        %dma_wait3A_443 = arith.constant 0 : i32
        %dma_wait3A_444 = arith.constant 0 : i32
        %dma_wait3A_445 = tpu.memref_slice %arg5[%dma_wait3A_439, %dma_wait3A_443, %dma_wait3A_444] : memref<125000x8x32xf32, #tpu.memory_space<hbm>> -> memref<1x8x32xf32, #tpu.memory_space<hbm>>
        %dma_wait3A_446 = tpu.memref_squeeze %dma_wait3A_445 : memref<1x8x32xf32, #tpu.memory_space<hbm>> -> memref<8x32xf32, #tpu.memory_space<hbm>>
        %dma_wait3A_447 = arith.constant 0 : i32
        %dma_wait3A_448 = arith.constant 0 : i32
        %dma_wait3A_449 = tpu.memref_slice %arg10[%dma_wait3A_447, %dma_wait3A_448] : memref<512x32xf32, #tpu.memory_space<vmem>> -> memref<8x32xf32, #tpu.memory_space<vmem>>
        %dma_wait3A_450 = arith.constant 0 : i32
        %dma_wait3A_451 = arith.constant 0 : i32
        %dma_wait3A_452 = tpu.memref_slice %arg5[%dma_wait3A_439, %dma_wait3A_450, %dma_wait3A_451] : memref<125000x8x32xf32, #tpu.memory_space<hbm>> -> memref<1x8x32xf32, #tpu.memory_space<hbm>>
        %dma_wait3A_453 = tpu.memref_squeeze %dma_wait3A_452 : memref<1x8x32xf32, #tpu.memory_space<hbm>> -> memref<8x32xf32, #tpu.memory_space<hbm>>
        tpu.wait_dma2 semaphore(%arg13 : memref<!tpu.dma_semaphore, #tpu.memory_space<semaphore_mem>>) src(%dma_wait3A_453 : memref<8x32xf32, #tpu.memory_space<hbm>>) dst(%dma_wait3A_449 : memref<8x32xf32, #tpu.memory_space<vmem>>)
        %dma_wait3A_454 = arith.constant 0 : i32
        %dma_wait3A_455 = arith.constant 0 : i32
        %dma_wait3A_456 = arith.constant 0 : i32
        %dma_wait3A_457 = tpu.memref_slice %arg10[%dma_wait3A_455, %dma_wait3A_456] : memref<512x32xf32, #tpu.memory_space<vmem>> -> memref<8x32xf32, #tpu.memory_space<vmem>>
        %dma_wait3A_458 = arith.constant 0 : i32
        %dma_wait3A_459 = arith.constant 0 : i32
        %dma_wait3A_460 = tpu.memref_slice %arg5[%dma_wait3A_454, %dma_wait3A_458, %dma_wait3A_459] : memref<125000x8x32xf32, #tpu.memory_space<hbm>> -> memref<1x8x32xf32, #tpu.memory_space<hbm>>
        %dma_wait3A_461 = tpu.memref_squeeze %dma_wait3A_460 : memref<1x8x32xf32, #tpu.memory_space<hbm>> -> memref<8x32xf32, #tpu.memory_space<hbm>>
        %dma_wait3A_462 = arith.constant 0 : i32
        %dma_wait3A_463 = arith.constant 0 : i32
        %dma_wait3A_464 = tpu.memref_slice %arg10[%dma_wait3A_462, %dma_wait3A_463] : memref<512x32xf32, #tpu.memory_space<vmem>> -> memref<8x32xf32, #tpu.memory_space<vmem>>
        %dma_wait3A_465 = arith.constant 0 : i32
        %dma_wait3A_466 = arith.constant 0 : i32
        %dma_wait3A_467 = tpu.memref_slice %arg5[%dma_wait3A_454, %dma_wait3A_465, %dma_wait3A_466] : memref<125000x8x32xf32, #tpu.memory_space<hbm>> -> memref<1x8x32xf32, #tpu.memory_space<hbm>>
        %dma_wait3A_468 = tpu.memref_squeeze %dma_wait3A_467 : memref<1x8x32xf32, #tpu.memory_space<hbm>> -> memref<8x32xf32, #tpu.memory_space<hbm>>
        tpu.wait_dma2 semaphore(%arg12 : memref<!tpu.dma_semaphore, #tpu.memory_space<semaphore_mem>>) src(%dma_wait3A_468 : memref<8x32xf32, #tpu.memory_space<hbm>>) dst(%dma_wait3A_464 : memref<8x32xf32, #tpu.memory_space<vmem>>)
        %dma_wait3A_469 = arith.constant 0 : i32
        %dma_wait3A_470 = arith.constant 0 : i32
        %dma_wait3A_471 = arith.constant 0 : i32
        %dma_wait3A_472 = tpu.memref_slice %arg10[%dma_wait3A_470, %dma_wait3A_471] : memref<512x32xf32, #tpu.memory_space<vmem>> -> memref<8x32xf32, #tpu.memory_space<vmem>>
        %dma_wait3A_473 = arith.constant 0 : i32
        %dma_wait3A_474 = arith.constant 0 : i32
        %dma_wait3A_475 = tpu.memref_slice %arg5[%dma_wait3A_469, %dma_wait3A_473, %dma_wait3A_474] : memref<125000x8x32xf32, #tpu.memory_space<hbm>> -> memref<1x8x32xf32, #tpu.memory_space<hbm>>
        %dma_wait3A_476 = tpu.memref_squeeze %dma_wait3A_475 : memref<1x8x32xf32, #tpu.memory_space<hbm>> -> memref<8x32xf32, #tpu.memory_space<hbm>>
        %dma_wait3A_477 = arith.constant 0 : i32
        %dma_wait3A_478 = arith.constant 0 : i32
        %dma_wait3A_479 = tpu.memref_slice %arg10[%dma_wait3A_477, %dma_wait3A_478] : memref<512x32xf32, #tpu.memory_space<vmem>> -> memref<8x32xf32, #tpu.memory_space<vmem>>
        %dma_wait3A_480 = arith.constant 0 : i32
        %dma_wait3A_481 = arith.constant 0 : i32
        %dma_wait3A_482 = tpu.memref_slice %arg5[%dma_wait3A_469, %dma_wait3A_480, %dma_wait3A_481] : memref<125000x8x32xf32, #tpu.memory_space<hbm>> -> memref<1x8x32xf32, #tpu.memory_space<hbm>>
        %dma_wait3A_483 = tpu.memref_squeeze %dma_wait3A_482 : memref<1x8x32xf32, #tpu.memory_space<hbm>> -> memref<8x32xf32, #tpu.memory_space<hbm>>
        tpu.wait_dma2 semaphore(%arg13 : memref<!tpu.dma_semaphore, #tpu.memory_space<semaphore_mem>>) src(%dma_wait3A_483 : memref<8x32xf32, #tpu.memory_space<hbm>>) dst(%dma_wait3A_479 : memref<8x32xf32, #tpu.memory_space<vmem>>)
        %dma_wait3A_484 = arith.constant 0 : i32
        %dma_wait3A_485 = arith.constant 0 : i32
        %dma_wait3A_486 = arith.constant 0 : i32
        %dma_wait3A_487 = tpu.memref_slice %arg10[%dma_wait3A_485, %dma_wait3A_486] : memref<512x32xf32, #tpu.memory_space<vmem>> -> memref<8x32xf32, #tpu.memory_space<vmem>>
        %dma_wait3A_488 = arith.constant 0 : i32
        %dma_wait3A_489 = arith.constant 0 : i32
        %dma_wait3A_490 = tpu.memref_slice %arg5[%dma_wait3A_484, %dma_wait3A_488, %dma_wait3A_489] : memref<125000x8x32xf32, #tpu.memory_space<hbm>> -> memref<1x8x32xf32, #tpu.memory_space<hbm>>
        %dma_wait3A_491 = tpu.memref_squeeze %dma_wait3A_490 : memref<1x8x32xf32, #tpu.memory_space<hbm>> -> memref<8x32xf32, #tpu.memory_space<hbm>>
        %dma_wait3A_492 = arith.constant 0 : i32
        %dma_wait3A_493 = arith.constant 0 : i32
        %dma_wait3A_494 = tpu.memref_slice %arg10[%dma_wait3A_492, %dma_wait3A_493] : memref<512x32xf32, #tpu.memory_space<vmem>> -> memref<8x32xf32, #tpu.memory_space<vmem>>
        %dma_wait3A_495 = arith.constant 0 : i32
        %dma_wait3A_496 = arith.constant 0 : i32
        %dma_wait3A_497 = tpu.memref_slice %arg5[%dma_wait3A_484, %dma_wait3A_495, %dma_wait3A_496] : memref<125000x8x32xf32, #tpu.memory_space<hbm>> -> memref<1x8x32xf32, #tpu.memory_space<hbm>>
        %dma_wait3A_498 = tpu.memref_squeeze %dma_wait3A_497 : memref<1x8x32xf32, #tpu.memory_space<hbm>> -> memref<8x32xf32, #tpu.memory_space<hbm>>
        tpu.wait_dma2 semaphore(%arg12 : memref<!tpu.dma_semaphore, #tpu.memory_space<semaphore_mem>>) src(%dma_wait3A_498 : memref<8x32xf32, #tpu.memory_space<hbm>>) dst(%dma_wait3A_494 : memref<8x32xf32, #tpu.memory_space<vmem>>)
        %dma_wait3A_499 = arith.constant 0 : i32
        %dma_wait3A_500 = arith.constant 0 : i32
        %dma_wait3A_501 = arith.constant 0 : i32
        %dma_wait3A_502 = tpu.memref_slice %arg10[%dma_wait3A_500, %dma_wait3A_501] : memref<512x32xf32, #tpu.memory_space<vmem>> -> memref<8x32xf32, #tpu.memory_space<vmem>>
        %dma_wait3A_503 = arith.constant 0 : i32
        %dma_wait3A_504 = arith.constant 0 : i32
        %dma_wait3A_505 = tpu.memref_slice %arg5[%dma_wait3A_499, %dma_wait3A_503, %dma_wait3A_504] : memref<125000x8x32xf32, #tpu.memory_space<hbm>> -> memref<1x8x32xf32, #tpu.memory_space<hbm>>
        %dma_wait3A_506 = tpu.memref_squeeze %dma_wait3A_505 : memref<1x8x32xf32, #tpu.memory_space<hbm>> -> memref<8x32xf32, #tpu.memory_space<hbm>>
        %dma_wait3A_507 = arith.constant 0 : i32
        %dma_wait3A_508 = arith.constant 0 : i32
        %dma_wait3A_509 = tpu.memref_slice %arg10[%dma_wait3A_507, %dma_wait3A_508] : memref<512x32xf32, #tpu.memory_space<vmem>> -> memref<8x32xf32, #tpu.memory_space<vmem>>
        %dma_wait3A_510 = arith.constant 0 : i32
        %dma_wait3A_511 = arith.constant 0 : i32
        %dma_wait3A_512 = tpu.memref_slice %arg5[%dma_wait3A_499, %dma_wait3A_510, %dma_wait3A_511] : memref<125000x8x32xf32, #tpu.memory_space<hbm>> -> memref<1x8x32xf32, #tpu.memory_space<hbm>>
        %dma_wait3A_513 = tpu.memref_squeeze %dma_wait3A_512 : memref<1x8x32xf32, #tpu.memory_space<hbm>> -> memref<8x32xf32, #tpu.memory_space<hbm>>
        tpu.wait_dma2 semaphore(%arg13 : memref<!tpu.dma_semaphore, #tpu.memory_space<semaphore_mem>>) src(%dma_wait3A_513 : memref<8x32xf32, #tpu.memory_space<hbm>>) dst(%dma_wait3A_509 : memref<8x32xf32, #tpu.memory_space<vmem>>)
        %dma_wait3A_514 = arith.constant 0 : i32
        %dma_wait3A_515 = arith.constant 0 : i32
        %dma_wait3A_516 = arith.constant 0 : i32
        %dma_wait3A_517 = tpu.memref_slice %arg10[%dma_wait3A_515, %dma_wait3A_516] : memref<512x32xf32, #tpu.memory_space<vmem>> -> memref<8x32xf32, #tpu.memory_space<vmem>>
        %dma_wait3A_518 = arith.constant 0 : i32
        %dma_wait3A_519 = arith.constant 0 : i32
        %dma_wait3A_520 = tpu.memref_slice %arg5[%dma_wait3A_514, %dma_wait3A_518, %dma_wait3A_519] : memref<125000x8x32xf32, #tpu.memory_space<hbm>> -> memref<1x8x32xf32, #tpu.memory_space<hbm>>
        %dma_wait3A_521 = tpu.memref_squeeze %dma_wait3A_520 : memref<1x8x32xf32, #tpu.memory_space<hbm>> -> memref<8x32xf32, #tpu.memory_space<hbm>>
        %dma_wait3A_522 = arith.constant 0 : i32
        %dma_wait3A_523 = arith.constant 0 : i32
        %dma_wait3A_524 = tpu.memref_slice %arg10[%dma_wait3A_522, %dma_wait3A_523] : memref<512x32xf32, #tpu.memory_space<vmem>> -> memref<8x32xf32, #tpu.memory_space<vmem>>
        %dma_wait3A_525 = arith.constant 0 : i32
        %dma_wait3A_526 = arith.constant 0 : i32
        %dma_wait3A_527 = tpu.memref_slice %arg5[%dma_wait3A_514, %dma_wait3A_525, %dma_wait3A_526] : memref<125000x8x32xf32, #tpu.memory_space<hbm>> -> memref<1x8x32xf32, #tpu.memory_space<hbm>>
        %dma_wait3A_528 = tpu.memref_squeeze %dma_wait3A_527 : memref<1x8x32xf32, #tpu.memory_space<hbm>> -> memref<8x32xf32, #tpu.memory_space<hbm>>
        tpu.wait_dma2 semaphore(%arg12 : memref<!tpu.dma_semaphore, #tpu.memory_space<semaphore_mem>>) src(%dma_wait3A_528 : memref<8x32xf32, #tpu.memory_space<hbm>>) dst(%dma_wait3A_524 : memref<8x32xf32, #tpu.memory_space<vmem>>)
        %dma_wait3A_529 = arith.constant 0 : i32
        %dma_wait3A_530 = arith.constant 0 : i32
        %dma_wait3A_531 = arith.constant 0 : i32
        %dma_wait3A_532 = tpu.memref_slice %arg10[%dma_wait3A_530, %dma_wait3A_531] : memref<512x32xf32, #tpu.memory_space<vmem>> -> memref<8x32xf32, #tpu.memory_space<vmem>>
        %dma_wait3A_533 = arith.constant 0 : i32
        %dma_wait3A_534 = arith.constant 0 : i32
        %dma_wait3A_535 = tpu.memref_slice %arg5[%dma_wait3A_529, %dma_wait3A_533, %dma_wait3A_534] : memref<125000x8x32xf32, #tpu.memory_space<hbm>> -> memref<1x8x32xf32, #tpu.memory_space<hbm>>
        %dma_wait3A_536 = tpu.memref_squeeze %dma_wait3A_535 : memref<1x8x32xf32, #tpu.memory_space<hbm>> -> memref<8x32xf32, #tpu.memory_space<hbm>>
        %dma_wait3A_537 = arith.constant 0 : i32
        %dma_wait3A_538 = arith.constant 0 : i32
        %dma_wait3A_539 = tpu.memref_slice %arg10[%dma_wait3A_537, %dma_wait3A_538] : memref<512x32xf32, #tpu.memory_space<vmem>> -> memref<8x32xf32, #tpu.memory_space<vmem>>
        %dma_wait3A_540 = arith.constant 0 : i32
        %dma_wait3A_541 = arith.constant 0 : i32
        %dma_wait3A_542 = tpu.memref_slice %arg5[%dma_wait3A_529, %dma_wait3A_540, %dma_wait3A_541] : memref<125000x8x32xf32, #tpu.memory_space<hbm>> -> memref<1x8x32xf32, #tpu.memory_space<hbm>>
        %dma_wait3A_543 = tpu.memref_squeeze %dma_wait3A_542 : memref<1x8x32xf32, #tpu.memory_space<hbm>> -> memref<8x32xf32, #tpu.memory_space<hbm>>
        tpu.wait_dma2 semaphore(%arg13 : memref<!tpu.dma_semaphore, #tpu.memory_space<semaphore_mem>>) src(%dma_wait3A_543 : memref<8x32xf32, #tpu.memory_space<hbm>>) dst(%dma_wait3A_539 : memref<8x32xf32, #tpu.memory_space<vmem>>)
        %dma_wait3A_544 = arith.constant 0 : i32
        %dma_wait3A_545 = arith.constant 0 : i32
        %dma_wait3A_546 = arith.constant 0 : i32
        %dma_wait3A_547 = tpu.memref_slice %arg10[%dma_wait3A_545, %dma_wait3A_546] : memref<512x32xf32, #tpu.memory_space<vmem>> -> memref<8x32xf32, #tpu.memory_space<vmem>>
        %dma_wait3A_548 = arith.constant 0 : i32
        %dma_wait3A_549 = arith.constant 0 : i32
        %dma_wait3A_550 = tpu.memref_slice %arg5[%dma_wait3A_544, %dma_wait3A_548, %dma_wait3A_549] : memref<125000x8x32xf32, #tpu.memory_space<hbm>> -> memref<1x8x32xf32, #tpu.memory_space<hbm>>
        %dma_wait3A_551 = tpu.memref_squeeze %dma_wait3A_550 : memref<1x8x32xf32, #tpu.memory_space<hbm>> -> memref<8x32xf32, #tpu.memory_space<hbm>>
        %dma_wait3A_552 = arith.constant 0 : i32
        %dma_wait3A_553 = arith.constant 0 : i32
        %dma_wait3A_554 = tpu.memref_slice %arg10[%dma_wait3A_552, %dma_wait3A_553] : memref<512x32xf32, #tpu.memory_space<vmem>> -> memref<8x32xf32, #tpu.memory_space<vmem>>
        %dma_wait3A_555 = arith.constant 0 : i32
        %dma_wait3A_556 = arith.constant 0 : i32
        %dma_wait3A_557 = tpu.memref_slice %arg5[%dma_wait3A_544, %dma_wait3A_555, %dma_wait3A_556] : memref<125000x8x32xf32, #tpu.memory_space<hbm>> -> memref<1x8x32xf32, #tpu.memory_space<hbm>>
        %dma_wait3A_558 = tpu.memref_squeeze %dma_wait3A_557 : memref<1x8x32xf32, #tpu.memory_space<hbm>> -> memref<8x32xf32, #tpu.memory_space<hbm>>
        tpu.wait_dma2 semaphore(%arg12 : memref<!tpu.dma_semaphore, #tpu.memory_space<semaphore_mem>>) src(%dma_wait3A_558 : memref<8x32xf32, #tpu.memory_space<hbm>>) dst(%dma_wait3A_554 : memref<8x32xf32, #tpu.memory_space<vmem>>)
        %dma_wait3A_559 = arith.constant 0 : i32
        %dma_wait3A_560 = arith.constant 0 : i32
        %dma_wait3A_561 = arith.constant 0 : i32
        %dma_wait3A_562 = tpu.memref_slice %arg10[%dma_wait3A_560, %dma_wait3A_561] : memref<512x32xf32, #tpu.memory_space<vmem>> -> memref<8x32xf32, #tpu.memory_space<vmem>>
        %dma_wait3A_563 = arith.constant 0 : i32
        %dma_wait3A_564 = arith.constant 0 : i32
        %dma_wait3A_565 = tpu.memref_slice %arg5[%dma_wait3A_559, %dma_wait3A_563, %dma_wait3A_564] : memref<125000x8x32xf32, #tpu.memory_space<hbm>> -> memref<1x8x32xf32, #tpu.memory_space<hbm>>
        %dma_wait3A_566 = tpu.memref_squeeze %dma_wait3A_565 : memref<1x8x32xf32, #tpu.memory_space<hbm>> -> memref<8x32xf32, #tpu.memory_space<hbm>>
        %dma_wait3A_567 = arith.constant 0 : i32
        %dma_wait3A_568 = arith.constant 0 : i32
        %dma_wait3A_569 = tpu.memref_slice %arg10[%dma_wait3A_567, %dma_wait3A_568] : memref<512x32xf32, #tpu.memory_space<vmem>> -> memref<8x32xf32, #tpu.memory_space<vmem>>
        %dma_wait3A_570 = arith.constant 0 : i32
        %dma_wait3A_571 = arith.constant 0 : i32
        %dma_wait3A_572 = tpu.memref_slice %arg5[%dma_wait3A_559, %dma_wait3A_570, %dma_wait3A_571] : memref<125000x8x32xf32, #tpu.memory_space<hbm>> -> memref<1x8x32xf32, #tpu.memory_space<hbm>>
        %dma_wait3A_573 = tpu.memref_squeeze %dma_wait3A_572 : memref<1x8x32xf32, #tpu.memory_space<hbm>> -> memref<8x32xf32, #tpu.memory_space<hbm>>
        tpu.wait_dma2 semaphore(%arg13 : memref<!tpu.dma_semaphore, #tpu.memory_space<semaphore_mem>>) src(%dma_wait3A_573 : memref<8x32xf32, #tpu.memory_space<hbm>>) dst(%dma_wait3A_569 : memref<8x32xf32, #tpu.memory_space<vmem>>)
        %dma_wait3A_574 = arith.constant 0 : i32
        %dma_wait3A_575 = arith.constant 0 : i32
        %dma_wait3A_576 = arith.constant 0 : i32
        %dma_wait3A_577 = tpu.memref_slice %arg10[%dma_wait3A_575, %dma_wait3A_576] : memref<512x32xf32, #tpu.memory_space<vmem>> -> memref<8x32xf32, #tpu.memory_space<vmem>>
        %dma_wait3A_578 = arith.constant 0 : i32
        %dma_wait3A_579 = arith.constant 0 : i32
        %dma_wait3A_580 = tpu.memref_slice %arg5[%dma_wait3A_574, %dma_wait3A_578, %dma_wait3A_579] : memref<125000x8x32xf32, #tpu.memory_space<hbm>> -> memref<1x8x32xf32, #tpu.memory_space<hbm>>
        %dma_wait3A_581 = tpu.memref_squeeze %dma_wait3A_580 : memref<1x8x32xf32, #tpu.memory_space<hbm>> -> memref<8x32xf32, #tpu.memory_space<hbm>>
        %dma_wait3A_582 = arith.constant 0 : i32
        %dma_wait3A_583 = arith.constant 0 : i32
        %dma_wait3A_584 = tpu.memref_slice %arg10[%dma_wait3A_582, %dma_wait3A_583] : memref<512x32xf32, #tpu.memory_space<vmem>> -> memref<8x32xf32, #tpu.memory_space<vmem>>
        %dma_wait3A_585 = arith.constant 0 : i32
        %dma_wait3A_586 = arith.constant 0 : i32
        %dma_wait3A_587 = tpu.memref_slice %arg5[%dma_wait3A_574, %dma_wait3A_585, %dma_wait3A_586] : memref<125000x8x32xf32, #tpu.memory_space<hbm>> -> memref<1x8x32xf32, #tpu.memory_space<hbm>>
        %dma_wait3A_588 = tpu.memref_squeeze %dma_wait3A_587 : memref<1x8x32xf32, #tpu.memory_space<hbm>> -> memref<8x32xf32, #tpu.memory_space<hbm>>
        tpu.wait_dma2 semaphore(%arg12 : memref<!tpu.dma_semaphore, #tpu.memory_space<semaphore_mem>>) src(%dma_wait3A_588 : memref<8x32xf32, #tpu.memory_space<hbm>>) dst(%dma_wait3A_584 : memref<8x32xf32, #tpu.memory_space<vmem>>)
        %dma_wait3A_589 = arith.constant 0 : i32
        %dma_wait3A_590 = arith.constant 0 : i32
        %dma_wait3A_591 = arith.constant 0 : i32
        %dma_wait3A_592 = tpu.memref_slice %arg10[%dma_wait3A_590, %dma_wait3A_591] : memref<512x32xf32, #tpu.memory_space<vmem>> -> memref<8x32xf32, #tpu.memory_space<vmem>>
        %dma_wait3A_593 = arith.constant 0 : i32
        %dma_wait3A_594 = arith.constant 0 : i32
        %dma_wait3A_595 = tpu.memref_slice %arg5[%dma_wait3A_589, %dma_wait3A_593, %dma_wait3A_594] : memref<125000x8x32xf32, #tpu.memory_space<hbm>> -> memref<1x8x32xf32, #tpu.memory_space<hbm>>
        %dma_wait3A_596 = tpu.memref_squeeze %dma_wait3A_595 : memref<1x8x32xf32, #tpu.memory_space<hbm>> -> memref<8x32xf32, #tpu.memory_space<hbm>>
        %dma_wait3A_597 = arith.constant 0 : i32
        %dma_wait3A_598 = arith.constant 0 : i32
        %dma_wait3A_599 = tpu.memref_slice %arg10[%dma_wait3A_597, %dma_wait3A_598] : memref<512x32xf32, #tpu.memory_space<vmem>> -> memref<8x32xf32, #tpu.memory_space<vmem>>
        %dma_wait3A_600 = arith.constant 0 : i32
        %dma_wait3A_601 = arith.constant 0 : i32
        %dma_wait3A_602 = tpu.memref_slice %arg5[%dma_wait3A_589, %dma_wait3A_600, %dma_wait3A_601] : memref<125000x8x32xf32, #tpu.memory_space<hbm>> -> memref<1x8x32xf32, #tpu.memory_space<hbm>>
        %dma_wait3A_603 = tpu.memref_squeeze %dma_wait3A_602 : memref<1x8x32xf32, #tpu.memory_space<hbm>> -> memref<8x32xf32, #tpu.memory_space<hbm>>
        tpu.wait_dma2 semaphore(%arg13 : memref<!tpu.dma_semaphore, #tpu.memory_space<semaphore_mem>>) src(%dma_wait3A_603 : memref<8x32xf32, #tpu.memory_space<hbm>>) dst(%dma_wait3A_599 : memref<8x32xf32, #tpu.memory_space<vmem>>)
        %dma_wait3A_604 = arith.constant 0 : i32
        %dma_wait3A_605 = arith.constant 0 : i32
        %dma_wait3A_606 = arith.constant 0 : i32
        %dma_wait3A_607 = tpu.memref_slice %arg10[%dma_wait3A_605, %dma_wait3A_606] : memref<512x32xf32, #tpu.memory_space<vmem>> -> memref<8x32xf32, #tpu.memory_space<vmem>>
        %dma_wait3A_608 = arith.constant 0 : i32
        %dma_wait3A_609 = arith.constant 0 : i32
        %dma_wait3A_610 = tpu.memref_slice %arg5[%dma_wait3A_604, %dma_wait3A_608, %dma_wait3A_609] : memref<125000x8x32xf32, #tpu.memory_space<hbm>> -> memref<1x8x32xf32, #tpu.memory_space<hbm>>
        %dma_wait3A_611 = tpu.memref_squeeze %dma_wait3A_610 : memref<1x8x32xf32, #tpu.memory_space<hbm>> -> memref<8x32xf32, #tpu.memory_space<hbm>>
        %dma_wait3A_612 = arith.constant 0 : i32
        %dma_wait3A_613 = arith.constant 0 : i32
        %dma_wait3A_614 = tpu.memref_slice %arg10[%dma_wait3A_612, %dma_wait3A_613] : memref<512x32xf32, #tpu.memory_space<vmem>> -> memref<8x32xf32, #tpu.memory_space<vmem>>
        %dma_wait3A_615 = arith.constant 0 : i32
        %dma_wait3A_616 = arith.constant 0 : i32
        %dma_wait3A_617 = tpu.memref_slice %arg5[%dma_wait3A_604, %dma_wait3A_615, %dma_wait3A_616] : memref<125000x8x32xf32, #tpu.memory_space<hbm>> -> memref<1x8x32xf32, #tpu.memory_space<hbm>>
        %dma_wait3A_618 = tpu.memref_squeeze %dma_wait3A_617 : memref<1x8x32xf32, #tpu.memory_space<hbm>> -> memref<8x32xf32, #tpu.memory_space<hbm>>
        tpu.wait_dma2 semaphore(%arg12 : memref<!tpu.dma_semaphore, #tpu.memory_space<semaphore_mem>>) src(%dma_wait3A_618 : memref<8x32xf32, #tpu.memory_space<hbm>>) dst(%dma_wait3A_614 : memref<8x32xf32, #tpu.memory_space<vmem>>)
        %dma_wait3A_619 = arith.constant 0 : i32
        %dma_wait3A_620 = arith.constant 0 : i32
        %dma_wait3A_621 = arith.constant 0 : i32
        %dma_wait3A_622 = tpu.memref_slice %arg10[%dma_wait3A_620, %dma_wait3A_621] : memref<512x32xf32, #tpu.memory_space<vmem>> -> memref<8x32xf32, #tpu.memory_space<vmem>>
        %dma_wait3A_623 = arith.constant 0 : i32
        %dma_wait3A_624 = arith.constant 0 : i32
        %dma_wait3A_625 = tpu.memref_slice %arg5[%dma_wait3A_619, %dma_wait3A_623, %dma_wait3A_624] : memref<125000x8x32xf32, #tpu.memory_space<hbm>> -> memref<1x8x32xf32, #tpu.memory_space<hbm>>
        %dma_wait3A_626 = tpu.memref_squeeze %dma_wait3A_625 : memref<1x8x32xf32, #tpu.memory_space<hbm>> -> memref<8x32xf32, #tpu.memory_space<hbm>>
        %dma_wait3A_627 = arith.constant 0 : i32
        %dma_wait3A_628 = arith.constant 0 : i32
        %dma_wait3A_629 = tpu.memref_slice %arg10[%dma_wait3A_627, %dma_wait3A_628] : memref<512x32xf32, #tpu.memory_space<vmem>> -> memref<8x32xf32, #tpu.memory_space<vmem>>
        %dma_wait3A_630 = arith.constant 0 : i32
        %dma_wait3A_631 = arith.constant 0 : i32
        %dma_wait3A_632 = tpu.memref_slice %arg5[%dma_wait3A_619, %dma_wait3A_630, %dma_wait3A_631] : memref<125000x8x32xf32, #tpu.memory_space<hbm>> -> memref<1x8x32xf32, #tpu.memory_space<hbm>>
        %dma_wait3A_633 = tpu.memref_squeeze %dma_wait3A_632 : memref<1x8x32xf32, #tpu.memory_space<hbm>> -> memref<8x32xf32, #tpu.memory_space<hbm>>
        tpu.wait_dma2 semaphore(%arg13 : memref<!tpu.dma_semaphore, #tpu.memory_space<semaphore_mem>>) src(%dma_wait3A_633 : memref<8x32xf32, #tpu.memory_space<hbm>>) dst(%dma_wait3A_629 : memref<8x32xf32, #tpu.memory_space<vmem>>)
        %dma_wait3A_634 = arith.constant 0 : i32
        %dma_wait3A_635 = arith.constant 0 : i32
        %dma_wait3A_636 = arith.constant 0 : i32
        %dma_wait3A_637 = tpu.memref_slice %arg10[%dma_wait3A_635, %dma_wait3A_636] : memref<512x32xf32, #tpu.memory_space<vmem>> -> memref<8x32xf32, #tpu.memory_space<vmem>>
        %dma_wait3A_638 = arith.constant 0 : i32
        %dma_wait3A_639 = arith.constant 0 : i32
        %dma_wait3A_640 = tpu.memref_slice %arg5[%dma_wait3A_634, %dma_wait3A_638, %dma_wait3A_639] : memref<125000x8x32xf32, #tpu.memory_space<hbm>> -> memref<1x8x32xf32, #tpu.memory_space<hbm>>
        %dma_wait3A_641 = tpu.memref_squeeze %dma_wait3A_640 : memref<1x8x32xf32, #tpu.memory_space<hbm>> -> memref<8x32xf32, #tpu.memory_space<hbm>>
        %dma_wait3A_642 = arith.constant 0 : i32
        %dma_wait3A_643 = arith.constant 0 : i32
        %dma_wait3A_644 = tpu.memref_slice %arg10[%dma_wait3A_642, %dma_wait3A_643] : memref<512x32xf32, #tpu.memory_space<vmem>> -> memref<8x32xf32, #tpu.memory_space<vmem>>
        %dma_wait3A_645 = arith.constant 0 : i32
        %dma_wait3A_646 = arith.constant 0 : i32
        %dma_wait3A_647 = tpu.memref_slice %arg5[%dma_wait3A_634, %dma_wait3A_645, %dma_wait3A_646] : memref<125000x8x32xf32, #tpu.memory_space<hbm>> -> memref<1x8x32xf32, #tpu.memory_space<hbm>>
        %dma_wait3A_648 = tpu.memref_squeeze %dma_wait3A_647 : memref<1x8x32xf32, #tpu.memory_space<hbm>> -> memref<8x32xf32, #tpu.memory_space<hbm>>
        tpu.wait_dma2 semaphore(%arg12 : memref<!tpu.dma_semaphore, #tpu.memory_space<semaphore_mem>>) src(%dma_wait3A_648 : memref<8x32xf32, #tpu.memory_space<hbm>>) dst(%dma_wait3A_644 : memref<8x32xf32, #tpu.memory_space<vmem>>)
        %dma_wait3A_649 = arith.constant 0 : i32
        %dma_wait3A_650 = arith.constant 0 : i32
        %dma_wait3A_651 = arith.constant 0 : i32
        %dma_wait3A_652 = tpu.memref_slice %arg10[%dma_wait3A_650, %dma_wait3A_651] : memref<512x32xf32, #tpu.memory_space<vmem>> -> memref<8x32xf32, #tpu.memory_space<vmem>>
        %dma_wait3A_653 = arith.constant 0 : i32
        %dma_wait3A_654 = arith.constant 0 : i32
        %dma_wait3A_655 = tpu.memref_slice %arg5[%dma_wait3A_649, %dma_wait3A_653, %dma_wait3A_654] : memref<125000x8x32xf32, #tpu.memory_space<hbm>> -> memref<1x8x32xf32, #tpu.memory_space<hbm>>
        %dma_wait3A_656 = tpu.memref_squeeze %dma_wait3A_655 : memref<1x8x32xf32, #tpu.memory_space<hbm>> -> memref<8x32xf32, #tpu.memory_space<hbm>>
        %dma_wait3A_657 = arith.constant 0 : i32
        %dma_wait3A_658 = arith.constant 0 : i32
        %dma_wait3A_659 = tpu.memref_slice %arg10[%dma_wait3A_657, %dma_wait3A_658] : memref<512x32xf32, #tpu.memory_space<vmem>> -> memref<8x32xf32, #tpu.memory_space<vmem>>
        %dma_wait3A_660 = arith.constant 0 : i32
        %dma_wait3A_661 = arith.constant 0 : i32
        %dma_wait3A_662 = tpu.memref_slice %arg5[%dma_wait3A_649, %dma_wait3A_660, %dma_wait3A_661] : memref<125000x8x32xf32, #tpu.memory_space<hbm>> -> memref<1x8x32xf32, #tpu.memory_space<hbm>>
        %dma_wait3A_663 = tpu.memref_squeeze %dma_wait3A_662 : memref<1x8x32xf32, #tpu.memory_space<hbm>> -> memref<8x32xf32, #tpu.memory_space<hbm>>
        tpu.wait_dma2 semaphore(%arg13 : memref<!tpu.dma_semaphore, #tpu.memory_space<semaphore_mem>>) src(%dma_wait3A_663 : memref<8x32xf32, #tpu.memory_space<hbm>>) dst(%dma_wait3A_659 : memref<8x32xf32, #tpu.memory_space<vmem>>)
        %dma_wait3A_664 = arith.constant 0 : i32
        %dma_wait3A_665 = arith.constant 0 : i32
        %dma_wait3A_666 = arith.constant 0 : i32
        %dma_wait3A_667 = tpu.memref_slice %arg10[%dma_wait3A_665, %dma_wait3A_666] : memref<512x32xf32, #tpu.memory_space<vmem>> -> memref<8x32xf32, #tpu.memory_space<vmem>>
        %dma_wait3A_668 = arith.constant 0 : i32
        %dma_wait3A_669 = arith.constant 0 : i32
        %dma_wait3A_670 = tpu.memref_slice %arg5[%dma_wait3A_664, %dma_wait3A_668, %dma_wait3A_669] : memref<125000x8x32xf32, #tpu.memory_space<hbm>> -> memref<1x8x32xf32, #tpu.memory_space<hbm>>
        %dma_wait3A_671 = tpu.memref_squeeze %dma_wait3A_670 : memref<1x8x32xf32, #tpu.memory_space<hbm>> -> memref<8x32xf32, #tpu.memory_space<hbm>>
        %dma_wait3A_672 = arith.constant 0 : i32
        %dma_wait3A_673 = arith.constant 0 : i32
        %dma_wait3A_674 = tpu.memref_slice %arg10[%dma_wait3A_672, %dma_wait3A_673] : memref<512x32xf32, #tpu.memory_space<vmem>> -> memref<8x32xf32, #tpu.memory_space<vmem>>
        %dma_wait3A_675 = arith.constant 0 : i32
        %dma_wait3A_676 = arith.constant 0 : i32
        %dma_wait3A_677 = tpu.memref_slice %arg5[%dma_wait3A_664, %dma_wait3A_675, %dma_wait3A_676] : memref<125000x8x32xf32, #tpu.memory_space<hbm>> -> memref<1x8x32xf32, #tpu.memory_space<hbm>>
        %dma_wait3A_678 = tpu.memref_squeeze %dma_wait3A_677 : memref<1x8x32xf32, #tpu.memory_space<hbm>> -> memref<8x32xf32, #tpu.memory_space<hbm>>
        tpu.wait_dma2 semaphore(%arg12 : memref<!tpu.dma_semaphore, #tpu.memory_space<semaphore_mem>>) src(%dma_wait3A_678 : memref<8x32xf32, #tpu.memory_space<hbm>>) dst(%dma_wait3A_674 : memref<8x32xf32, #tpu.memory_space<vmem>>)
        %dma_wait3A_679 = arith.constant 0 : i32
        %dma_wait3A_680 = arith.constant 0 : i32
        %dma_wait3A_681 = arith.constant 0 : i32
        %dma_wait3A_682 = tpu.memref_slice %arg10[%dma_wait3A_680, %dma_wait3A_681] : memref<512x32xf32, #tpu.memory_space<vmem>> -> memref<8x32xf32, #tpu.memory_space<vmem>>
        %dma_wait3A_683 = arith.constant 0 : i32
        %dma_wait3A_684 = arith.constant 0 : i32
        %dma_wait3A_685 = tpu.memref_slice %arg5[%dma_wait3A_679, %dma_wait3A_683, %dma_wait3A_684] : memref<125000x8x32xf32, #tpu.memory_space<hbm>> -> memref<1x8x32xf32, #tpu.memory_space<hbm>>
        %dma_wait3A_686 = tpu.memref_squeeze %dma_wait3A_685 : memref<1x8x32xf32, #tpu.memory_space<hbm>> -> memref<8x32xf32, #tpu.memory_space<hbm>>
        %dma_wait3A_687 = arith.constant 0 : i32
        %dma_wait3A_688 = arith.constant 0 : i32
        %dma_wait3A_689 = tpu.memref_slice %arg10[%dma_wait3A_687, %dma_wait3A_688] : memref<512x32xf32, #tpu.memory_space<vmem>> -> memref<8x32xf32, #tpu.memory_space<vmem>>
        %dma_wait3A_690 = arith.constant 0 : i32
        %dma_wait3A_691 = arith.constant 0 : i32
        %dma_wait3A_692 = tpu.memref_slice %arg5[%dma_wait3A_679, %dma_wait3A_690, %dma_wait3A_691] : memref<125000x8x32xf32, #tpu.memory_space<hbm>> -> memref<1x8x32xf32, #tpu.memory_space<hbm>>
        %dma_wait3A_693 = tpu.memref_squeeze %dma_wait3A_692 : memref<1x8x32xf32, #tpu.memory_space<hbm>> -> memref<8x32xf32, #tpu.memory_space<hbm>>
        tpu.wait_dma2 semaphore(%arg13 : memref<!tpu.dma_semaphore, #tpu.memory_space<semaphore_mem>>) src(%dma_wait3A_693 : memref<8x32xf32, #tpu.memory_space<hbm>>) dst(%dma_wait3A_689 : memref<8x32xf32, #tpu.memory_space<vmem>>)
        %dma_wait3A_694 = arith.constant 0 : i32
        %dma_wait3A_695 = arith.constant 0 : i32
        %dma_wait3A_696 = arith.constant 0 : i32
        %dma_wait3A_697 = tpu.memref_slice %arg10[%dma_wait3A_695, %dma_wait3A_696] : memref<512x32xf32, #tpu.memory_space<vmem>> -> memref<8x32xf32, #tpu.memory_space<vmem>>
        %dma_wait3A_698 = arith.constant 0 : i32
        %dma_wait3A_699 = arith.constant 0 : i32
        %dma_wait3A_700 = tpu.memref_slice %arg5[%dma_wait3A_694, %dma_wait3A_698, %dma_wait3A_699] : memref<125000x8x32xf32, #tpu.memory_space<hbm>> -> memref<1x8x32xf32, #tpu.memory_space<hbm>>
        %dma_wait3A_701 = tpu.memref_squeeze %dma_wait3A_700 : memref<1x8x32xf32, #tpu.memory_space<hbm>> -> memref<8x32xf32, #tpu.memory_space<hbm>>
        %dma_wait3A_702 = arith.constant 0 : i32
        %dma_wait3A_703 = arith.constant 0 : i32
        %dma_wait3A_704 = tpu.memref_slice %arg10[%dma_wait3A_702, %dma_wait3A_703] : memref<512x32xf32, #tpu.memory_space<vmem>> -> memref<8x32xf32, #tpu.memory_space<vmem>>
        %dma_wait3A_705 = arith.constant 0 : i32
        %dma_wait3A_706 = arith.constant 0 : i32
        %dma_wait3A_707 = tpu.memref_slice %arg5[%dma_wait3A_694, %dma_wait3A_705, %dma_wait3A_706] : memref<125000x8x32xf32, #tpu.memory_space<hbm>> -> memref<1x8x32xf32, #tpu.memory_space<hbm>>
        %dma_wait3A_708 = tpu.memref_squeeze %dma_wait3A_707 : memref<1x8x32xf32, #tpu.memory_space<hbm>> -> memref<8x32xf32, #tpu.memory_space<hbm>>
        tpu.wait_dma2 semaphore(%arg12 : memref<!tpu.dma_semaphore, #tpu.memory_space<semaphore_mem>>) src(%dma_wait3A_708 : memref<8x32xf32, #tpu.memory_space<hbm>>) dst(%dma_wait3A_704 : memref<8x32xf32, #tpu.memory_space<vmem>>)
        %dma_wait3A_709 = arith.constant 0 : i32
        %dma_wait3A_710 = arith.constant 0 : i32
        %dma_wait3A_711 = arith.constant 0 : i32
        %dma_wait3A_712 = tpu.memref_slice %arg10[%dma_wait3A_710, %dma_wait3A_711] : memref<512x32xf32, #tpu.memory_space<vmem>> -> memref<8x32xf32, #tpu.memory_space<vmem>>
        %dma_wait3A_713 = arith.constant 0 : i32
        %dma_wait3A_714 = arith.constant 0 : i32
        %dma_wait3A_715 = tpu.memref_slice %arg5[%dma_wait3A_709, %dma_wait3A_713, %dma_wait3A_714] : memref<125000x8x32xf32, #tpu.memory_space<hbm>> -> memref<1x8x32xf32, #tpu.memory_space<hbm>>
        %dma_wait3A_716 = tpu.memref_squeeze %dma_wait3A_715 : memref<1x8x32xf32, #tpu.memory_space<hbm>> -> memref<8x32xf32, #tpu.memory_space<hbm>>
        %dma_wait3A_717 = arith.constant 0 : i32
        %dma_wait3A_718 = arith.constant 0 : i32
        %dma_wait3A_719 = tpu.memref_slice %arg10[%dma_wait3A_717, %dma_wait3A_718] : memref<512x32xf32, #tpu.memory_space<vmem>> -> memref<8x32xf32, #tpu.memory_space<vmem>>
        %dma_wait3A_720 = arith.constant 0 : i32
        %dma_wait3A_721 = arith.constant 0 : i32
        %dma_wait3A_722 = tpu.memref_slice %arg5[%dma_wait3A_709, %dma_wait3A_720, %dma_wait3A_721] : memref<125000x8x32xf32, #tpu.memory_space<hbm>> -> memref<1x8x32xf32, #tpu.memory_space<hbm>>
        %dma_wait3A_723 = tpu.memref_squeeze %dma_wait3A_722 : memref<1x8x32xf32, #tpu.memory_space<hbm>> -> memref<8x32xf32, #tpu.memory_space<hbm>>
        tpu.wait_dma2 semaphore(%arg13 : memref<!tpu.dma_semaphore, #tpu.memory_space<semaphore_mem>>) src(%dma_wait3A_723 : memref<8x32xf32, #tpu.memory_space<hbm>>) dst(%dma_wait3A_719 : memref<8x32xf32, #tpu.memory_space<vmem>>)
        %dma_wait3A_724 = arith.constant 0 : i32
        %dma_wait3A_725 = arith.constant 0 : i32
        %dma_wait3A_726 = arith.constant 0 : i32
        %dma_wait3A_727 = tpu.memref_slice %arg10[%dma_wait3A_725, %dma_wait3A_726] : memref<512x32xf32, #tpu.memory_space<vmem>> -> memref<8x32xf32, #tpu.memory_space<vmem>>
        %dma_wait3A_728 = arith.constant 0 : i32
        %dma_wait3A_729 = arith.constant 0 : i32
        %dma_wait3A_730 = tpu.memref_slice %arg5[%dma_wait3A_724, %dma_wait3A_728, %dma_wait3A_729] : memref<125000x8x32xf32, #tpu.memory_space<hbm>> -> memref<1x8x32xf32, #tpu.memory_space<hbm>>
        %dma_wait3A_731 = tpu.memref_squeeze %dma_wait3A_730 : memref<1x8x32xf32, #tpu.memory_space<hbm>> -> memref<8x32xf32, #tpu.memory_space<hbm>>
        %dma_wait3A_732 = arith.constant 0 : i32
        %dma_wait3A_733 = arith.constant 0 : i32
        %dma_wait3A_734 = tpu.memref_slice %arg10[%dma_wait3A_732, %dma_wait3A_733] : memref<512x32xf32, #tpu.memory_space<vmem>> -> memref<8x32xf32, #tpu.memory_space<vmem>>
        %dma_wait3A_735 = arith.constant 0 : i32
        %dma_wait3A_736 = arith.constant 0 : i32
        %dma_wait3A_737 = tpu.memref_slice %arg5[%dma_wait3A_724, %dma_wait3A_735, %dma_wait3A_736] : memref<125000x8x32xf32, #tpu.memory_space<hbm>> -> memref<1x8x32xf32, #tpu.memory_space<hbm>>
        %dma_wait3A_738 = tpu.memref_squeeze %dma_wait3A_737 : memref<1x8x32xf32, #tpu.memory_space<hbm>> -> memref<8x32xf32, #tpu.memory_space<hbm>>
        tpu.wait_dma2 semaphore(%arg12 : memref<!tpu.dma_semaphore, #tpu.memory_space<semaphore_mem>>) src(%dma_wait3A_738 : memref<8x32xf32, #tpu.memory_space<hbm>>) dst(%dma_wait3A_734 : memref<8x32xf32, #tpu.memory_space<vmem>>)
        %dma_wait3A_739 = arith.constant 0 : i32
        %dma_wait3A_740 = arith.constant 0 : i32
        %dma_wait3A_741 = arith.constant 0 : i32
        %dma_wait3A_742 = tpu.memref_slice %arg10[%dma_wait3A_740, %dma_wait3A_741] : memref<512x32xf32, #tpu.memory_space<vmem>> -> memref<8x32xf32, #tpu.memory_space<vmem>>
        %dma_wait3A_743 = arith.constant 0 : i32
        %dma_wait3A_744 = arith.constant 0 : i32
        %dma_wait3A_745 = tpu.memref_slice %arg5[%dma_wait3A_739, %dma_wait3A_743, %dma_wait3A_744] : memref<125000x8x32xf32, #tpu.memory_space<hbm>> -> memref<1x8x32xf32, #tpu.memory_space<hbm>>
        %dma_wait3A_746 = tpu.memref_squeeze %dma_wait3A_745 : memref<1x8x32xf32, #tpu.memory_space<hbm>> -> memref<8x32xf32, #tpu.memory_space<hbm>>
        %dma_wait3A_747 = arith.constant 0 : i32
        %dma_wait3A_748 = arith.constant 0 : i32
        %dma_wait3A_749 = tpu.memref_slice %arg10[%dma_wait3A_747, %dma_wait3A_748] : memref<512x32xf32, #tpu.memory_space<vmem>> -> memref<8x32xf32, #tpu.memory_space<vmem>>
        %dma_wait3A_750 = arith.constant 0 : i32
        %dma_wait3A_751 = arith.constant 0 : i32
        %dma_wait3A_752 = tpu.memref_slice %arg5[%dma_wait3A_739, %dma_wait3A_750, %dma_wait3A_751] : memref<125000x8x32xf32, #tpu.memory_space<hbm>> -> memref<1x8x32xf32, #tpu.memory_space<hbm>>
        %dma_wait3A_753 = tpu.memref_squeeze %dma_wait3A_752 : memref<1x8x32xf32, #tpu.memory_space<hbm>> -> memref<8x32xf32, #tpu.memory_space<hbm>>
        tpu.wait_dma2 semaphore(%arg13 : memref<!tpu.dma_semaphore, #tpu.memory_space<semaphore_mem>>) src(%dma_wait3A_753 : memref<8x32xf32, #tpu.memory_space<hbm>>) dst(%dma_wait3A_749 : memref<8x32xf32, #tpu.memory_space<vmem>>)
        %dma_wait3A_754 = arith.constant 0 : i32
        %dma_wait3A_755 = arith.constant 0 : i32
        %dma_wait3A_756 = arith.constant 0 : i32
        %dma_wait3A_757 = tpu.memref_slice %arg10[%dma_wait3A_755, %dma_wait3A_756] : memref<512x32xf32, #tpu.memory_space<vmem>> -> memref<8x32xf32, #tpu.memory_space<vmem>>
        %dma_wait3A_758 = arith.constant 0 : i32
        %dma_wait3A_759 = arith.constant 0 : i32
        %dma_wait3A_760 = tpu.memref_slice %arg5[%dma_wait3A_754, %dma_wait3A_758, %dma_wait3A_759] : memref<125000x8x32xf32, #tpu.memory_space<hbm>> -> memref<1x8x32xf32, #tpu.memory_space<hbm>>
        %dma_wait3A_761 = tpu.memref_squeeze %dma_wait3A_760 : memref<1x8x32xf32, #tpu.memory_space<hbm>> -> memref<8x32xf32, #tpu.memory_space<hbm>>
        %dma_wait3A_762 = arith.constant 0 : i32
        %dma_wait3A_763 = arith.constant 0 : i32
        %dma_wait3A_764 = tpu.memref_slice %arg10[%dma_wait3A_762, %dma_wait3A_763] : memref<512x32xf32, #tpu.memory_space<vmem>> -> memref<8x32xf32, #tpu.memory_space<vmem>>
        %dma_wait3A_765 = arith.constant 0 : i32
        %dma_wait3A_766 = arith.constant 0 : i32
        %dma_wait3A_767 = tpu.memref_slice %arg5[%dma_wait3A_754, %dma_wait3A_765, %dma_wait3A_766] : memref<125000x8x32xf32, #tpu.memory_space<hbm>> -> memref<1x8x32xf32, #tpu.memory_space<hbm>>
        %dma_wait3A_768 = tpu.memref_squeeze %dma_wait3A_767 : memref<1x8x32xf32, #tpu.memory_space<hbm>> -> memref<8x32xf32, #tpu.memory_space<hbm>>
        tpu.wait_dma2 semaphore(%arg12 : memref<!tpu.dma_semaphore, #tpu.memory_space<semaphore_mem>>) src(%dma_wait3A_768 : memref<8x32xf32, #tpu.memory_space<hbm>>) dst(%dma_wait3A_764 : memref<8x32xf32, #tpu.memory_space<vmem>>)
        %dma_wait3A_769 = arith.constant 0 : i32
        %dma_wait3A_770 = arith.constant 0 : i32
        %dma_wait3A_771 = arith.constant 0 : i32
        %dma_wait3A_772 = tpu.memref_slice %arg10[%dma_wait3A_770, %dma_wait3A_771] : memref<512x32xf32, #tpu.memory_space<vmem>> -> memref<8x32xf32, #tpu.memory_space<vmem>>
        %dma_wait3A_773 = arith.constant 0 : i32
        %dma_wait3A_774 = arith.constant 0 : i32
        %dma_wait3A_775 = tpu.memref_slice %arg5[%dma_wait3A_769, %dma_wait3A_773, %dma_wait3A_774] : memref<125000x8x32xf32, #tpu.memory_space<hbm>> -> memref<1x8x32xf32, #tpu.memory_space<hbm>>
        %dma_wait3A_776 = tpu.memref_squeeze %dma_wait3A_775 : memref<1x8x32xf32, #tpu.memory_space<hbm>> -> memref<8x32xf32, #tpu.memory_space<hbm>>
        %dma_wait3A_777 = arith.constant 0 : i32
        %dma_wait3A_778 = arith.constant 0 : i32
        %dma_wait3A_779 = tpu.memref_slice %arg10[%dma_wait3A_777, %dma_wait3A_778] : memref<512x32xf32, #tpu.memory_space<vmem>> -> memref<8x32xf32, #tpu.memory_space<vmem>>
        %dma_wait3A_780 = arith.constant 0 : i32
        %dma_wait3A_781 = arith.constant 0 : i32
        %dma_wait3A_782 = tpu.memref_slice %arg5[%dma_wait3A_769, %dma_wait3A_780, %dma_wait3A_781] : memref<125000x8x32xf32, #tpu.memory_space<hbm>> -> memref<1x8x32xf32, #tpu.memory_space<hbm>>
        %dma_wait3A_783 = tpu.memref_squeeze %dma_wait3A_782 : memref<1x8x32xf32, #tpu.memory_space<hbm>> -> memref<8x32xf32, #tpu.memory_space<hbm>>
        tpu.wait_dma2 semaphore(%arg13 : memref<!tpu.dma_semaphore, #tpu.memory_space<semaphore_mem>>) src(%dma_wait3A_783 : memref<8x32xf32, #tpu.memory_space<hbm>>) dst(%dma_wait3A_779 : memref<8x32xf32, #tpu.memory_space<vmem>>)
        %dma_wait3A_784 = arith.constant 0 : i32
        %dma_wait3A_785 = arith.constant 0 : i32
        %dma_wait3A_786 = arith.constant 0 : i32
        %dma_wait3A_787 = tpu.memref_slice %arg10[%dma_wait3A_785, %dma_wait3A_786] : memref<512x32xf32, #tpu.memory_space<vmem>> -> memref<8x32xf32, #tpu.memory_space<vmem>>
        %dma_wait3A_788 = arith.constant 0 : i32
        %dma_wait3A_789 = arith.constant 0 : i32
        %dma_wait3A_790 = tpu.memref_slice %arg5[%dma_wait3A_784, %dma_wait3A_788, %dma_wait3A_789] : memref<125000x8x32xf32, #tpu.memory_space<hbm>> -> memref<1x8x32xf32, #tpu.memory_space<hbm>>
        %dma_wait3A_791 = tpu.memref_squeeze %dma_wait3A_790 : memref<1x8x32xf32, #tpu.memory_space<hbm>> -> memref<8x32xf32, #tpu.memory_space<hbm>>
        %dma_wait3A_792 = arith.constant 0 : i32
        %dma_wait3A_793 = arith.constant 0 : i32
        %dma_wait3A_794 = tpu.memref_slice %arg10[%dma_wait3A_792, %dma_wait3A_793] : memref<512x32xf32, #tpu.memory_space<vmem>> -> memref<8x32xf32, #tpu.memory_space<vmem>>
        %dma_wait3A_795 = arith.constant 0 : i32
        %dma_wait3A_796 = arith.constant 0 : i32
        %dma_wait3A_797 = tpu.memref_slice %arg5[%dma_wait3A_784, %dma_wait3A_795, %dma_wait3A_796] : memref<125000x8x32xf32, #tpu.memory_space<hbm>> -> memref<1x8x32xf32, #tpu.memory_space<hbm>>
        %dma_wait3A_798 = tpu.memref_squeeze %dma_wait3A_797 : memref<1x8x32xf32, #tpu.memory_space<hbm>> -> memref<8x32xf32, #tpu.memory_space<hbm>>
        tpu.wait_dma2 semaphore(%arg12 : memref<!tpu.dma_semaphore, #tpu.memory_space<semaphore_mem>>) src(%dma_wait3A_798 : memref<8x32xf32, #tpu.memory_space<hbm>>) dst(%dma_wait3A_794 : memref<8x32xf32, #tpu.memory_space<vmem>>)
        %dma_wait3A_799 = arith.constant 0 : i32
        %dma_wait3A_800 = arith.constant 0 : i32
        %dma_wait3A_801 = arith.constant 0 : i32
        %dma_wait3A_802 = tpu.memref_slice %arg10[%dma_wait3A_800, %dma_wait3A_801] : memref<512x32xf32, #tpu.memory_space<vmem>> -> memref<8x32xf32, #tpu.memory_space<vmem>>
        %dma_wait3A_803 = arith.constant 0 : i32
        %dma_wait3A_804 = arith.constant 0 : i32
        %dma_wait3A_805 = tpu.memref_slice %arg5[%dma_wait3A_799, %dma_wait3A_803, %dma_wait3A_804] : memref<125000x8x32xf32, #tpu.memory_space<hbm>> -> memref<1x8x32xf32, #tpu.memory_space<hbm>>
        %dma_wait3A_806 = tpu.memref_squeeze %dma_wait3A_805 : memref<1x8x32xf32, #tpu.memory_space<hbm>> -> memref<8x32xf32, #tpu.memory_space<hbm>>
        %dma_wait3A_807 = arith.constant 0 : i32
        %dma_wait3A_808 = arith.constant 0 : i32
        %dma_wait3A_809 = tpu.memref_slice %arg10[%dma_wait3A_807, %dma_wait3A_808] : memref<512x32xf32, #tpu.memory_space<vmem>> -> memref<8x32xf32, #tpu.memory_space<vmem>>
        %dma_wait3A_810 = arith.constant 0 : i32
        %dma_wait3A_811 = arith.constant 0 : i32
        %dma_wait3A_812 = tpu.memref_slice %arg5[%dma_wait3A_799, %dma_wait3A_810, %dma_wait3A_811] : memref<125000x8x32xf32, #tpu.memory_space<hbm>> -> memref<1x8x32xf32, #tpu.memory_space<hbm>>
        %dma_wait3A_813 = tpu.memref_squeeze %dma_wait3A_812 : memref<1x8x32xf32, #tpu.memory_space<hbm>> -> memref<8x32xf32, #tpu.memory_space<hbm>>
        tpu.wait_dma2 semaphore(%arg13 : memref<!tpu.dma_semaphore, #tpu.memory_space<semaphore_mem>>) src(%dma_wait3A_813 : memref<8x32xf32, #tpu.memory_space<hbm>>) dst(%dma_wait3A_809 : memref<8x32xf32, #tpu.memory_space<vmem>>)
        %dma_wait3A_814 = arith.constant 0 : i32
        %dma_wait3A_815 = arith.constant 0 : i32
        %dma_wait3A_816 = arith.constant 0 : i32
        %dma_wait3A_817 = tpu.memref_slice %arg10[%dma_wait3A_815, %dma_wait3A_816] : memref<512x32xf32, #tpu.memory_space<vmem>> -> memref<8x32xf32, #tpu.memory_space<vmem>>
        %dma_wait3A_818 = arith.constant 0 : i32
        %dma_wait3A_819 = arith.constant 0 : i32
        %dma_wait3A_820 = tpu.memref_slice %arg5[%dma_wait3A_814, %dma_wait3A_818, %dma_wait3A_819] : memref<125000x8x32xf32, #tpu.memory_space<hbm>> -> memref<1x8x32xf32, #tpu.memory_space<hbm>>
        %dma_wait3A_821 = tpu.memref_squeeze %dma_wait3A_820 : memref<1x8x32xf32, #tpu.memory_space<hbm>> -> memref<8x32xf32, #tpu.memory_space<hbm>>
        %dma_wait3A_822 = arith.constant 0 : i32
        %dma_wait3A_823 = arith.constant 0 : i32
        %dma_wait3A_824 = tpu.memref_slice %arg10[%dma_wait3A_822, %dma_wait3A_823] : memref<512x32xf32, #tpu.memory_space<vmem>> -> memref<8x32xf32, #tpu.memory_space<vmem>>
        %dma_wait3A_825 = arith.constant 0 : i32
        %dma_wait3A_826 = arith.constant 0 : i32
        %dma_wait3A_827 = tpu.memref_slice %arg5[%dma_wait3A_814, %dma_wait3A_825, %dma_wait3A_826] : memref<125000x8x32xf32, #tpu.memory_space<hbm>> -> memref<1x8x32xf32, #tpu.memory_space<hbm>>
        %dma_wait3A_828 = tpu.memref_squeeze %dma_wait3A_827 : memref<1x8x32xf32, #tpu.memory_space<hbm>> -> memref<8x32xf32, #tpu.memory_space<hbm>>
        tpu.wait_dma2 semaphore(%arg12 : memref<!tpu.dma_semaphore, #tpu.memory_space<semaphore_mem>>) src(%dma_wait3A_828 : memref<8x32xf32, #tpu.memory_space<hbm>>) dst(%dma_wait3A_824 : memref<8x32xf32, #tpu.memory_space<vmem>>)
        %dma_wait3A_829 = arith.constant 0 : i32
        %dma_wait3A_830 = arith.constant 0 : i32
        %dma_wait3A_831 = arith.constant 0 : i32
        %dma_wait3A_832 = tpu.memref_slice %arg10[%dma_wait3A_830, %dma_wait3A_831] : memref<512x32xf32, #tpu.memory_space<vmem>> -> memref<8x32xf32, #tpu.memory_space<vmem>>
        %dma_wait3A_833 = arith.constant 0 : i32
        %dma_wait3A_834 = arith.constant 0 : i32
        %dma_wait3A_835 = tpu.memref_slice %arg5[%dma_wait3A_829, %dma_wait3A_833, %dma_wait3A_834] : memref<125000x8x32xf32, #tpu.memory_space<hbm>> -> memref<1x8x32xf32, #tpu.memory_space<hbm>>
        %dma_wait3A_836 = tpu.memref_squeeze %dma_wait3A_835 : memref<1x8x32xf32, #tpu.memory_space<hbm>> -> memref<8x32xf32, #tpu.memory_space<hbm>>
        %dma_wait3A_837 = arith.constant 0 : i32
        %dma_wait3A_838 = arith.constant 0 : i32
        %dma_wait3A_839 = tpu.memref_slice %arg10[%dma_wait3A_837, %dma_wait3A_838] : memref<512x32xf32, #tpu.memory_space<vmem>> -> memref<8x32xf32, #tpu.memory_space<vmem>>
        %dma_wait3A_840 = arith.constant 0 : i32
        %dma_wait3A_841 = arith.constant 0 : i32
        %dma_wait3A_842 = tpu.memref_slice %arg5[%dma_wait3A_829, %dma_wait3A_840, %dma_wait3A_841] : memref<125000x8x32xf32, #tpu.memory_space<hbm>> -> memref<1x8x32xf32, #tpu.memory_space<hbm>>
        %dma_wait3A_843 = tpu.memref_squeeze %dma_wait3A_842 : memref<1x8x32xf32, #tpu.memory_space<hbm>> -> memref<8x32xf32, #tpu.memory_space<hbm>>
        tpu.wait_dma2 semaphore(%arg13 : memref<!tpu.dma_semaphore, #tpu.memory_space<semaphore_mem>>) src(%dma_wait3A_843 : memref<8x32xf32, #tpu.memory_space<hbm>>) dst(%dma_wait3A_839 : memref<8x32xf32, #tpu.memory_space<vmem>>)
        %dma_wait3A_844 = arith.constant 0 : i32
        %dma_wait3A_845 = arith.constant 0 : i32
        %dma_wait3A_846 = arith.constant 0 : i32
        %dma_wait3A_847 = tpu.memref_slice %arg10[%dma_wait3A_845, %dma_wait3A_846] : memref<512x32xf32, #tpu.memory_space<vmem>> -> memref<8x32xf32, #tpu.memory_space<vmem>>
        %dma_wait3A_848 = arith.constant 0 : i32
        %dma_wait3A_849 = arith.constant 0 : i32
        %dma_wait3A_850 = tpu.memref_slice %arg5[%dma_wait3A_844, %dma_wait3A_848, %dma_wait3A_849] : memref<125000x8x32xf32, #tpu.memory_space<hbm>> -> memref<1x8x32xf32, #tpu.memory_space<hbm>>
        %dma_wait3A_851 = tpu.memref_squeeze %dma_wait3A_850 : memref<1x8x32xf32, #tpu.memory_space<hbm>> -> memref<8x32xf32, #tpu.memory_space<hbm>>
        %dma_wait3A_852 = arith.constant 0 : i32
        %dma_wait3A_853 = arith.constant 0 : i32
        %dma_wait3A_854 = tpu.memref_slice %arg10[%dma_wait3A_852, %dma_wait3A_853] : memref<512x32xf32, #tpu.memory_space<vmem>> -> memref<8x32xf32, #tpu.memory_space<vmem>>
        %dma_wait3A_855 = arith.constant 0 : i32
        %dma_wait3A_856 = arith.constant 0 : i32
        %dma_wait3A_857 = tpu.memref_slice %arg5[%dma_wait3A_844, %dma_wait3A_855, %dma_wait3A_856] : memref<125000x8x32xf32, #tpu.memory_space<hbm>> -> memref<1x8x32xf32, #tpu.memory_space<hbm>>
        %dma_wait3A_858 = tpu.memref_squeeze %dma_wait3A_857 : memref<1x8x32xf32, #tpu.memory_space<hbm>> -> memref<8x32xf32, #tpu.memory_space<hbm>>
        tpu.wait_dma2 semaphore(%arg12 : memref<!tpu.dma_semaphore, #tpu.memory_space<semaphore_mem>>) src(%dma_wait3A_858 : memref<8x32xf32, #tpu.memory_space<hbm>>) dst(%dma_wait3A_854 : memref<8x32xf32, #tpu.memory_space<vmem>>)
        %dma_wait3A_859 = arith.constant 0 : i32
        %dma_wait3A_860 = arith.constant 0 : i32
        %dma_wait3A_861 = arith.constant 0 : i32
        %dma_wait3A_862 = tpu.memref_slice %arg10[%dma_wait3A_860, %dma_wait3A_861] : memref<512x32xf32, #tpu.memory_space<vmem>> -> memref<8x32xf32, #tpu.memory_space<vmem>>
        %dma_wait3A_863 = arith.constant 0 : i32
        %dma_wait3A_864 = arith.constant 0 : i32
        %dma_wait3A_865 = tpu.memref_slice %arg5[%dma_wait3A_859, %dma_wait3A_863, %dma_wait3A_864] : memref<125000x8x32xf32, #tpu.memory_space<hbm>> -> memref<1x8x32xf32, #tpu.memory_space<hbm>>
        %dma_wait3A_866 = tpu.memref_squeeze %dma_wait3A_865 : memref<1x8x32xf32, #tpu.memory_space<hbm>> -> memref<8x32xf32, #tpu.memory_space<hbm>>
        %dma_wait3A_867 = arith.constant 0 : i32
        %dma_wait3A_868 = arith.constant 0 : i32
        %dma_wait3A_869 = tpu.memref_slice %arg10[%dma_wait3A_867, %dma_wait3A_868] : memref<512x32xf32, #tpu.memory_space<vmem>> -> memref<8x32xf32, #tpu.memory_space<vmem>>
        %dma_wait3A_870 = arith.constant 0 : i32
        %dma_wait3A_871 = arith.constant 0 : i32
        %dma_wait3A_872 = tpu.memref_slice %arg5[%dma_wait3A_859, %dma_wait3A_870, %dma_wait3A_871] : memref<125000x8x32xf32, #tpu.memory_space<hbm>> -> memref<1x8x32xf32, #tpu.memory_space<hbm>>
        %dma_wait3A_873 = tpu.memref_squeeze %dma_wait3A_872 : memref<1x8x32xf32, #tpu.memory_space<hbm>> -> memref<8x32xf32, #tpu.memory_space<hbm>>
        tpu.wait_dma2 semaphore(%arg13 : memref<!tpu.dma_semaphore, #tpu.memory_space<semaphore_mem>>) src(%dma_wait3A_873 : memref<8x32xf32, #tpu.memory_space<hbm>>) dst(%dma_wait3A_869 : memref<8x32xf32, #tpu.memory_space<vmem>>)
        %dma_wait3A_874 = arith.constant 0 : i32
        %dma_wait3A_875 = arith.constant 0 : i32
        %dma_wait3A_876 = arith.constant 0 : i32
        %dma_wait3A_877 = tpu.memref_slice %arg10[%dma_wait3A_875, %dma_wait3A_876] : memref<512x32xf32, #tpu.memory_space<vmem>> -> memref<8x32xf32, #tpu.memory_space<vmem>>
        %dma_wait3A_878 = arith.constant 0 : i32
        %dma_wait3A_879 = arith.constant 0 : i32
        %dma_wait3A_880 = tpu.memref_slice %arg5[%dma_wait3A_874, %dma_wait3A_878, %dma_wait3A_879] : memref<125000x8x32xf32, #tpu.memory_space<hbm>> -> memref<1x8x32xf32, #tpu.memory_space<hbm>>
        %dma_wait3A_881 = tpu.memref_squeeze %dma_wait3A_880 : memref<1x8x32xf32, #tpu.memory_space<hbm>> -> memref<8x32xf32, #tpu.memory_space<hbm>>
        %dma_wait3A_882 = arith.constant 0 : i32
        %dma_wait3A_883 = arith.constant 0 : i32
        %dma_wait3A_884 = tpu.memref_slice %arg10[%dma_wait3A_882, %dma_wait3A_883] : memref<512x32xf32, #tpu.memory_space<vmem>> -> memref<8x32xf32, #tpu.memory_space<vmem>>
        %dma_wait3A_885 = arith.constant 0 : i32
        %dma_wait3A_886 = arith.constant 0 : i32
        %dma_wait3A_887 = tpu.memref_slice %arg5[%dma_wait3A_874, %dma_wait3A_885, %dma_wait3A_886] : memref<125000x8x32xf32, #tpu.memory_space<hbm>> -> memref<1x8x32xf32, #tpu.memory_space<hbm>>
        %dma_wait3A_888 = tpu.memref_squeeze %dma_wait3A_887 : memref<1x8x32xf32, #tpu.memory_space<hbm>> -> memref<8x32xf32, #tpu.memory_space<hbm>>
        tpu.wait_dma2 semaphore(%arg12 : memref<!tpu.dma_semaphore, #tpu.memory_space<semaphore_mem>>) src(%dma_wait3A_888 : memref<8x32xf32, #tpu.memory_space<hbm>>) dst(%dma_wait3A_884 : memref<8x32xf32, #tpu.memory_space<vmem>>)
        %dma_wait3A_889 = arith.constant 0 : i32
        %dma_wait3A_890 = arith.constant 0 : i32
        %dma_wait3A_891 = arith.constant 0 : i32
        %dma_wait3A_892 = tpu.memref_slice %arg10[%dma_wait3A_890, %dma_wait3A_891] : memref<512x32xf32, #tpu.memory_space<vmem>> -> memref<8x32xf32, #tpu.memory_space<vmem>>
        %dma_wait3A_893 = arith.constant 0 : i32
        %dma_wait3A_894 = arith.constant 0 : i32
        %dma_wait3A_895 = tpu.memref_slice %arg5[%dma_wait3A_889, %dma_wait3A_893, %dma_wait3A_894] : memref<125000x8x32xf32, #tpu.memory_space<hbm>> -> memref<1x8x32xf32, #tpu.memory_space<hbm>>
        %dma_wait3A_896 = tpu.memref_squeeze %dma_wait3A_895 : memref<1x8x32xf32, #tpu.memory_space<hbm>> -> memref<8x32xf32, #tpu.memory_space<hbm>>
        %dma_wait3A_897 = arith.constant 0 : i32
        %dma_wait3A_898 = arith.constant 0 : i32
        %dma_wait3A_899 = tpu.memref_slice %arg10[%dma_wait3A_897, %dma_wait3A_898] : memref<512x32xf32, #tpu.memory_space<vmem>> -> memref<8x32xf32, #tpu.memory_space<vmem>>
        %dma_wait3A_900 = arith.constant 0 : i32
        %dma_wait3A_901 = arith.constant 0 : i32
        %dma_wait3A_902 = tpu.memref_slice %arg5[%dma_wait3A_889, %dma_wait3A_900, %dma_wait3A_901] : memref<125000x8x32xf32, #tpu.memory_space<hbm>> -> memref<1x8x32xf32, #tpu.memory_space<hbm>>
        %dma_wait3A_903 = tpu.memref_squeeze %dma_wait3A_902 : memref<1x8x32xf32, #tpu.memory_space<hbm>> -> memref<8x32xf32, #tpu.memory_space<hbm>>
        tpu.wait_dma2 semaphore(%arg13 : memref<!tpu.dma_semaphore, #tpu.memory_space<semaphore_mem>>) src(%dma_wait3A_903 : memref<8x32xf32, #tpu.memory_space<hbm>>) dst(%dma_wait3A_899 : memref<8x32xf32, #tpu.memory_space<vmem>>)
        %dma_wait3A_904 = arith.constant 0 : i32
        %dma_wait3A_905 = arith.constant 0 : i32
        %dma_wait3A_906 = arith.constant 0 : i32
        %dma_wait3A_907 = tpu.memref_slice %arg10[%dma_wait3A_905, %dma_wait3A_906] : memref<512x32xf32, #tpu.memory_space<vmem>> -> memref<8x32xf32, #tpu.memory_space<vmem>>
        %dma_wait3A_908 = arith.constant 0 : i32
        %dma_wait3A_909 = arith.constant 0 : i32
        %dma_wait3A_910 = tpu.memref_slice %arg5[%dma_wait3A_904, %dma_wait3A_908, %dma_wait3A_909] : memref<125000x8x32xf32, #tpu.memory_space<hbm>> -> memref<1x8x32xf32, #tpu.memory_space<hbm>>
        %dma_wait3A_911 = tpu.memref_squeeze %dma_wait3A_910 : memref<1x8x32xf32, #tpu.memory_space<hbm>> -> memref<8x32xf32, #tpu.memory_space<hbm>>
        %dma_wait3A_912 = arith.constant 0 : i32
        %dma_wait3A_913 = arith.constant 0 : i32
        %dma_wait3A_914 = tpu.memref_slice %arg10[%dma_wait3A_912, %dma_wait3A_913] : memref<512x32xf32, #tpu.memory_space<vmem>> -> memref<8x32xf32, #tpu.memory_space<vmem>>
        %dma_wait3A_915 = arith.constant 0 : i32
        %dma_wait3A_916 = arith.constant 0 : i32
        %dma_wait3A_917 = tpu.memref_slice %arg5[%dma_wait3A_904, %dma_wait3A_915, %dma_wait3A_916] : memref<125000x8x32xf32, #tpu.memory_space<hbm>> -> memref<1x8x32xf32, #tpu.memory_space<hbm>>
        %dma_wait3A_918 = tpu.memref_squeeze %dma_wait3A_917 : memref<1x8x32xf32, #tpu.memory_space<hbm>> -> memref<8x32xf32, #tpu.memory_space<hbm>>
        tpu.wait_dma2 semaphore(%arg12 : memref<!tpu.dma_semaphore, #tpu.memory_space<semaphore_mem>>) src(%dma_wait3A_918 : memref<8x32xf32, #tpu.memory_space<hbm>>) dst(%dma_wait3A_914 : memref<8x32xf32, #tpu.memory_space<vmem>>)
        %dma_wait3A_919 = arith.constant 0 : i32
        %dma_wait3A_920 = arith.constant 0 : i32
        %dma_wait3A_921 = arith.constant 0 : i32
        %dma_wait3A_922 = tpu.memref_slice %arg10[%dma_wait3A_920, %dma_wait3A_921] : memref<512x32xf32, #tpu.memory_space<vmem>> -> memref<8x32xf32, #tpu.memory_space<vmem>>
        %dma_wait3A_923 = arith.constant 0 : i32
        %dma_wait3A_924 = arith.constant 0 : i32
        %dma_wait3A_925 = tpu.memref_slice %arg5[%dma_wait3A_919, %dma_wait3A_923, %dma_wait3A_924] : memref<125000x8x32xf32, #tpu.memory_space<hbm>> -> memref<1x8x32xf32, #tpu.memory_space<hbm>>
        %dma_wait3A_926 = tpu.memref_squeeze %dma_wait3A_925 : memref<1x8x32xf32, #tpu.memory_space<hbm>> -> memref<8x32xf32, #tpu.memory_space<hbm>>
        %dma_wait3A_927 = arith.constant 0 : i32
        %dma_wait3A_928 = arith.constant 0 : i32
        %dma_wait3A_929 = tpu.memref_slice %arg10[%dma_wait3A_927, %dma_wait3A_928] : memref<512x32xf32, #tpu.memory_space<vmem>> -> memref<8x32xf32, #tpu.memory_space<vmem>>
        %dma_wait3A_930 = arith.constant 0 : i32
        %dma_wait3A_931 = arith.constant 0 : i32
        %dma_wait3A_932 = tpu.memref_slice %arg5[%dma_wait3A_919, %dma_wait3A_930, %dma_wait3A_931] : memref<125000x8x32xf32, #tpu.memory_space<hbm>> -> memref<1x8x32xf32, #tpu.memory_space<hbm>>
        %dma_wait3A_933 = tpu.memref_squeeze %dma_wait3A_932 : memref<1x8x32xf32, #tpu.memory_space<hbm>> -> memref<8x32xf32, #tpu.memory_space<hbm>>
        tpu.wait_dma2 semaphore(%arg13 : memref<!tpu.dma_semaphore, #tpu.memory_space<semaphore_mem>>) src(%dma_wait3A_933 : memref<8x32xf32, #tpu.memory_space<hbm>>) dst(%dma_wait3A_929 : memref<8x32xf32, #tpu.memory_space<vmem>>)
        %dma_wait3A_934 = arith.constant 0 : i32
        %dma_wait3A_935 = arith.constant 0 : i32
        %dma_wait3A_936 = arith.constant 0 : i32
        %dma_wait3A_937 = tpu.memref_slice %arg10[%dma_wait3A_935, %dma_wait3A_936] : memref<512x32xf32, #tpu.memory_space<vmem>> -> memref<8x32xf32, #tpu.memory_space<vmem>>
        %dma_wait3A_938 = arith.constant 0 : i32
        %dma_wait3A_939 = arith.constant 0 : i32
        %dma_wait3A_940 = tpu.memref_slice %arg5[%dma_wait3A_934, %dma_wait3A_938, %dma_wait3A_939] : memref<125000x8x32xf32, #tpu.memory_space<hbm>> -> memref<1x8x32xf32, #tpu.memory_space<hbm>>
        %dma_wait3A_941 = tpu.memref_squeeze %dma_wait3A_940 : memref<1x8x32xf32, #tpu.memory_space<hbm>> -> memref<8x32xf32, #tpu.memory_space<hbm>>
        %dma_wait3A_942 = arith.constant 0 : i32
        %dma_wait3A_943 = arith.constant 0 : i32
        %dma_wait3A_944 = tpu.memref_slice %arg10[%dma_wait3A_942, %dma_wait3A_943] : memref<512x32xf32, #tpu.memory_space<vmem>> -> memref<8x32xf32, #tpu.memory_space<vmem>>
        %dma_wait3A_945 = arith.constant 0 : i32
        %dma_wait3A_946 = arith.constant 0 : i32
        %dma_wait3A_947 = tpu.memref_slice %arg5[%dma_wait3A_934, %dma_wait3A_945, %dma_wait3A_946] : memref<125000x8x32xf32, #tpu.memory_space<hbm>> -> memref<1x8x32xf32, #tpu.memory_space<hbm>>
        %dma_wait3A_948 = tpu.memref_squeeze %dma_wait3A_947 : memref<1x8x32xf32, #tpu.memory_space<hbm>> -> memref<8x32xf32, #tpu.memory_space<hbm>>
        tpu.wait_dma2 semaphore(%arg12 : memref<!tpu.dma_semaphore, #tpu.memory_space<semaphore_mem>>) src(%dma_wait3A_948 : memref<8x32xf32, #tpu.memory_space<hbm>>) dst(%dma_wait3A_944 : memref<8x32xf32, #tpu.memory_space<vmem>>)
        %dma_wait3A_949 = arith.constant 0 : i32
        %dma_wait3A_950 = arith.constant 0 : i32
        %dma_wait3A_951 = arith.constant 0 : i32
        %dma_wait3A_952 = tpu.memref_slice %arg10[%dma_wait3A_950, %dma_wait3A_951] : memref<512x32xf32, #tpu.memory_space<vmem>> -> memref<8x32xf32, #tpu.memory_space<vmem>>
        %dma_wait3A_953 = arith.constant 0 : i32
        %dma_wait3A_954 = arith.constant 0 : i32
        %dma_wait3A_955 = tpu.memref_slice %arg5[%dma_wait3A_949, %dma_wait3A_953, %dma_wait3A_954] : memref<125000x8x32xf32, #tpu.memory_space<hbm>> -> memref<1x8x32xf32, #tpu.memory_space<hbm>>
        %dma_wait3A_956 = tpu.memref_squeeze %dma_wait3A_955 : memref<1x8x32xf32, #tpu.memory_space<hbm>> -> memref<8x32xf32, #tpu.memory_space<hbm>>
        %dma_wait3A_957 = arith.constant 0 : i32
        %dma_wait3A_958 = arith.constant 0 : i32
        %dma_wait3A_959 = tpu.memref_slice %arg10[%dma_wait3A_957, %dma_wait3A_958] : memref<512x32xf32, #tpu.memory_space<vmem>> -> memref<8x32xf32, #tpu.memory_space<vmem>>
        %dma_wait3A_960 = arith.constant 0 : i32
        %dma_wait3A_961 = arith.constant 0 : i32
        %dma_wait3A_962 = tpu.memref_slice %arg5[%dma_wait3A_949, %dma_wait3A_960, %dma_wait3A_961] : memref<125000x8x32xf32, #tpu.memory_space<hbm>> -> memref<1x8x32xf32, #tpu.memory_space<hbm>>
        %dma_wait3A_963 = tpu.memref_squeeze %dma_wait3A_962 : memref<1x8x32xf32, #tpu.memory_space<hbm>> -> memref<8x32xf32, #tpu.memory_space<hbm>>
        tpu.wait_dma2 semaphore(%arg13 : memref<!tpu.dma_semaphore, #tpu.memory_space<semaphore_mem>>) src(%dma_wait3A_963 : memref<8x32xf32, #tpu.memory_space<hbm>>) dst(%dma_wait3A_959 : memref<8x32xf32, #tpu.memory_space<vmem>>)
        %dma_wait3A_964 = arith.constant 0 : i32
        %dma_wait3A_965 = arith.constant 0 : i32
        %dma_wait3A_966 = arith.constant 0 : i32
        %dma_wait3A_967 = tpu.memref_slice %arg10[%dma_wait3A_965, %dma_wait3A_966] : memref<512x32xf32, #tpu.memory_space<vmem>> -> memref<8x32xf32, #tpu.memory_space<vmem>>
        %dma_wait3A_968 = arith.constant 0 : i32
        %dma_wait3A_969 = arith.constant 0 : i32
        %dma_wait3A_970 = tpu.memref_slice %arg5[%dma_wait3A_964, %dma_wait3A_968, %dma_wait3A_969] : memref<125000x8x32xf32, #tpu.memory_space<hbm>> -> memref<1x8x32xf32, #tpu.memory_space<hbm>>
        %dma_wait3A_971 = tpu.memref_squeeze %dma_wait3A_970 : memref<1x8x32xf32, #tpu.memory_space<hbm>> -> memref<8x32xf32, #tpu.memory_space<hbm>>
        %dma_wait3A_972 = arith.constant 0 : i32
        %dma_wait3A_973 = arith.constant 0 : i32
        %dma_wait3A_974 = tpu.memref_slice %arg10[%dma_wait3A_972, %dma_wait3A_973] : memref<512x32xf32, #tpu.memory_space<vmem>> -> memref<8x32xf32, #tpu.memory_space<vmem>>
        %dma_wait3A_975 = arith.constant 0 : i32
        %dma_wait3A_976 = arith.constant 0 : i32
        %dma_wait3A_977 = tpu.memref_slice %arg5[%dma_wait3A_964, %dma_wait3A_975, %dma_wait3A_976] : memref<125000x8x32xf32, #tpu.memory_space<hbm>> -> memref<1x8x32xf32, #tpu.memory_space<hbm>>
        %dma_wait3A_978 = tpu.memref_squeeze %dma_wait3A_977 : memref<1x8x32xf32, #tpu.memory_space<hbm>> -> memref<8x32xf32, #tpu.memory_space<hbm>>
        tpu.wait_dma2 semaphore(%arg12 : memref<!tpu.dma_semaphore, #tpu.memory_space<semaphore_mem>>) src(%dma_wait3A_978 : memref<8x32xf32, #tpu.memory_space<hbm>>) dst(%dma_wait3A_974 : memref<8x32xf32, #tpu.memory_space<vmem>>)
        %dma_wait3A_979 = arith.constant 0 : i32
        %dma_wait3A_980 = arith.constant 0 : i32
        %dma_wait3A_981 = arith.constant 0 : i32
        %dma_wait3A_982 = tpu.memref_slice %arg10[%dma_wait3A_980, %dma_wait3A_981] : memref<512x32xf32, #tpu.memory_space<vmem>> -> memref<8x32xf32, #tpu.memory_space<vmem>>
        %dma_wait3A_983 = arith.constant 0 : i32
        %dma_wait3A_984 = arith.constant 0 : i32
        %dma_wait3A_985 = tpu.memref_slice %arg5[%dma_wait3A_979, %dma_wait3A_983, %dma_wait3A_984] : memref<125000x8x32xf32, #tpu.memory_space<hbm>> -> memref<1x8x32xf32, #tpu.memory_space<hbm>>
        %dma_wait3A_986 = tpu.memref_squeeze %dma_wait3A_985 : memref<1x8x32xf32, #tpu.memory_space<hbm>> -> memref<8x32xf32, #tpu.memory_space<hbm>>
        %dma_wait3A_987 = arith.constant 0 : i32
        %dma_wait3A_988 = arith.constant 0 : i32
        %dma_wait3A_989 = tpu.memref_slice %arg10[%dma_wait3A_987, %dma_wait3A_988] : memref<512x32xf32, #tpu.memory_space<vmem>> -> memref<8x32xf32, #tpu.memory_space<vmem>>
        %dma_wait3A_990 = arith.constant 0 : i32
        %dma_wait3A_991 = arith.constant 0 : i32
        %dma_wait3A_992 = tpu.memref_slice %arg5[%dma_wait3A_979, %dma_wait3A_990, %dma_wait3A_991] : memref<125000x8x32xf32, #tpu.memory_space<hbm>> -> memref<1x8x32xf32, #tpu.memory_space<hbm>>
        %dma_wait3A_993 = tpu.memref_squeeze %dma_wait3A_992 : memref<1x8x32xf32, #tpu.memory_space<hbm>> -> memref<8x32xf32, #tpu.memory_space<hbm>>
        tpu.wait_dma2 semaphore(%arg13 : memref<!tpu.dma_semaphore, #tpu.memory_space<semaphore_mem>>) src(%dma_wait3A_993 : memref<8x32xf32, #tpu.memory_space<hbm>>) dst(%dma_wait3A_989 : memref<8x32xf32, #tpu.memory_space<vmem>>)
        %dma_wait3A_994 = arith.constant 0 : i32
        %dma_wait3A_995 = arith.constant 0 : i32
        %dma_wait3A_996 = arith.constant 0 : i32
        %dma_wait3A_997 = tpu.memref_slice %arg10[%dma_wait3A_995, %dma_wait3A_996] : memref<512x32xf32, #tpu.memory_space<vmem>> -> memref<8x32xf32, #tpu.memory_space<vmem>>
        %dma_wait3A_998 = arith.constant 0 : i32
        %dma_wait3A_999 = arith.constant 0 : i32
        %dma_wait3A_1000 = tpu.memref_slice %arg5[%dma_wait3A_994, %dma_wait3A_998, %dma_wait3A_999] : memref<125000x8x32xf32, #tpu.memory_space<hbm>> -> memref<1x8x32xf32, #tpu.memory_space<hbm>>
        %dma_wait3A_1001 = tpu.memref_squeeze %dma_wait3A_1000 : memref<1x8x32xf32, #tpu.memory_space<hbm>> -> memref<8x32xf32, #tpu.memory_space<hbm>>
        %dma_wait3A_1002 = arith.constant 0 : i32
        %dma_wait3A_1003 = arith.constant 0 : i32
        %dma_wait3A_1004 = tpu.memref_slice %arg10[%dma_wait3A_1002, %dma_wait3A_1003] : memref<512x32xf32, #tpu.memory_space<vmem>> -> memref<8x32xf32, #tpu.memory_space<vmem>>
        %dma_wait3A_1005 = arith.constant 0 : i32
        %dma_wait3A_1006 = arith.constant 0 : i32
        %dma_wait3A_1007 = tpu.memref_slice %arg5[%dma_wait3A_994, %dma_wait3A_1005, %dma_wait3A_1006] : memref<125000x8x32xf32, #tpu.memory_space<hbm>> -> memref<1x8x32xf32, #tpu.memory_space<hbm>>
        %dma_wait3A_1008 = tpu.memref_squeeze %dma_wait3A_1007 : memref<1x8x32xf32, #tpu.memory_space<hbm>> -> memref<8x32xf32, #tpu.memory_space<hbm>>
        tpu.wait_dma2 semaphore(%arg12 : memref<!tpu.dma_semaphore, #tpu.memory_space<semaphore_mem>>) src(%dma_wait3A_1008 : memref<8x32xf32, #tpu.memory_space<hbm>>) dst(%dma_wait3A_1004 : memref<8x32xf32, #tpu.memory_space<vmem>>)
        %dma_wait3A_1009 = arith.constant 0 : i32
        %dma_wait3A_1010 = arith.constant 0 : i32
        %dma_wait3A_1011 = arith.constant 0 : i32
        %dma_wait3A_1012 = tpu.memref_slice %arg10[%dma_wait3A_1010, %dma_wait3A_1011] : memref<512x32xf32, #tpu.memory_space<vmem>> -> memref<8x32xf32, #tpu.memory_space<vmem>>
        %dma_wait3A_1013 = arith.constant 0 : i32
        %dma_wait3A_1014 = arith.constant 0 : i32
        %dma_wait3A_1015 = tpu.memref_slice %arg5[%dma_wait3A_1009, %dma_wait3A_1013, %dma_wait3A_1014] : memref<125000x8x32xf32, #tpu.memory_space<hbm>> -> memref<1x8x32xf32, #tpu.memory_space<hbm>>
        %dma_wait3A_1016 = tpu.memref_squeeze %dma_wait3A_1015 : memref<1x8x32xf32, #tpu.memory_space<hbm>> -> memref<8x32xf32, #tpu.memory_space<hbm>>
        %dma_wait3A_1017 = arith.constant 0 : i32
        %dma_wait3A_1018 = arith.constant 0 : i32
        %dma_wait3A_1019 = tpu.memref_slice %arg10[%dma_wait3A_1017, %dma_wait3A_1018] : memref<512x32xf32, #tpu.memory_space<vmem>> -> memref<8x32xf32, #tpu.memory_space<vmem>>
        %dma_wait3A_1020 = arith.constant 0 : i32
        %dma_wait3A_1021 = arith.constant 0 : i32
        %dma_wait3A_1022 = tpu.memref_slice %arg5[%dma_wait3A_1009, %dma_wait3A_1020, %dma_wait3A_1021] : memref<125000x8x32xf32, #tpu.memory_space<hbm>> -> memref<1x8x32xf32, #tpu.memory_space<hbm>>
        %dma_wait3A_1023 = tpu.memref_squeeze %dma_wait3A_1022 : memref<1x8x32xf32, #tpu.memory_space<hbm>> -> memref<8x32xf32, #tpu.memory_space<hbm>>
        tpu.wait_dma2 semaphore(%arg13 : memref<!tpu.dma_semaphore, #tpu.memory_space<semaphore_mem>>) src(%dma_wait3A_1023 : memref<8x32xf32, #tpu.memory_space<hbm>>) dst(%dma_wait3A_1019 : memref<8x32xf32, #tpu.memory_space<vmem>>)
        %dma_wait3A_1024 = arith.constant 0 : i32
        %dma_wait3A_1025 = arith.constant 0 : i32
        %dma_wait3A_1026 = arith.constant 0 : i32
        %dma_wait3A_1027 = tpu.memref_slice %arg10[%dma_wait3A_1025, %dma_wait3A_1026] : memref<512x32xf32, #tpu.memory_space<vmem>> -> memref<8x32xf32, #tpu.memory_space<vmem>>
        %dma_wait3A_1028 = arith.constant 0 : i32
        %dma_wait3A_1029 = arith.constant 0 : i32
        %dma_wait3A_1030 = tpu.memref_slice %arg5[%dma_wait3A_1024, %dma_wait3A_1028, %dma_wait3A_1029] : memref<125000x8x32xf32, #tpu.memory_space<hbm>> -> memref<1x8x32xf32, #tpu.memory_space<hbm>>
        %dma_wait3A_1031 = tpu.memref_squeeze %dma_wait3A_1030 : memref<1x8x32xf32, #tpu.memory_space<hbm>> -> memref<8x32xf32, #tpu.memory_space<hbm>>
        %dma_wait3A_1032 = arith.constant 0 : i32
        %dma_wait3A_1033 = arith.constant 0 : i32
        %dma_wait3A_1034 = tpu.memref_slice %arg10[%dma_wait3A_1032, %dma_wait3A_1033] : memref<512x32xf32, #tpu.memory_space<vmem>> -> memref<8x32xf32, #tpu.memory_space<vmem>>
        %dma_wait3A_1035 = arith.constant 0 : i32
        %dma_wait3A_1036 = arith.constant 0 : i32
        %dma_wait3A_1037 = tpu.memref_slice %arg5[%dma_wait3A_1024, %dma_wait3A_1035, %dma_wait3A_1036] : memref<125000x8x32xf32, #tpu.memory_space<hbm>> -> memref<1x8x32xf32, #tpu.memory_space<hbm>>
        %dma_wait3A_1038 = tpu.memref_squeeze %dma_wait3A_1037 : memref<1x8x32xf32, #tpu.memory_space<hbm>> -> memref<8x32xf32, #tpu.memory_space<hbm>>
        tpu.wait_dma2 semaphore(%arg12 : memref<!tpu.dma_semaphore, #tpu.memory_space<semaphore_mem>>) src(%dma_wait3A_1038 : memref<8x32xf32, #tpu.memory_space<hbm>>) dst(%dma_wait3A_1034 : memref<8x32xf32, #tpu.memory_space<vmem>>)
        %dma_wait3A_1039 = arith.constant 0 : i32
        %dma_wait3A_1040 = arith.constant 0 : i32
        %dma_wait3A_1041 = arith.constant 0 : i32
        %dma_wait3A_1042 = tpu.memref_slice %arg10[%dma_wait3A_1040, %dma_wait3A_1041] : memref<512x32xf32, #tpu.memory_space<vmem>> -> memref<8x32xf32, #tpu.memory_space<vmem>>
        %dma_wait3A_1043 = arith.constant 0 : i32
        %dma_wait3A_1044 = arith.constant 0 : i32
        %dma_wait3A_1045 = tpu.memref_slice %arg5[%dma_wait3A_1039, %dma_wait3A_1043, %dma_wait3A_1044] : memref<125000x8x32xf32, #tpu.memory_space<hbm>> -> memref<1x8x32xf32, #tpu.memory_space<hbm>>
        %dma_wait3A_1046 = tpu.memref_squeeze %dma_wait3A_1045 : memref<1x8x32xf32, #tpu.memory_space<hbm>> -> memref<8x32xf32, #tpu.memory_space<hbm>>
        %dma_wait3A_1047 = arith.constant 0 : i32
        %dma_wait3A_1048 = arith.constant 0 : i32
        %dma_wait3A_1049 = tpu.memref_slice %arg10[%dma_wait3A_1047, %dma_wait3A_1048] : memref<512x32xf32, #tpu.memory_space<vmem>> -> memref<8x32xf32, #tpu.memory_space<vmem>>
        %dma_wait3A_1050 = arith.constant 0 : i32
        %dma_wait3A_1051 = arith.constant 0 : i32
        %dma_wait3A_1052 = tpu.memref_slice %arg5[%dma_wait3A_1039, %dma_wait3A_1050, %dma_wait3A_1051] : memref<125000x8x32xf32, #tpu.memory_space<hbm>> -> memref<1x8x32xf32, #tpu.memory_space<hbm>>
        %dma_wait3A_1053 = tpu.memref_squeeze %dma_wait3A_1052 : memref<1x8x32xf32, #tpu.memory_space<hbm>> -> memref<8x32xf32, #tpu.memory_space<hbm>>
        tpu.wait_dma2 semaphore(%arg13 : memref<!tpu.dma_semaphore, #tpu.memory_space<semaphore_mem>>) src(%dma_wait3A_1053 : memref<8x32xf32, #tpu.memory_space<hbm>>) dst(%dma_wait3A_1049 : memref<8x32xf32, #tpu.memory_space<vmem>>)
        %dma_wait3A_1054 = arith.constant 0 : i32
        %dma_wait3A_1055 = arith.constant 0 : i32
        %dma_wait3A_1056 = arith.constant 0 : i32
        %dma_wait3A_1057 = tpu.memref_slice %arg10[%dma_wait3A_1055, %dma_wait3A_1056] : memref<512x32xf32, #tpu.memory_space<vmem>> -> memref<8x32xf32, #tpu.memory_space<vmem>>
        %dma_wait3A_1058 = arith.constant 0 : i32
        %dma_wait3A_1059 = arith.constant 0 : i32
        %dma_wait3A_1060 = tpu.memref_slice %arg5[%dma_wait3A_1054, %dma_wait3A_1058, %dma_wait3A_1059] : memref<125000x8x32xf32, #tpu.memory_space<hbm>> -> memref<1x8x32xf32, #tpu.memory_space<hbm>>
        %dma_wait3A_1061 = tpu.memref_squeeze %dma_wait3A_1060 : memref<1x8x32xf32, #tpu.memory_space<hbm>> -> memref<8x32xf32, #tpu.memory_space<hbm>>
        %dma_wait3A_1062 = arith.constant 0 : i32
        %dma_wait3A_1063 = arith.constant 0 : i32
        %dma_wait3A_1064 = tpu.memref_slice %arg10[%dma_wait3A_1062, %dma_wait3A_1063] : memref<512x32xf32, #tpu.memory_space<vmem>> -> memref<8x32xf32, #tpu.memory_space<vmem>>
        %dma_wait3A_1065 = arith.constant 0 : i32
        %dma_wait3A_1066 = arith.constant 0 : i32
        %dma_wait3A_1067 = tpu.memref_slice %arg5[%dma_wait3A_1054, %dma_wait3A_1065, %dma_wait3A_1066] : memref<125000x8x32xf32, #tpu.memory_space<hbm>> -> memref<1x8x32xf32, #tpu.memory_space<hbm>>
        %dma_wait3A_1068 = tpu.memref_squeeze %dma_wait3A_1067 : memref<1x8x32xf32, #tpu.memory_space<hbm>> -> memref<8x32xf32, #tpu.memory_space<hbm>>
        tpu.wait_dma2 semaphore(%arg12 : memref<!tpu.dma_semaphore, #tpu.memory_space<semaphore_mem>>) src(%dma_wait3A_1068 : memref<8x32xf32, #tpu.memory_space<hbm>>) dst(%dma_wait3A_1064 : memref<8x32xf32, #tpu.memory_space<vmem>>)
        %dma_wait3A_1069 = arith.constant 0 : i32
        %dma_wait3A_1070 = arith.constant 0 : i32
        %dma_wait3A_1071 = arith.constant 0 : i32
        %dma_wait3A_1072 = tpu.memref_slice %arg10[%dma_wait3A_1070, %dma_wait3A_1071] : memref<512x32xf32, #tpu.memory_space<vmem>> -> memref<8x32xf32, #tpu.memory_space<vmem>>
        %dma_wait3A_1073 = arith.constant 0 : i32
        %dma_wait3A_1074 = arith.constant 0 : i32
        %dma_wait3A_1075 = tpu.memref_slice %arg5[%dma_wait3A_1069, %dma_wait3A_1073, %dma_wait3A_1074] : memref<125000x8x32xf32, #tpu.memory_space<hbm>> -> memref<1x8x32xf32, #tpu.memory_space<hbm>>
        %dma_wait3A_1076 = tpu.memref_squeeze %dma_wait3A_1075 : memref<1x8x32xf32, #tpu.memory_space<hbm>> -> memref<8x32xf32, #tpu.memory_space<hbm>>
        %dma_wait3A_1077 = arith.constant 0 : i32
        %dma_wait3A_1078 = arith.constant 0 : i32
        %dma_wait3A_1079 = tpu.memref_slice %arg10[%dma_wait3A_1077, %dma_wait3A_1078] : memref<512x32xf32, #tpu.memory_space<vmem>> -> memref<8x32xf32, #tpu.memory_space<vmem>>
        %dma_wait3A_1080 = arith.constant 0 : i32
        %dma_wait3A_1081 = arith.constant 0 : i32
        %dma_wait3A_1082 = tpu.memref_slice %arg5[%dma_wait3A_1069, %dma_wait3A_1080, %dma_wait3A_1081] : memref<125000x8x32xf32, #tpu.memory_space<hbm>> -> memref<1x8x32xf32, #tpu.memory_space<hbm>>
        %dma_wait3A_1083 = tpu.memref_squeeze %dma_wait3A_1082 : memref<1x8x32xf32, #tpu.memory_space<hbm>> -> memref<8x32xf32, #tpu.memory_space<hbm>>
        tpu.wait_dma2 semaphore(%arg13 : memref<!tpu.dma_semaphore, #tpu.memory_space<semaphore_mem>>) src(%dma_wait3A_1083 : memref<8x32xf32, #tpu.memory_space<hbm>>) dst(%dma_wait3A_1079 : memref<8x32xf32, #tpu.memory_space<vmem>>)
        %dma_wait3A_1084 = arith.constant 0 : i32
        %dma_wait3A_1085 = arith.constant 0 : i32
        %dma_wait3A_1086 = arith.constant 0 : i32
        %dma_wait3A_1087 = tpu.memref_slice %arg10[%dma_wait3A_1085, %dma_wait3A_1086] : memref<512x32xf32, #tpu.memory_space<vmem>> -> memref<8x32xf32, #tpu.memory_space<vmem>>
        %dma_wait3A_1088 = arith.constant 0 : i32
        %dma_wait3A_1089 = arith.constant 0 : i32
        %dma_wait3A_1090 = tpu.memref_slice %arg5[%dma_wait3A_1084, %dma_wait3A_1088, %dma_wait3A_1089] : memref<125000x8x32xf32, #tpu.memory_space<hbm>> -> memref<1x8x32xf32, #tpu.memory_space<hbm>>
        %dma_wait3A_1091 = tpu.memref_squeeze %dma_wait3A_1090 : memref<1x8x32xf32, #tpu.memory_space<hbm>> -> memref<8x32xf32, #tpu.memory_space<hbm>>
        %dma_wait3A_1092 = arith.constant 0 : i32
        %dma_wait3A_1093 = arith.constant 0 : i32
        %dma_wait3A_1094 = tpu.memref_slice %arg10[%dma_wait3A_1092, %dma_wait3A_1093] : memref<512x32xf32, #tpu.memory_space<vmem>> -> memref<8x32xf32, #tpu.memory_space<vmem>>
        %dma_wait3A_1095 = arith.constant 0 : i32
        %dma_wait3A_1096 = arith.constant 0 : i32
        %dma_wait3A_1097 = tpu.memref_slice %arg5[%dma_wait3A_1084, %dma_wait3A_1095, %dma_wait3A_1096] : memref<125000x8x32xf32, #tpu.memory_space<hbm>> -> memref<1x8x32xf32, #tpu.memory_space<hbm>>
        %dma_wait3A_1098 = tpu.memref_squeeze %dma_wait3A_1097 : memref<1x8x32xf32, #tpu.memory_space<hbm>> -> memref<8x32xf32, #tpu.memory_space<hbm>>
        tpu.wait_dma2 semaphore(%arg12 : memref<!tpu.dma_semaphore, #tpu.memory_space<semaphore_mem>>) src(%dma_wait3A_1098 : memref<8x32xf32, #tpu.memory_space<hbm>>) dst(%dma_wait3A_1094 : memref<8x32xf32, #tpu.memory_space<vmem>>)
        %dma_wait3A_1099 = arith.constant 0 : i32
        %dma_wait3A_1100 = arith.constant 0 : i32
        %dma_wait3A_1101 = arith.constant 0 : i32
        %dma_wait3A_1102 = tpu.memref_slice %arg10[%dma_wait3A_1100, %dma_wait3A_1101] : memref<512x32xf32, #tpu.memory_space<vmem>> -> memref<8x32xf32, #tpu.memory_space<vmem>>
        %dma_wait3A_1103 = arith.constant 0 : i32
        %dma_wait3A_1104 = arith.constant 0 : i32
        %dma_wait3A_1105 = tpu.memref_slice %arg5[%dma_wait3A_1099, %dma_wait3A_1103, %dma_wait3A_1104] : memref<125000x8x32xf32, #tpu.memory_space<hbm>> -> memref<1x8x32xf32, #tpu.memory_space<hbm>>
        %dma_wait3A_1106 = tpu.memref_squeeze %dma_wait3A_1105 : memref<1x8x32xf32, #tpu.memory_space<hbm>> -> memref<8x32xf32, #tpu.memory_space<hbm>>
        %dma_wait3A_1107 = arith.constant 0 : i32
        %dma_wait3A_1108 = arith.constant 0 : i32
        %dma_wait3A_1109 = tpu.memref_slice %arg10[%dma_wait3A_1107, %dma_wait3A_1108] : memref<512x32xf32, #tpu.memory_space<vmem>> -> memref<8x32xf32, #tpu.memory_space<vmem>>
        %dma_wait3A_1110 = arith.constant 0 : i32
        %dma_wait3A_1111 = arith.constant 0 : i32
        %dma_wait3A_1112 = tpu.memref_slice %arg5[%dma_wait3A_1099, %dma_wait3A_1110, %dma_wait3A_1111] : memref<125000x8x32xf32, #tpu.memory_space<hbm>> -> memref<1x8x32xf32, #tpu.memory_space<hbm>>
        %dma_wait3A_1113 = tpu.memref_squeeze %dma_wait3A_1112 : memref<1x8x32xf32, #tpu.memory_space<hbm>> -> memref<8x32xf32, #tpu.memory_space<hbm>>
        tpu.wait_dma2 semaphore(%arg13 : memref<!tpu.dma_semaphore, #tpu.memory_space<semaphore_mem>>) src(%dma_wait3A_1113 : memref<8x32xf32, #tpu.memory_space<hbm>>) dst(%dma_wait3A_1109 : memref<8x32xf32, #tpu.memory_space<vmem>>)
        %dma_wait3A_1114 = arith.constant 0 : i32
        %dma_wait3A_1115 = arith.constant 0 : i32
        %dma_wait3A_1116 = arith.constant 0 : i32
        %dma_wait3A_1117 = tpu.memref_slice %arg10[%dma_wait3A_1115, %dma_wait3A_1116] : memref<512x32xf32, #tpu.memory_space<vmem>> -> memref<8x32xf32, #tpu.memory_space<vmem>>
        %dma_wait3A_1118 = arith.constant 0 : i32
        %dma_wait3A_1119 = arith.constant 0 : i32
        %dma_wait3A_1120 = tpu.memref_slice %arg5[%dma_wait3A_1114, %dma_wait3A_1118, %dma_wait3A_1119] : memref<125000x8x32xf32, #tpu.memory_space<hbm>> -> memref<1x8x32xf32, #tpu.memory_space<hbm>>
        %dma_wait3A_1121 = tpu.memref_squeeze %dma_wait3A_1120 : memref<1x8x32xf32, #tpu.memory_space<hbm>> -> memref<8x32xf32, #tpu.memory_space<hbm>>
        %dma_wait3A_1122 = arith.constant 0 : i32
        %dma_wait3A_1123 = arith.constant 0 : i32
        %dma_wait3A_1124 = tpu.memref_slice %arg10[%dma_wait3A_1122, %dma_wait3A_1123] : memref<512x32xf32, #tpu.memory_space<vmem>> -> memref<8x32xf32, #tpu.memory_space<vmem>>
        %dma_wait3A_1125 = arith.constant 0 : i32
        %dma_wait3A_1126 = arith.constant 0 : i32
        %dma_wait3A_1127 = tpu.memref_slice %arg5[%dma_wait3A_1114, %dma_wait3A_1125, %dma_wait3A_1126] : memref<125000x8x32xf32, #tpu.memory_space<hbm>> -> memref<1x8x32xf32, #tpu.memory_space<hbm>>
        %dma_wait3A_1128 = tpu.memref_squeeze %dma_wait3A_1127 : memref<1x8x32xf32, #tpu.memory_space<hbm>> -> memref<8x32xf32, #tpu.memory_space<hbm>>
        tpu.wait_dma2 semaphore(%arg12 : memref<!tpu.dma_semaphore, #tpu.memory_space<semaphore_mem>>) src(%dma_wait3A_1128 : memref<8x32xf32, #tpu.memory_space<hbm>>) dst(%dma_wait3A_1124 : memref<8x32xf32, #tpu.memory_space<vmem>>)
        %dma_wait3A_1129 = arith.constant 0 : i32
        %dma_wait3A_1130 = arith.constant 0 : i32
        %dma_wait3A_1131 = arith.constant 0 : i32
        %dma_wait3A_1132 = tpu.memref_slice %arg10[%dma_wait3A_1130, %dma_wait3A_1131] : memref<512x32xf32, #tpu.memory_space<vmem>> -> memref<8x32xf32, #tpu.memory_space<vmem>>
        %dma_wait3A_1133 = arith.constant 0 : i32
        %dma_wait3A_1134 = arith.constant 0 : i32
        %dma_wait3A_1135 = tpu.memref_slice %arg5[%dma_wait3A_1129, %dma_wait3A_1133, %dma_wait3A_1134] : memref<125000x8x32xf32, #tpu.memory_space<hbm>> -> memref<1x8x32xf32, #tpu.memory_space<hbm>>
        %dma_wait3A_1136 = tpu.memref_squeeze %dma_wait3A_1135 : memref<1x8x32xf32, #tpu.memory_space<hbm>> -> memref<8x32xf32, #tpu.memory_space<hbm>>
        %dma_wait3A_1137 = arith.constant 0 : i32
        %dma_wait3A_1138 = arith.constant 0 : i32
        %dma_wait3A_1139 = tpu.memref_slice %arg10[%dma_wait3A_1137, %dma_wait3A_1138] : memref<512x32xf32, #tpu.memory_space<vmem>> -> memref<8x32xf32, #tpu.memory_space<vmem>>
        %dma_wait3A_1140 = arith.constant 0 : i32
        %dma_wait3A_1141 = arith.constant 0 : i32
        %dma_wait3A_1142 = tpu.memref_slice %arg5[%dma_wait3A_1129, %dma_wait3A_1140, %dma_wait3A_1141] : memref<125000x8x32xf32, #tpu.memory_space<hbm>> -> memref<1x8x32xf32, #tpu.memory_space<hbm>>
        %dma_wait3A_1143 = tpu.memref_squeeze %dma_wait3A_1142 : memref<1x8x32xf32, #tpu.memory_space<hbm>> -> memref<8x32xf32, #tpu.memory_space<hbm>>
        tpu.wait_dma2 semaphore(%arg13 : memref<!tpu.dma_semaphore, #tpu.memory_space<semaphore_mem>>) src(%dma_wait3A_1143 : memref<8x32xf32, #tpu.memory_space<hbm>>) dst(%dma_wait3A_1139 : memref<8x32xf32, #tpu.memory_space<vmem>>)
        %dma_wait3A_1144 = arith.constant 0 : i32
        %dma_wait3A_1145 = arith.constant 0 : i32
        %dma_wait3A_1146 = arith.constant 0 : i32
        %dma_wait3A_1147 = tpu.memref_slice %arg10[%dma_wait3A_1145, %dma_wait3A_1146] : memref<512x32xf32, #tpu.memory_space<vmem>> -> memref<8x32xf32, #tpu.memory_space<vmem>>
        %dma_wait3A_1148 = arith.constant 0 : i32
        %dma_wait3A_1149 = arith.constant 0 : i32
        %dma_wait3A_1150 = tpu.memref_slice %arg5[%dma_wait3A_1144, %dma_wait3A_1148, %dma_wait3A_1149] : memref<125000x8x32xf32, #tpu.memory_space<hbm>> -> memref<1x8x32xf32, #tpu.memory_space<hbm>>
        %dma_wait3A_1151 = tpu.memref_squeeze %dma_wait3A_1150 : memref<1x8x32xf32, #tpu.memory_space<hbm>> -> memref<8x32xf32, #tpu.memory_space<hbm>>
        %dma_wait3A_1152 = arith.constant 0 : i32
        %dma_wait3A_1153 = arith.constant 0 : i32
        %dma_wait3A_1154 = tpu.memref_slice %arg10[%dma_wait3A_1152, %dma_wait3A_1153] : memref<512x32xf32, #tpu.memory_space<vmem>> -> memref<8x32xf32, #tpu.memory_space<vmem>>
        %dma_wait3A_1155 = arith.constant 0 : i32
        %dma_wait3A_1156 = arith.constant 0 : i32
        %dma_wait3A_1157 = tpu.memref_slice %arg5[%dma_wait3A_1144, %dma_wait3A_1155, %dma_wait3A_1156] : memref<125000x8x32xf32, #tpu.memory_space<hbm>> -> memref<1x8x32xf32, #tpu.memory_space<hbm>>
        %dma_wait3A_1158 = tpu.memref_squeeze %dma_wait3A_1157 : memref<1x8x32xf32, #tpu.memory_space<hbm>> -> memref<8x32xf32, #tpu.memory_space<hbm>>
        tpu.wait_dma2 semaphore(%arg12 : memref<!tpu.dma_semaphore, #tpu.memory_space<semaphore_mem>>) src(%dma_wait3A_1158 : memref<8x32xf32, #tpu.memory_space<hbm>>) dst(%dma_wait3A_1154 : memref<8x32xf32, #tpu.memory_space<vmem>>)
        %dma_wait3A_1159 = arith.constant 0 : i32
        %dma_wait3A_1160 = arith.constant 0 : i32
        %dma_wait3A_1161 = arith.constant 0 : i32
        %dma_wait3A_1162 = tpu.memref_slice %arg10[%dma_wait3A_1160, %dma_wait3A_1161] : memref<512x32xf32, #tpu.memory_space<vmem>> -> memref<8x32xf32, #tpu.memory_space<vmem>>
        %dma_wait3A_1163 = arith.constant 0 : i32
        %dma_wait3A_1164 = arith.constant 0 : i32
        %dma_wait3A_1165 = tpu.memref_slice %arg5[%dma_wait3A_1159, %dma_wait3A_1163, %dma_wait3A_1164] : memref<125000x8x32xf32, #tpu.memory_space<hbm>> -> memref<1x8x32xf32, #tpu.memory_space<hbm>>
        %dma_wait3A_1166 = tpu.memref_squeeze %dma_wait3A_1165 : memref<1x8x32xf32, #tpu.memory_space<hbm>> -> memref<8x32xf32, #tpu.memory_space<hbm>>
        %dma_wait3A_1167 = arith.constant 0 : i32
        %dma_wait3A_1168 = arith.constant 0 : i32
        %dma_wait3A_1169 = tpu.memref_slice %arg10[%dma_wait3A_1167, %dma_wait3A_1168] : memref<512x32xf32, #tpu.memory_space<vmem>> -> memref<8x32xf32, #tpu.memory_space<vmem>>
        %dma_wait3A_1170 = arith.constant 0 : i32
        %dma_wait3A_1171 = arith.constant 0 : i32
        %dma_wait3A_1172 = tpu.memref_slice %arg5[%dma_wait3A_1159, %dma_wait3A_1170, %dma_wait3A_1171] : memref<125000x8x32xf32, #tpu.memory_space<hbm>> -> memref<1x8x32xf32, #tpu.memory_space<hbm>>
        %dma_wait3A_1173 = tpu.memref_squeeze %dma_wait3A_1172 : memref<1x8x32xf32, #tpu.memory_space<hbm>> -> memref<8x32xf32, #tpu.memory_space<hbm>>
        tpu.wait_dma2 semaphore(%arg13 : memref<!tpu.dma_semaphore, #tpu.memory_space<semaphore_mem>>) src(%dma_wait3A_1173 : memref<8x32xf32, #tpu.memory_space<hbm>>) dst(%dma_wait3A_1169 : memref<8x32xf32, #tpu.memory_space<vmem>>)
        %dma_wait3A_1174 = arith.constant 0 : i32
        %dma_wait3A_1175 = arith.constant 0 : i32
        %dma_wait3A_1176 = arith.constant 0 : i32
        %dma_wait3A_1177 = tpu.memref_slice %arg10[%dma_wait3A_1175, %dma_wait3A_1176] : memref<512x32xf32, #tpu.memory_space<vmem>> -> memref<8x32xf32, #tpu.memory_space<vmem>>
        %dma_wait3A_1178 = arith.constant 0 : i32
        %dma_wait3A_1179 = arith.constant 0 : i32
        %dma_wait3A_1180 = tpu.memref_slice %arg5[%dma_wait3A_1174, %dma_wait3A_1178, %dma_wait3A_1179] : memref<125000x8x32xf32, #tpu.memory_space<hbm>> -> memref<1x8x32xf32, #tpu.memory_space<hbm>>
        %dma_wait3A_1181 = tpu.memref_squeeze %dma_wait3A_1180 : memref<1x8x32xf32, #tpu.memory_space<hbm>> -> memref<8x32xf32, #tpu.memory_space<hbm>>
        %dma_wait3A_1182 = arith.constant 0 : i32
        %dma_wait3A_1183 = arith.constant 0 : i32
        %dma_wait3A_1184 = tpu.memref_slice %arg10[%dma_wait3A_1182, %dma_wait3A_1183] : memref<512x32xf32, #tpu.memory_space<vmem>> -> memref<8x32xf32, #tpu.memory_space<vmem>>
        %dma_wait3A_1185 = arith.constant 0 : i32
        %dma_wait3A_1186 = arith.constant 0 : i32
        %dma_wait3A_1187 = tpu.memref_slice %arg5[%dma_wait3A_1174, %dma_wait3A_1185, %dma_wait3A_1186] : memref<125000x8x32xf32, #tpu.memory_space<hbm>> -> memref<1x8x32xf32, #tpu.memory_space<hbm>>
        %dma_wait3A_1188 = tpu.memref_squeeze %dma_wait3A_1187 : memref<1x8x32xf32, #tpu.memory_space<hbm>> -> memref<8x32xf32, #tpu.memory_space<hbm>>
        tpu.wait_dma2 semaphore(%arg12 : memref<!tpu.dma_semaphore, #tpu.memory_space<semaphore_mem>>) src(%dma_wait3A_1188 : memref<8x32xf32, #tpu.memory_space<hbm>>) dst(%dma_wait3A_1184 : memref<8x32xf32, #tpu.memory_space<vmem>>)
        %dma_wait3A_1189 = arith.constant 0 : i32
        %dma_wait3A_1190 = arith.constant 0 : i32
        %dma_wait3A_1191 = arith.constant 0 : i32
        %dma_wait3A_1192 = tpu.memref_slice %arg10[%dma_wait3A_1190, %dma_wait3A_1191] : memref<512x32xf32, #tpu.memory_space<vmem>> -> memref<8x32xf32, #tpu.memory_space<vmem>>
        %dma_wait3A_1193 = arith.constant 0 : i32
        %dma_wait3A_1194 = arith.constant 0 : i32
        %dma_wait3A_1195 = tpu.memref_slice %arg5[%dma_wait3A_1189, %dma_wait3A_1193, %dma_wait3A_1194] : memref<125000x8x32xf32, #tpu.memory_space<hbm>> -> memref<1x8x32xf32, #tpu.memory_space<hbm>>
        %dma_wait3A_1196 = tpu.memref_squeeze %dma_wait3A_1195 : memref<1x8x32xf32, #tpu.memory_space<hbm>> -> memref<8x32xf32, #tpu.memory_space<hbm>>
        %dma_wait3A_1197 = arith.constant 0 : i32
        %dma_wait3A_1198 = arith.constant 0 : i32
        %dma_wait3A_1199 = tpu.memref_slice %arg10[%dma_wait3A_1197, %dma_wait3A_1198] : memref<512x32xf32, #tpu.memory_space<vmem>> -> memref<8x32xf32, #tpu.memory_space<vmem>>
        %dma_wait3A_1200 = arith.constant 0 : i32
        %dma_wait3A_1201 = arith.constant 0 : i32
        %dma_wait3A_1202 = tpu.memref_slice %arg5[%dma_wait3A_1189, %dma_wait3A_1200, %dma_wait3A_1201] : memref<125000x8x32xf32, #tpu.memory_space<hbm>> -> memref<1x8x32xf32, #tpu.memory_space<hbm>>
        %dma_wait3A_1203 = tpu.memref_squeeze %dma_wait3A_1202 : memref<1x8x32xf32, #tpu.memory_space<hbm>> -> memref<8x32xf32, #tpu.memory_space<hbm>>
        tpu.wait_dma2 semaphore(%arg13 : memref<!tpu.dma_semaphore, #tpu.memory_space<semaphore_mem>>) src(%dma_wait3A_1203 : memref<8x32xf32, #tpu.memory_space<hbm>>) dst(%dma_wait3A_1199 : memref<8x32xf32, #tpu.memory_space<vmem>>)
        %dma_wait3A_1204 = arith.constant 0 : i32
        %dma_wait3A_1205 = arith.constant 0 : i32
        %dma_wait3A_1206 = arith.constant 0 : i32
        %dma_wait3A_1207 = tpu.memref_slice %arg10[%dma_wait3A_1205, %dma_wait3A_1206] : memref<512x32xf32, #tpu.memory_space<vmem>> -> memref<8x32xf32, #tpu.memory_space<vmem>>
        %dma_wait3A_1208 = arith.constant 0 : i32
        %dma_wait3A_1209 = arith.constant 0 : i32
        %dma_wait3A_1210 = tpu.memref_slice %arg5[%dma_wait3A_1204, %dma_wait3A_1208, %dma_wait3A_1209] : memref<125000x8x32xf32, #tpu.memory_space<hbm>> -> memref<1x8x32xf32, #tpu.memory_space<hbm>>
        %dma_wait3A_1211 = tpu.memref_squeeze %dma_wait3A_1210 : memref<1x8x32xf32, #tpu.memory_space<hbm>> -> memref<8x32xf32, #tpu.memory_space<hbm>>
        %dma_wait3A_1212 = arith.constant 0 : i32
        %dma_wait3A_1213 = arith.constant 0 : i32
        %dma_wait3A_1214 = tpu.memref_slice %arg10[%dma_wait3A_1212, %dma_wait3A_1213] : memref<512x32xf32, #tpu.memory_space<vmem>> -> memref<8x32xf32, #tpu.memory_space<vmem>>
        %dma_wait3A_1215 = arith.constant 0 : i32
        %dma_wait3A_1216 = arith.constant 0 : i32
        %dma_wait3A_1217 = tpu.memref_slice %arg5[%dma_wait3A_1204, %dma_wait3A_1215, %dma_wait3A_1216] : memref<125000x8x32xf32, #tpu.memory_space<hbm>> -> memref<1x8x32xf32, #tpu.memory_space<hbm>>
        %dma_wait3A_1218 = tpu.memref_squeeze %dma_wait3A_1217 : memref<1x8x32xf32, #tpu.memory_space<hbm>> -> memref<8x32xf32, #tpu.memory_space<hbm>>
        tpu.wait_dma2 semaphore(%arg12 : memref<!tpu.dma_semaphore, #tpu.memory_space<semaphore_mem>>) src(%dma_wait3A_1218 : memref<8x32xf32, #tpu.memory_space<hbm>>) dst(%dma_wait3A_1214 : memref<8x32xf32, #tpu.memory_space<vmem>>)
        %dma_wait3A_1219 = arith.constant 0 : i32
        %dma_wait3A_1220 = arith.constant 0 : i32
        %dma_wait3A_1221 = arith.constant 0 : i32
        %dma_wait3A_1222 = tpu.memref_slice %arg10[%dma_wait3A_1220, %dma_wait3A_1221] : memref<512x32xf32, #tpu.memory_space<vmem>> -> memref<8x32xf32, #tpu.memory_space<vmem>>
        %dma_wait3A_1223 = arith.constant 0 : i32
        %dma_wait3A_1224 = arith.constant 0 : i32
        %dma_wait3A_1225 = tpu.memref_slice %arg5[%dma_wait3A_1219, %dma_wait3A_1223, %dma_wait3A_1224] : memref<125000x8x32xf32, #tpu.memory_space<hbm>> -> memref<1x8x32xf32, #tpu.memory_space<hbm>>
        %dma_wait3A_1226 = tpu.memref_squeeze %dma_wait3A_1225 : memref<1x8x32xf32, #tpu.memory_space<hbm>> -> memref<8x32xf32, #tpu.memory_space<hbm>>
        %dma_wait3A_1227 = arith.constant 0 : i32
        %dma_wait3A_1228 = arith.constant 0 : i32
        %dma_wait3A_1229 = tpu.memref_slice %arg10[%dma_wait3A_1227, %dma_wait3A_1228] : memref<512x32xf32, #tpu.memory_space<vmem>> -> memref<8x32xf32, #tpu.memory_space<vmem>>
        %dma_wait3A_1230 = arith.constant 0 : i32
        %dma_wait3A_1231 = arith.constant 0 : i32
        %dma_wait3A_1232 = tpu.memref_slice %arg5[%dma_wait3A_1219, %dma_wait3A_1230, %dma_wait3A_1231] : memref<125000x8x32xf32, #tpu.memory_space<hbm>> -> memref<1x8x32xf32, #tpu.memory_space<hbm>>
        %dma_wait3A_1233 = tpu.memref_squeeze %dma_wait3A_1232 : memref<1x8x32xf32, #tpu.memory_space<hbm>> -> memref<8x32xf32, #tpu.memory_space<hbm>>
        tpu.wait_dma2 semaphore(%arg13 : memref<!tpu.dma_semaphore, #tpu.memory_space<semaphore_mem>>) src(%dma_wait3A_1233 : memref<8x32xf32, #tpu.memory_space<hbm>>) dst(%dma_wait3A_1229 : memref<8x32xf32, #tpu.memory_space<vmem>>)
      } else {
      }
      %scan3A_268 = arith.constant 0 : i32
      %scan3A_269 = arith.constant 0 : i32
      %scan3A_270 = arith.constant 8 : i32
      %scan3A_271 = arith.addi %scan3A_269, %scan3A_270 : i32
      %scan3A_272 = arith.constant 1 : i32
      scf.for %scan3A_274 = %scan3A_269 to %scan3A_271 step %scan3A_272  : i32 {
        %mul3A_275 = arith.constant 16 : i32
        %mul3A_276 = arith.muli %scan3A_274, %mul3A_275 : i32
        %multiple_of3A_277 = tpu.assume_multiple %mul3A_276, 16 : i32
        %add3A_278 = arith.constant 0 : i32
        %add3A_279 = arith.addi %multiple_of3A_277, %add3A_278 : i32
        %get3A = arith.index_cast %add3A_279 : i32 to index
        %get3A_280 = arith.constant 0 : index
        %get3A_281 = tpu.vector_load %arg9[%get3A, %get3A_280] {strides = array<i32>} : memref<128x32xf32, #tpu.memory_space<vmem>>, vector<16xf32>,
        %add3A_282 = arith.addi %multiple_of3A_19, %multiple_of3A_277 : i32
        %add3A_283 = arith.constant 0 : i32
        %add3A_284 = arith.addi %add3A_282, %add3A_283 : i32
        %get3A_285 = arith.index_cast %add3A_284 : i32 to index
        %get3A_286 = arith.constant 0 : index
        %get3A_287 = tpu.vector_load %arg10[%get3A_285, %get3A_286] {strides = array<i32>} : memref<512x32xf32, #tpu.memory_space<vmem>>, vector<16xf32>,
        %mul3A_288 = arith.mulf %get3A_281, %get3A_287 : vector<16xf32>
        %add3A_289 = arith.constant 0 : i32
        %add3A_290 = arith.addi %multiple_of3A_277, %add3A_289 : i32
        %get3A_291 = arith.index_cast %add3A_290 : i32 to index
        %get3A_292 = arith.constant 16 : index
        %get3A_293 = tpu.vector_load %arg9[%get3A_291, %get3A_292] {strides = array<i32>} : memref<128x32xf32, #tpu.memory_space<vmem>>, vector<16xf32>,
        %add3A_294 = arith.addi %multiple_of3A_19, %multiple_of3A_277 : i32
        %add3A_295 = arith.constant 0 : i32
        %add3A_296 = arith.addi %add3A_294, %add3A_295 : i32
        %get3A_297 = arith.index_cast %add3A_296 : i32 to index
        %get3A_298 = arith.constant 16 : index
        %get3A_299 = tpu.vector_load %arg10[%get3A_297, %get3A_298] {strides = array<i32>} : memref<512x32xf32, #tpu.memory_space<vmem>>, vector<16xf32>,
        %mul3A_300 = arith.mulf %get3A_293, %get3A_299 : vector<16xf32>
        %add3A_301 = arith.addf %mul3A_288, %mul3A_300 : vector<16xf32>
        %broadcast_in_dim3A = arith.constant true
        %broadcast_in_dim3A_302 = vector.broadcast %broadcast_in_dim3A : i1 to vector<16xi1>
        %masked_cumsum3A = tpu.scan <sum>, %add3A_301 masked %broadcast_in_dim3A_302 : vector<16xf32>, vector<16xi1> -> vector<16xf32>
        %add3A_303 = arith.addi %multiple_of3A_19, %multiple_of3A_277 : i32
        %add3A_304 = arith.constant 0 : i32
        %add3A_305 = arith.addi %add3A_303, %add3A_304 : i32
        %broadcast_in_dim3A_306 = vector.broadcast %add3A_305 : i32 to vector<16xi32>
        tpu.vector_store_idx %arg11[%broadcast_in_dim3A_306], %masked_cumsum3A masked %eq3A_4 : memref<512xf32, #tpu.memory_space<vmem>>[vector<16xi32>], vector<16xf32>, vector<16xi1>
        %add3A_307 = arith.constant 1 : i32
        %add3A_308 = arith.addi %multiple_of3A_277, %add3A_307 : i32
        %get3A_309 = arith.index_cast %add3A_308 : i32 to index
        %get3A_310 = arith.constant 0 : index
        %get3A_311 = tpu.vector_load %arg9[%get3A_309, %get3A_310] {strides = array<i32>} : memref<128x32xf32, #tpu.memory_space<vmem>>, vector<16xf32>,
        %add3A_312 = arith.addi %multiple_of3A_19, %multiple_of3A_277 : i32
        %add3A_313 = arith.constant 1 : i32
        %add3A_314 = arith.addi %add3A_312, %add3A_313 : i32
        %get3A_315 = arith.index_cast %add3A_314 : i32 to index
        %get3A_316 = arith.constant 0 : index
        %get3A_317 = tpu.vector_load %arg10[%get3A_315, %get3A_316] {strides = array<i32>} : memref<512x32xf32, #tpu.memory_space<vmem>>, vector<16xf32>,
        %mul3A_318 = arith.mulf %get3A_311, %get3A_317 : vector<16xf32>
        %add3A_319 = arith.constant 1 : i32
        %add3A_320 = arith.addi %multiple_of3A_277, %add3A_319 : i32
        %get3A_321 = arith.index_cast %add3A_320 : i32 to index
        %get3A_322 = arith.constant 16 : index
        %get3A_323 = tpu.vector_load %arg9[%get3A_321, %get3A_322] {strides = array<i32>} : memref<128x32xf32, #tpu.memory_space<vmem>>, vector<16xf32>,
        %add3A_324 = arith.addi %multiple_of3A_19, %multiple_of3A_277 : i32
        %add3A_325 = arith.constant 1 : i32
        %add3A_326 = arith.addi %add3A_324, %add3A_325 : i32
        %get3A_327 = arith.index_cast %add3A_326 : i32 to index
        %get3A_328 = arith.constant 16 : index
        %get3A_329 = tpu.vector_load %arg10[%get3A_327, %get3A_328] {strides = array<i32>} : memref<512x32xf32, #tpu.memory_space<vmem>>, vector<16xf32>,
        %mul3A_330 = arith.mulf %get3A_323, %get3A_329 : vector<16xf32>
        %add3A_331 = arith.addf %mul3A_318, %mul3A_330 : vector<16xf32>
        %broadcast_in_dim3A_332 = arith.constant true
        %broadcast_in_dim3A_333 = vector.broadcast %broadcast_in_dim3A_332 : i1 to vector<16xi1>
        %masked_cumsum3A_334 = tpu.scan <sum>, %add3A_331 masked %broadcast_in_dim3A_333 : vector<16xf32>, vector<16xi1> -> vector<16xf32>
        %add3A_335 = arith.addi %multiple_of3A_19, %multiple_of3A_277 : i32
        %add3A_336 = arith.constant 1 : i32
        %add3A_337 = arith.addi %add3A_335, %add3A_336 : i32
        %broadcast_in_dim3A_338 = vector.broadcast %add3A_337 : i32 to vector<16xi32>
        tpu.vector_store_idx %arg11[%broadcast_in_dim3A_338], %masked_cumsum3A_334 masked %eq3A_4 : memref<512xf32, #tpu.memory_space<vmem>>[vector<16xi32>], vector<16xf32>, vector<16xi1>
        %add3A_339 = arith.constant 2 : i32
        %add3A_340 = arith.addi %multiple_of3A_277, %add3A_339 : i32
        %get3A_341 = arith.index_cast %add3A_340 : i32 to index
        %get3A_342 = arith.constant 0 : index
        %get3A_343 = tpu.vector_load %arg9[%get3A_341, %get3A_342] {strides = array<i32>} : memref<128x32xf32, #tpu.memory_space<vmem>>, vector<16xf32>,
        %add3A_344 = arith.addi %multiple_of3A_19, %multiple_of3A_277 : i32
        %add3A_345 = arith.constant 2 : i32
        %add3A_346 = arith.addi %add3A_344, %add3A_345 : i32
        %get3A_347 = arith.index_cast %add3A_346 : i32 to index
        %get3A_348 = arith.constant 0 : index
        %get3A_349 = tpu.vector_load %arg10[%get3A_347, %get3A_348] {strides = array<i32>} : memref<512x32xf32, #tpu.memory_space<vmem>>, vector<16xf32>,
        %mul3A_350 = arith.mulf %get3A_343, %get3A_349 : vector<16xf32>
        %add3A_351 = arith.constant 2 : i32
        %add3A_352 = arith.addi %multiple_of3A_277, %add3A_351 : i32
        %get3A_353 = arith.index_cast %add3A_352 : i32 to index
        %get3A_354 = arith.constant 16 : index
        %get3A_355 = tpu.vector_load %arg9[%get3A_353, %get3A_354] {strides = array<i32>} : memref<128x32xf32, #tpu.memory_space<vmem>>, vector<16xf32>,
        %add3A_356 = arith.addi %multiple_of3A_19, %multiple_of3A_277 : i32
        %add3A_357 = arith.constant 2 : i32
        %add3A_358 = arith.addi %add3A_356, %add3A_357 : i32
        %get3A_359 = arith.index_cast %add3A_358 : i32 to index
        %get3A_360 = arith.constant 16 : index
        %get3A_361 = tpu.vector_load %arg10[%get3A_359, %get3A_360] {strides = array<i32>} : memref<512x32xf32, #tpu.memory_space<vmem>>, vector<16xf32>,
        %mul3A_362 = arith.mulf %get3A_355, %get3A_361 : vector<16xf32>
        %add3A_363 = arith.addf %mul3A_350, %mul3A_362 : vector<16xf32>
        %broadcast_in_dim3A_364 = arith.constant true
        %broadcast_in_dim3A_365 = vector.broadcast %broadcast_in_dim3A_364 : i1 to vector<16xi1>
        %masked_cumsum3A_366 = tpu.scan <sum>, %add3A_363 masked %broadcast_in_dim3A_365 : vector<16xf32>, vector<16xi1> -> vector<16xf32>
        %add3A_367 = arith.addi %multiple_of3A_19, %multiple_of3A_277 : i32
        %add3A_368 = arith.constant 2 : i32
        %add3A_369 = arith.addi %add3A_367, %add3A_368 : i32
        %broadcast_in_dim3A_370 = vector.broadcast %add3A_369 : i32 to vector<16xi32>
        tpu.vector_store_idx %arg11[%broadcast_in_dim3A_370], %masked_cumsum3A_366 masked %eq3A_4 : memref<512xf32, #tpu.memory_space<vmem>>[vector<16xi32>], vector<16xf32>, vector<16xi1>
        %add3A_371 = arith.constant 3 : i32
        %add3A_372 = arith.addi %multiple_of3A_277, %add3A_371 : i32
        %get3A_373 = arith.index_cast %add3A_372 : i32 to index
        %get3A_374 = arith.constant 0 : index
        %get3A_375 = tpu.vector_load %arg9[%get3A_373, %get3A_374] {strides = array<i32>} : memref<128x32xf32, #tpu.memory_space<vmem>>, vector<16xf32>,
        %add3A_376 = arith.addi %multiple_of3A_19, %multiple_of3A_277 : i32
        %add3A_377 = arith.constant 3 : i32
        %add3A_378 = arith.addi %add3A_376, %add3A_377 : i32
        %get3A_379 = arith.index_cast %add3A_378 : i32 to index
        %get3A_380 = arith.constant 0 : index
        %get3A_381 = tpu.vector_load %arg10[%get3A_379, %get3A_380] {strides = array<i32>} : memref<512x32xf32, #tpu.memory_space<vmem>>, vector<16xf32>,
        %mul3A_382 = arith.mulf %get3A_375, %get3A_381 : vector<16xf32>
        %add3A_383 = arith.constant 3 : i32
        %add3A_384 = arith.addi %multiple_of3A_277, %add3A_383 : i32
        %get3A_385 = arith.index_cast %add3A_384 : i32 to index
        %get3A_386 = arith.constant 16 : index
        %get3A_387 = tpu.vector_load %arg9[%get3A_385, %get3A_386] {strides = array<i32>} : memref<128x32xf32, #tpu.memory_space<vmem>>, vector<16xf32>,
        %add3A_388 = arith.addi %multiple_of3A_19, %multiple_of3A_277 : i32
        %add3A_389 = arith.constant 3 : i32
        %add3A_390 = arith.addi %add3A_388, %add3A_389 : i32
        %get3A_391 = arith.index_cast %add3A_390 : i32 to index
        %get3A_392 = arith.constant 16 : index
        %get3A_393 = tpu.vector_load %arg10[%get3A_391, %get3A_392] {strides = array<i32>} : memref<512x32xf32, #tpu.memory_space<vmem>>, vector<16xf32>,
        %mul3A_394 = arith.mulf %get3A_387, %get3A_393 : vector<16xf32>
        %add3A_395 = arith.addf %mul3A_382, %mul3A_394 : vector<16xf32>
        %broadcast_in_dim3A_396 = arith.constant true
        %broadcast_in_dim3A_397 = vector.broadcast %broadcast_in_dim3A_396 : i1 to vector<16xi1>
        %masked_cumsum3A_398 = tpu.scan <sum>, %add3A_395 masked %broadcast_in_dim3A_397 : vector<16xf32>, vector<16xi1> -> vector<16xf32>
        %add3A_399 = arith.addi %multiple_of3A_19, %multiple_of3A_277 : i32
        %add3A_400 = arith.constant 3 : i32
        %add3A_401 = arith.addi %add3A_399, %add3A_400 : i32
        %broadcast_in_dim3A_402 = vector.broadcast %add3A_401 : i32 to vector<16xi32>
        tpu.vector_store_idx %arg11[%broadcast_in_dim3A_402], %masked_cumsum3A_398 masked %eq3A_4 : memref<512xf32, #tpu.memory_space<vmem>>[vector<16xi32>], vector<16xf32>, vector<16xi1>
        %add3A_403 = arith.constant 4 : i32
        %add3A_404 = arith.addi %multiple_of3A_277, %add3A_403 : i32
        %get3A_405 = arith.index_cast %add3A_404 : i32 to index
        %get3A_406 = arith.constant 0 : index
        %get3A_407 = tpu.vector_load %arg9[%get3A_405, %get3A_406] {strides = array<i32>} : memref<128x32xf32, #tpu.memory_space<vmem>>, vector<16xf32>,
        %add3A_408 = arith.addi %multiple_of3A_19, %multiple_of3A_277 : i32
        %add3A_409 = arith.constant 4 : i32
        %add3A_410 = arith.addi %add3A_408, %add3A_409 : i32
        %get3A_411 = arith.index_cast %add3A_410 : i32 to index
        %get3A_412 = arith.constant 0 : index
        %get3A_413 = tpu.vector_load %arg10[%get3A_411, %get3A_412] {strides = array<i32>} : memref<512x32xf32, #tpu.memory_space<vmem>>, vector<16xf32>,
        %mul3A_414 = arith.mulf %get3A_407, %get3A_413 : vector<16xf32>
        %add3A_415 = arith.constant 4 : i32
        %add3A_416 = arith.addi %multiple_of3A_277, %add3A_415 : i32
        %get3A_417 = arith.index_cast %add3A_416 : i32 to index
        %get3A_418 = arith.constant 16 : index
        %get3A_419 = tpu.vector_load %arg9[%get3A_417, %get3A_418] {strides = array<i32>} : memref<128x32xf32, #tpu.memory_space<vmem>>, vector<16xf32>,
        %add3A_420 = arith.addi %multiple_of3A_19, %multiple_of3A_277 : i32
        %add3A_421 = arith.constant 4 : i32
        %add3A_422 = arith.addi %add3A_420, %add3A_421 : i32
        %get3A_423 = arith.index_cast %add3A_422 : i32 to index
        %get3A_424 = arith.constant 16 : index
        %get3A_425 = tpu.vector_load %arg10[%get3A_423, %get3A_424] {strides = array<i32>} : memref<512x32xf32, #tpu.memory_space<vmem>>, vector<16xf32>,
        %mul3A_426 = arith.mulf %get3A_419, %get3A_425 : vector<16xf32>
        %add3A_427 = arith.addf %mul3A_414, %mul3A_426 : vector<16xf32>
        %broadcast_in_dim3A_428 = arith.constant true
        %broadcast_in_dim3A_429 = vector.broadcast %broadcast_in_dim3A_428 : i1 to vector<16xi1>
        %masked_cumsum3A_430 = tpu.scan <sum>, %add3A_427 masked %broadcast_in_dim3A_429 : vector<16xf32>, vector<16xi1> -> vector<16xf32>
        %add3A_431 = arith.addi %multiple_of3A_19, %multiple_of3A_277 : i32
        %add3A_432 = arith.constant 4 : i32
        %add3A_433 = arith.addi %add3A_431, %add3A_432 : i32
        %broadcast_in_dim3A_434 = vector.broadcast %add3A_433 : i32 to vector<16xi32>
        tpu.vector_store_idx %arg11[%broadcast_in_dim3A_434], %masked_cumsum3A_430 masked %eq3A_4 : memref<512xf32, #tpu.memory_space<vmem>>[vector<16xi32>], vector<16xf32>, vector<16xi1>
        %add3A_435 = arith.constant 5 : i32
        %add3A_436 = arith.addi %multiple_of3A_277, %add3A_435 : i32
        %get3A_437 = arith.index_cast %add3A_436 : i32 to index
        %get3A_438 = arith.constant 0 : index
        %get3A_439 = tpu.vector_load %arg9[%get3A_437, %get3A_438] {strides = array<i32>} : memref<128x32xf32, #tpu.memory_space<vmem>>, vector<16xf32>,
        %add3A_440 = arith.addi %multiple_of3A_19, %multiple_of3A_277 : i32
        %add3A_441 = arith.constant 5 : i32
        %add3A_442 = arith.addi %add3A_440, %add3A_441 : i32
        %get3A_443 = arith.index_cast %add3A_442 : i32 to index
        %get3A_444 = arith.constant 0 : index
        %get3A_445 = tpu.vector_load %arg10[%get3A_443, %get3A_444] {strides = array<i32>} : memref<512x32xf32, #tpu.memory_space<vmem>>, vector<16xf32>,
        %mul3A_446 = arith.mulf %get3A_439, %get3A_445 : vector<16xf32>
        %add3A_447 = arith.constant 5 : i32
        %add3A_448 = arith.addi %multiple_of3A_277, %add3A_447 : i32
        %get3A_449 = arith.index_cast %add3A_448 : i32 to index
        %get3A_450 = arith.constant 16 : index
        %get3A_451 = tpu.vector_load %arg9[%get3A_449, %get3A_450] {strides = array<i32>} : memref<128x32xf32, #tpu.memory_space<vmem>>, vector<16xf32>,
        %add3A_452 = arith.addi %multiple_of3A_19, %multiple_of3A_277 : i32
        %add3A_453 = arith.constant 5 : i32
        %add3A_454 = arith.addi %add3A_452, %add3A_453 : i32
        %get3A_455 = arith.index_cast %add3A_454 : i32 to index
        %get3A_456 = arith.constant 16 : index
        %get3A_457 = tpu.vector_load %arg10[%get3A_455, %get3A_456] {strides = array<i32>} : memref<512x32xf32, #tpu.memory_space<vmem>>, vector<16xf32>,
        %mul3A_458 = arith.mulf %get3A_451, %get3A_457 : vector<16xf32>
        %add3A_459 = arith.addf %mul3A_446, %mul3A_458 : vector<16xf32>
        %broadcast_in_dim3A_460 = arith.constant true
        %broadcast_in_dim3A_461 = vector.broadcast %broadcast_in_dim3A_460 : i1 to vector<16xi1>
        %masked_cumsum3A_462 = tpu.scan <sum>, %add3A_459 masked %broadcast_in_dim3A_461 : vector<16xf32>, vector<16xi1> -> vector<16xf32>
        %add3A_463 = arith.addi %multiple_of3A_19, %multiple_of3A_277 : i32
        %add3A_464 = arith.constant 5 : i32
        %add3A_465 = arith.addi %add3A_463, %add3A_464 : i32
        %broadcast_in_dim3A_466 = vector.broadcast %add3A_465 : i32 to vector<16xi32>
        tpu.vector_store_idx %arg11[%broadcast_in_dim3A_466], %masked_cumsum3A_462 masked %eq3A_4 : memref<512xf32, #tpu.memory_space<vmem>>[vector<16xi32>], vector<16xf32>, vector<16xi1>
        %add3A_467 = arith.constant 6 : i32
        %add3A_468 = arith.addi %multiple_of3A_277, %add3A_467 : i32
        %get3A_469 = arith.index_cast %add3A_468 : i32 to index
        %get3A_470 = arith.constant 0 : index
        %get3A_471 = tpu.vector_load %arg9[%get3A_469, %get3A_470] {strides = array<i32>} : memref<128x32xf32, #tpu.memory_space<vmem>>, vector<16xf32>,
        %add3A_472 = arith.addi %multiple_of3A_19, %multiple_of3A_277 : i32
        %add3A_473 = arith.constant 6 : i32
        %add3A_474 = arith.addi %add3A_472, %add3A_473 : i32
        %get3A_475 = arith.index_cast %add3A_474 : i32 to index
        %get3A_476 = arith.constant 0 : index
        %get3A_477 = tpu.vector_load %arg10[%get3A_475, %get3A_476] {strides = array<i32>} : memref<512x32xf32, #tpu.memory_space<vmem>>, vector<16xf32>,
        %mul3A_478 = arith.mulf %get3A_471, %get3A_477 : vector<16xf32>
        %add3A_479 = arith.constant 6 : i32
        %add3A_480 = arith.addi %multiple_of3A_277, %add3A_479 : i32
        %get3A_481 = arith.index_cast %add3A_480 : i32 to index
        %get3A_482 = arith.constant 16 : index
        %get3A_483 = tpu.vector_load %arg9[%get3A_481, %get3A_482] {strides = array<i32>} : memref<128x32xf32, #tpu.memory_space<vmem>>, vector<16xf32>,
        %add3A_484 = arith.addi %multiple_of3A_19, %multiple_of3A_277 : i32
        %add3A_485 = arith.constant 6 : i32
        %add3A_486 = arith.addi %add3A_484, %add3A_485 : i32
        %get3A_487 = arith.index_cast %add3A_486 : i32 to index
        %get3A_488 = arith.constant 16 : index
        %get3A_489 = tpu.vector_load %arg10[%get3A_487, %get3A_488] {strides = array<i32>} : memref<512x32xf32, #tpu.memory_space<vmem>>, vector<16xf32>,
        %mul3A_490 = arith.mulf %get3A_483, %get3A_489 : vector<16xf32>
        %add3A_491 = arith.addf %mul3A_478, %mul3A_490 : vector<16xf32>
        %broadcast_in_dim3A_492 = arith.constant true
        %broadcast_in_dim3A_493 = vector.broadcast %broadcast_in_dim3A_492 : i1 to vector<16xi1>
        %masked_cumsum3A_494 = tpu.scan <sum>, %add3A_491 masked %broadcast_in_dim3A_493 : vector<16xf32>, vector<16xi1> -> vector<16xf32>
        %add3A_495 = arith.addi %multiple_of3A_19, %multiple_of3A_277 : i32
        %add3A_496 = arith.constant 6 : i32
        %add3A_497 = arith.addi %add3A_495, %add3A_496 : i32
        %broadcast_in_dim3A_498 = vector.broadcast %add3A_497 : i32 to vector<16xi32>
        tpu.vector_store_idx %arg11[%broadcast_in_dim3A_498], %masked_cumsum3A_494 masked %eq3A_4 : memref<512xf32, #tpu.memory_space<vmem>>[vector<16xi32>], vector<16xf32>, vector<16xi1>
        %add3A_499 = arith.constant 7 : i32
        %add3A_500 = arith.addi %multiple_of3A_277, %add3A_499 : i32
        %get3A_501 = arith.index_cast %add3A_500 : i32 to index
        %get3A_502 = arith.constant 0 : index
        %get3A_503 = tpu.vector_load %arg9[%get3A_501, %get3A_502] {strides = array<i32>} : memref<128x32xf32, #tpu.memory_space<vmem>>, vector<16xf32>,
        %add3A_504 = arith.addi %multiple_of3A_19, %multiple_of3A_277 : i32
        %add3A_505 = arith.constant 7 : i32
        %add3A_506 = arith.addi %add3A_504, %add3A_505 : i32
        %get3A_507 = arith.index_cast %add3A_506 : i32 to index
        %get3A_508 = arith.constant 0 : index
        %get3A_509 = tpu.vector_load %arg10[%get3A_507, %get3A_508] {strides = array<i32>} : memref<512x32xf32, #tpu.memory_space<vmem>>, vector<16xf32>,
        %mul3A_510 = arith.mulf %get3A_503, %get3A_509 : vector<16xf32>
        %add3A_511 = arith.constant 7 : i32
        %add3A_512 = arith.addi %multiple_of3A_277, %add3A_511 : i32
        %get3A_513 = arith.index_cast %add3A_512 : i32 to index
        %get3A_514 = arith.constant 16 : index
        %get3A_515 = tpu.vector_load %arg9[%get3A_513, %get3A_514] {strides = array<i32>} : memref<128x32xf32, #tpu.memory_space<vmem>>, vector<16xf32>,
        %add3A_516 = arith.addi %multiple_of3A_19, %multiple_of3A_277 : i32
        %add3A_517 = arith.constant 7 : i32
        %add3A_518 = arith.addi %add3A_516, %add3A_517 : i32
        %get3A_519 = arith.index_cast %add3A_518 : i32 to index
        %get3A_520 = arith.constant 16 : index
        %get3A_521 = tpu.vector_load %arg10[%get3A_519, %get3A_520] {strides = array<i32>} : memref<512x32xf32, #tpu.memory_space<vmem>>, vector<16xf32>,
        %mul3A_522 = arith.mulf %get3A_515, %get3A_521 : vector<16xf32>
        %add3A_523 = arith.addf %mul3A_510, %mul3A_522 : vector<16xf32>
        %broadcast_in_dim3A_524 = arith.constant true
        %broadcast_in_dim3A_525 = vector.broadcast %broadcast_in_dim3A_524 : i1 to vector<16xi1>
        %masked_cumsum3A_526 = tpu.scan <sum>, %add3A_523 masked %broadcast_in_dim3A_525 : vector<16xf32>, vector<16xi1> -> vector<16xf32>
        %add3A_527 = arith.addi %multiple_of3A_19, %multiple_of3A_277 : i32
        %add3A_528 = arith.constant 7 : i32
        %add3A_529 = arith.addi %add3A_527, %add3A_528 : i32
        %broadcast_in_dim3A_530 = vector.broadcast %add3A_529 : i32 to vector<16xi32>
        tpu.vector_store_idx %arg11[%broadcast_in_dim3A_530], %masked_cumsum3A_526 masked %eq3A_4 : memref<512xf32, #tpu.memory_space<vmem>>[vector<16xi32>], vector<16xf32>, vector<16xi1>
        %add3A_531 = arith.constant 8 : i32
        %add3A_532 = arith.addi %multiple_of3A_277, %add3A_531 : i32
        %get3A_533 = arith.index_cast %add3A_532 : i32 to index
        %get3A_534 = arith.constant 0 : index
        %get3A_535 = tpu.vector_load %arg9[%get3A_533, %get3A_534] {strides = array<i32>} : memref<128x32xf32, #tpu.memory_space<vmem>>, vector<16xf32>,
        %add3A_536 = arith.addi %multiple_of3A_19, %multiple_of3A_277 : i32
        %add3A_537 = arith.constant 8 : i32
        %add3A_538 = arith.addi %add3A_536, %add3A_537 : i32
        %get3A_539 = arith.index_cast %add3A_538 : i32 to index
        %get3A_540 = arith.constant 0 : index
        %get3A_541 = tpu.vector_load %arg10[%get3A_539, %get3A_540] {strides = array<i32>} : memref<512x32xf32, #tpu.memory_space<vmem>>, vector<16xf32>,
        %mul3A_542 = arith.mulf %get3A_535, %get3A_541 : vector<16xf32>
        %add3A_543 = arith.constant 8 : i32
        %add3A_544 = arith.addi %multiple_of3A_277, %add3A_543 : i32
        %get3A_545 = arith.index_cast %add3A_544 : i32 to index
        %get3A_546 = arith.constant 16 : index
        %get3A_547 = tpu.vector_load %arg9[%get3A_545, %get3A_546] {strides = array<i32>} : memref<128x32xf32, #tpu.memory_space<vmem>>, vector<16xf32>,
        %add3A_548 = arith.addi %multiple_of3A_19, %multiple_of3A_277 : i32
        %add3A_549 = arith.constant 8 : i32
        %add3A_550 = arith.addi %add3A_548, %add3A_549 : i32
        %get3A_551 = arith.index_cast %add3A_550 : i32 to index
        %get3A_552 = arith.constant 16 : index
        %get3A_553 = tpu.vector_load %arg10[%get3A_551, %get3A_552] {strides = array<i32>} : memref<512x32xf32, #tpu.memory_space<vmem>>, vector<16xf32>,
        %mul3A_554 = arith.mulf %get3A_547, %get3A_553 : vector<16xf32>
        %add3A_555 = arith.addf %mul3A_542, %mul3A_554 : vector<16xf32>
        %broadcast_in_dim3A_556 = arith.constant true
        %broadcast_in_dim3A_557 = vector.broadcast %broadcast_in_dim3A_556 : i1 to vector<16xi1>
        %masked_cumsum3A_558 = tpu.scan <sum>, %add3A_555 masked %broadcast_in_dim3A_557 : vector<16xf32>, vector<16xi1> -> vector<16xf32>
        %add3A_559 = arith.addi %multiple_of3A_19, %multiple_of3A_277 : i32
        %add3A_560 = arith.constant 8 : i32
        %add3A_561 = arith.addi %add3A_559, %add3A_560 : i32
        %broadcast_in_dim3A_562 = vector.broadcast %add3A_561 : i32 to vector<16xi32>
        tpu.vector_store_idx %arg11[%broadcast_in_dim3A_562], %masked_cumsum3A_558 masked %eq3A_4 : memref<512xf32, #tpu.memory_space<vmem>>[vector<16xi32>], vector<16xf32>, vector<16xi1>
        %add3A_563 = arith.constant 9 : i32
        %add3A_564 = arith.addi %multiple_of3A_277, %add3A_563 : i32
        %get3A_565 = arith.index_cast %add3A_564 : i32 to index
        %get3A_566 = arith.constant 0 : index
        %get3A_567 = tpu.vector_load %arg9[%get3A_565, %get3A_566] {strides = array<i32>} : memref<128x32xf32, #tpu.memory_space<vmem>>, vector<16xf32>,
        %add3A_568 = arith.addi %multiple_of3A_19, %multiple_of3A_277 : i32
        %add3A_569 = arith.constant 9 : i32
        %add3A_570 = arith.addi %add3A_568, %add3A_569 : i32
        %get3A_571 = arith.index_cast %add3A_570 : i32 to index
        %get3A_572 = arith.constant 0 : index
        %get3A_573 = tpu.vector_load %arg10[%get3A_571, %get3A_572] {strides = array<i32>} : memref<512x32xf32, #tpu.memory_space<vmem>>, vector<16xf32>,
        %mul3A_574 = arith.mulf %get3A_567, %get3A_573 : vector<16xf32>
        %add3A_575 = arith.constant 9 : i32
        %add3A_576 = arith.addi %multiple_of3A_277, %add3A_575 : i32
        %get3A_577 = arith.index_cast %add3A_576 : i32 to index
        %get3A_578 = arith.constant 16 : index
        %get3A_579 = tpu.vector_load %arg9[%get3A_577, %get3A_578] {strides = array<i32>} : memref<128x32xf32, #tpu.memory_space<vmem>>, vector<16xf32>,
        %add3A_580 = arith.addi %multiple_of3A_19, %multiple_of3A_277 : i32
        %add3A_581 = arith.constant 9 : i32
        %add3A_582 = arith.addi %add3A_580, %add3A_581 : i32
        %get3A_583 = arith.index_cast %add3A_582 : i32 to index
        %get3A_584 = arith.constant 16 : index
        %get3A_585 = tpu.vector_load %arg10[%get3A_583, %get3A_584] {strides = array<i32>} : memref<512x32xf32, #tpu.memory_space<vmem>>, vector<16xf32>,
        %mul3A_586 = arith.mulf %get3A_579, %get3A_585 : vector<16xf32>
        %add3A_587 = arith.addf %mul3A_574, %mul3A_586 : vector<16xf32>
        %broadcast_in_dim3A_588 = arith.constant true
        %broadcast_in_dim3A_589 = vector.broadcast %broadcast_in_dim3A_588 : i1 to vector<16xi1>
        %masked_cumsum3A_590 = tpu.scan <sum>, %add3A_587 masked %broadcast_in_dim3A_589 : vector<16xf32>, vector<16xi1> -> vector<16xf32>
        %add3A_591 = arith.addi %multiple_of3A_19, %multiple_of3A_277 : i32
        %add3A_592 = arith.constant 9 : i32
        %add3A_593 = arith.addi %add3A_591, %add3A_592 : i32
        %broadcast_in_dim3A_594 = vector.broadcast %add3A_593 : i32 to vector<16xi32>
        tpu.vector_store_idx %arg11[%broadcast_in_dim3A_594], %masked_cumsum3A_590 masked %eq3A_4 : memref<512xf32, #tpu.memory_space<vmem>>[vector<16xi32>], vector<16xf32>, vector<16xi1>
        %add3A_595 = arith.constant 10 : i32
        %add3A_596 = arith.addi %multiple_of3A_277, %add3A_595 : i32
        %get3A_597 = arith.index_cast %add3A_596 : i32 to index
        %get3A_598 = arith.constant 0 : index
        %get3A_599 = tpu.vector_load %arg9[%get3A_597, %get3A_598] {strides = array<i32>} : memref<128x32xf32, #tpu.memory_space<vmem>>, vector<16xf32>,
        %add3A_600 = arith.addi %multiple_of3A_19, %multiple_of3A_277 : i32
        %add3A_601 = arith.constant 10 : i32
        %add3A_602 = arith.addi %add3A_600, %add3A_601 : i32
        %get3A_603 = arith.index_cast %add3A_602 : i32 to index
        %get3A_604 = arith.constant 0 : index
        %get3A_605 = tpu.vector_load %arg10[%get3A_603, %get3A_604] {strides = array<i32>} : memref<512x32xf32, #tpu.memory_space<vmem>>, vector<16xf32>,
        %mul3A_606 = arith.mulf %get3A_599, %get3A_605 : vector<16xf32>
        %add3A_607 = arith.constant 10 : i32
        %add3A_608 = arith.addi %multiple_of3A_277, %add3A_607 : i32
        %get3A_609 = arith.index_cast %add3A_608 : i32 to index
        %get3A_610 = arith.constant 16 : index
        %get3A_611 = tpu.vector_load %arg9[%get3A_609, %get3A_610] {strides = array<i32>} : memref<128x32xf32, #tpu.memory_space<vmem>>, vector<16xf32>,
        %add3A_612 = arith.addi %multiple_of3A_19, %multiple_of3A_277 : i32
        %add3A_613 = arith.constant 10 : i32
        %add3A_614 = arith.addi %add3A_612, %add3A_613 : i32
        %get3A_615 = arith.index_cast %add3A_614 : i32 to index
        %get3A_616 = arith.constant 16 : index
        %get3A_617 = tpu.vector_load %arg10[%get3A_615, %get3A_616] {strides = array<i32>} : memref<512x32xf32, #tpu.memory_space<vmem>>, vector<16xf32>,
        %mul3A_618 = arith.mulf %get3A_611, %get3A_617 : vector<16xf32>
        %add3A_619 = arith.addf %mul3A_606, %mul3A_618 : vector<16xf32>
        %broadcast_in_dim3A_620 = arith.constant true
        %broadcast_in_dim3A_621 = vector.broadcast %broadcast_in_dim3A_620 : i1 to vector<16xi1>
        %masked_cumsum3A_622 = tpu.scan <sum>, %add3A_619 masked %broadcast_in_dim3A_621 : vector<16xf32>, vector<16xi1> -> vector<16xf32>
        %add3A_623 = arith.addi %multiple_of3A_19, %multiple_of3A_277 : i32
        %add3A_624 = arith.constant 10 : i32
        %add3A_625 = arith.addi %add3A_623, %add3A_624 : i32
        %broadcast_in_dim3A_626 = vector.broadcast %add3A_625 : i32 to vector<16xi32>
        tpu.vector_store_idx %arg11[%broadcast_in_dim3A_626], %masked_cumsum3A_622 masked %eq3A_4 : memref<512xf32, #tpu.memory_space<vmem>>[vector<16xi32>], vector<16xf32>, vector<16xi1>
        %add3A_627 = arith.constant 11 : i32
        %add3A_628 = arith.addi %multiple_of3A_277, %add3A_627 : i32
        %get3A_629 = arith.index_cast %add3A_628 : i32 to index
        %get3A_630 = arith.constant 0 : index
        %get3A_631 = tpu.vector_load %arg9[%get3A_629, %get3A_630] {strides = array<i32>} : memref<128x32xf32, #tpu.memory_space<vmem>>, vector<16xf32>,
        %add3A_632 = arith.addi %multiple_of3A_19, %multiple_of3A_277 : i32
        %add3A_633 = arith.constant 11 : i32
        %add3A_634 = arith.addi %add3A_632, %add3A_633 : i32
        %get3A_635 = arith.index_cast %add3A_634 : i32 to index
        %get3A_636 = arith.constant 0 : index
        %get3A_637 = tpu.vector_load %arg10[%get3A_635, %get3A_636] {strides = array<i32>} : memref<512x32xf32, #tpu.memory_space<vmem>>, vector<16xf32>,
        %mul3A_638 = arith.mulf %get3A_631, %get3A_637 : vector<16xf32>
        %add3A_639 = arith.constant 11 : i32
        %add3A_640 = arith.addi %multiple_of3A_277, %add3A_639 : i32
        %get3A_641 = arith.index_cast %add3A_640 : i32 to index
        %get3A_642 = arith.constant 16 : index
        %get3A_643 = tpu.vector_load %arg9[%get3A_641, %get3A_642] {strides = array<i32>} : memref<128x32xf32, #tpu.memory_space<vmem>>, vector<16xf32>,
        %add3A_644 = arith.addi %multiple_of3A_19, %multiple_of3A_277 : i32
        %add3A_645 = arith.constant 11 : i32
        %add3A_646 = arith.addi %add3A_644, %add3A_645 : i32
        %get3A_647 = arith.index_cast %add3A_646 : i32 to index
        %get3A_648 = arith.constant 16 : index
        %get3A_649 = tpu.vector_load %arg10[%get3A_647, %get3A_648] {strides = array<i32>} : memref<512x32xf32, #tpu.memory_space<vmem>>, vector<16xf32>,
        %mul3A_650 = arith.mulf %get3A_643, %get3A_649 : vector<16xf32>
        %add3A_651 = arith.addf %mul3A_638, %mul3A_650 : vector<16xf32>
        %broadcast_in_dim3A_652 = arith.constant true
        %broadcast_in_dim3A_653 = vector.broadcast %broadcast_in_dim3A_652 : i1 to vector<16xi1>
        %masked_cumsum3A_654 = tpu.scan <sum>, %add3A_651 masked %broadcast_in_dim3A_653 : vector<16xf32>, vector<16xi1> -> vector<16xf32>
        %add3A_655 = arith.addi %multiple_of3A_19, %multiple_of3A_277 : i32
        %add3A_656 = arith.constant 11 : i32
        %add3A_657 = arith.addi %add3A_655, %add3A_656 : i32
        %broadcast_in_dim3A_658 = vector.broadcast %add3A_657 : i32 to vector<16xi32>
        tpu.vector_store_idx %arg11[%broadcast_in_dim3A_658], %masked_cumsum3A_654 masked %eq3A_4 : memref<512xf32, #tpu.memory_space<vmem>>[vector<16xi32>], vector<16xf32>, vector<16xi1>
        %add3A_659 = arith.constant 12 : i32
        %add3A_660 = arith.addi %multiple_of3A_277, %add3A_659 : i32
        %get3A_661 = arith.index_cast %add3A_660 : i32 to index
        %get3A_662 = arith.constant 0 : index
        %get3A_663 = tpu.vector_load %arg9[%get3A_661, %get3A_662] {strides = array<i32>} : memref<128x32xf32, #tpu.memory_space<vmem>>, vector<16xf32>,
        %add3A_664 = arith.addi %multiple_of3A_19, %multiple_of3A_277 : i32
        %add3A_665 = arith.constant 12 : i32
        %add3A_666 = arith.addi %add3A_664, %add3A_665 : i32
        %get3A_667 = arith.index_cast %add3A_666 : i32 to index
        %get3A_668 = arith.constant 0 : index
        %get3A_669 = tpu.vector_load %arg10[%get3A_667, %get3A_668] {strides = array<i32>} : memref<512x32xf32, #tpu.memory_space<vmem>>, vector<16xf32>,
        %mul3A_670 = arith.mulf %get3A_663, %get3A_669 : vector<16xf32>
        %add3A_671 = arith.constant 12 : i32
        %add3A_672 = arith.addi %multiple_of3A_277, %add3A_671 : i32
        %get3A_673 = arith.index_cast %add3A_672 : i32 to index
        %get3A_674 = arith.constant 16 : index
        %get3A_675 = tpu.vector_load %arg9[%get3A_673, %get3A_674] {strides = array<i32>} : memref<128x32xf32, #tpu.memory_space<vmem>>, vector<16xf32>,
        %add3A_676 = arith.addi %multiple_of3A_19, %multiple_of3A_277 : i32
        %add3A_677 = arith.constant 12 : i32
        %add3A_678 = arith.addi %add3A_676, %add3A_677 : i32
        %get3A_679 = arith.index_cast %add3A_678 : i32 to index
        %get3A_680 = arith.constant 16 : index
        %get3A_681 = tpu.vector_load %arg10[%get3A_679, %get3A_680] {strides = array<i32>} : memref<512x32xf32, #tpu.memory_space<vmem>>, vector<16xf32>,
        %mul3A_682 = arith.mulf %get3A_675, %get3A_681 : vector<16xf32>
        %add3A_683 = arith.addf %mul3A_670, %mul3A_682 : vector<16xf32>
        %broadcast_in_dim3A_684 = arith.constant true
        %broadcast_in_dim3A_685 = vector.broadcast %broadcast_in_dim3A_684 : i1 to vector<16xi1>
        %masked_cumsum3A_686 = tpu.scan <sum>, %add3A_683 masked %broadcast_in_dim3A_685 : vector<16xf32>, vector<16xi1> -> vector<16xf32>
        %add3A_687 = arith.addi %multiple_of3A_19, %multiple_of3A_277 : i32
        %add3A_688 = arith.constant 12 : i32
        %add3A_689 = arith.addi %add3A_687, %add3A_688 : i32
        %broadcast_in_dim3A_690 = vector.broadcast %add3A_689 : i32 to vector<16xi32>
        tpu.vector_store_idx %arg11[%broadcast_in_dim3A_690], %masked_cumsum3A_686 masked %eq3A_4 : memref<512xf32, #tpu.memory_space<vmem>>[vector<16xi32>], vector<16xf32>, vector<16xi1>
        %add3A_691 = arith.constant 13 : i32
        %add3A_692 = arith.addi %multiple_of3A_277, %add3A_691 : i32
        %get3A_693 = arith.index_cast %add3A_692 : i32 to index
        %get3A_694 = arith.constant 0 : index
        %get3A_695 = tpu.vector_load %arg9[%get3A_693, %get3A_694] {strides = array<i32>} : memref<128x32xf32, #tpu.memory_space<vmem>>, vector<16xf32>,
        %add3A_696 = arith.addi %multiple_of3A_19, %multiple_of3A_277 : i32
        %add3A_697 = arith.constant 13 : i32
        %add3A_698 = arith.addi %add3A_696, %add3A_697 : i32
        %get3A_699 = arith.index_cast %add3A_698 : i32 to index
        %get3A_700 = arith.constant 0 : index
        %get3A_701 = tpu.vector_load %arg10[%get3A_699, %get3A_700] {strides = array<i32>} : memref<512x32xf32, #tpu.memory_space<vmem>>, vector<16xf32>,
        %mul3A_702 = arith.mulf %get3A_695, %get3A_701 : vector<16xf32>
        %add3A_703 = arith.constant 13 : i32
        %add3A_704 = arith.addi %multiple_of3A_277, %add3A_703 : i32
        %get3A_705 = arith.index_cast %add3A_704 : i32 to index
        %get3A_706 = arith.constant 16 : index
        %get3A_707 = tpu.vector_load %arg9[%get3A_705, %get3A_706] {strides = array<i32>} : memref<128x32xf32, #tpu.memory_space<vmem>>, vector<16xf32>,
        %add3A_708 = arith.addi %multiple_of3A_19, %multiple_of3A_277 : i32
        %add3A_709 = arith.constant 13 : i32
        %add3A_710 = arith.addi %add3A_708, %add3A_709 : i32
        %get3A_711 = arith.index_cast %add3A_710 : i32 to index
        %get3A_712 = arith.constant 16 : index
        %get3A_713 = tpu.vector_load %arg10[%get3A_711, %get3A_712] {strides = array<i32>} : memref<512x32xf32, #tpu.memory_space<vmem>>, vector<16xf32>,
        %mul3A_714 = arith.mulf %get3A_707, %get3A_713 : vector<16xf32>
        %add3A_715 = arith.addf %mul3A_702, %mul3A_714 : vector<16xf32>
        %broadcast_in_dim3A_716 = arith.constant true
        %broadcast_in_dim3A_717 = vector.broadcast %broadcast_in_dim3A_716 : i1 to vector<16xi1>
        %masked_cumsum3A_718 = tpu.scan <sum>, %add3A_715 masked %broadcast_in_dim3A_717 : vector<16xf32>, vector<16xi1> -> vector<16xf32>
        %add3A_719 = arith.addi %multiple_of3A_19, %multiple_of3A_277 : i32
        %add3A_720 = arith.constant 13 : i32
        %add3A_721 = arith.addi %add3A_719, %add3A_720 : i32
        %broadcast_in_dim3A_722 = vector.broadcast %add3A_721 : i32 to vector<16xi32>
        tpu.vector_store_idx %arg11[%broadcast_in_dim3A_722], %masked_cumsum3A_718 masked %eq3A_4 : memref<512xf32, #tpu.memory_space<vmem>>[vector<16xi32>], vector<16xf32>, vector<16xi1>
        %add3A_723 = arith.constant 14 : i32
        %add3A_724 = arith.addi %multiple_of3A_277, %add3A_723 : i32
        %get3A_725 = arith.index_cast %add3A_724 : i32 to index
        %get3A_726 = arith.constant 0 : index
        %get3A_727 = tpu.vector_load %arg9[%get3A_725, %get3A_726] {strides = array<i32>} : memref<128x32xf32, #tpu.memory_space<vmem>>, vector<16xf32>,
        %add3A_728 = arith.addi %multiple_of3A_19, %multiple_of3A_277 : i32
        %add3A_729 = arith.constant 14 : i32
        %add3A_730 = arith.addi %add3A_728, %add3A_729 : i32
        %get3A_731 = arith.index_cast %add3A_730 : i32 to index
        %get3A_732 = arith.constant 0 : index
        %get3A_733 = tpu.vector_load %arg10[%get3A_731, %get3A_732] {strides = array<i32>} : memref<512x32xf32, #tpu.memory_space<vmem>>, vector<16xf32>,
        %mul3A_734 = arith.mulf %get3A_727, %get3A_733 : vector<16xf32>
        %add3A_735 = arith.constant 14 : i32
        %add3A_736 = arith.addi %multiple_of3A_277, %add3A_735 : i32
        %get3A_737 = arith.index_cast %add3A_736 : i32 to index
        %get3A_738 = arith.constant 16 : index
        %get3A_739 = tpu.vector_load %arg9[%get3A_737, %get3A_738] {strides = array<i32>} : memref<128x32xf32, #tpu.memory_space<vmem>>, vector<16xf32>,
        %add3A_740 = arith.addi %multiple_of3A_19, %multiple_of3A_277 : i32
        %add3A_741 = arith.constant 14 : i32
        %add3A_742 = arith.addi %add3A_740, %add3A_741 : i32
        %get3A_743 = arith.index_cast %add3A_742 : i32 to index
        %get3A_744 = arith.constant 16 : index
        %get3A_745 = tpu.vector_load %arg10[%get3A_743, %get3A_744] {strides = array<i32>} : memref<512x32xf32, #tpu.memory_space<vmem>>, vector<16xf32>,
        %mul3A_746 = arith.mulf %get3A_739, %get3A_745 : vector<16xf32>
        %add3A_747 = arith.addf %mul3A_734, %mul3A_746 : vector<16xf32>
        %broadcast_in_dim3A_748 = arith.constant true
        %broadcast_in_dim3A_749 = vector.broadcast %broadcast_in_dim3A_748 : i1 to vector<16xi1>
        %masked_cumsum3A_750 = tpu.scan <sum>, %add3A_747 masked %broadcast_in_dim3A_749 : vector<16xf32>, vector<16xi1> -> vector<16xf32>
        %add3A_751 = arith.addi %multiple_of3A_19, %multiple_of3A_277 : i32
        %add3A_752 = arith.constant 14 : i32
        %add3A_753 = arith.addi %add3A_751, %add3A_752 : i32
        %broadcast_in_dim3A_754 = vector.broadcast %add3A_753 : i32 to vector<16xi32>
        tpu.vector_store_idx %arg11[%broadcast_in_dim3A_754], %masked_cumsum3A_750 masked %eq3A_4 : memref<512xf32, #tpu.memory_space<vmem>>[vector<16xi32>], vector<16xf32>, vector<16xi1>
        %add3A_755 = arith.constant 15 : i32
        %add3A_756 = arith.addi %multiple_of3A_277, %add3A_755 : i32
        %get3A_757 = arith.index_cast %add3A_756 : i32 to index
        %get3A_758 = arith.constant 0 : index
        %get3A_759 = tpu.vector_load %arg9[%get3A_757, %get3A_758] {strides = array<i32>} : memref<128x32xf32, #tpu.memory_space<vmem>>, vector<16xf32>,
        %add3A_760 = arith.addi %multiple_of3A_19, %multiple_of3A_277 : i32
        %add3A_761 = arith.constant 15 : i32
        %add3A_762 = arith.addi %add3A_760, %add3A_761 : i32
        %get3A_763 = arith.index_cast %add3A_762 : i32 to index
        %get3A_764 = arith.constant 0 : index
        %get3A_765 = tpu.vector_load %arg10[%get3A_763, %get3A_764] {strides = array<i32>} : memref<512x32xf32, #tpu.memory_space<vmem>>, vector<16xf32>,
        %mul3A_766 = arith.mulf %get3A_759, %get3A_765 : vector<16xf32>
        %add3A_767 = arith.constant 15 : i32
        %add3A_768 = arith.addi %multiple_of3A_277, %add3A_767 : i32
        %get3A_769 = arith.index_cast %add3A_768 : i32 to index
        %get3A_770 = arith.constant 16 : index
        %get3A_771 = tpu.vector_load %arg9[%get3A_769, %get3A_770] {strides = array<i32>} : memref<128x32xf32, #tpu.memory_space<vmem>>, vector<16xf32>,
        %add3A_772 = arith.addi %multiple_of3A_19, %multiple_of3A_277 : i32
        %add3A_773 = arith.constant 15 : i32
        %add3A_774 = arith.addi %add3A_772, %add3A_773 : i32
        %get3A_775 = arith.index_cast %add3A_774 : i32 to index
        %get3A_776 = arith.constant 16 : index
        %get3A_777 = tpu.vector_load %arg10[%get3A_775, %get3A_776] {strides = array<i32>} : memref<512x32xf32, #tpu.memory_space<vmem>>, vector<16xf32>,
        %mul3A_778 = arith.mulf %get3A_771, %get3A_777 : vector<16xf32>
        %add3A_779 = arith.addf %mul3A_766, %mul3A_778 : vector<16xf32>
        %broadcast_in_dim3A_780 = arith.constant true
        %broadcast_in_dim3A_781 = vector.broadcast %broadcast_in_dim3A_780 : i1 to vector<16xi1>
        %masked_cumsum3A_782 = tpu.scan <sum>, %add3A_779 masked %broadcast_in_dim3A_781 : vector<16xf32>, vector<16xi1> -> vector<16xf32>
        %add3A_783 = arith.addi %multiple_of3A_19, %multiple_of3A_277 : i32
        %add3A_784 = arith.constant 15 : i32
        %add3A_785 = arith.addi %add3A_783, %add3A_784 : i32
        %broadcast_in_dim3A_786 = vector.broadcast %add3A_785 : i32 to vector<16xi32>
        tpu.vector_store_idx %arg11[%broadcast_in_dim3A_786], %masked_cumsum3A_782 masked %eq3A_4 : memref<512xf32, #tpu.memory_space<vmem>>[vector<16xi32>], vector<16xf32>, vector<16xi1>
      }
      %scan3A_273 = arith.constant 8 : i32
    }
    %scan3A_15 = arith.constant 4 : i32
    "tpu.region"() ({
      %run_scoped3A = tpu.sem_alloc : memref<!tpu.dma_semaphore, #tpu.memory_space<semaphore_mem>>
      %dma_start3A = tpu.memref_slice %arg6[%multiple_of3A] : memref<16384xf32, #tpu.memory_space<hbm>> -> memref<512xf32, #tpu.memory_space<hbm>>
      %dma_start3A_16 = tpu.memref_slice %arg6[%multiple_of3A] : memref<16384xf32, #tpu.memory_space<hbm>> -> memref<512xf32, #tpu.memory_space<hbm>>
      tpu.enqueue_dma source(%arg11 : memref<512xf32, #tpu.memory_space<vmem>>) target(%dma_start3A_16 : memref<512xf32, #tpu.memory_space<hbm>>) target_semaphore(%run_scoped3A : memref<!tpu.dma_semaphore, #tpu.memory_space<semaphore_mem>>)
      %dma_wait3A = tpu.memref_slice %arg6[%multiple_of3A] : memref<16384xf32, #tpu.memory_space<hbm>> -> memref<512xf32, #tpu.memory_space<hbm>>
      %dma_wait3A_17 = tpu.memref_slice %arg6[%multiple_of3A] : memref<16384xf32, #tpu.memory_space<hbm>> -> memref<512xf32, #tpu.memory_space<hbm>>
      tpu.wait_dma2 semaphore(%run_scoped3A : memref<!tpu.dma_semaphore, #tpu.memory_space<semaphore_mem>>) src(%arg11 : memref<512xf32, #tpu.memory_space<vmem>>) dst(%dma_wait3A_17 : memref<512xf32, #tpu.memory_space<hbm>>)
      tpu.yield
    }) : () -> ()
    return
  }
}

</mosaic_0001>

<sc_bundles>
// kernel: kernel.3.cloned.1.call-start
scs
__scs_entry_jumppad:
0x0: {  	(pc) =	sbr.rel $0x88, $3  }
0x1: {  	(tag) =	ssettag $0x0;
	lr =	simm.s32 $0x1  }
0x2: {  	[smem:$0x3F9D] =	sst lr;
	_ =	strace $0xD0000000  }
0x3: {  	_ = 	snop  }
0x4: {  	_ = 	snop  }
0x5: {  	_ = 	snop  }
0x6: {  	_ = 	snop  }
0x7: {  	_ = 	snop  }
__scs_overlays_trampoline_lowered:
0x8: {  	[smem:$0x3FAC] =	sst s0  }
0x9: {  	[smem:$0x3FAD] =	sst s1  }
0xa: {  	[smem:$0x3FAE] =	sst s2  }
0xb: {  	[smem:$0x3FAF] =	sst s3  }
0xc: {  	[smem:$0x3FB0] =	sst s4  }
0xd: {  	[smem:$0x3FB1] =	sst s5  }
0xe: {  	[smem:$0x3FB2] =	sst s6  }
0xf: {  	[smem:$0x3FB3] =	sst s7  }
0x10: {  	[smem:$0x3FB4] =	sst s8  }
0x11: {  	[smem:$0x3FB5] =	sst s9;
	s0 =	simm.s32 @!p0 $0x0  }
0x12: {  	s1 =	sld [smem:$0x3F9B];
	s0 =	simm.s32 @p0 $0x1  }
0x13: {  	[smem:$0x3FB6] =	sst s0;
	s0 =	simm.s32 @!p1 $0x0  }
0x14: {  	s2 =	sld [smem:$0x3F9A];
	s0 =	simm.s32 @p1 $0x1  }
0x15: {  	[smem:$0x3FB7] =	sst s0;
	s0 =	simm.s32 @!p2 $0x0  }
0x16: {  	s3 =	sld [smem:$0x3FDB];
	s0 =	simm.s32 @p2 $0x1  }
0x17: {  	s4 =	simm.s32 $0x1BF5;
	[smem:$0x3FB9] =	sst s0  }
0x18: {  	s0 =	sld [smem:$0x3F9C];
	_ =	swait.ge [sflag:s4], $0x0  }
0x19: {  	s7 =	sld [smem:$0x3F9D]  }
0x1a: {  	s8 =	sadd.s32 $0xFFFFE003, lr  }
0x1b: {  	s9 =	sadd.s32 $0xFFFFFEF7, lr;
	s5 =	simm.s32 $0xFFFFFFFF;
	p2 =	slt.u32 s8, $0xFFFFF086  }
0x1c: {  	p1 =	slt.u32 s9, $0xF7A;
	s5 =	simm.s32 @!p2 $0x0  }
0x1d: {  	s5 =	simm.s32 @p1 $0x1;
	p0 =	seq.s32 s7, s2  }
0x1e: {  	s7 =	smul.u32 @!p0 $0xF7A, s2;
	p2 =	seq.s32 @!p0 s5, $0x0  }
0x1f: {  	s9 =	smul.u32 $0xF7A, s1;
	s8 =	simm.s32 @!p0 $0x1BF5;
	p2 =	por !p2, p0  }
0x20: {  	[sflag:s8] =	ssyncset.s32 @!p0 $0xFFFFF086;
	s6 =	sadd.s32 @!p0 s3, s7;
	s7 =	simm.s32 @!p0 $0x108  }
0x21: {  	s3 =	sadd.s32 s3, s9;
	s6 =	sadd.s32 @!p0 $0x88, s6;
	s7 =	simm.s32 @p2 $0x1082  }
0x22: {  	[simem:s7], [sflag:s8] =	dma.local @!p0 [hbm:s6], $0xF7A  }
0x23: {  	s9 =	sor.u32 $0xD0000000, s2;
	s6 =	simm.s32 $0x108;
	_ =	swait.ge @!p0 [sflag:s8], $0x0  }
0x24: {  	s3 =	sadd.s32 $0x88, s3;
	s6 =	simm.s32 @!p1 $0x1082;
	[sflag:s4] =	ssyncset.s32 $0xFFFFF086  }
0x25: {  	[simem:s6], [sflag:s4] =	dma.local [hbm:s3], $0xF7A  }
0x26: {  	[smem:$0x3F9D] =	sst s1;
	(tag) =	ssettag s2;
	_ =	strace s9  }
0x27: {  	s1 =	sld [smem:$0x3FAD]  }
0x28: {  	s2 =	sld [smem:$0x3FAE]  }
0x29: {  	s4 =	sld [smem:$0x3FB0]  }
0x2a: {  	p0 =	seq.s32 s5, $0x0;
	s5 =	sld [smem:$0x3FB1]  }
0x2b: {  	s6 =	sld [smem:$0x3FB2]  }
0x2c: {  	s7 =	sld [smem:$0x3FB3]  }
0x2d: {  	s3 =	simm.s32 $0x108;
	s8 =	sld [smem:$0x3FB4]  }
0x2e: {  	s3 =	simm.s32 @!p0 $0x1082;
	s9 =	sld [smem:$0x3FB5]  }
0x2f: {  	lr =	sadd.s32 s0, s3;
	s0 =	sld [smem:$0x3FAC]  }
0x30: {  	s3 =	sld [smem:$0x3FAF]  }
0x31: {  	[smem:$0x3FB8] =	sst s10  }
0x32: {  	s10 =	sld [smem:$0x3FB6];
	_ =	sdelay $0x3  }
0x33: {  	p0 =	seq.s32 s10, $0x1;
	s10 =	sld [smem:$0x3FB8];
	_ =	sdelay $0x3  }
0x34: {  	[smem:$0x3FB8] =	sst s10  }
0x35: {  	s10 =	sld [smem:$0x3FB7];
	_ =	sdelay $0x3  }
0x36: {  	p1 =	seq.s32 s10, $0x1;
	s10 =	sld [smem:$0x3FB8];
	_ =	sdelay $0x3  }
0x37: {  	[smem:$0x3FB8] =	sst s10  }
0x38: {  	s10 =	sld [smem:$0x3FB9]  }
0x39: {  	_ = 	snop;
	(pc) =	sbr.ind lr, $3  }
0x3a: {  	_ = 	snop  }
0x3b: {  	_ = 	snop  }
0x3c: {  	p2 =	seq.s32 s10, $0x1;
	s10 =	sld [smem:$0x3FB8]  }
0x3d: {  	_ =	shalt  }
0x3e: {  	_ =	shalt  }
0x3f: {  	_ =	shalt  }
0x40: {  	_ =	shalt  }
0x41: {  	_ =	shalt  }
0x42: {  	_ =	shalt  }
0x43: {  	_ =	shalt  }
0x44: {  	_ =	shalt  }
0x45: {  	_ =	shalt  }
0x46: {  	_ =	shalt  }
0x47: {  	_ =	shalt  }
0x48: {  	_ =	shalt  }
0x49: {  	_ =	shalt  }
0x4a: {  	_ =	shalt  }
0x4b: {  	_ =	shalt  }
0x4c: {  	_ =	shalt  }
0x4d: {  	_ =	shalt  }
0x4e: {  	_ =	shalt  }
0x4f: {  	_ =	shalt  }
0x50: {  	_ =	shalt  }
0x51: {  	_ =	shalt  }
0x52: {  	_ =	shalt  }
0x53: {  	_ =	shalt  }
0x54: {  	_ =	shalt  }
0x55: {  	_ =	shalt  }
0x56: {  	_ =	shalt  }
0x57: {  	_ =	shalt  }
0x58: {  	_ =	shalt  }
0x59: {  	_ =	shalt  }
0x5a: {  	_ =	shalt  }
0x5b: {  	_ =	shalt  }
0x5c: {  	_ =	shalt  }
0x5d: {  	_ =	shalt  }
0x5e: {  	_ =	shalt  }
0x5f: {  	_ =	shalt  }
0x60: {  	_ =	shalt  }
0x61: {  	_ =	shalt  }
0x62: {  	_ =	shalt  }
0x63: {  	_ =	shalt  }
0x64: {  	_ =	shalt  }
0x65: {  	_ =	shalt  }
0x66: {  	_ =	shalt  }
0x67: {  	_ =	shalt  }
0x68: {  	_ =	shalt  }
0x69: {  	_ =	shalt  }
0x6a: {  	_ =	shalt  }
0x6b: {  	_ =	shalt  }
0x6c: {  	_ =	shalt  }
0x6d: {  	_ =	shalt  }
0x6e: {  	_ =	shalt  }
0x6f: {  	_ =	shalt  }
0x70: {  	_ =	shalt  }
0x71: {  	_ =	shalt  }
0x72: {  	_ =	shalt  }
0x73: {  	_ =	shalt  }
0x74: {  	_ =	shalt  }
0x75: {  	_ =	shalt  }
0x76: {  	_ =	shalt  }
0x77: {  	_ =	shalt  }
0x78: {  	_ =	shalt  }
0x79: {  	_ =	shalt  }
0x7a: {  	_ =	shalt  }
0x7b: {  	_ =	shalt  }
0x7c: {  	_ =	shalt  }
0x7d: {  	_ =	shalt  }
0x7e: {  	_ =	shalt  }
0x7f: {  	_ =	shalt  }
0x80: {  	_ =	shalt  }
0x81: {  	_ =	shalt  }
0x82: {  	_ =	shalt  }
0x83: {  	_ =	shalt  }
0x84: {  	_ =	shalt  }
0x85: {  	_ =	shalt  }
0x86: {  	_ =	shalt  }
0x87: {  	_ =	shalt  }
.Lfunc_end0:
.L_simem_size_0:
called_computation_lowered:
.L_overlay_start_0:
0x88: {  	s2 =	sld [smem:$0x3FD9]  }
0x89: {  	s3 =	sld [smem:$0x3FFE];
	_ =	sdelay $0x1  }
0x8a: {  	s1 =	srdreg.scid  }
0x8b: {  	s0 =	sand.u32 $0x1, s1  }
0x8c: {  	s17 =	sshll.u32 s0, $0xA;
	s2 =	sadd.s32 s3, s2  }
0x8d: {  	s2 =	sadd.s32 s2, s17  }
0x8e: {  	[smem:$0x3FC4] =	sst s2  }
0x8f: {  	_ = 	snop  }
0x90: {  	s2 =	sld [smem:$0x3FC9]  }
0x91: {  	s18 =	sld [smem:$0x3FC8]  }
0x92: {  	s4 =	sld [smem:$0x3FD0];
	(tm) =	ssettm $0x1  }
0x93: {  	s5 =	sld [smem:$0x3FFB];
	_ =	sdelay $0x3  }
0x94: {  	_ =	strace s5  }
0x95: {  	s5 =	sld [smem:$0x3FFC];
	_ =	sdelay $0x3  }
0x96: {  	_ =	strace s5  }
0x97: {  	s5 =	sld [smem:$0x3FFD];
	_ =	sdelay $0x3  }
0x98: {  	_ =	strace s5  }
0x99: {  	_ =	strace $0x8FFFFFFF  }
0x9a: {  	s19 =	sld [smem:$0x3FDB];
	_ =	sdelay $0x1  }
0x9b: {  	s6 =	simm.s32 $_scs_section_size  }
0x9c: {  	s7 =	simm.s32 $_size__tile_overlayer_lowered;
	s8 =	simm.s32 $_tile_overlayer_lowered  }
0x9d: {  	s22 =	simm.s32 $0x1BFF;
	s21 =	sshll.u32 s8, $0x1;
	s5 =	sadd.s32 s6, s19  }
0x9e: {  	s9 =	simm.s32 $0x0;
	s20 =	sshll.u32 s7, $0x1;
	s7 =	sadd.s32 s21, s5  }
0x9f: {  	[timem:s9], [sflag:s22] =	dma.local [hbm:s7], s20  }
0xa0: {  	_ =	swait.ge [sflag:s22], s20  }
0xa1: {  	s6 =	ssub.s32 $0x0, s20;
	[sflag:s22] =	ssyncset.done $0x0  }
0xa2: {  	[sflag:s22] =	ssyncadd.s32 s6;
	_ =	sdelay $0x1  }
0xa3: {  	s23 =	simm.s32 $0x1B8B  }
0xa4: {  	_ =	swait.ge [sflag:s23], $0x1  }
0xa5: {  	[sflag:s23] =	ssyncset.done $0x0  }
0xa6: {  	s25 =	simm.s32 $0x1B8E;
	s24 =	sld [smem:$0x3FFE];
	[sflag:s23] =	ssyncadd.s32 $0xFFFFFFFF  }
0xa7: {  	s26 =	simm.s32 $execute0_lowered;
	[smem:$0x3FD2] =	sst s25  }
0xa8: {  	s7 =	sshll.u32 s26, $0x1;
	_ =	strace $0x80000046;
	[dreg:$0x1] =	wrdreg $0xFFFFFFFF  }
0xa9: {  	s28 =	simm.s32 $_size_execute0_lowered;
	s5 =	sadd.s32 s5, s7;
	[dreg:$0x0] =	wrdreg $0x0  }
0xaa: {  	s7 =	sshll.u32 s28, $0x1;
	[dreg:$0x2] =	wrdreg s5  }
0xab: {  	[dreg:$0x3] =	wrdreg s7  }
0xac: {  	[dreg:$0x4] =	wrdreg $0xC0  }
0xad: {  	_ =	task [dreg:s9], $0x5FFFF  }
0xae: {  	[dreg:$0x1] =	wrdreg $0xFFFFFFFF  }
0xaf: {  	[dreg:$0x0] =	wrdreg $0x60  }
0xb0: {  	[dreg:$0x2] =	wrdreg s2  }
0xb1: {  	[dreg:$0x3] =	wrdreg s18  }
0xb2: {  	[dreg:$0x4] =	wrdreg s24  }
0xb3: {  	[dreg:$0x5] =	wrdreg s4  }
0xb4: {  	[dreg:$0x6] =	wrdreg $0x9  }
0xb5: {  	_ =	task.clear_ibuf [dreg:s9], $0x7FFFF;
	_ =	strace $0x90000046  }
0xb6: {  	s29 =	simm.s32 $0x9;
	_ =	strace $0x80000048  }
0xb7: {  	_ =	swait.ge [sflag:s29], $0x1  }
0xb8: {  	[sflag:s29] =	ssyncadd.s32 $0xFFFFFFFF  }
0xb9: {  	_ =	strace $0x90000048  }
0xba: {  	_ =	sfence  }
0xbb: {  	s30 =	sld [smem:$0x0];
	_ =	sdelay $0x2  }
0xbc: {  	s31 =	sshll.u32 s1, $0xD;
	s1 =	sshrl.u32 s1, $0x2  }
0xbd: {  	s3 =	sand.u32 $0x4000, s31;
	s1 =	sadd.s32 s1, s30  }
0xbe: {  	s0 =	sor.u32 s3, s0;
	s1 =	sshll.u32 s1, $0x11  }
0xbf: {  	s0 =	sor.u32 s1, s0  }
0xc0: {  	s0 =	sadd.s32 $0x8F2B, s0  }
0xc1: {  	[sflag:s0] =	ssyncadd.remote.s32 $0x1  }
0xc2: {  	_ =	sfence.sel $0xFFFF  }
0xc3: {  	[dreg:$0x0] =	wrdreg $0xFFFFFFFF;
	(pc) =	sbr.abs _section_cstart, $3  }
0xc4: {  	[dreg:$0x1] =	wrdreg $0xFFFFFFFF  }
0xc5: {  	_ =	task.clear_ibuf [dreg:s9], $0x2FFFF;
	_ =	strace $0x9FFFFFFF  }
0xc6: {  	(tm) =	ssettm $0x7FFFFFFF  }
0xc7: {  	_ =	shalt  }
tec
execute0_lowered:
.L_overlay_start_1:
0x0: {  	(tag) =	ssettag $0x1  }
0x1: {  	s0 =	rddreg [dreg:$0x0]  }
0x2: {  	s6 =	rddreg [dreg:$0x1]  }
0x3: {  	s4 =	rddreg [dreg:$0x2]  }
0x4: {  	s7 =	rddreg [dreg:$0x3]  }
0x5: {  	s1 =	simm.s32 $0x0;
	s5 =	srdreg.scid;
	s2 =	stileid.u32  }
0x6: {  	s12 =	simm.s32 $0x1;
	s13 =	simm.s32 $0x2;
	s5 =	sand.u32 $0x1, s5  }
0x7: {  	s9 =	sshll.u32 s2, $0x7;
	s8 =	ssub.s32 $0x2, s5;
	s5 =	sshll.u32 s5, $0x6  }
0x8: {  	s14 =	simm.s32 $0x14400;
	[smem:$0x7FF] =	sst s1;
	s9 =	sor.u32 s5, s9  }
0x9: {  	s3 =	sadd.s32 $0x400, s4;
	_ =	strace $0x80000047;
	s0 =	sadd.s32 s0, s9  }
0xa: {  	s10 =	sshrl.u32 s8, $0x1;
	s29 =	sadd.s32 s6, s9;
	[dreg:$0x5] =	wrdreg s0  }
0xb: {  	s8 =	ssub.s32 s8, s10;
	s30 =	sadd.s32 s7, s9;
	[dreg:$0x6] =	wrdreg s29  }
0xc: {  	s4 =	sadd.s32 $0x186E00, s4;
	[dreg:$0x7] =	wrdreg s30;
	s31 =	smax.u32 s8, $0x1  }
0xd: {  	vm0 =	vcmask $0x3F3C;
	s2 =	simm.s32 $0x5;
	s5 =	simm.s32 $0x0;
	[dreg:$0x8] =	wrdreg s31  }
.LBB2_1:
0xe: {  	[dreg:$0x9] =	wrdreg s5  }
0xf: {  	s0 =	rddreg [dreg:$0x5]  }
0x10: {  	[tilespmem:s1], [sflag:$0x5] =	stream.linear.gather [hbm4b:s0+s1], $0x200, $0x38;
	[tilespmem:$0x14600] =	vst v63  }
0x11: {  	_ =	swait.ge [sflag:s2], $0x200  }
0x12: {  	[sflag:s2] =	ssyncset.done $0x0  }
0x13: {  	s16 =	simm.s32 $0x200;
	s31 =	rddreg [dreg:$0x6];
	[sflag:s2] =	ssyncadd.s32 $0xFFFFFE00  }
0x14: {  	[tilespmem:s16], [sflag:$0x5] =	stream.linear.gather [hbm4b:s31+s1], $0x200, $0x38;
	[tilespmem:$0x14600] =	vst v63  }
0x15: {  	_ =	swait.ge [sflag:s2], $0x200  }
0x16: {  	[sflag:s2] =	ssyncset.done $0x0  }
0x17: {  	s17 =	simm.s32 $0x4400;
	s18 =	simm.s32 $0x0;
	[sflag:s2] =	ssyncadd.s32 $0xFFFFFE00  }
.LBB2_2:
0x18: {  	v0 =	vld [tilespmem:s16+$0x0];
	_ =	sdelay $0x4  }
0x19: {  	v0 =	vshll.u32 v0, $0x4  }
0x1a: {  	(v2sf) =	vpush v0, $0x0  }
0x1b: {  	(v2sf) =	vpush v0, $0x2  }
0x1c: {  	(v2sf) =	vpush v0, $0x1;
	_ =	sdelay $0x1  }
0x1d: {  	s22 =	simm.s32 $0x0;
	s20 =	simm.s32 $0x2000;
	(v2sf) =	vpush v0, $0x3  }
0x1e: {  	s19 =	simm.s32 $0x4000;
	s23 =	simm.s32 $0x6000;
	s21 =	smov.u32 s16;
	(v2sf) =	vpush v0, $0x4  }
.LBB2_3:
0x1f: {  	_ =	sdelay $0x2  }
0x20: {  	p0 =	sne.s32 s23, $0xE000;
	(v2sf) =	vpush v0, $0x5;
	s0 =	smov.u32 s23;
	s23 =	sadd.s32 $0x2000, s23  }
0x21: {  	s24 =	sshra.s32 s22, $0x2;
	s22 =	smov.u32 s20;
	s20 =	smov.u32 s19  }
0x22: {  	s24 =	sadd.s32 s24, s17;
	s19 =	smov.u32 s0;
	(v2sf) =	vpush v0, $0x6  }
0x23: {  	s21 =	sadd.s32 $0x10, s21;
	s2 =	sadd.s32 $0x80, s24  }
0x24: {  	s28 =	sadd.s32 $0x580, s24;
	s26 =	sadd.s32 $0x600, s24;
	s25 =	sadd.s32 $0x680, s24;
	(v2sf) =	vpush v0, $0x7  }
0x25: {  	s31 =	sadd.s32 $0x400, s24;
	s30 =	sadd.s32 $0x480, s24;
	s29 =	sadd.s32 $0x500, s24  }
0x26: {  	s5 =	sadd.s32 $0x300, s24;
	s0 =	sadd.s32 $0x380, s24;
	s6 =	spop (v2sf);
	(v2sf) =	vpush v0, $0x8  }
0x27: {  	s7 =	sadd.s32 $0x100, s24;
	s6 =	sand.u32 $0x1FFFFFF0, s6;
	s8 =	spop (v2sf)  }
0x28: {  	s9 =	sadd.s32 $0x280, s24;
	s6 =	sadd.s32 s4, s6;
	s15 =	spop (v2sf);
	(v2sf) =	vpush v0, $0x9  }
0x29: {  	[tilespmem:s24], [sflag:$0x1] =	stream.linear.gather [hbm4b:s6+s1], $0x80, $0x38;
	[tilespmem:$0x14600] =	vst v63  }
0x2a: {  	s8 =	sand.u32 $0x1FFFFFF0, s8;
	s6 =	sand.u32 $0x1FFFFFF0, s15;
	s15 =	spop (v2sf);
	(v2sf) =	vpush v0, $0xA  }
0x2b: {  	s10 =	sadd.s32 $0x200, s24;
	s6 =	sadd.s32 s4, s6;
	s11 =	spop (v2sf)  }
0x2c: {  	[tilespmem:s2], [sflag:$0x2] =	stream.linear.gather [hbm4b:s6+s1], $0x80, $0x38;
	(v2sf) =	vpush v0, $0xB;
	[tilespmem:$0x14600] =	vst v63  }
0x2d: {  	s2 =	sadd.s32 s4, s8;
	s6 =	sand.u32 $0x1FFFFFF0, s15;
	s8 =	sand.u32 $0x1FFFFFF0, s11  }
0x2e: {  	[tilespmem:s7], [sflag:$0x1] =	stream.linear.gather [hbm4b:s2+s1], $0x80, $0x38;
	(v2sf) =	vpush v0, $0xC;
	[tilespmem:$0x14600] =	vst v63  }
0x2f: {  	s6 =	sadd.s32 s4, s6;
	s2 =	sadd.s32 $0x180, s24;
	s7 =	spop (v2sf)  }
0x30: {  	[tilespmem:s2], [sflag:$0x2] =	stream.linear.gather [hbm4b:s6+s1], $0x80, $0x38;
	(v2sf) =	vpush v0, $0xD;
	[tilespmem:$0x14600] =	vst v63  }
0x31: {  	s2 =	sadd.s32 s4, s8;
	s6 =	sand.u32 $0x1FFFFFF0, s7;
	s7 =	spop (v2sf)  }
0x32: {  	[tilespmem:s10], [sflag:$0x1] =	stream.linear.gather [hbm4b:s2+s1], $0x80, $0x38;
	(v2sf) =	vpush v0, $0xE;
	[tilespmem:$0x14600] =	vst v63  }
0x33: {  	s2 =	sadd.s32 s4, s6;
	s6 =	sand.u32 $0x1FFFFFF0, s7;
	s7 =	spop (v2sf)  }
0x34: {  	[tilespmem:s9], [sflag:$0x2] =	stream.linear.gather [hbm4b:s2+s1], $0x80, $0x38;
	(v2sf) =	vpush v0, $0xF;
	[tilespmem:$0x14600] =	vst v63  }
0x35: {  	s2 =	sadd.s32 s4, s6;
	s6 =	sand.u32 $0x1FFFFFF0, s7;
	s7 =	spop (v2sf)  }
0x36: {  	[tilespmem:s5], [sflag:$0x1] =	stream.linear.gather [hbm4b:s2+s1], $0x80, $0x38;
	[tilespmem:$0x14600] =	vst v63  }
0x37: {  	s2 =	sadd.s32 s4, s6;
	s5 =	sand.u32 $0x1FFFFFF0, s7;
	s6 =	spop (v2sf)  }
0x38: {  	[tilespmem:s0], [sflag:$0x2] =	stream.linear.gather [hbm4b:s2+s1], $0x80, $0x38;
	[tilespmem:$0x14600] =	vst v63  }
0x39: {  	s0 =	sadd.s32 s4, s5;
	s2 =	sand.u32 $0x1FFFFFF0, s6;
	s5 =	spop (v2sf)  }
0x3a: {  	[tilespmem:s31], [sflag:$0x1] =	stream.linear.gather [hbm4b:s0+s1], $0x80, $0x38;
	[tilespmem:$0x14600] =	vst v63  }
0x3b: {  	s0 =	sadd.s32 s4, s2;
	s2 =	sand.u32 $0x1FFFFFF0, s5;
	s5 =	spop (v2sf)  }
0x3c: {  	[tilespmem:s30], [sflag:$0x2] =	stream.linear.gather [hbm4b:s0+s1], $0x80, $0x38;
	[tilespmem:$0x14600] =	vst v63  }
0x3d: {  	s0 =	sadd.s32 s4, s2;
	s2 =	sand.u32 $0x1FFFFFF0, s5;
	s5 =	spop (v2sf)  }
0x3e: {  	[tilespmem:s29], [sflag:$0x1] =	stream.linear.gather [hbm4b:s0+s1], $0x80, $0x38;
	[tilespmem:$0x14600] =	vst v63  }
0x3f: {  	s0 =	sadd.s32 s4, s2;
	s2 =	sand.u32 $0x1FFFFFF0, s5;
	s5 =	spop (v2sf)  }
0x40: {  	[tilespmem:s28], [sflag:$0x2] =	stream.linear.gather [hbm4b:s0+s1], $0x80, $0x38;
	[tilespmem:$0x14600] =	vst v63  }
0x41: {  	s0 =	sadd.s32 s4, s2;
	s2 =	sand.u32 $0x1FFFFFF0, s5;
	s5 =	spop (v2sf)  }
0x42: {  	[tilespmem:s26], [sflag:$0x1] =	stream.linear.gather [hbm4b:s0+s1], $0x80, $0x38;
	[tilespmem:$0x14600] =	vst v63  }
0x43: {  	s0 =	sadd.s32 s4, s2;
	s2 =	sand.u32 $0x1FFFFFF0, s5;
	s5 =	spop (v2sf)  }
0x44: {  	[tilespmem:s25], [sflag:$0x2] =	stream.linear.gather [hbm4b:s0+s1], $0x80, $0x38;
	[tilespmem:$0x14600] =	vst v63  }
0x45: {  	s2 =	sadd.s32 s4, s2;
	s0 =	sadd.s32 $0x700, s24;
	s5 =	sand.u32 $0x1FFFFFF0, s5  }
0x46: {  	[tilespmem:s0], [sflag:$0x1] =	stream.linear.gather [hbm4b:s2+s1], $0x80, $0x38;
	[tilespmem:$0x14600] =	vst v63  }
0x47: {  	s0 =	sadd.s32 $0x780, s24;
	s2 =	sadd.s32 s4, s5  }
0x48: {  	[tilespmem:s0], [sflag:$0x2] =	stream.linear.gather [hbm4b:s2+s1], $0x80, $0x38;
	[tilespmem:$0x14600] =	vst v63  }
0x49: {  	v0 =	vld [tilespmem:s21+$0x0];
	_ =	sdelay $0x4  }
0x4a: {  	v0 =	vshll.u32 v0, $0x4  }
0x4b: {  	(v2sf) =	vpush v0, $0x0  }
.Ltmp0:
0x4c: {  	(v2sf) =	vpush v0, $0x2;
	(pc) =	sbr.rel @p0 .LBB2_3-.Ltmp0, $3  }
0x4d: {  	(v2sf) =	vpush v0, $0x1;
	_ =	sdelay $0x1  }
0x4e: {  	(v2sf) =	vpush v0, $0x3  }
0x4f: {  	(v2sf) =	vpush v0, $0x4  }
0x50: {  	_ =	sdelay $0x2  }
0x51: {  	(v2sf) =	vpush v0, $0x5  }
0x52: {  	s0 =	sshra.s32 s22, $0x2  }
0x53: {  	s22 =	sadd.s32 s0, s17;
	(v2sf) =	vpush v0, $0x6  }
0x54: {  	s0 =	sadd.s32 $0x80, s22  }
0x55: {  	s25 =	sadd.s32 $0x580, s22;
	s24 =	sadd.s32 $0x600, s22;
	s23 =	sadd.s32 $0x680, s22;
	(v2sf) =	vpush v0, $0x7  }
0x56: {  	s2 =	sadd.s32 $0x400, s22;
	s5 =	sadd.s32 $0x480, s22;
	s6 =	sadd.s32 $0x500, s22  }
0x57: {  	s7 =	sadd.s32 $0x300, s22;
	s8 =	sadd.s32 $0x380, s22;
	s9 =	spop (v2sf);
	(v2sf) =	vpush v0, $0x8  }
0x58: {  	s10 =	sadd.s32 $0x100, s22;
	s9 =	sand.u32 $0x1FFFFFF0, s9;
	s11 =	spop (v2sf)  }
0x59: {  	s15 =	sadd.s32 $0x280, s22;
	s9 =	sadd.s32 s4, s9;
	s26 =	spop (v2sf);
	(v2sf) =	vpush v0, $0x9  }
0x5a: {  	[tilespmem:s22], [sflag:$0x1] =	stream.linear.gather [hbm4b:s9+s1], $0x80, $0x38;
	[tilespmem:$0x14600] =	vst v63  }
0x5b: {  	s28 =	sadd.s32 $0x200, s22;
	s30 =	sand.u32 $0x1FFFFFF0, s26;
	s31 =	spop (v2sf);
	(v2sf) =	vpush v0, $0xA  }
0x5c: {  	s11 =	sand.u32 $0x1FFFFFF0, s11;
	s9 =	sadd.s32 s4, s30;
	s29 =	spop (v2sf)  }
0x5d: {  	[tilespmem:s0], [sflag:$0x2] =	stream.linear.gather [hbm4b:s9+s1], $0x80, $0x38;
	(v2sf) =	vpush v0, $0xB;
	[tilespmem:$0x14600] =	vst v63  }
0x5e: {  	s11 =	sadd.s32 s4, s11;
	s30 =	sadd.s32 $0x180, s22;
	s26 =	sand.u32 $0x1FFFFFF0, s31  }
0x5f: {  	(v2sf) =	vpush v0, $0xC;
	[tilespmem:s10], [sflag:$0x1] =	stream.linear.gather [hbm4b:s11+s1], $0x80, $0x38;
	[tilespmem:$0x14600] =	vst v63  }
0x60: {  	s29 =	sand.u32 $0x1FFFFFF0, s29;
	s9 =	sadd.s32 s4, s26;
	s31 =	spop (v2sf)  }
0x61: {  	(v2sf) =	vpush v0, $0xD;
	[tilespmem:s30], [sflag:$0x2] =	stream.linear.gather [hbm4b:s9+s1], $0x80, $0x38;
	[tilespmem:$0x14600] =	vst v63  }
0x62: {  	s11 =	sand.u32 $0x1FFFFFF0, s31;
	s26 =	spop (v2sf);
	s9 =	sadd.s32 s4, s29  }
0x63: {  	(v2sf) =	vpush v0, $0xE;
	[tilespmem:s28], [sflag:$0x1] =	stream.linear.gather [hbm4b:s9+s1], $0x80, $0x38;
	[tilespmem:$0x14600] =	vst v63  }
0x64: {  	s31 =	spop (v2sf);
	s29 =	sadd.s32 s4, s11;
	s30 =	sand.u32 $0x1FFFFFF0, s26  }
0x65: {  	(v2sf) =	vpush v0, $0xF;
	[tilespmem:s15], [sflag:$0x2] =	stream.linear.gather [hbm4b:s29+s1], $0x80, $0x38;
	[tilespmem:$0x14600] =	vst v63  }
0x66: {  	s10 =	sand.u32 $0x1FFFFFF0, s31;
	s9 =	sadd.s32 s4, s30;
	s11 =	spop (v2sf)  }
0x67: {  	[tilespmem:s7], [sflag:$0x1] =	stream.linear.gather [hbm4b:s9+s1], $0x80, $0x38;
	[tilespmem:$0x14600] =	vst v63  }
0x68: {  	s15 =	sadd.s32 s4, s10;
	s26 =	sand.u32 $0x1FFFFFF0, s11;
	s28 =	spop (v2sf)  }
0x69: {  	[tilespmem:s8], [sflag:$0x2] =	stream.linear.gather [hbm4b:s15+s1], $0x80, $0x38;
	[tilespmem:$0x14600] =	vst v63  }
0x6a: {  	s29 =	sadd.s32 s4, s26;
	s30 =	sand.u32 $0x1FFFFFF0, s28;
	s31 =	spop (v2sf)  }
0x6b: {  	[tilespmem:s2], [sflag:$0x1] =	stream.linear.gather [hbm4b:s29+s1], $0x80, $0x38;
	[tilespmem:$0x14600] =	vst v63  }
0x6c: {  	s9 =	sadd.s32 s4, s30;
	s10 =	sand.u32 $0x1FFFFFF0, s31;
	s11 =	spop (v2sf)  }
0x6d: {  	[tilespmem:s5], [sflag:$0x2] =	stream.linear.gather [hbm4b:s9+s1], $0x80, $0x38;
	[tilespmem:$0x14600] =	vst v63  }
0x6e: {  	s15 =	sadd.s32 s4, s10;
	s26 =	sand.u32 $0x1FFFFFF0, s11;
	s28 =	spop (v2sf)  }
0x6f: {  	[tilespmem:s6], [sflag:$0x1] =	stream.linear.gather [hbm4b:s15+s1], $0x80, $0x38;
	[tilespmem:$0x14600] =	vst v63  }
0x70: {  	s29 =	sadd.s32 s4, s26;
	s30 =	sand.u32 $0x1FFFFFF0, s28;
	s31 =	spop (v2sf)  }
0x71: {  	[tilespmem:s25], [sflag:$0x2] =	stream.linear.gather [hbm4b:s29+s1], $0x80, $0x38;
	[tilespmem:$0x14600] =	vst v63  }
0x72: {  	s6 =	sadd.s32 s4, s30;
	s7 =	sand.u32 $0x1FFFFFF0, s31;
	s8 =	spop (v2sf)  }
0x73: {  	[tilespmem:s24], [sflag:$0x1] =	stream.linear.gather [hbm4b:s6+s1], $0x80, $0x38;
	[tilespmem:$0x14600] =	vst v63  }
0x74: {  	s9 =	sadd.s32 s4, s7;
	s10 =	sand.u32 $0x1FFFFFF0, s8;
	s11 =	spop (v2sf)  }
0x75: {  	[tilespmem:s23], [sflag:$0x2] =	stream.linear.gather [hbm4b:s9+s1], $0x80, $0x38;
	[tilespmem:$0x14600] =	vst v63  }
0x76: {  	s15 =	sadd.s32 $0x700, s22;
	s2 =	sadd.s32 s4, s10;
	s5 =	sand.u32 $0x1FFFFFF0, s11  }
0x77: {  	[tilespmem:s15], [sflag:$0x1] =	stream.linear.gather [hbm4b:s2+s1], $0x80, $0x38;
	[tilespmem:$0x14600] =	vst v63  }
0x78: {  	s21 =	sadd.s32 $0x10, s21;
	s22 =	sadd.s32 $0x780, s22;
	s23 =	sadd.s32 s4, s5  }
0x79: {  	[tilespmem:s22], [sflag:$0x2] =	stream.linear.gather [hbm4b:s23+s1], $0x80, $0x38;
	[tilespmem:$0x14600] =	vst v63  }
0x7a: {  	v62 =	vld [tilespmem:s21+$0x0];
	_ =	sdelay $0x4  }
0x7b: {  	v0 =	vshll.u32 v62, $0x4  }
0x7c: {  	(v2sf) =	vpush v0, $0x0  }
0x7d: {  	(v2sf) =	vpush v0, $0x2  }
0x7e: {  	(v2sf) =	vpush v0, $0x1;
	_ =	sdelay $0x2  }
0x7f: {  	(v2sf) =	vpush v0, $0x3;
	_ =	sdelay $0x1  }
0x80: {  	(v2sf) =	vpush v0, $0x4;
	_ =	sdelay $0x1  }
0x81: {  	(v2sf) =	vpush v0, $0x5  }
0x82: {  	s24 =	sshra.s32 s20, $0x2  }
0x83: {  	s20 =	sadd.s32 s24, s17;
	(v2sf) =	vpush v0, $0x6  }
0x84: {  	s0 =	sadd.s32 $0x80, s20  }
0x85: {  	s24 =	sadd.s32 $0x580, s20;
	s5 =	sadd.s32 $0x480, s20;
	s6 =	sadd.s32 $0x500, s20;
	(v2sf) =	vpush v0, $0x7  }
0x86: {  	s7 =	sadd.s32 $0x300, s20;
	s8 =	sadd.s32 $0x380, s20;
	s10 =	sadd.s32 $0x100, s20  }
0x87: {  	s2 =	sadd.s32 $0x400, s20;
	s15 =	sadd.s32 $0x280, s20;
	s25 =	spop (v2sf);
	(v2sf) =	vpush v0, $0x8  }
0x88: {  	s23 =	sadd.s32 $0x600, s20;
	s9 =	sand.u32 $0x1FFFFFF0, s25;
	s26 =	spop (v2sf)  }
0x89: {  	s22 =	sadd.s32 $0x680, s20;
	(v2sf) =	vpush v0, $0x9;
	s9 =	sadd.s32 s4, s9;
	s28 =	spop (v2sf)  }
0x8a: {  	[tilespmem:s20], [sflag:$0x1] =	stream.linear.gather [hbm4b:s9+s1], $0x80, $0x38;
	[tilespmem:$0x14600] =	vst v63  }
0x8b: {  	s25 =	sadd.s32 $0x180, s20;
	s11 =	sand.u32 $0x1FFFFFF0, s26;
	(v2sf) =	vpush v0, $0xA;
	s29 =	sand.u32 $0x1FFFFFF0, s28  }
0x8c: {  	s26 =	sadd.s32 $0x200, s20;
	s30 =	spop (v2sf);
	s9 =	sadd.s32 s4, s29  }
0x8d: {  	(v2sf) =	vpush v0, $0xB;
	[tilespmem:s0], [sflag:$0x2] =	stream.linear.gather [hbm4b:s9+s1], $0x80, $0x38;
	[tilespmem:$0x14600] =	vst v63  }
0x8e: {  	s31 =	spop (v2sf);
	s29 =	sadd.s32 s4, s11;
	s30 =	sand.u32 $0x1FFFFFF0, s30  }
0x8f: {  	(v2sf) =	vpush v0, $0xC;
	[tilespmem:s10], [sflag:$0x1] =	stream.linear.gather [hbm4b:s29+s1], $0x80, $0x38;
	[tilespmem:$0x14600] =	vst v63  }
0x90: {  	s31 =	sand.u32 $0x1FFFFFF0, s31;
	s9 =	sadd.s32 s4, s30;
	s28 =	spop (v2sf)  }
0x91: {  	(v2sf) =	vpush v0, $0xD;
	[tilespmem:s25], [sflag:$0x2] =	stream.linear.gather [hbm4b:s9+s1], $0x80, $0x38;
	[tilespmem:$0x14600] =	vst v63  }
0x92: {  	s30 =	sand.u32 $0x1FFFFFF0, s28;
	s29 =	sadd.s32 s4, s31;
	s31 =	spop (v2sf)  }
0x93: {  	(v2sf) =	vpush v0, $0xE;
	[tilespmem:s26], [sflag:$0x1] =	stream.linear.gather [hbm4b:s29+s1], $0x80, $0x38;
	[tilespmem:$0x14600] =	vst v63  }
0x94: {  	s10 =	sand.u32 $0x1FFFFFF0, s31;
	s11 =	spop (v2sf);
	s9 =	sadd.s32 s4, s30  }
0x95: {  	(v2sf) =	vpush v0, $0xF;
	[tilespmem:s15], [sflag:$0x2] =	stream.linear.gather [hbm4b:s9+s1], $0x80, $0x38;
	[tilespmem:$0x14600] =	vst v63  }
0x96: {  	s25 =	sadd.s32 s4, s10;
	s26 =	sand.u32 $0x1FFFFFF0, s11;
	s28 =	spop (v2sf)  }
0x97: {  	[tilespmem:s7], [sflag:$0x1] =	stream.linear.gather [hbm4b:s25+s1], $0x80, $0x38;
	[tilespmem:$0x14600] =	vst v63  }
0x98: {  	s29 =	sadd.s32 s4, s26;
	s30 =	sand.u32 $0x1FFFFFF0, s28;
	s31 =	spop (v2sf)  }
0x99: {  	[tilespmem:s8], [sflag:$0x2] =	stream.linear.gather [hbm4b:s29+s1], $0x80, $0x38;
	[tilespmem:$0x14600] =	vst v63  }
0x9a: {  	s10 =	sadd.s32 s4, s30;
	s11 =	sand.u32 $0x1FFFFFF0, s31;
	s15 =	spop (v2sf)  }
0x9b: {  	[tilespmem:s2], [sflag:$0x1] =	stream.linear.gather [hbm4b:s10+s1], $0x80, $0x38;
	[tilespmem:$0x14600] =	vst v63  }
0x9c: {  	s25 =	sadd.s32 s4, s11;
	s26 =	sand.u32 $0x1FFFFFF0, s15;
	s28 =	spop (v2sf)  }
0x9d: {  	[tilespmem:s5], [sflag:$0x2] =	stream.linear.gather [hbm4b:s25+s1], $0x80, $0x38;
	[tilespmem:$0x14600] =	vst v63  }
0x9e: {  	s29 =	sadd.s32 s4, s26;
	s30 =	sand.u32 $0x1FFFFFF0, s28;
	s31 =	spop (v2sf)  }
0x9f: {  	[tilespmem:s6], [sflag:$0x1] =	stream.linear.gather [hbm4b:s29+s1], $0x80, $0x38;
	[tilespmem:$0x14600] =	vst v63  }
0xa0: {  	s7 =	sand.u32 $0x1FFFFFF0, s31;
	s8 =	spop (v2sf);
	s6 =	sadd.s32 s4, s30  }
0xa1: {  	[tilespmem:s24], [sflag:$0x2] =	stream.linear.gather [hbm4b:s6+s1], $0x80, $0x38;
	[tilespmem:$0x14600] =	vst v63  }
0xa2: {  	s9 =	sadd.s32 s4, s7;
	s10 =	sand.u32 $0x1FFFFFF0, s8;
	s11 =	spop (v2sf)  }
0xa3: {  	[tilespmem:s23], [sflag:$0x1] =	stream.linear.gather [hbm4b:s9+s1], $0x80, $0x38;
	[tilespmem:$0x14600] =	vst v63  }
0xa4: {  	s15 =	sadd.s32 s4, s10;
	s24 =	spop (v2sf);
	s23 =	sand.u32 $0x1FFFFFF0, s11  }
0xa5: {  	[tilespmem:s22], [sflag:$0x2] =	stream.linear.gather [hbm4b:s15+s1], $0x80, $0x38;
	[tilespmem:$0x14600] =	vst v63  }
0xa6: {  	s25 =	sadd.s32 $0x700, s20;
	s5 =	sand.u32 $0x1FFFFFF0, s24;
	s2 =	sadd.s32 s4, s23  }
0xa7: {  	[tilespmem:s25], [sflag:$0x1] =	stream.linear.gather [hbm4b:s2+s1], $0x80, $0x38;
	[tilespmem:$0x14600] =	vst v63  }
0xa8: {  	s26 =	sadd.s32 $0x10, s21;
	s28 =	sadd.s32 $0x780, s20;
	s5 =	sadd.s32 s4, s5  }
0xa9: {  	[tilespmem:s28], [sflag:$0x2] =	stream.linear.gather [hbm4b:s5+s1], $0x80, $0x38;
	[tilespmem:$0x14600] =	vst v63  }
0xaa: {  	v63 =	vld [tilespmem:s26+$0x0];
	_ =	sdelay $0x4  }
0xab: {  	v0 =	vshll.u32 v63, $0x4  }
0xac: {  	(v2sf) =	vpush v0, $0x0  }
0xad: {  	(v2sf) =	vpush v0, $0x2  }
0xae: {  	(v2sf) =	vpush v0, $0x1;
	_ =	sdelay $0x1  }
0xaf: {  	(v2sf) =	vpush v0, $0x3  }
0xb0: {  	(v2sf) =	vpush v0, $0x4;
	_ =	sdelay $0x3  }
0xb1: {  	(v2sf) =	vpush v0, $0x5;
	_ =	sdelay $0x1  }
0xb2: {  	s29 =	sshra.s32 s19, $0x2;
	(v2sf) =	vpush v0, $0x6  }
0xb3: {  	s18 =	sadd.s32 $0x1, s18;
	s16 =	sadd.s32 $0x80, s16;
	s19 =	sadd.s32 s29, s17  }
0xb4: {  	p0 =	sne.s32 s18, $0x4;
	s0 =	sadd.s32 $0x80, s19;
	s6 =	sadd.s32 $0x500, s19;
	(v2sf) =	vpush v0, $0x7  }
0xb5: {  	s7 =	sadd.s32 $0x300, s19;
	s8 =	sadd.s32 $0x380, s19;
	s10 =	sadd.s32 $0x100, s19  }
0xb6: {  	s22 =	sadd.s32 $0x580, s19;
	s15 =	sadd.s32 $0x280, s19;
	s30 =	spop (v2sf);
	(v2sf) =	vpush v0, $0x8  }
0xb7: {  	s2 =	sadd.s32 $0x400, s19;
	s9 =	sand.u32 $0x1FFFFFF0, s30;
	s31 =	spop (v2sf)  }
0xb8: {  	s5 =	sadd.s32 $0x480, s19;
	(v2sf) =	vpush v0, $0x9;
	s9 =	sadd.s32 s4, s9;
	s24 =	spop (v2sf)  }
0xb9: {  	[tilespmem:s19], [sflag:$0x1] =	stream.linear.gather [hbm4b:s9+s1], $0x80, $0x38;
	[tilespmem:$0x14600] =	vst v63  }
0xba: {  	s11 =	sand.u32 $0x1FFFFFF0, s31;
	(v2sf) =	vpush v0, $0xA;
	s25 =	sand.u32 $0x1FFFFFF0, s24;
	s26 =	spop (v2sf)  }
0xbb: {  	s24 =	sadd.s32 $0x200, s19;
	s9 =	sadd.s32 s4, s25;
	s28 =	spop (v2sf)  }
0xbc: {  	(v2sf) =	vpush v0, $0xB;
	[tilespmem:s0], [sflag:$0x2] =	stream.linear.gather [hbm4b:s9+s1], $0x80, $0x38;
	[tilespmem:$0x14600] =	vst v63  }
0xbd: {  	s29 =	sadd.s32 s4, s11;
	s30 =	sand.u32 $0x1FFFFFF0, s26;
	s31 =	sand.u32 $0x1FFFFFF0, s28  }
0xbe: {  	(v2sf) =	vpush v0, $0xC;
	[tilespmem:s10], [sflag:$0x1] =	stream.linear.gather [hbm4b:s29+s1], $0x80, $0x38;
	[tilespmem:$0x14600] =	vst v63  }
0xbf: {  	s9 =	sadd.s32 s4, s30;
	s23 =	spop (v2sf);
	s10 =	sadd.s32 $0x180, s19  }
0xc0: {  	(v2sf) =	vpush v0, $0xD;
	[tilespmem:s10], [sflag:$0x2] =	stream.linear.gather [hbm4b:s9+s1], $0x80, $0x38;
	[tilespmem:$0x14600] =	vst v63  }
0xc1: {  	s25 =	sadd.s32 s4, s31;
	s26 =	sand.u32 $0x1FFFFFF0, s23;
	s28 =	spop (v2sf)  }
0xc2: {  	[tilespmem:s24], [sflag:$0x1] =	stream.linear.gather [hbm4b:s25+s1], $0x80, $0x38;
	[tilespmem:$0x14600] =	vst v63  }
0xc3: {  	s29 =	sadd.s32 s4, s26;
	s30 =	sand.u32 $0x1FFFFFF0, s28;
	s31 =	spop (v2sf)  }
0xc4: {  	(v2sf) =	vpush v0, $0xE;
	[tilespmem:s15], [sflag:$0x2] =	stream.linear.gather [hbm4b:s29+s1], $0x80, $0x38;
	[tilespmem:$0x14600] =	vst v63  }
0xc5: {  	s9 =	sadd.s32 s4, s30;
	s10 =	sand.u32 $0x1FFFFFF0, s31;
	s11 =	spop (v2sf)  }
0xc6: {  	(v2sf) =	vpush v0, $0xF;
	[tilespmem:s7], [sflag:$0x1] =	stream.linear.gather [hbm4b:s9+s1], $0x80, $0x38;
	[tilespmem:$0x14600] =	vst v63  }
0xc7: {  	s15 =	sadd.s32 s4, s10;
	s23 =	sand.u32 $0x1FFFFFF0, s11;
	s24 =	spop (v2sf)  }
0xc8: {  	[tilespmem:s8], [sflag:$0x2] =	stream.linear.gather [hbm4b:s15+s1], $0x80, $0x38;
	[tilespmem:$0x14600] =	vst v63  }
0xc9: {  	s25 =	sadd.s32 s4, s23;
	s26 =	sand.u32 $0x1FFFFFF0, s24;
	s28 =	spop (v2sf)  }
0xca: {  	[tilespmem:s2], [sflag:$0x1] =	stream.linear.gather [hbm4b:s25+s1], $0x80, $0x38;
	[tilespmem:$0x14600] =	vst v63  }
0xcb: {  	s29 =	sadd.s32 s4, s26;
	s30 =	sand.u32 $0x1FFFFFF0, s28;
	s31 =	spop (v2sf)  }
0xcc: {  	[tilespmem:s5], [sflag:$0x2] =	stream.linear.gather [hbm4b:s29+s1], $0x80, $0x38;
	[tilespmem:$0x14600] =	vst v63  }
0xcd: {  	s8 =	sand.u32 $0x1FFFFFF0, s31;
	s9 =	spop (v2sf);
	s5 =	sadd.s32 s4, s30  }
0xce: {  	[tilespmem:s6], [sflag:$0x1] =	stream.linear.gather [hbm4b:s5+s1], $0x80, $0x38;
	[tilespmem:$0x14600] =	vst v63  }
0xcf: {  	s10 =	sadd.s32 s4, s8;
	s11 =	sand.u32 $0x1FFFFFF0, s9;
	s15 =	spop (v2sf)  }
0xd0: {  	[tilespmem:s22], [sflag:$0x2] =	stream.linear.gather [hbm4b:s10+s1], $0x80, $0x38;
	[tilespmem:$0x14600] =	vst v63  }
0xd1: {  	s21 =	sadd.s32 $0x600, s19;
	s23 =	sand.u32 $0x1FFFFFF0, s15;
	s22 =	sadd.s32 s4, s11  }
0xd2: {  	[tilespmem:s21], [sflag:$0x1] =	stream.linear.gather [hbm4b:s22+s1], $0x80, $0x38;
	[tilespmem:$0x14600] =	vst v63  }
0xd3: {  	s20 =	sadd.s32 $0x680, s19;
	s24 =	spop (v2sf);
	s25 =	sadd.s32 s4, s23  }
0xd4: {  	[tilespmem:s20], [sflag:$0x2] =	stream.linear.gather [hbm4b:s25+s1], $0x80, $0x38;
	[tilespmem:$0x14600] =	vst v63  }
.Ltmp1:
0xd5: {  	s26 =	sand.u32 $0x1FFFFFF0, s24;
	s28 =	spop (v2sf);
	(pc) =	sbr.rel @p0 .LBB2_2-.Ltmp1, $4  }
0xd6: {  	s29 =	sadd.s32 $0x700, s19;
	s2 =	sadd.s32 s4, s26;
	s5 =	sand.u32 $0x1FFFFFF0, s28  }
0xd7: {  	[tilespmem:s29], [sflag:$0x1] =	stream.linear.gather [hbm4b:s2+s1], $0x80, $0x38;
	[tilespmem:$0x14600] =	vst v63  }
0xd8: {  	s17 =	sadd.s32 $0x4000, s17;
	s30 =	sadd.s32 $0x780, s19;
	s31 =	sadd.s32 s4, s5  }
0xd9: {  	[tilespmem:s30], [sflag:$0x2] =	stream.linear.gather [hbm4b:s31+s1], $0x80, $0x38;
	[tilespmem:$0x14600] =	vst v63  }
0xda: {  	s16 =	simm.s32 $0x0  }
0xdb: {  	s17 =	simm.s32 $0x4800;
	s18 =	simm.s32 $0x0;
	s19 =	simm.s32 $0x0  }
.LBB2_6:
0xdc: {  	v0 =	vld [tilespmem:s16+$0x0];
	_ =	sdelay $0x4  }
0xdd: {  	v0 =	vshll.u32 v0, $0x4  }
0xde: {  	(v2sf) =	vpush v0, $0x0  }
0xdf: {  	(v2sf) =	vpush v0, $0x1  }
0xe0: {  	(v2sf) =	vpush v0, $0x2;
	_ =	sdelay $0x1  }
0xe1: {  	(v2sf) =	vpush v0, $0x4;
	_ =	sdelay $0x1  }
0xe2: {  	(v2sf) =	vpush v0, $0x3  }
0xe3: {  	(v2sf) =	vpush v0, $0x5  }
0xe4: {  	s21 =	simm.s32 $0x2000;
	s20 =	simm.s32 $0x0;
	s22 =	smov.u32 s16;
	(v2sf) =	vpush v0, $0x6  }
.LBB2_7:
0xe5: {  	p0 =	sne.s32 s21, $0xE000  }
0xe6: {  	s2 =	sadd.s32 $0x480, s20;
	s26 =	sadd.s32 $0x980, s20;
	s23 =	smov.u32 s21  }
0xe7: {  	s21 =	sadd.s32 $0x2000, s21;
	s30 =	sadd.s32 $0x780, s20;
	s24 =	sadd.s32 $0xA00, s20;
	(v2sf) =	vpush v0, $0x7  }
0xe8: {  	s0 =	sadd.s32 $0x680, s20;
	s29 =	sadd.s32 $0x800, s20;
	s25 =	sadd.s32 $0xA80, s20  }
0xe9: {  	s5 =	sadd.s32 $0x400, s20;
	s6 =	sadd.s32 $0x600, s20;
	(v2sf) =	vpush v0, $0x8  }
0xea: {  	s7 =	sadd.s32 $0x700, s20;
	s22 =	sadd.s32 $0x10, s22  }
0xeb: {  	s8 =	sadd.s32 $0x500, s20;
	s28 =	sadd.s32 $0x900, s20;
	s9 =	spop (v2sf);
	(v2sf) =	vpush v0, $0x9  }
0xec: {  	s31 =	sadd.s32 $0x880, s20;
	s9 =	sand.u32 $0x1FFFFFF0, s9;
	s10 =	spop (v2sf)  }
0xed: {  	s9 =	sadd.s32 s3, s9;
	s10 =	sand.u32 $0x1FFFFFF0, s10;
	s11 =	spop (v2sf);
	(v2sf) =	vpush v0, $0xA  }
0xee: {  	[tilespmem:s5], [sflag:$0x3] =	stream.linear.gather [hbm4b:s9+s1], $0x80, $0x38;
	[tilespmem:$0x14600] =	vst v63  }
0xef: {  	s5 =	sadd.s32 s3, s10;
	s9 =	sadd.s32 $0x580, s20;
	s10 =	spop (v2sf);
	(v2sf) =	vpush v0, $0xB  }
0xf0: {  	[tilespmem:s2], [sflag:$0x4] =	stream.linear.gather [hbm4b:s5+s1], $0x80, $0x38;
	[tilespmem:$0x14600] =	vst v63  }
0xf1: {  	s2 =	sand.u32 $0x1FFFFFF0, s11;
	s5 =	sand.u32 $0x1FFFFFF0, s10;
	s10 =	spop (v2sf);
	(v2sf) =	vpush v0, $0xC  }
0xf2: {  	s2 =	sadd.s32 s3, s2;
	s10 =	sand.u32 $0x1FFFFFF0, s10;
	s11 =	spop (v2sf)  }
0xf3: {  	[tilespmem:s8], [sflag:$0x3] =	stream.linear.gather [hbm4b:s2+s1], $0x80, $0x38;
	(v2sf) =	vpush v0, $0xD;
	[tilespmem:$0x14600] =	vst v63  }
0xf4: {  	s2 =	sadd.s32 s3, s10;
	s8 =	sand.u32 $0x1FFFFFF0, s11;
	s10 =	spop (v2sf)  }
0xf5: {  	[tilespmem:s9], [sflag:$0x4] =	stream.linear.gather [hbm4b:s2+s1], $0x80, $0x38;
	(v2sf) =	vpush v0, $0xE;
	[tilespmem:$0x14600] =	vst v63  }
0xf6: {  	s2 =	sadd.s32 s3, s5;
	s5 =	sand.u32 $0x1FFFFFF0, s10;
	s9 =	spop (v2sf)  }
0xf7: {  	[tilespmem:s6], [sflag:$0x3] =	stream.linear.gather [hbm4b:s2+s1], $0x80, $0x38;
	(v2sf) =	vpush v0, $0xF;
	[tilespmem:$0x14600] =	vst v63  }
0xf8: {  	s2 =	sadd.s32 s3, s8;
	s6 =	sand.u32 $0x1FFFFFF0, s9;
	s8 =	spop (v2sf)  }
0xf9: {  	[tilespmem:s0], [sflag:$0x4] =	stream.linear.gather [hbm4b:s2+s1], $0x80, $0x38;
	[tilespmem:$0x14600] =	vst v63  }
0xfa: {  	s0 =	sadd.s32 s3, s5;
	s2 =	sand.u32 $0x1FFFFFF0, s8;
	s5 =	spop (v2sf)  }
0xfb: {  	[tilespmem:s7], [sflag:$0x3] =	stream.linear.gather [hbm4b:s0+s1], $0x80, $0x38;
	[tilespmem:$0x14600] =	vst v63  }
0xfc: {  	s0 =	sadd.s32 s3, s6;
	s5 =	sand.u32 $0x1FFFFFF0, s5;
	s6 =	spop (v2sf)  }
0xfd: {  	[tilespmem:s30], [sflag:$0x4] =	stream.linear.gather [hbm4b:s0+s1], $0x80, $0x38;
	[tilespmem:$0x14600] =	vst v63  }
0xfe: {  	s0 =	sadd.s32 s3, s2;
	s2 =	sand.u32 $0x1FFFFFF0, s6;
	s6 =	spop (v2sf)  }
0xff: {  	[tilespmem:s29], [sflag:$0x3] =	stream.linear.gather [hbm4b:s0+s1], $0x80, $0x38;
	[tilespmem:$0x14600] =	vst v63  }
0x100: {  	s0 =	sadd.s32 s3, s5;
	s5 =	sand.u32 $0x1FFFFFF0, s6;
	s6 =	spop (v2sf)  }
0x101: {  	[tilespmem:s31], [sflag:$0x4] =	stream.linear.gather [hbm4b:s0+s1], $0x80, $0x38;
	[tilespmem:$0x14600] =	vst v63  }
0x102: {  	s0 =	sadd.s32 s3, s2;
	s2 =	sand.u32 $0x1FFFFFF0, s6;
	s6 =	spop (v2sf)  }
0x103: {  	[tilespmem:s28], [sflag:$0x3] =	stream.linear.gather [hbm4b:s0+s1], $0x80, $0x38;
	[tilespmem:$0x14600] =	vst v63  }
0x104: {  	s0 =	sadd.s32 s3, s5;
	s5 =	sand.u32 $0x1FFFFFF0, s6;
	s6 =	spop (v2sf)  }
0x105: {  	[tilespmem:s26], [sflag:$0x4] =	stream.linear.gather [hbm4b:s0+s1], $0x80, $0x38;
	[tilespmem:$0x14600] =	vst v63  }
0x106: {  	s0 =	sadd.s32 s3, s2;
	s2 =	sand.u32 $0x1FFFFFF0, s6;
	s6 =	spop (v2sf)  }
0x107: {  	[tilespmem:s24], [sflag:$0x3] =	stream.linear.gather [hbm4b:s0+s1], $0x80, $0x38;
	[tilespmem:$0x14600] =	vst v63  }
0x108: {  	s0 =	sadd.s32 s3, s5;
	s5 =	sand.u32 $0x1FFFFFF0, s6  }
0x109: {  	[tilespmem:s25], [sflag:$0x4] =	stream.linear.gather [hbm4b:s0+s1], $0x80, $0x38;
	[tilespmem:$0x14600] =	vst v63  }
0x10a: {  	s2 =	sadd.s32 s3, s2;
	s0 =	sadd.s32 $0xB00, s20  }
0x10b: {  	[tilespmem:s0], [sflag:$0x3] =	stream.linear.gather [hbm4b:s2+s1], $0x80, $0x38;
	[tilespmem:$0x14600] =	vst v63  }
0x10c: {  	s0 =	sadd.s32 $0xB80, s20;
	s2 =	sadd.s32 s3, s5  }
0x10d: {  	[tilespmem:s0], [sflag:$0x4] =	stream.linear.gather [hbm4b:s2+s1], $0x80, $0x38;
	[tilespmem:$0x14600] =	vst v63  }
0x10e: {  	v0 =	vld [tilespmem:s22+$0x0];
	_ =	sdelay $0x4  }
0x10f: {  	v0 =	vshll.u32 v0, $0x4  }
0x110: {  	(v2sf) =	vpush v0, $0x0  }
0x111: {  	(v2sf) =	vpush v0, $0x1  }
0x112: {  	(v2sf) =	vpush v0, $0x2;
	_ =	sdelay $0x1  }
0x113: {  	(v2sf) =	vpush v0, $0x4  }
.Ltmp2:
0x114: {  	(pc) =	sbr.rel @p0 .LBB2_7-.Ltmp2, $3  }
0x115: {  	(v2sf) =	vpush v0, $0x3  }
0x116: {  	(v2sf) =	vpush v0, $0x5;
	_ =	sdelay $0x1  }
0x117: {  	s20 =	sshra.s32 s23, $0x2;
	(v2sf) =	vpush v0, $0x6  }
0x118: {  	_ =	sdelay $0x1  }
0x119: {  	s0 =	sadd.s32 $0x480, s20;
	s23 =	sadd.s32 $0x980, s20  }
0x11a: {  	s2 =	sadd.s32 $0x780, s20;
	s21 =	sadd.s32 $0xA00, s20;
	(v2sf) =	vpush v0, $0x7;
	s5 =	sadd.s32 $0x680, s20  }
0x11b: {  	s6 =	sadd.s32 $0x800, s20;
	s22 =	sadd.s32 $0xA80, s20;
	s7 =	sadd.s32 $0x400, s20  }
0x11c: {  	s8 =	sadd.s32 $0x600, s20;
	s9 =	sadd.s32 $0x700, s20;
	(v2sf) =	vpush v0, $0x8;
	s10 =	spop (v2sf)  }
0x11d: {  	s11 =	sadd.s32 $0x500, s20;
	s10 =	sand.u32 $0x1FFFFFF0, s10;
	s15 =	spop (v2sf)  }
0x11e: {  	(v2sf) =	vpush v0, $0x9;
	s10 =	sadd.s32 s3, s10;
	s15 =	sand.u32 $0x1FFFFFF0, s15;
	s24 =	spop (v2sf)  }
0x11f: {  	[tilespmem:s7], [sflag:$0x3] =	stream.linear.gather [hbm4b:s10+s1], $0x80, $0x38;
	[tilespmem:$0x14600] =	vst v63  }
0x120: {  	s25 =	sadd.s32 $0x580, s20;
	(v2sf) =	vpush v0, $0xA;
	s30 =	sadd.s32 s3, s15;
	s31 =	spop (v2sf)  }
0x121: {  	[tilespmem:s0], [sflag:$0x4] =	stream.linear.gather [hbm4b:s30+s1], $0x80, $0x38;
	[tilespmem:$0x14600] =	vst v63  }
0x122: {  	s7 =	sadd.s32 $0x900, s20;
	s24 =	sand.u32 $0x1FFFFFF0, s24;
	(v2sf) =	vpush v0, $0xB;
	s26 =	spop (v2sf)  }
0x123: {  	s10 =	sadd.s32 s3, s24;
	s0 =	sadd.s32 $0x880, s20;
	s24 =	sand.u32 $0x1FFFFFF0, s26  }
0x124: {  	(v2sf) =	vpush v0, $0xC;
	[tilespmem:s11], [sflag:$0x3] =	stream.linear.gather [hbm4b:s10+s1], $0x80, $0x38;
	[tilespmem:$0x14600] =	vst v63  }
0x125: {  	s28 =	sand.u32 $0x1FFFFFF0, s31;
	s29 =	spop (v2sf);
	s30 =	sadd.s32 s3, s24  }
0x126: {  	(v2sf) =	vpush v0, $0xD;
	[tilespmem:s25], [sflag:$0x4] =	stream.linear.gather [hbm4b:s30+s1], $0x80, $0x38;
	[tilespmem:$0x14600] =	vst v63  }
0x127: {  	s10 =	sadd.s32 s3, s28;
	s11 =	sand.u32 $0x1FFFFFF0, s29;
	s31 =	spop (v2sf)  }
0x128: {  	(v2sf) =	vpush v0, $0xE;
	[tilespmem:s8], [sflag:$0x3] =	stream.linear.gather [hbm4b:s10+s1], $0x80, $0x38;
	[tilespmem:$0x14600] =	vst v63  }
0x129: {  	s11 =	sadd.s32 s3, s11;
	s15 =	sand.u32 $0x1FFFFFF0, s31;
	s24 =	spop (v2sf)  }
0x12a: {  	(v2sf) =	vpush v0, $0xF;
	[tilespmem:s5], [sflag:$0x4] =	stream.linear.gather [hbm4b:s11+s1], $0x80, $0x38;
	[tilespmem:$0x14600] =	vst v63  }
0x12b: {  	s25 =	sand.u32 $0x1FFFFFF0, s24;
	s26 =	spop (v2sf);
	s8 =	sadd.s32 s3, s15  }
0x12c: {  	[tilespmem:s9], [sflag:$0x3] =	stream.linear.gather [hbm4b:s8+s1], $0x80, $0x38;
	[tilespmem:$0x14600] =	vst v63  }
0x12d: {  	s28 =	sand.u32 $0x1FFFFFF0, s26;
	s5 =	sadd.s32 s3, s25;
	s29 =	spop (v2sf)  }
0x12e: {  	[tilespmem:s2], [sflag:$0x4] =	stream.linear.gather [hbm4b:s5+s1], $0x80, $0x38;
	[tilespmem:$0x14600] =	vst v63  }
0x12f: {  	s8 =	sadd.s32 s3, s28;
	s30 =	sand.u32 $0x1FFFFFF0, s29;
	s31 =	spop (v2sf)  }
0x130: {  	[tilespmem:s6], [sflag:$0x3] =	stream.linear.gather [hbm4b:s8+s1], $0x80, $0x38;
	[tilespmem:$0x14600] =	vst v63  }
0x131: {  	s5 =	sand.u32 $0x1FFFFFF0, s31;
	s2 =	sadd.s32 s3, s30;
	s8 =	spop (v2sf)  }
0x132: {  	[tilespmem:s0], [sflag:$0x4] =	stream.linear.gather [hbm4b:s2+s1], $0x80, $0x38;
	[tilespmem:$0x14600] =	vst v63  }
0x133: {  	s5 =	sadd.s32 s3, s5;
	s9 =	sand.u32 $0x1FFFFFF0, s8;
	s10 =	spop (v2sf)  }
0x134: {  	[tilespmem:s7], [sflag:$0x3] =	stream.linear.gather [hbm4b:s5+s1], $0x80, $0x38;
	[tilespmem:$0x14600] =	vst v63  }
0x135: {  	s0 =	sadd.s32 s3, s9;
	s2 =	sand.u32 $0x1FFFFFF0, s10;
	s11 =	spop (v2sf)  }
0x136: {  	[tilespmem:s23], [sflag:$0x4] =	stream.linear.gather [hbm4b:s0+s1], $0x80, $0x38;
	[tilespmem:$0x14600] =	vst v63  }
0x137: {  	s15 =	sand.u32 $0x1FFFFFF0, s11;
	s2 =	sadd.s32 s3, s2;
	s23 =	spop (v2sf)  }
0x138: {  	[tilespmem:s21], [sflag:$0x3] =	stream.linear.gather [hbm4b:s2+s1], $0x80, $0x38;
	[tilespmem:$0x14600] =	vst v63  }
0x139: {  	s0 =	sadd.s32 s3, s15;
	s24 =	sand.u32 $0x1FFFFFF0, s23;
	s25 =	spop (v2sf)  }
0x13a: {  	[tilespmem:s22], [sflag:$0x4] =	stream.linear.gather [hbm4b:s0+s1], $0x80, $0x38;
	[tilespmem:$0x14600] =	vst v63  }
0x13b: {  	s28 =	sadd.s32 $0xB00, s20;
	s26 =	sand.u32 $0x1FFFFFF0, s25;
	s2 =	sadd.s32 s3, s24  }
0x13c: {  	[tilespmem:s28], [sflag:$0x3] =	stream.linear.gather [hbm4b:s2+s1], $0x80, $0x38;
	[tilespmem:$0x14600] =	vst v63  }
0x13d: {  	s29 =	sadd.s32 $0xB80, s20;
	s30 =	simm.s32 $0x3;
	s0 =	sadd.s32 s3, s26  }
0x13e: {  	[tilespmem:s29], [sflag:$0x4] =	stream.linear.gather [hbm4b:s0+s1], $0x80, $0x38;
	[tilespmem:$0x14600] =	vst v63  }
0x13f: {  	_ =	swait.ge [sflag:s30], $0x400  }
0x140: {  	[sflag:s30] =	ssyncset.done $0x0  }
0x141: {  	s31 =	simm.s32 $0x4;
	[sflag:s30] =	ssyncadd.s32 $0xFFFFFC00  }
0x142: {  	_ =	swait.ge [sflag:s31], $0x400  }
0x143: {  	[sflag:s31] =	ssyncset.done $0x0  }
0x144: {  	[sflag:s31] =	ssyncadd.s32 $0xFFFFFC00  }
0x145: {  	_ =	swait.ge [sflag:s30], $0x400  }
0x146: {  	[sflag:s30] =	ssyncset.done $0x0  }
0x147: {  	[sflag:s30] =	ssyncadd.s32 $0xFFFFFC00  }
0x148: {  	_ =	swait.ge [sflag:s31], $0x400  }
0x149: {  	[sflag:s31] =	ssyncset.done $0x0  }
0x14a: {  	[sflag:s31] =	ssyncadd.s32 $0xFFFFFC00  }
0x14b: {  	_ =	swait.ge [sflag:s30], $0x400  }
0x14c: {  	[sflag:s30] =	ssyncset.done $0x0  }
0x14d: {  	[sflag:s30] =	ssyncadd.s32 $0xFFFFFC00  }
0x14e: {  	_ =	swait.ge [sflag:s31], $0x400  }
0x14f: {  	[sflag:s31] =	ssyncset.done $0x0  }
0x150: {  	[sflag:s31] =	ssyncadd.s32 $0xFFFFFC00  }
0x151: {  	_ =	swait.ge [sflag:s30], $0x400  }
0x152: {  	[sflag:s30] =	ssyncset.done $0x0  }
0x153: {  	[sflag:s30] =	ssyncadd.s32 $0xFFFFFC00  }
0x154: {  	_ =	swait.ge [sflag:s31], $0x400  }
0x155: {  	[sflag:s31] =	ssyncset.done $0x0  }
0x156: {  	[sflag:s31] =	ssyncadd.s32 $0xFFFFFC00  }
0x157: {  	_ =	swait.ge [sflag:s30], $0x400  }
0x158: {  	[sflag:s30] =	ssyncset.done $0x0  }
0x159: {  	[sflag:s30] =	ssyncadd.s32 $0xFFFFFC00  }
0x15a: {  	_ =	swait.ge [sflag:s31], $0x400  }
0x15b: {  	[sflag:s31] =	ssyncset.done $0x0  }
0x15c: {  	[sflag:s31] =	ssyncadd.s32 $0xFFFFFC00  }
0x15d: {  	_ =	swait.ge [sflag:s30], $0x400  }
0x15e: {  	[sflag:s30] =	ssyncset.done $0x0  }
0x15f: {  	[sflag:s30] =	ssyncadd.s32 $0xFFFFFC00  }
0x160: {  	_ =	swait.ge [sflag:s31], $0x400  }
0x161: {  	[sflag:s31] =	ssyncset.done $0x0  }
0x162: {  	[sflag:s31] =	ssyncadd.s32 $0xFFFFFC00  }
0x163: {  	_ =	swait.ge [sflag:s30], $0x400  }
0x164: {  	[sflag:s30] =	ssyncset.done $0x0  }
0x165: {  	[sflag:s30] =	ssyncadd.s32 $0xFFFFFC00  }
0x166: {  	_ =	swait.ge [sflag:s31], $0x400  }
0x167: {  	[sflag:s31] =	ssyncset.done $0x0  }
0x168: {  	[sflag:s31] =	ssyncadd.s32 $0xFFFFFC00  }
0x169: {  	p0 =	sne.s32 s19, $0x0;
	_ =	swait.ge [sflag:s30], $0x400  }
.Ltmp3:
0x16a: {  	[sflag:s30] =	ssyncset.done $0x0;
	(pc) =	sbr.rel @p0 .LBB2_10-.Ltmp3, $4  }
0x16b: {  	[sflag:s30] =	ssyncadd.s32 $0xFFFFFC00  }
0x16c: {  	_ =	swait.ge [sflag:s31], $0x400  }
0x16d: {  	[sflag:s31] =	ssyncset.done $0x0  }
0x16e: {  	[sflag:s31] =	ssyncadd.s32 $0xFFFFFC00  }
0x16f: {  	_ =	swait.ge [sflag:s12], $0x400  }
0x170: {  	[sflag:s12] =	ssyncset.done $0x0  }
0x171: {  	[sflag:s12] =	ssyncadd.s32 $0xFFFFFC00  }
0x172: {  	_ =	swait.ge [sflag:s13], $0x400  }
0x173: {  	[sflag:s13] =	ssyncset.done $0x0  }
0x174: {  	[sflag:s13] =	ssyncadd.s32 $0xFFFFFC00  }
0x175: {  	_ =	swait.ge [sflag:s12], $0x400  }
0x176: {  	[sflag:s12] =	ssyncset.done $0x0  }
0x177: {  	[sflag:s12] =	ssyncadd.s32 $0xFFFFFC00  }
0x178: {  	_ =	swait.ge [sflag:s13], $0x400  }
0x179: {  	[sflag:s13] =	ssyncset.done $0x0  }
0x17a: {  	[sflag:s13] =	ssyncadd.s32 $0xFFFFFC00  }
0x17b: {  	_ =	swait.ge [sflag:s12], $0x400  }
0x17c: {  	[sflag:s12] =	ssyncset.done $0x0  }
0x17d: {  	[sflag:s12] =	ssyncadd.s32 $0xFFFFFC00  }
0x17e: {  	_ =	swait.ge [sflag:s13], $0x400  }
0x17f: {  	[sflag:s13] =	ssyncset.done $0x0  }
0x180: {  	[sflag:s13] =	ssyncadd.s32 $0xFFFFFC00  }
0x181: {  	_ =	swait.ge [sflag:s12], $0x400  }
0x182: {  	[sflag:s12] =	ssyncset.done $0x0  }
0x183: {  	[sflag:s12] =	ssyncadd.s32 $0xFFFFFC00  }
0x184: {  	_ =	swait.ge [sflag:s13], $0x400  }
0x185: {  	[sflag:s13] =	ssyncset.done $0x0  }
0x186: {  	[sflag:s13] =	ssyncadd.s32 $0xFFFFFC00  }
0x187: {  	_ =	swait.ge [sflag:s12], $0x400  }
0x188: {  	[sflag:s12] =	ssyncset.done $0x0  }
0x189: {  	[sflag:s12] =	ssyncadd.s32 $0xFFFFFC00  }
0x18a: {  	_ =	swait.ge [sflag:s13], $0x400  }
0x18b: {  	[sflag:s13] =	ssyncset.done $0x0  }
0x18c: {  	[sflag:s13] =	ssyncadd.s32 $0xFFFFFC00  }
0x18d: {  	_ =	swait.ge [sflag:s12], $0x400  }
0x18e: {  	[sflag:s12] =	ssyncset.done $0x0  }
0x18f: {  	[sflag:s12] =	ssyncadd.s32 $0xFFFFFC00  }
0x190: {  	_ =	swait.ge [sflag:s13], $0x400  }
0x191: {  	[sflag:s13] =	ssyncset.done $0x0  }
0x192: {  	[sflag:s13] =	ssyncadd.s32 $0xFFFFFC00  }
0x193: {  	_ =	swait.ge [sflag:s12], $0x400  }
0x194: {  	[sflag:s12] =	ssyncset.done $0x0  }
0x195: {  	[sflag:s12] =	ssyncadd.s32 $0xFFFFFC00  }
0x196: {  	_ =	swait.ge [sflag:s13], $0x400  }
0x197: {  	[sflag:s13] =	ssyncset.done $0x0  }
0x198: {  	[sflag:s13] =	ssyncadd.s32 $0xFFFFFC00  }
0x199: {  	_ =	swait.ge [sflag:s12], $0x400  }
0x19a: {  	[sflag:s12] =	ssyncset.done $0x0  }
0x19b: {  	[sflag:s12] =	ssyncadd.s32 $0xFFFFFC00  }
0x19c: {  	_ =	swait.ge [sflag:s13], $0x400  }
0x19d: {  	[sflag:s13] =	ssyncset.done $0x0  }
0x19e: {  	[sflag:s13] =	ssyncadd.s32 $0xFFFFFC00  }
0x19f: {  	_ =	swait.ge [sflag:s12], $0x400  }
0x1a0: {  	[sflag:s12] =	ssyncset.done $0x0  }
0x1a1: {  	[sflag:s12] =	ssyncadd.s32 $0xFFFFFC00  }
0x1a2: {  	_ =	swait.ge [sflag:s13], $0x400  }
0x1a3: {  	[sflag:s13] =	ssyncset.done $0x0  }
0x1a4: {  	[sflag:s13] =	ssyncadd.s32 $0xFFFFFC00  }
0x1a5: {  	_ =	swait.ge [sflag:s12], $0x400  }
0x1a6: {  	[sflag:s12] =	ssyncset.done $0x0  }
0x1a7: {  	[sflag:s12] =	ssyncadd.s32 $0xFFFFFC00  }
0x1a8: {  	_ =	swait.ge [sflag:s13], $0x400  }
0x1a9: {  	[sflag:s13] =	ssyncset.done $0x0  }
0x1aa: {  	[sflag:s13] =	ssyncadd.s32 $0xFFFFFC00  }
0x1ab: {  	_ =	swait.ge [sflag:s12], $0x400  }
0x1ac: {  	[sflag:s12] =	ssyncset.done $0x0  }
0x1ad: {  	[sflag:s12] =	ssyncadd.s32 $0xFFFFFC00  }
0x1ae: {  	_ =	swait.ge [sflag:s13], $0x400  }
0x1af: {  	[sflag:s13] =	ssyncset.done $0x0  }
0x1b0: {  	[sflag:s13] =	ssyncadd.s32 $0xFFFFFC00  }
0x1b1: {  	_ =	swait.ge [sflag:s12], $0x400  }
0x1b2: {  	[sflag:s12] =	ssyncset.done $0x0  }
0x1b3: {  	[sflag:s12] =	ssyncadd.s32 $0xFFFFFC00  }
0x1b4: {  	_ =	swait.ge [sflag:s13], $0x400  }
0x1b5: {  	[sflag:s13] =	ssyncset.done $0x0  }
0x1b6: {  	[sflag:s13] =	ssyncadd.s32 $0xFFFFFC00  }
0x1b7: {  	_ =	swait.ge [sflag:s12], $0x400  }
0x1b8: {  	[sflag:s12] =	ssyncset.done $0x0  }
0x1b9: {  	[sflag:s12] =	ssyncadd.s32 $0xFFFFFC00  }
0x1ba: {  	_ =	swait.ge [sflag:s13], $0x400  }
0x1bb: {  	[sflag:s13] =	ssyncset.done $0x0  }
0x1bc: {  	[sflag:s13] =	ssyncadd.s32 $0xFFFFFC00  }
0x1bd: {  	_ =	swait.ge [sflag:s12], $0x400  }
0x1be: {  	[sflag:s12] =	ssyncset.done $0x0  }
0x1bf: {  	[sflag:s12] =	ssyncadd.s32 $0xFFFFFC00  }
0x1c0: {  	_ =	swait.ge [sflag:s13], $0x400  }
0x1c1: {  	[sflag:s13] =	ssyncset.done $0x0  }
0x1c2: {  	[sflag:s13] =	ssyncadd.s32 $0xFFFFFC00  }
0x1c3: {  	_ =	swait.ge [sflag:s12], $0x400  }
0x1c4: {  	[sflag:s12] =	ssyncset.done $0x0  }
0x1c5: {  	[sflag:s12] =	ssyncadd.s32 $0xFFFFFC00  }
0x1c6: {  	_ =	swait.ge [sflag:s13], $0x400  }
0x1c7: {  	[sflag:s13] =	ssyncset.done $0x0  }
0x1c8: {  	[sflag:s13] =	ssyncadd.s32 $0xFFFFFC00  }
0x1c9: {  	_ =	swait.ge [sflag:s12], $0x400  }
0x1ca: {  	[sflag:s12] =	ssyncset.done $0x0  }
0x1cb: {  	[sflag:s12] =	ssyncadd.s32 $0xFFFFFC00  }
0x1cc: {  	_ =	swait.ge [sflag:s13], $0x400  }
0x1cd: {  	[sflag:s13] =	ssyncset.done $0x0  }
0x1ce: {  	[sflag:s13] =	ssyncadd.s32 $0xFFFFFC00  }
0x1cf: {  	_ =	swait.ge [sflag:s12], $0x400  }
0x1d0: {  	[sflag:s12] =	ssyncset.done $0x0  }
0x1d1: {  	[sflag:s12] =	ssyncadd.s32 $0xFFFFFC00  }
0x1d2: {  	_ =	swait.ge [sflag:s13], $0x400  }
0x1d3: {  	[sflag:s13] =	ssyncset.done $0x0  }
0x1d4: {  	[sflag:s13] =	ssyncadd.s32 $0xFFFFFC00  }
0x1d5: {  	_ =	swait.ge [sflag:s12], $0x400  }
0x1d6: {  	[sflag:s12] =	ssyncset.done $0x0  }
0x1d7: {  	[sflag:s12] =	ssyncadd.s32 $0xFFFFFC00  }
0x1d8: {  	_ =	swait.ge [sflag:s13], $0x400  }
0x1d9: {  	[sflag:s13] =	ssyncset.done $0x0  }
0x1da: {  	[sflag:s13] =	ssyncadd.s32 $0xFFFFFC00  }
0x1db: {  	_ =	swait.ge [sflag:s12], $0x400  }
0x1dc: {  	[sflag:s12] =	ssyncset.done $0x0  }
0x1dd: {  	[sflag:s12] =	ssyncadd.s32 $0xFFFFFC00  }
0x1de: {  	_ =	swait.ge [sflag:s13], $0x400  }
0x1df: {  	[sflag:s13] =	ssyncset.done $0x0  }
0x1e0: {  	[sflag:s13] =	ssyncadd.s32 $0xFFFFFC00  }
0x1e1: {  	_ =	swait.ge [sflag:s12], $0x400  }
0x1e2: {  	[sflag:s12] =	ssyncset.done $0x0  }
0x1e3: {  	[sflag:s12] =	ssyncadd.s32 $0xFFFFFC00  }
0x1e4: {  	_ =	swait.ge [sflag:s13], $0x400  }
0x1e5: {  	[sflag:s13] =	ssyncset.done $0x0  }
0x1e6: {  	[sflag:s13] =	ssyncadd.s32 $0xFFFFFC00  }
0x1e7: {  	_ =	swait.ge [sflag:s12], $0x400  }
0x1e8: {  	[sflag:s12] =	ssyncset.done $0x0  }
0x1e9: {  	[sflag:s12] =	ssyncadd.s32 $0xFFFFFC00  }
0x1ea: {  	_ =	swait.ge [sflag:s13], $0x400  }
0x1eb: {  	[sflag:s13] =	ssyncset.done $0x0  }
0x1ec: {  	[sflag:s13] =	ssyncadd.s32 $0xFFFFFC00  }
0x1ed: {  	_ =	swait.ge [sflag:s12], $0x400  }
0x1ee: {  	[sflag:s12] =	ssyncset.done $0x0  }
0x1ef: {  	[sflag:s12] =	ssyncadd.s32 $0xFFFFFC00  }
0x1f0: {  	_ =	swait.ge [sflag:s13], $0x400  }
0x1f1: {  	[sflag:s13] =	ssyncset.done $0x0  }
0x1f2: {  	[sflag:s13] =	ssyncadd.s32 $0xFFFFFC00  }
0x1f3: {  	_ =	swait.ge [sflag:s12], $0x400  }
0x1f4: {  	[sflag:s12] =	ssyncset.done $0x0  }
0x1f5: {  	[sflag:s12] =	ssyncadd.s32 $0xFFFFFC00  }
0x1f6: {  	_ =	swait.ge [sflag:s13], $0x400  }
0x1f7: {  	[sflag:s13] =	ssyncset.done $0x0  }
0x1f8: {  	[sflag:s13] =	ssyncadd.s32 $0xFFFFFC00  }
0x1f9: {  	_ =	swait.ge [sflag:s12], $0x400  }
0x1fa: {  	[sflag:s12] =	ssyncset.done $0x0  }
0x1fb: {  	[sflag:s12] =	ssyncadd.s32 $0xFFFFFC00  }
0x1fc: {  	_ =	swait.ge [sflag:s13], $0x400  }
0x1fd: {  	[sflag:s13] =	ssyncset.done $0x0  }
0x1fe: {  	[sflag:s13] =	ssyncadd.s32 $0xFFFFFC00  }
0x1ff: {  	_ =	swait.ge [sflag:s12], $0x400  }
0x200: {  	[sflag:s12] =	ssyncset.done $0x0  }
0x201: {  	[sflag:s12] =	ssyncadd.s32 $0xFFFFFC00  }
0x202: {  	_ =	swait.ge [sflag:s13], $0x400  }
0x203: {  	[sflag:s13] =	ssyncset.done $0x0  }
0x204: {  	[sflag:s13] =	ssyncadd.s32 $0xFFFFFC00  }
0x205: {  	_ =	swait.ge [sflag:s12], $0x400  }
0x206: {  	[sflag:s12] =	ssyncset.done $0x0  }
0x207: {  	[sflag:s12] =	ssyncadd.s32 $0xFFFFFC00  }
0x208: {  	_ =	swait.ge [sflag:s13], $0x400  }
0x209: {  	[sflag:s13] =	ssyncset.done $0x0  }
0x20a: {  	[sflag:s13] =	ssyncadd.s32 $0xFFFFFC00  }
0x20b: {  	_ =	swait.ge [sflag:s12], $0x400  }
0x20c: {  	[sflag:s12] =	ssyncset.done $0x0  }
0x20d: {  	[sflag:s12] =	ssyncadd.s32 $0xFFFFFC00  }
0x20e: {  	_ =	swait.ge [sflag:s13], $0x400  }
0x20f: {  	[sflag:s13] =	ssyncset.done $0x0  }
0x210: {  	[sflag:s13] =	ssyncadd.s32 $0xFFFFFC00  }
0x211: {  	_ =	swait.ge [sflag:s12], $0x400  }
0x212: {  	[sflag:s12] =	ssyncset.done $0x0  }
0x213: {  	[sflag:s12] =	ssyncadd.s32 $0xFFFFFC00  }
0x214: {  	_ =	swait.ge [sflag:s13], $0x400  }
0x215: {  	[sflag:s13] =	ssyncset.done $0x0  }
0x216: {  	[sflag:s13] =	ssyncadd.s32 $0xFFFFFC00  }
0x217: {  	_ =	swait.ge [sflag:s12], $0x400  }
0x218: {  	[sflag:s12] =	ssyncset.done $0x0  }
0x219: {  	[sflag:s12] =	ssyncadd.s32 $0xFFFFFC00  }
0x21a: {  	_ =	swait.ge [sflag:s13], $0x400  }
0x21b: {  	[sflag:s13] =	ssyncset.done $0x0  }
0x21c: {  	[sflag:s13] =	ssyncadd.s32 $0xFFFFFC00  }
0x21d: {  	_ =	swait.ge [sflag:s12], $0x400  }
0x21e: {  	[sflag:s12] =	ssyncset.done $0x0  }
0x21f: {  	[sflag:s12] =	ssyncadd.s32 $0xFFFFFC00  }
0x220: {  	_ =	swait.ge [sflag:s13], $0x400  }
0x221: {  	[sflag:s13] =	ssyncset.done $0x0  }
0x222: {  	[sflag:s13] =	ssyncadd.s32 $0xFFFFFC00  }
0x223: {  	_ =	swait.ge [sflag:s12], $0x400  }
0x224: {  	[sflag:s12] =	ssyncset.done $0x0  }
0x225: {  	[sflag:s12] =	ssyncadd.s32 $0xFFFFFC00  }
0x226: {  	_ =	swait.ge [sflag:s13], $0x400  }
0x227: {  	[sflag:s13] =	ssyncset.done $0x0  }
0x228: {  	[sflag:s13] =	ssyncadd.s32 $0xFFFFFC00  }
0x229: {  	_ =	swait.ge [sflag:s12], $0x400  }
0x22a: {  	[sflag:s12] =	ssyncset.done $0x0  }
0x22b: {  	[sflag:s12] =	ssyncadd.s32 $0xFFFFFC00  }
0x22c: {  	_ =	swait.ge [sflag:s13], $0x400  }
0x22d: {  	[sflag:s13] =	ssyncset.done $0x0  }
0x22e: {  	[sflag:s13] =	ssyncadd.s32 $0xFFFFFC00  }
.LBB2_10:
0x22f: {  	s20 =	simm.s32 $0x0;
	s21 =	simm.s32 $0x800;
	s22 =	smov.u32 s17  }
.LBB2_11:
0x230: {  	v0 =	vld [tilespmem:s21+$0xFFFFFC00]  }
0x231: {  	v1 =	vld [tilespmem:s22+$0xFFFFFC00]  }
0x232: {  	v2 =	vld [tilespmem:s21+$0xFFFFFC10]  }
0x233: {  	v3 =	vld [tilespmem:s22+$0xFFFFFC10];
	_ =	sdelay $0x4  }
0x234: {  	v0 =	vmul.f32 v1, v0;
	v44 =	vmul.f32 v3, v2;
	_ =	sdelay $0x1  }
0x235: {  	v0 =	vadd.f32 v44, v0;
	_ =	sdelay $0x1  }
0x236: {  	(xrf2) =	vadd.scan.msk.f32 $0xffff, v0;
	_ =	sdelay $0x1  }
0x237: {  	s23 =	sadd.s32 s20, s18  }
0x238: {  	v45 =	vmov s23  }
0x239: {  	v0 =	vand.u32 $0xFFFFFFF0, v45  }
0x23a: {  	v0 =	vbroadcast v0, $0x0;
	_ =	sdelay $0x4  }
0x23b: {  	v46, _, _ =	vpop (xrf2)  }
0x23c: {  	[tilespmem:v0+s14+$0x0] =	vst.idx.msk vm0, v46  }
0x23d: {  	v0 =	vld [tilespmem:s21+$0xFFFFFC80]  }
0x23e: {  	v1 =	vld [tilespmem:s22+$0xFFFFFC80]  }
0x23f: {  	v47 =	vld [tilespmem:s21+$0xFFFFFC90]  }
0x240: {  	v48 =	vld [tilespmem:s22+$0xFFFFFC90];
	_ =	sdelay $0x4  }
0x241: {  	v0 =	vmul.f32 v1, v0;
	v49 =	vmul.f32 v48, v47;
	_ =	sdelay $0x1  }
0x242: {  	v0 =	vadd.f32 v49, v0;
	_ =	sdelay $0x1  }
0x243: {  	(xrf2) =	vadd.scan.msk.f32 $0xffff, v0;
	_ =	sdelay $0x1  }
0x244: {  	s0 =	sadd.s32 $0x1, s23  }
0x245: {  	v50 =	vmov s0  }
0x246: {  	v0 =	vand.u32 $0xFFFFFFF1, v50  }
0x247: {  	v0 =	vbroadcast v0, $0x0;
	_ =	sdelay $0x4  }
0x248: {  	v51, _, _ =	vpop (xrf2)  }
0x249: {  	[tilespmem:v0+s14+$0x0] =	vst.idx.msk vm0, v51  }
0x24a: {  	v0 =	vld [tilespmem:s21+$0xFFFFFD00]  }
0x24b: {  	v1 =	vld [tilespmem:s22+$0xFFFFFD00]  }
0x24c: {  	v52 =	vld [tilespmem:s21+$0xFFFFFD10]  }
0x24d: {  	v53 =	vld [tilespmem:s22+$0xFFFFFD10];
	_ =	sdelay $0x4  }
0x24e: {  	v0 =	vmul.f32 v1, v0;
	v54 =	vmul.f32 v53, v52;
	_ =	sdelay $0x1  }
0x24f: {  	v0 =	vadd.f32 v54, v0;
	_ =	sdelay $0x1  }
0x250: {  	(xrf2) =	vadd.scan.msk.f32 $0xffff, v0;
	_ =	sdelay $0x1  }
0x251: {  	s6 =	sadd.s32 $0x2, s23  }
0x252: {  	v55 =	vmov s6  }
0x253: {  	v0 =	vand.u32 $0xFFFFFFF2, v55  }
0x254: {  	v0 =	vbroadcast v0, $0x0;
	_ =	sdelay $0x4  }
0x255: {  	v56, _, _ =	vpop (xrf2)  }
0x256: {  	[tilespmem:v0+s14+$0x0] =	vst.idx.msk vm0, v56  }
0x257: {  	v0 =	vld [tilespmem:s21+$0xFFFFFD80]  }
0x258: {  	v1 =	vld [tilespmem:s22+$0xFFFFFD80]  }
0x259: {  	v57 =	vld [tilespmem:s21+$0xFFFFFD90]  }
0x25a: {  	v58 =	vld [tilespmem:s22+$0xFFFFFD90];
	_ =	sdelay $0x4  }
0x25b: {  	v0 =	vmul.f32 v1, v0;
	v59 =	vmul.f32 v58, v57;
	_ =	sdelay $0x1  }
0x25c: {  	v0 =	vadd.f32 v59, v0;
	_ =	sdelay $0x1  }
0x25d: {  	(xrf2) =	vadd.scan.msk.f32 $0xffff, v0;
	_ =	sdelay $0x1  }
0x25e: {  	s7 =	sadd.s32 $0x3, s23  }
0x25f: {  	v60 =	vmov s7  }
0x260: {  	v0 =	vand.u32 $0xFFFFFFF3, v60  }
0x261: {  	v0 =	vbroadcast v0, $0x0;
	_ =	sdelay $0x4  }
0x262: {  	v61, _, _ =	vpop (xrf2)  }
0x263: {  	[tilespmem:v0+s14+$0x0] =	vst.idx.msk vm0, v61  }
0x264: {  	v0 =	vld [tilespmem:s21+$0xFFFFFE00]  }
0x265: {  	v1 =	vld [tilespmem:s22+$0xFFFFFE00]  }
0x266: {  	v62 =	vld [tilespmem:s21+$0xFFFFFE10]  }
0x267: {  	v63 =	vld [tilespmem:s22+$0xFFFFFE10];
	_ =	sdelay $0x4  }
0x268: {  	v0 =	vmul.f32 v1, v0;
	v6 =	vmul.f32 v63, v62;
	_ =	sdelay $0x1  }
0x269: {  	v0 =	vadd.f32 v6, v0;
	_ =	sdelay $0x1  }
0x26a: {  	(xrf2) =	vadd.scan.msk.f32 $0xffff, v0;
	_ =	sdelay $0x1  }
0x26b: {  	s8 =	sadd.s32 $0x4, s23  }
0x26c: {  	v7 =	vmov s8  }
0x26d: {  	v0 =	vand.u32 $0xFFFFFFF4, v7  }
0x26e: {  	v0 =	vbroadcast v0, $0x0;
	_ =	sdelay $0x4  }
0x26f: {  	v8, _, _ =	vpop (xrf2)  }
0x270: {  	[tilespmem:v0+s14+$0x0] =	vst.idx.msk vm0, v8  }
0x271: {  	v0 =	vld [tilespmem:s21+$0xFFFFFE80]  }
0x272: {  	v1 =	vld [tilespmem:s22+$0xFFFFFE80]  }
0x273: {  	v9 =	vld [tilespmem:s21+$0xFFFFFE90]  }
0x274: {  	v10 =	vld [tilespmem:s22+$0xFFFFFE90];
	_ =	sdelay $0x4  }
0x275: {  	v0 =	vmul.f32 v1, v0;
	v11 =	vmul.f32 v10, v9;
	_ =	sdelay $0x1  }
0x276: {  	v0 =	vadd.f32 v11, v0;
	_ =	sdelay $0x1  }
0x277: {  	(xrf2) =	vadd.scan.msk.f32 $0xffff, v0;
	_ =	sdelay $0x1  }
0x278: {  	s9 =	sadd.s32 $0x5, s23  }
0x279: {  	v12 =	vmov s9  }
0x27a: {  	v0 =	vand.u32 $0xFFFFFFF5, v12  }
0x27b: {  	v0 =	vbroadcast v0, $0x0;
	_ =	sdelay $0x4  }
0x27c: {  	v13, _, _ =	vpop (xrf2)  }
0x27d: {  	[tilespmem:v0+s14+$0x0] =	vst.idx.msk vm0, v13  }
0x27e: {  	v0 =	vld [tilespmem:s21+$0xFFFFFF00]  }
0x27f: {  	v1 =	vld [tilespmem:s22+$0xFFFFFF00]  }
0x280: {  	v14 =	vld [tilespmem:s21+$0xFFFFFF10]  }
0x281: {  	v15 =	vld [tilespmem:s22+$0xFFFFFF10];
	_ =	sdelay $0x4  }
0x282: {  	v0 =	vmul.f32 v1, v0;
	v16 =	vmul.f32 v15, v14;
	_ =	sdelay $0x1  }
0x283: {  	v0 =	vadd.f32 v16, v0;
	_ =	sdelay $0x1  }
0x284: {  	(xrf2) =	vadd.scan.msk.f32 $0xffff, v0;
	_ =	sdelay $0x1  }
0x285: {  	s10 =	sadd.s32 $0x6, s23  }
0x286: {  	v17 =	vmov s10  }
0x287: {  	v0 =	vand.u32 $0xFFFFFFF6, v17  }
0x288: {  	v0 =	vbroadcast v0, $0x0;
	_ =	sdelay $0x4  }
0x289: {  	v18, _, _ =	vpop (xrf2)  }
0x28a: {  	[tilespmem:v0+s14+$0x0] =	vst.idx.msk vm0, v18  }
0x28b: {  	v0 =	vld [tilespmem:s21+$0xFFFFFF80]  }
0x28c: {  	v1 =	vld [tilespmem:s22+$0xFFFFFF80]  }
0x28d: {  	v19 =	vld [tilespmem:s21+$0xFFFFFF90]  }
0x28e: {  	v20 =	vld [tilespmem:s22+$0xFFFFFF90];
	_ =	sdelay $0x4  }
0x28f: {  	v0 =	vmul.f32 v1, v0;
	v21 =	vmul.f32 v20, v19;
	_ =	sdelay $0x1  }
0x290: {  	v0 =	vadd.f32 v21, v0;
	_ =	sdelay $0x1  }
0x291: {  	(xrf2) =	vadd.scan.msk.f32 $0xffff, v0;
	_ =	sdelay $0x1  }
0x292: {  	s11 =	sadd.s32 $0x7, s23  }
0x293: {  	v22 =	vmov s11  }
0x294: {  	v0 =	vand.u32 $0xFFFFFFF7, v22  }
0x295: {  	v0 =	vbroadcast v0, $0x0;
	_ =	sdelay $0x4  }
0x296: {  	v23, _, _ =	vpop (xrf2)  }
0x297: {  	[tilespmem:v0+s14+$0x0] =	vst.idx.msk vm0, v23  }
0x298: {  	v0 =	vld [tilespmem:s21+$0x0]  }
0x299: {  	v1 =	vld [tilespmem:s22+$0x0]  }
0x29a: {  	v24 =	vld [tilespmem:s21+$0x10]  }
0x29b: {  	v25 =	vld [tilespmem:s22+$0x10];
	_ =	sdelay $0x4  }
0x29c: {  	v0 =	vmul.f32 v1, v0;
	v26 =	vmul.f32 v25, v24;
	_ =	sdelay $0x1  }
0x29d: {  	v0 =	vadd.f32 v26, v0;
	_ =	sdelay $0x1  }
0x29e: {  	(xrf2) =	vadd.scan.msk.f32 $0xffff, v0;
	_ =	sdelay $0x1  }
0x29f: {  	s15 =	sadd.s32 $0x8, s23  }
0x2a0: {  	v27 =	vmov s15  }
0x2a1: {  	v0 =	vand.u32 $0xFFFFFFF8, v27  }
0x2a2: {  	v0 =	vbroadcast v0, $0x0;
	_ =	sdelay $0x4  }
0x2a3: {  	v28, _, _ =	vpop (xrf2)  }
0x2a4: {  	[tilespmem:v0+s14+$0x0] =	vst.idx.msk vm0, v28  }
0x2a5: {  	v0 =	vld [tilespmem:s21+$0x80]  }
0x2a6: {  	v1 =	vld [tilespmem:s22+$0x80]  }
0x2a7: {  	v29 =	vld [tilespmem:s21+$0x90]  }
0x2a8: {  	v30 =	vld [tilespmem:s22+$0x90];
	_ =	sdelay $0x4  }
0x2a9: {  	v0 =	vmul.f32 v1, v0;
	v31 =	vmul.f32 v30, v29;
	_ =	sdelay $0x1  }
0x2aa: {  	v0 =	vadd.f32 v31, v0;
	_ =	sdelay $0x1  }
0x2ab: {  	(xrf2) =	vadd.scan.msk.f32 $0xffff, v0;
	_ =	sdelay $0x1  }
0x2ac: {  	s24 =	sadd.s32 $0x9, s23  }
0x2ad: {  	v32 =	vmov s24  }
0x2ae: {  	v0 =	vand.u32 $0xFFFFFFF9, v32  }
0x2af: {  	v0 =	vbroadcast v0, $0x0;
	_ =	sdelay $0x4  }
0x2b0: {  	v33, _, _ =	vpop (xrf2)  }
0x2b1: {  	[tilespmem:v0+s14+$0x0] =	vst.idx.msk vm0, v33  }
0x2b2: {  	v0 =	vld [tilespmem:s21+$0x100]  }
0x2b3: {  	v1 =	vld [tilespmem:s22+$0x100]  }
0x2b4: {  	v34 =	vld [tilespmem:s21+$0x110]  }
0x2b5: {  	v35 =	vld [tilespmem:s22+$0x110];
	_ =	sdelay $0x4  }
0x2b6: {  	v0 =	vmul.f32 v1, v0;
	v36 =	vmul.f32 v35, v34;
	_ =	sdelay $0x1  }
0x2b7: {  	v0 =	vadd.f32 v36, v0;
	_ =	sdelay $0x1  }
0x2b8: {  	(xrf2) =	vadd.scan.msk.f32 $0xffff, v0;
	_ =	sdelay $0x1  }
0x2b9: {  	s25 =	sadd.s32 $0xA, s23  }
0x2ba: {  	v37 =	vmov s25  }
0x2bb: {  	v0 =	vand.u32 $0xFFFFFFFA, v37  }
0x2bc: {  	v0 =	vbroadcast v0, $0x0;
	_ =	sdelay $0x4  }
0x2bd: {  	v38, _, _ =	vpop (xrf2)  }
0x2be: {  	[tilespmem:v0+s14+$0x0] =	vst.idx.msk vm0, v38  }
0x2bf: {  	v0 =	vld [tilespmem:s21+$0x180]  }
0x2c0: {  	v1 =	vld [tilespmem:s22+$0x180]  }
0x2c1: {  	v39 =	vld [tilespmem:s21+$0x190]  }
0x2c2: {  	v40 =	vld [tilespmem:s22+$0x190];
	_ =	sdelay $0x4  }
0x2c3: {  	v0 =	vmul.f32 v1, v0;
	v41 =	vmul.f32 v40, v39;
	_ =	sdelay $0x1  }
0x2c4: {  	v0 =	vadd.f32 v41, v0;
	_ =	sdelay $0x1  }
0x2c5: {  	(xrf2) =	vadd.scan.msk.f32 $0xffff, v0;
	_ =	sdelay $0x1  }
0x2c6: {  	s26 =	sadd.s32 $0xB, s23  }
0x2c7: {  	v42 =	vmov s26  }
0x2c8: {  	v0 =	vand.u32 $0xFFFFFFFB, v42  }
0x2c9: {  	v0 =	vbroadcast v0, $0x0;
	_ =	sdelay $0x4  }
0x2ca: {  	v43, _, _ =	vpop (xrf2)  }
0x2cb: {  	[tilespmem:v0+s14+$0x0] =	vst.idx.msk vm0, v43  }
0x2cc: {  	v0 =	vld [tilespmem:s21+$0x200]  }
0x2cd: {  	v1 =	vld [tilespmem:s22+$0x200]  }
0x2ce: {  	v44 =	vld [tilespmem:s21+$0x210]  }
0x2cf: {  	v45 =	vld [tilespmem:s22+$0x210];
	_ =	sdelay $0x4  }
0x2d0: {  	v0 =	vmul.f32 v1, v0;
	v46 =	vmul.f32 v45, v44;
	_ =	sdelay $0x1  }
0x2d1: {  	v0 =	vadd.f32 v46, v0;
	_ =	sdelay $0x1  }
0x2d2: {  	(xrf2) =	vadd.scan.msk.f32 $0xffff, v0;
	_ =	sdelay $0x1  }
0x2d3: {  	s28 =	sadd.s32 $0xC, s23  }
0x2d4: {  	v47 =	vmov s28  }
0x2d5: {  	v0 =	vand.u32 $0xFFFFFFFC, v47  }
0x2d6: {  	v0 =	vbroadcast v0, $0x0;
	_ =	sdelay $0x4  }
0x2d7: {  	v48, _, _ =	vpop (xrf2)  }
0x2d8: {  	[tilespmem:v0+s14+$0x0] =	vst.idx.msk vm0, v48  }
0x2d9: {  	v0 =	vld [tilespmem:s21+$0x280]  }
0x2da: {  	v1 =	vld [tilespmem:s22+$0x280]  }
0x2db: {  	v49 =	vld [tilespmem:s21+$0x290]  }
0x2dc: {  	v50 =	vld [tilespmem:s22+$0x290];
	_ =	sdelay $0x4  }
0x2dd: {  	v0 =	vmul.f32 v1, v0;
	v51 =	vmul.f32 v50, v49;
	_ =	sdelay $0x1  }
0x2de: {  	v0 =	vadd.f32 v51, v0;
	_ =	sdelay $0x1  }
0x2df: {  	(xrf2) =	vadd.scan.msk.f32 $0xffff, v0;
	_ =	sdelay $0x1  }
0x2e0: {  	s29 =	sadd.s32 $0xD, s23  }
0x2e1: {  	v52 =	vmov s29  }
0x2e2: {  	v0 =	vand.u32 $0xFFFFFFFD, v52  }
0x2e3: {  	v0 =	vbroadcast v0, $0x0;
	_ =	sdelay $0x4  }
0x2e4: {  	v53, _, _ =	vpop (xrf2)  }
0x2e5: {  	[tilespmem:v0+s14+$0x0] =	vst.idx.msk vm0, v53  }
0x2e6: {  	v0 =	vld [tilespmem:s21+$0x300]  }
0x2e7: {  	v1 =	vld [tilespmem:s22+$0x300]  }
0x2e8: {  	v54 =	vld [tilespmem:s21+$0x310]  }
0x2e9: {  	v55 =	vld [tilespmem:s22+$0x310];
	_ =	sdelay $0x4  }
0x2ea: {  	v0 =	vmul.f32 v1, v0;
	v56 =	vmul.f32 v55, v54;
	_ =	sdelay $0x1  }
0x2eb: {  	v0 =	vadd.f32 v56, v0;
	_ =	sdelay $0x1  }
0x2ec: {  	(xrf2) =	vadd.scan.msk.f32 $0xffff, v0;
	_ =	sdelay $0x1  }
0x2ed: {  	s30 =	sadd.s32 $0xE, s23  }
0x2ee: {  	v57 =	vmov s30  }
0x2ef: {  	v0 =	vand.u32 $0xFFFFFFFE, v57  }
0x2f0: {  	v0 =	vbroadcast v0, $0x0;
	_ =	sdelay $0x4  }
0x2f1: {  	v58, _, _ =	vpop (xrf2)  }
0x2f2: {  	[tilespmem:v0+s14+$0x0] =	vst.idx.msk vm0, v58  }
0x2f3: {  	v0 =	vld [tilespmem:s21+$0x380]  }
0x2f4: {  	v1 =	vld [tilespmem:s22+$0x380]  }
0x2f5: {  	v59 =	vld [tilespmem:s21+$0x390]  }
0x2f6: {  	v60 =	vld [tilespmem:s22+$0x390];
	_ =	sdelay $0x4  }
0x2f7: {  	v0 =	vmul.f32 v1, v0;
	v61 =	vmul.f32 v60, v59;
	_ =	sdelay $0x1  }
0x2f8: {  	v0 =	vadd.f32 v61, v0;
	_ =	sdelay $0x1  }
0x2f9: {  	(xrf2) =	vadd.scan.msk.f32 $0xffff, v0;
	_ =	sdelay $0x4  }
0x2fa: {  	s31 =	sadd.s32 $0xF, s23  }
0x2fb: {  	p0 =	sne.s32 s20, $0x70;
	v62 =	vmov s31  }
.Ltmp4:
0x2fc: {  	_ = 	snop;
	(pc) =	sbr.rel @p0 .LBB2_11-.Ltmp4, $3  }
0x2fd: {  	_ =	sdelay $0x1  }
0x2fe: {  	v63, _, _ =	vpop (xrf2)  }
0x2ff: {  	s20 =	sadd.s32 $0x10, s20;
	s21 =	sadd.s32 $0x800, s21;
	s22 =	sadd.s32 $0x800, s22;
	[tilespmem:v62+s14+$0x0] =	vst.idx.msk vm0, v63  }
0x300: {  	s19 =	sadd.s32 $0x1, s19  }
0x301: {  	p0 =	sne.s32 s19, $0x4  }
.Ltmp5:
0x302: {  	_ = 	snop;
	(pc) =	sbr.rel @p0 .LBB2_6-.Ltmp5, $2  }
0x303: {  	_ =	sdelay $0x2  }
0x304: {  	s16 =	sadd.s32 $0x80, s16;
	s18 =	sadd.s32 $0x80, s18;
	s17 =	sadd.s32 $0x4000, s17  }
0x305: {  	s0 =	rddreg [dreg:$0x7];
	s2 =	simm.s32 $0x5  }
0x306: {  	[hbm4b:s0+s1] =	stream.linear.scatter [tilespmem:s14], [sflag:$0x5], $0x200, $0x38;
	[tilespmem:$0x14600] =	vst v63  }
0x307: {  	_ =	swait.ge [sflag:s2], $0x200  }
0x308: {  	s5 =	rddreg [dreg:$0x9]  }
0x309: {  	s31 =	rddreg [dreg:$0x8];
	s5 =	sadd.s32 $0x1, s5  }
0x30a: {  	p0 =	sne.s32 s5, s31  }
.Ltmp6:
0x30b: {  	_ = 	snop;
	(pc) =	sbr.rel @p0 .LBB2_1-.Ltmp6, $3  }
0x30c: {  	_ =	sdelay $0x1  }
0x30d: {  	[sflag:s2] =	ssyncset.done $0x0  }
0x30e: {  	[sflag:s2] =	ssyncadd.s32 $0xFFFFFE00  }
0x30f: {  	_ =	sfence.sel $0x180000  }
0x310: {  	[bflag:$0x0] =	sbarrier.arrive $0xFFFF  }
0x311: {  	_ =	strace $0x90000047  }
0x312: {  	s0 =	stileid.u32;
	[bflag:$0x2] =	sbarrier.arrive $0xFFFF  }
0x313: {  	p0 =	sne.s32 s0, $0x0;
	s0 =	rddreg [dreg:$0x4]  }
0x314: {  	s0 =	sadd.s32 @!p0 $0x100000, s0  }
0x315: {  	[sflag:s0] =	ssyncadd.tile.s32 @!p0 $0x1;
	_ =	shalt  }
.Lfunc_end2:
_tile_overlayer_lowered:
.L_overlay_start_2:
0x316: {  	(tag) =	ssettag $0x2  }
0x317: {  	s0 =	rddreg [dreg:$0x0];
	s2 =	stileid.u32  }
0x318: {  	s1 =	rddreg [dreg:$0x1];
	p0 =	sne.s32 s2, $0x0  }
0x319: {  	s3 =	rddreg [dreg:$0x2];
	[bflag:$0x3] =	sbarrier.arrive $0xFFFF;
	s2 =	simm.s32 @!p0 $0x1C05  }
0x31a: {  	[timem:s3], [sflag:s2] =	dma.local @!p0 [hbm:s0], s1  }
0x31b: {  	s0 =	simm.s32 @!p0 $0x5  }
0x31c: {  	_ =	swait.ge @!p0 [sflag:s0], s1  }
0x31d: {  	s1 =	ssub.s32 @!p0 $0x0, s1;
	[sflag:s0] =	ssyncset.done @!p0 $0x0  }
0x31e: {  	[sflag:s0] =	ssyncadd.s32 @!p0 s1  }
0x31f: {  	[bflag:$0x3] =	sbarrier.arrive $0xFFFF  }
0x320: {  	_ =	shalt  }

</sc_bundles>
